<compile_context>
chip_gen: v7x
topology: tpu7x:2x2x1
jax: 0.10.2.dev20260603
libtpu: 0.0.44.dev20260713+nightly
codegen_flags: <defaults>
</compile_context>

<pallas_src>
import functools

import jax
import jax.numpy as jnp
from jax import lax
from jax.experimental import pallas as pl
from jax.experimental.pallas import tpu as pltpu
from jax.experimental.pallas import tpu_sc as plsc

N = 100000
E = 100000
F = 128

NPAD = 102400
EPAD = 102400
NG = 10
GR = NPAD // NG
ACC_R = GR + 16
WBR = GR // 16
EPS = EPAD // 16
GWB = 128
PAIRS = EPS // (2 * GWB)
EPW = EPAD // 32
GW = 128
NWIN = EPW // GW
VREGS = EPW // 16
B_ROWS = 2048
NB = NPAD // B_ROWS

_mesh = plsc.VectorSubcoreMesh(core_axis_name="c", subcore_axis_name="s",
                               num_cores=2)


def _mm_body(x_ref, w_ref, y_ref):
    y_ref[...] = jnp.dot(x_ref[...], w_ref[...],
                         preferred_element_type=jnp.float32)


def _matmul(x, w):
    grid = (pl.cdiv(N, B_ROWS),)
    return pl.pallas_call(
        _mm_body,
        grid=grid,
        in_specs=[pl.BlockSpec((B_ROWS, F), lambda i: (i, 0)),
                  pl.BlockSpec((F, F), lambda i: (0, 0))],
        out_specs=pl.BlockSpec((B_ROWS, F), lambda i: (i, 0)),
        out_shape=jax.ShapeDtypeStruct((N, F), jnp.float32),
    )(x, w)


def _scatter_body(y_h, row_h, col_h, zer_h, out_h,
                  row_v, col_v, buf_a, buf_b, dref_a, dref_b, acc,
                  sem_a, sem_b, sem_sa, sem_sb):
    c = lax.axis_index("c")
    s = lax.axis_index("s")
    base = s * EPS
    pltpu.sync_copy(row_h.at[pl.ds(base, EPS)], row_v)
    pltpu.sync_copy(col_h.at[pl.ds(base, EPS)], col_v)
    zer16 = jnp.full((16,), 0, jnp.int32)
    lane = lax.iota(jnp.int32, 16)
    dummy_v = jnp.full((16,), GR, jnp.int32) + lane

    for p in range(NG // 2):
        g = c * (NG // 2) + p
        g_lo = g * GR
        lo_v = zer16 + g_lo
        hi_v = lo_v + GR

        pltpu.sync_copy(zer_h, acc.at[pl.ds(s * WBR, WBR)])

        @pl.when(s == 0)
        def _zero_dummy():
            pltpu.sync_copy(zer_h.at[pl.ds(0, 16)],
                            acc.at[pl.ds(GR, 16)])

        plsc.subcore_barrier()

        def do_adds(off, buf, dref, sem_s):
            for jj in range(GWB // 16):
                r = row_v[pl.ds(off + jj * 16, 16)]
                m = (r >= lo_v) & (r < hi_v)
                dref[pl.ds(jj * 16, 16)] = jnp.where(m, r - lo_v, dummy_v)
            pltpu.async_copy(buf, acc.at[dref], sem_s, add=True)

        def drain(buf, sem_s):
            pltpu.make_async_copy(buf, acc.at[pl.ds(0, GWB)], sem_s).wait()

        def gs_body(q, _):
            off0 = q * (2 * GWB)
            off1 = off0 + GWB
            c0 = pltpu.async_copy(
                y_h.at[col_v.at[pl.ds(off0, GWB)]], buf_a, sem_a)
            c1 = pltpu.async_copy(
                y_h.at[col_v.at[pl.ds(off1, GWB)]], buf_b, sem_b)
            c0.wait()
            do_adds(off0, buf_a, dref_a, sem_sa)
            c1.wait()
            do_adds(off1, buf_b, dref_b, sem_sb)
            drain(buf_a, sem_sa)
            drain(buf_b, sem_sb)
            return 0

        lax.fori_loop(0, PAIRS, gs_body, 0)
        plsc.subcore_barrier()
        pltpu.sync_copy(acc.at[pl.ds(s * WBR, WBR)],
                        out_h.at[pl.ds(g_lo + s * WBR, WBR)])


def _scatter_add(y, rowp, colp, zer):
    f = functools.partial(
        pl.kernel,
        mesh=_mesh,
        out_type=jax.ShapeDtypeStruct((NPAD, F), jnp.float32),
        scratch_types=[
            pltpu.VMEM((EPS,), jnp.int32),
            pltpu.VMEM((EPS,), jnp.int32),
            pltpu.VMEM((GWB, F), jnp.float32),
            pltpu.VMEM((GWB, F), jnp.float32),
            pltpu.VMEM((GWB,), jnp.int32),
            pltpu.VMEM((GWB,), jnp.int32),
            pltpu.VMEM_SHARED((ACC_R, F), jnp.float32),
            pltpu.SemaphoreType.DMA,
            pltpu.SemaphoreType.DMA,
            pltpu.SemaphoreType.DMA,
            pltpu.SemaphoreType.DMA,
        ],
    )(_scatter_body)
    return f(y, rowp, colp, zer)


def _scores_body(o_ref, b_ref, a1_ref, a2_ref, s1_ref, s2_ref):
    h = jax.nn.relu(o_ref[...] + b_ref[...])
    s1_ref[...] = jnp.sum(h * a1_ref[...], axis=1).reshape(B_ROWS // F, F)
    s2_ref[...] = jnp.sum(h * a2_ref[...], axis=1).reshape(B_ROWS // F, F)


def _scores(out0, bias2d, a1, a2):
    grid = (NB,)
    return pl.pallas_call(
        _scores_body,
        grid=grid,
        in_specs=[pl.BlockSpec((B_ROWS, F), lambda i: (i, 0)),
                  pl.BlockSpec((1, F), lambda i: (0, 0)),
                  pl.BlockSpec((1, F), lambda i: (0, 0)),
                  pl.BlockSpec((1, F), lambda i: (0, 0))],
        out_specs=[pl.BlockSpec((B_ROWS // F, F), lambda i: (i, 0)),
                   pl.BlockSpec((B_ROWS // F, F), lambda i: (i, 0))],
        out_shape=[jax.ShapeDtypeStruct((NPAD // F, F), jnp.float32),
                   jax.ShapeDtypeStruct((NPAD // F, F), jnp.float32)],
    )(out0, bias2d, a1, a2)


def _edge_body(row_h, col_h, s1_h, s2_h, e_h, row_v, col_v, a_v, b_v, sem):
    c = lax.axis_index("c")
    s = lax.axis_index("s")
    gw = c * 16 + s
    base = gw * EPW
    pltpu.sync_copy(row_h.at[pl.ds(base, EPW)], row_v)
    pltpu.sync_copy(col_h.at[pl.ds(base, EPW)], col_v)

    def gbody(w, _):
        off = w * GW
        c1 = pltpu.async_copy(s1_h.at[row_v.at[pl.ds(off, GW)]],
                              a_v.at[pl.ds(off, GW)], sem)
        c2 = pltpu.async_copy(s2_h.at[col_v.at[pl.ds(off, GW)]],
                              b_v.at[pl.ds(off, GW)], sem)
        c1.wait()
        c2.wait()
        return 0

    lax.fori_loop(0, NWIN, gbody, 0)

    def cbody(j, _):
        a = a_v[pl.ds(j * 16, 16)]
        b = b_v[pl.ds(j * 16, 16)]
        e = a + b
        a_v[pl.ds(j * 16, 16)] = jnp.where(e >= 0.0, e, e * 0.2)
        return 0

    lax.fori_loop(0, VREGS, cbody, 0)
    pltpu.sync_copy(a_v, e_h.at[pl.ds(base, EPW)])


def _edge_scores(rowp, colp, s1, s2):
    f = functools.partial(
        pl.kernel,
        mesh=_mesh,
        out_type=jax.ShapeDtypeStruct((EPAD,), jnp.float32),
        scratch_types=[
            pltpu.VMEM((EPW,), jnp.int32),
            pltpu.VMEM((EPW,), jnp.int32),
            pltpu.VMEM((EPW,), jnp.float32),
            pltpu.VMEM((EPW,), jnp.float32),
            pltpu.SemaphoreType.DMA,
        ],
    )(_edge_body)
    return f(rowp, colp, s1, s2)


def _softmax_body(e_ref, al_ref):
    r = lax.broadcasted_iota(jnp.int32, (EPAD // F, F), 0)
    l = lax.broadcasted_iota(jnp.int32, (EPAD // F, F), 1)
    valid = (r * F + l) < E
    em = jnp.where(valid, e_ref[...], -1e30)
    m = jnp.max(em)
    p = jnp.where(valid, jnp.exp(em - m), 0.0)
    al_ref[...] = p * (1.0 / jnp.sum(p))


def _softmax(e2d):
    return pl.pallas_call(
        _softmax_body,
        out_shape=jax.ShapeDtypeStruct((EPAD // F, F), jnp.float32),
    )(e2d)


def _scale_body(o_ref, b_ref, al_ref, out_ref):
    h = jax.nn.relu(o_ref[...] + b_ref[...])
    out_ref[...] = h * al_ref[...]


def _scale(out0, bias2d, alpha_col):
    grid = (pl.cdiv(N, B_ROWS),)
    return pl.pallas_call(
        _scale_body,
        grid=grid,
        in_specs=[pl.BlockSpec((B_ROWS, F), lambda i: (i, 0)),
                  pl.BlockSpec((1, F), lambda i: (0, 0)),
                  pl.BlockSpec((B_ROWS, 1), lambda i: (i, 0))],
        out_specs=pl.BlockSpec((B_ROWS, F), lambda i: (i, 0)),
        out_shape=jax.ShapeDtypeStruct((N, F), jnp.float32),
    )(out0, bias2d, alpha_col)


def kernel(x, edge_index, weight, att, bias):
    row32 = edge_index[0].astype(jnp.int32)
    col32 = edge_index[1].astype(jnp.int32)
    pad = EPAD - E
    pad_i = jnp.arange(pad, dtype=jnp.int32)
    rowp = jnp.concatenate([row32, N + pad_i % (NPAD - N)])
    colp = jnp.concatenate([col32, pad_i % N])
    zer = jnp.zeros((WBR, F), jnp.float32)
    bias2d = bias.reshape(1, F)
    a1 = att[:, :F]
    a2 = att[:, F:]

    y = _matmul(x, weight)
    out0 = _scatter_add(y, rowp, colp, zer)
    s1, s2 = _scores(out0, bias2d, a1, a2)
    e = _edge_scores(rowp, colp, s1.reshape(NPAD), s2.reshape(NPAD))
    alpha2d = _softmax(e.reshape(EPAD // F, F))
    out = _scale(out0, bias2d, alpha2d.reshape(EPAD, 1))
    return out

# --- scband reference (transcript-rebuilt; emitter-appended) ---
"""Pipeline reference for scband-graph-attention-59957743452555 (READ-ONLY COPY).

The authoritative reference and input builder live on the scoring server;
editing this copy changes nothing except your own understanding.
"""

import jax, jax.numpy as jnp
import numpy as np

N = 100000
E = 100000
IN_F = 128
OUT_F = 128

def _xavier(key, shape):
    fan_in, fan_out = shape[0], shape[1]
    limit = float(np.sqrt(6.0 / (fan_in + fan_out)))
    return jax.random.uniform(key, shape, dtype=jnp.float32, minval=-limit, maxval=limit)

def setup_inputs(seed: int = 0) -> dict:
    key = jax.random.key(seed)
    k1, k2, k3, k4 = jax.random.split(key, 4)
    x = jax.random.normal(k1, (N, IN_F), dtype=jnp.float32)
    edge_index = jax.random.randint(k2, (2, E), 0, N, dtype=jnp.int64)
    weight = _xavier(k3, (IN_F, OUT_F))
    att = _xavier(k4, (1, 2 * OUT_F))
    bias = jnp.zeros((OUT_F,), dtype=jnp.float32)
    return {"x": x, "edge_index": edge_index, "weight": weight, "att": att, "bias": bias}

def reference(x, edge_index, weight, att, bias):
    x = jnp.matmul(x, weight)
    row, col = edge_index[0], edge_index[1]
    out = jnp.zeros((x.shape[0], weight.shape[1]), dtype=x.dtype)
    out = out.at[row].add(x[col])
    out = out + bias
    out = jax.nn.relu(out)
    alpha = (jnp.concatenate([out[row], out[col]], axis=-1) * att).sum(axis=-1)
    alpha = jax.nn.leaky_relu(alpha, negative_slope=0.2)
    alpha = jax.nn.softmax(alpha, axis=0)
    out = out * alpha[:, None]
    return out

if __name__ == "__main__":
    import jax
    _d = setup_inputs()
    print(jax.jit(kernel)(*tuple(_d.values())))

</pallas_src>

<mosaic_0001>
#map = affine_map<(d0, d1) -> (0)>
module attributes {stable_mosaic.version = 14 : i64} {
  func.func @_edge_body(%arg0: i32, %arg1: i32, %arg2: memref<102400xi32, #tpu.memory_space<hbm>>, %arg3: memref<102400xi32, #tpu.memory_space<hbm>>, %arg4: memref<102400xf32, #tpu.memory_space<hbm>>, %arg5: memref<102400xf32, #tpu.memory_space<hbm>>, %arg6: memref<102400xf32, #tpu.memory_space<hbm>>, %arg7: memref<3200xi32, #tpu.memory_space<vmem>>, %arg8: memref<3200xi32, #tpu.memory_space<vmem>>, %arg9: memref<3200xf32, #tpu.memory_space<vmem>>, %arg10: memref<3200xf32, #tpu.memory_space<vmem>>, %arg11: memref<!tpu.dma_semaphore, #tpu.memory_space<semaphore_mem>>) attributes {dimension_semantics = [#tpu.dimension_semantics<core_parallel>, #tpu.dimension_semantics<subcore_parallel>], iteration_bounds = array<i64: 2, 16>, scalar_prefetch = 0 : i64, scratch_operands = 5 : i64, tpu.core_type = #tpu.core_type<sc_vector_subcore>, window_params = [{transform_indices = #map}, {transform_indices = #map}, {transform_indices = #map}, {transform_indices = #map}, {transform_indices = #map}]} {
    %mul3A = arith.constant 16 : i32
    %mul3A_0 = arith.muli %arg0, %mul3A : i32
    %add3A = arith.addi %mul3A_0, %arg1 : i32
    %mul3A_1 = arith.constant 3200 : i32
    %mul3A_2 = arith.muli %add3A, %mul3A_1 : i32
    "tpu.region"() ({
      %run_scoped3A = tpu.sem_alloc : memref<!tpu.dma_semaphore, #tpu.memory_space<semaphore_mem>>
      %dma_start3A = tpu.memref_slice %arg2[%mul3A_2] : memref<102400xi32, #tpu.memory_space<hbm>> -> memref<3200xi32, #tpu.memory_space<hbm>>
      %dma_start3A_16 = tpu.memref_slice %arg2[%mul3A_2] : memref<102400xi32, #tpu.memory_space<hbm>> -> memref<3200xi32, #tpu.memory_space<hbm>>
      tpu.enqueue_dma source(%dma_start3A_16 : memref<3200xi32, #tpu.memory_space<hbm>>) target(%arg7 : memref<3200xi32, #tpu.memory_space<vmem>>) target_semaphore(%run_scoped3A : memref<!tpu.dma_semaphore, #tpu.memory_space<semaphore_mem>>)
      %dma_wait3A = tpu.memref_slice %arg2[%mul3A_2] : memref<102400xi32, #tpu.memory_space<hbm>> -> memref<3200xi32, #tpu.memory_space<hbm>>
      %dma_wait3A_17 = tpu.memref_slice %arg2[%mul3A_2] : memref<102400xi32, #tpu.memory_space<hbm>> -> memref<3200xi32, #tpu.memory_space<hbm>>
      tpu.wait_dma2 semaphore(%run_scoped3A : memref<!tpu.dma_semaphore, #tpu.memory_space<semaphore_mem>>) src(%dma_wait3A_17 : memref<3200xi32, #tpu.memory_space<hbm>>) dst(%arg7 : memref<3200xi32, #tpu.memory_space<vmem>>)
      tpu.yield
    }) : () -> ()
    "tpu.region"() ({
      %run_scoped3A = tpu.sem_alloc : memref<!tpu.dma_semaphore, #tpu.memory_space<semaphore_mem>>
      %dma_start3A = tpu.memref_slice %arg3[%mul3A_2] : memref<102400xi32, #tpu.memory_space<hbm>> -> memref<3200xi32, #tpu.memory_space<hbm>>
      %dma_start3A_16 = tpu.memref_slice %arg3[%mul3A_2] : memref<102400xi32, #tpu.memory_space<hbm>> -> memref<3200xi32, #tpu.memory_space<hbm>>
      tpu.enqueue_dma source(%dma_start3A_16 : memref<3200xi32, #tpu.memory_space<hbm>>) target(%arg8 : memref<3200xi32, #tpu.memory_space<vmem>>) target_semaphore(%run_scoped3A : memref<!tpu.dma_semaphore, #tpu.memory_space<semaphore_mem>>)
      %dma_wait3A = tpu.memref_slice %arg3[%mul3A_2] : memref<102400xi32, #tpu.memory_space<hbm>> -> memref<3200xi32, #tpu.memory_space<hbm>>
      %dma_wait3A_17 = tpu.memref_slice %arg3[%mul3A_2] : memref<102400xi32, #tpu.memory_space<hbm>> -> memref<3200xi32, #tpu.memory_space<hbm>>
      tpu.wait_dma2 semaphore(%run_scoped3A : memref<!tpu.dma_semaphore, #tpu.memory_space<semaphore_mem>>) src(%dma_wait3A_17 : memref<3200xi32, #tpu.memory_space<hbm>>) dst(%arg8 : memref<3200xi32, #tpu.memory_space<vmem>>)
      tpu.yield
    }) : () -> ()
    %scan3A = arith.constant 0 : i32
    %scan3A_3 = arith.constant 0 : i32
    %scan3A_4 = arith.constant 25 : i32
    %scan3A_5 = arith.addi %scan3A_3, %scan3A_4 : i32
    %scan3A_6 = arith.constant 1 : i32
    %scan3A_7 = scf.for %scan3A_16 = %scan3A_3 to %scan3A_5 step %scan3A_6 iter_args(%scan3A_17 = %scan3A) -> (i32)  : i32 {
      %mul3A_18 = arith.constant 128 : i32
      %mul3A_19 = arith.muli %scan3A_16, %mul3A_18 : i32
      %dma_start3A = tpu.memref_slice %arg9[%mul3A_19] : memref<3200xf32, #tpu.memory_space<vmem>> -> memref<128xf32, #tpu.memory_space<vmem>>
      %dma_start3A_20 = tpu.memref_slice %arg7[%mul3A_19] : memref<3200xi32, #tpu.memory_space<vmem>> -> memref<128xi32, #tpu.memory_space<vmem>>
      %dma_start3A_21 = arith.constant 0 : i32
      %dma_start3A_22 = tpu.memref_slice %arg4[%dma_start3A_21] : memref<102400xf32, #tpu.memory_space<hbm>> -> memref<102400xf32, #tpu.memory_space<hbm>>
      tpu.enqueue_indirect_dma source(%dma_start3A_22 : memref<102400xf32, #tpu.memory_space<hbm>>) target(%dma_start3A : memref<128xf32, #tpu.memory_space<vmem>>) offsets(%dma_start3A_20 : memref<128xi32, #tpu.memory_space<vmem>>) semaphore(%arg11 : memref<!tpu.dma_semaphore, #tpu.memory_space<semaphore_mem>>)
      %dma_start3A_23 = tpu.memref_slice %arg10[%mul3A_19] : memref<3200xf32, #tpu.memory_space<vmem>> -> memref<128xf32, #tpu.memory_space<vmem>>
      %dma_start3A_24 = tpu.memref_slice %arg8[%mul3A_19] : memref<3200xi32, #tpu.memory_space<vmem>> -> memref<128xi32, #tpu.memory_space<vmem>>
      %dma_start3A_25 = arith.constant 0 : i32
      %dma_start3A_26 = tpu.memref_slice %arg5[%dma_start3A_25] : memref<102400xf32, #tpu.memory_space<hbm>> -> memref<102400xf32, #tpu.memory_space<hbm>>
      tpu.enqueue_indirect_dma source(%dma_start3A_26 : memref<102400xf32, #tpu.memory_space<hbm>>) target(%dma_start3A_23 : memref<128xf32, #tpu.memory_space<vmem>>) offsets(%dma_start3A_24 : memref<128xi32, #tpu.memory_space<vmem>>) semaphore(%arg11 : memref<!tpu.dma_semaphore, #tpu.memory_space<semaphore_mem>>)
      %dma_wait3A = tpu.memref_slice %arg9[%mul3A_19] : memref<3200xf32, #tpu.memory_space<vmem>> -> memref<128xf32, #tpu.memory_space<vmem>>
      %dma_wait3A_27 = tpu.memref_slice %arg7[%mul3A_19] : memref<3200xi32, #tpu.memory_space<vmem>> -> memref<128xi32, #tpu.memory_space<vmem>>
      %dma_wait3A_28 = arith.constant 0 : i32
      %dma_wait3A_29 = tpu.memref_slice %arg4[%dma_wait3A_28] : memref<102400xf32, #tpu.memory_space<hbm>> -> memref<102400xf32, #tpu.memory_space<hbm>>
      tpu.wait_indirect_dma semaphore(%arg11 : memref<!tpu.dma_semaphore, #tpu.memory_space<semaphore_mem>>) src(%dma_wait3A_29 : memref<102400xf32, #tpu.memory_space<hbm>>) dst(%dma_wait3A : memref<128xf32, #tpu.memory_space<vmem>>)
      %dma_wait3A_30 = tpu.memref_slice %arg10[%mul3A_19] : memref<3200xf32, #tpu.memory_space<vmem>> -> memref<128xf32, #tpu.memory_space<vmem>>
      %dma_wait3A_31 = tpu.memref_slice %arg8[%mul3A_19] : memref<3200xi32, #tpu.memory_space<vmem>> -> memref<128xi32, #tpu.memory_space<vmem>>
      %dma_wait3A_32 = arith.constant 0 : i32
      %dma_wait3A_33 = tpu.memref_slice %arg5[%dma_wait3A_32] : memref<102400xf32, #tpu.memory_space<hbm>> -> memref<102400xf32, #tpu.memory_space<hbm>>
      tpu.wait_indirect_dma semaphore(%arg11 : memref<!tpu.dma_semaphore, #tpu.memory_space<semaphore_mem>>) src(%dma_wait3A_33 : memref<102400xf32, #tpu.memory_space<hbm>>) dst(%dma_wait3A_30 : memref<128xf32, #tpu.memory_space<vmem>>)
      %scan3A_34 = arith.constant 0 : i32
      scf.yield %scan3A_34 : i32
    }
    %scan3A_8 = arith.constant 25 : i32
    %scan3A_9 = arith.constant 0 : i32
    %scan3A_10 = arith.constant 0 : i32
    %scan3A_11 = arith.constant 200 : i32
    %scan3A_12 = arith.addi %scan3A_10, %scan3A_11 : i32
    %scan3A_13 = arith.constant 1 : i32
    %scan3A_14 = scf.for %scan3A_16 = %scan3A_10 to %scan3A_12 step %scan3A_13 iter_args(%scan3A_17 = %scan3A_9) -> (i32)  : i32 {
      %mul3A_18 = arith.constant 16 : i32
      %mul3A_19 = arith.muli %scan3A_16, %mul3A_18 : i32
      %get3A = arith.index_cast %mul3A_19 : i32 to index
      %get3A_20 = tpu.vector_load %arg9[%get3A] {strides = array<i32>} : memref<3200xf32, #tpu.memory_space<vmem>>, vector<16xf32>,
      %get3A_21 = vector.shape_cast %get3A_20 : vector<16xf32> to vector<16xf32>
      %mul3A_22 = arith.constant 16 : i32
      %mul3A_23 = arith.muli %scan3A_16, %mul3A_22 : i32
      %get3A_24 = arith.index_cast %mul3A_23 : i32 to index
      %get3A_25 = tpu.vector_load %arg10[%get3A_24] {strides = array<i32>} : memref<3200xf32, #tpu.memory_space<vmem>>, vector<16xf32>,
      %get3A_26 = vector.shape_cast %get3A_25 : vector<16xf32> to vector<16xf32>
      %add3A_27 = arith.addf %get3A_21, %get3A_26 : vector<16xf32>
      %ge3A = arith.constant 0.000000e+00 : f32
      %ge3A_28 = vector.broadcast %ge3A : f32 to vector<16xf32>
      %ge3A_29 = arith.cmpf oge, %add3A_27, %ge3A_28 : vector<16xf32>
      %mul3A_30 = arith.constant 2.000000e-01 : f32
      %mul3A_31 = vector.broadcast %mul3A_30 : f32 to vector<16xf32>
      %mul3A_32 = arith.mulf %add3A_27, %mul3A_31 : vector<16xf32>
      %select_n3A = arith.select %ge3A_29, %add3A_27, %mul3A_32 : vector<16xi1>, vector<16xf32>
      %mul3A_33 = arith.constant 16 : i32
      %mul3A_34 = arith.muli %scan3A_16, %mul3A_33 : i32
      %swap3A = arith.index_cast %mul3A_34 : i32 to index
      %swap3A_35 = tpu.vector_load %arg9[%swap3A] {strides = array<i32>} : memref<3200xf32, #tpu.memory_space<vmem>>, vector<16xf32>,
      %swap3A_36 = vector.shape_cast %swap3A_35 : vector<16xf32> to vector<16xf32>
      %swap3A_37 = vector.shape_cast %select_n3A : vector<16xf32> to vector<16xf32>
      tpu.vector_store %arg9[%swap3A], %swap3A_37 {strides = array<i32>} : memref<3200xf32, #tpu.memory_space<vmem>>, vector<16xf32>,
      %scan3A_38 = arith.constant 0 : i32
      scf.yield %scan3A_38 : i32
    }
    %scan3A_15 = arith.constant 200 : i32
    "tpu.region"() ({
      %run_scoped3A = tpu.sem_alloc : memref<!tpu.dma_semaphore, #tpu.memory_space<semaphore_mem>>
      %dma_start3A = tpu.memref_slice %arg6[%mul3A_2] : memref<102400xf32, #tpu.memory_space<hbm>> -> memref<3200xf32, #tpu.memory_space<hbm>>
      %dma_start3A_16 = tpu.memref_slice %arg6[%mul3A_2] : memref<102400xf32, #tpu.memory_space<hbm>> -> memref<3200xf32, #tpu.memory_space<hbm>>
      tpu.enqueue_dma source(%arg9 : memref<3200xf32, #tpu.memory_space<vmem>>) target(%dma_start3A_16 : memref<3200xf32, #tpu.memory_space<hbm>>) target_semaphore(%run_scoped3A : memref<!tpu.dma_semaphore, #tpu.memory_space<semaphore_mem>>)
      %dma_wait3A = tpu.memref_slice %arg6[%mul3A_2] : memref<102400xf32, #tpu.memory_space<hbm>> -> memref<3200xf32, #tpu.memory_space<hbm>>
      %dma_wait3A_17 = tpu.memref_slice %arg6[%mul3A_2] : memref<102400xf32, #tpu.memory_space<hbm>> -> memref<3200xf32, #tpu.memory_space<hbm>>
      tpu.wait_dma2 semaphore(%run_scoped3A : memref<!tpu.dma_semaphore, #tpu.memory_space<semaphore_mem>>) src(%arg9 : memref<3200xf32, #tpu.memory_space<vmem>>) dst(%dma_wait3A_17 : memref<3200xf32, #tpu.memory_space<hbm>>)
      tpu.yield
    }) : () -> ()
    return
  }
}

#map = affine_map<(d0, d1) -> (0, 0)>
#map1 = affine_map<(d0, d1) -> (0)>
module attributes {stable_mosaic.version = 14 : i64} {
  func.func @_scatter_body(%arg0: i32, %arg1: i32, %arg2: memref<100000x128xf32, #tpu.memory_space<hbm>>, %arg3: memref<102400xi32, #tpu.memory_space<hbm>>, %arg4: memref<102400xi32, #tpu.memory_space<hbm>>, %arg5: memref<640x128xf32, #tpu.memory_space<hbm>>, %arg6: memref<102400x128xf32, #tpu.memory_space<hbm>>, %arg7: memref<6400xi32, #tpu.memory_space<vmem>>, %arg8: memref<6400xi32, #tpu.memory_space<vmem>>, %arg9: memref<128x128xf32, #tpu.memory_space<vmem>>, %arg10: memref<128x128xf32, #tpu.memory_space<vmem>>, %arg11: memref<128xi32, #tpu.memory_space<vmem>>, %arg12: memref<128xi32, #tpu.memory_space<vmem>>, %arg13: memref<10256x128xf32, #tpu.memory_space<vmem_shared>>, %arg14: memref<!tpu.dma_semaphore, #tpu.memory_space<semaphore_mem>>, %arg15: memref<!tpu.dma_semaphore, #tpu.memory_space<semaphore_mem>>, %arg16: memref<!tpu.dma_semaphore, #tpu.memory_space<semaphore_mem>>, %arg17: memref<!tpu.dma_semaphore, #tpu.memory_space<semaphore_mem>>) attributes {dimension_semantics = [#tpu.dimension_semantics<core_parallel>, #tpu.dimension_semantics<subcore_parallel>], iteration_bounds = array<i64: 2, 16>, scalar_prefetch = 0 : i64, scratch_operands = 11 : i64, tpu.core_type = #tpu.core_type<sc_vector_subcore>, window_params = [{transform_indices = #map}, {transform_indices = #map1}, {transform_indices = #map1}, {transform_indices = #map}, {transform_indices = #map}]} {
    %mul3A = arith.constant 6400 : i32
    %mul3A_0 = arith.muli %arg1, %mul3A : i32
    "tpu.region"() ({
      %run_scoped3A = tpu.sem_alloc : memref<!tpu.dma_semaphore, #tpu.memory_space<semaphore_mem>>
      %dma_start3A = tpu.memref_slice %arg3[%mul3A_0] : memref<102400xi32, #tpu.memory_space<hbm>> -> memref<6400xi32, #tpu.memory_space<hbm>>
      %dma_start3A_159 = tpu.memref_slice %arg3[%mul3A_0] : memref<102400xi32, #tpu.memory_space<hbm>> -> memref<6400xi32, #tpu.memory_space<hbm>>
      tpu.enqueue_dma source(%dma_start3A_159 : memref<6400xi32, #tpu.memory_space<hbm>>) target(%arg7 : memref<6400xi32, #tpu.memory_space<vmem>>) target_semaphore(%run_scoped3A : memref<!tpu.dma_semaphore, #tpu.memory_space<semaphore_mem>>)
      %dma_wait3A = tpu.memref_slice %arg3[%mul3A_0] : memref<102400xi32, #tpu.memory_space<hbm>> -> memref<6400xi32, #tpu.memory_space<hbm>>
      %dma_wait3A_160 = tpu.memref_slice %arg3[%mul3A_0] : memref<102400xi32, #tpu.memory_space<hbm>> -> memref<6400xi32, #tpu.memory_space<hbm>>
      tpu.wait_dma2 semaphore(%run_scoped3A : memref<!tpu.dma_semaphore, #tpu.memory_space<semaphore_mem>>) src(%dma_wait3A_160 : memref<6400xi32, #tpu.memory_space<hbm>>) dst(%arg7 : memref<6400xi32, #tpu.memory_space<vmem>>)
      tpu.yield
    }) : () -> ()
    "tpu.region"() ({
      %run_scoped3A = tpu.sem_alloc : memref<!tpu.dma_semaphore, #tpu.memory_space<semaphore_mem>>
      %dma_start3A = tpu.memref_slice %arg4[%mul3A_0] : memref<102400xi32, #tpu.memory_space<hbm>> -> memref<6400xi32, #tpu.memory_space<hbm>>
      %dma_start3A_159 = tpu.memref_slice %arg4[%mul3A_0] : memref<102400xi32, #tpu.memory_space<hbm>> -> memref<6400xi32, #tpu.memory_space<hbm>>
      tpu.enqueue_dma source(%dma_start3A_159 : memref<6400xi32, #tpu.memory_space<hbm>>) target(%arg8 : memref<6400xi32, #tpu.memory_space<vmem>>) target_semaphore(%run_scoped3A : memref<!tpu.dma_semaphore, #tpu.memory_space<semaphore_mem>>)
      %dma_wait3A = tpu.memref_slice %arg4[%mul3A_0] : memref<102400xi32, #tpu.memory_space<hbm>> -> memref<6400xi32, #tpu.memory_space<hbm>>
      %dma_wait3A_160 = tpu.memref_slice %arg4[%mul3A_0] : memref<102400xi32, #tpu.memory_space<hbm>> -> memref<6400xi32, #tpu.memory_space<hbm>>
      tpu.wait_dma2 semaphore(%run_scoped3A : memref<!tpu.dma_semaphore, #tpu.memory_space<semaphore_mem>>) src(%dma_wait3A_160 : memref<6400xi32, #tpu.memory_space<hbm>>) dst(%arg8 : memref<6400xi32, #tpu.memory_space<vmem>>)
      tpu.yield
    }) : () -> ()
    %broadcast_in_dim3A = arith.constant 0 : i32
    %broadcast_in_dim3A_1 = vector.broadcast %broadcast_in_dim3A : i32 to vector<16xi32>
    %iota3A = tpu.iota {dimensions = array<i32: 0>} : vector<16xi32>
    %broadcast_in_dim3A_2 = arith.constant 10240 : i32
    %broadcast_in_dim3A_3 = vector.broadcast %broadcast_in_dim3A_2 : i32 to vector<16xi32>
    %add3A = arith.addi %broadcast_in_dim3A_3, %iota3A : vector<16xi32>
    %mul3A_4 = arith.constant 5 : i32
    %mul3A_5 = arith.muli %arg0, %mul3A_4 : i32
    %add3A_6 = arith.constant 0 : i32
    %add3A_7 = arith.addi %mul3A_5, %add3A_6 : i32
    %mul3A_8 = arith.constant 10240 : i32
    %mul3A_9 = arith.muli %add3A_7, %mul3A_8 : i32
    %add3A_10 = vector.broadcast %mul3A_9 : i32 to vector<16xi32>
    %add3A_11 = arith.addi %broadcast_in_dim3A_1, %add3A_10 : vector<16xi32>
    %add3A_12 = arith.constant 10240 : i32
    %add3A_13 = vector.broadcast %add3A_12 : i32 to vector<16xi32>
    %add3A_14 = arith.addi %add3A_11, %add3A_13 : vector<16xi32>
    %mul3A_15 = arith.constant 640 : i32
    %mul3A_16 = arith.muli %arg1, %mul3A_15 : i32
    "tpu.region"() ({
      %run_scoped3A = tpu.sem_alloc : memref<!tpu.dma_semaphore, #tpu.memory_space<semaphore_mem>>
      %dma_start3A = arith.constant 0 : i32
      %dma_start3A_159 = tpu.memref_slice %arg13[%mul3A_16, %dma_start3A] : memref<10256x128xf32, #tpu.memory_space<vmem_shared>> -> memref<640x128xf32, #tpu.memory_space<vmem_shared>>
      tpu.enqueue_dma source(%arg5 : memref<640x128xf32, #tpu.memory_space<hbm>>) target(%dma_start3A_159 : memref<640x128xf32, #tpu.memory_space<vmem_shared>>) target_semaphore(%run_scoped3A : memref<!tpu.dma_semaphore, #tpu.memory_space<semaphore_mem>>)
      %dma_wait3A = arith.constant 0 : i32
      %dma_wait3A_160 = tpu.memref_slice %arg13[%mul3A_16, %dma_wait3A] : memref<10256x128xf32, #tpu.memory_space<vmem_shared>> -> memref<640x128xf32, #tpu.memory_space<vmem_shared>>
      tpu.wait_dma2 semaphore(%run_scoped3A : memref<!tpu.dma_semaphore, #tpu.memory_space<semaphore_mem>>) src(%arg5 : memref<640x128xf32, #tpu.memory_space<hbm>>) dst(%dma_wait3A_160 : memref<640x128xf32, #tpu.memory_space<vmem_shared>>)
      tpu.yield
    }) : () -> ()
    %eq3A = arith.constant 0 : i32
    %eq3A_17 = arith.cmpi eq, %arg1, %eq3A : i32
    %convert_element_type3A = arith.extui %eq3A_17 : i1 to i32
    %cond3A = arith.constant 0 : i32
    %cond3A_18 = arith.cmpi ne, %convert_element_type3A, %cond3A : i32
    scf.if %cond3A_18 {
      "tpu.region"() ({
        %run_scoped3A = tpu.sem_alloc : memref<!tpu.dma_semaphore, #tpu.memory_space<semaphore_mem>>
        %dma_start3A = arith.constant 10240 : i32
        %dma_start3A_159 = arith.constant 0 : i32
        %dma_start3A_160 = tpu.memref_slice %arg13[%dma_start3A, %dma_start3A_159] : memref<10256x128xf32, #tpu.memory_space<vmem_shared>> -> memref<16x128xf32, #tpu.memory_space<vmem_shared>>
        %dma_start3A_161 = arith.constant 0 : i32
        %dma_start3A_162 = arith.constant 0 : i32
        %dma_start3A_163 = tpu.memref_slice %arg5[%dma_start3A_161, %dma_start3A_162] : memref<640x128xf32, #tpu.memory_space<hbm>> -> memref<16x128xf32, #tpu.memory_space<hbm>>
        tpu.enqueue_dma source(%dma_start3A_163 : memref<16x128xf32, #tpu.memory_space<hbm>>) target(%dma_start3A_160 : memref<16x128xf32, #tpu.memory_space<vmem_shared>>) target_semaphore(%run_scoped3A : memref<!tpu.dma_semaphore, #tpu.memory_space<semaphore_mem>>)
        %dma_wait3A = arith.constant 10240 : i32
        %dma_wait3A_164 = arith.constant 0 : i32
        %dma_wait3A_165 = tpu.memref_slice %arg13[%dma_wait3A, %dma_wait3A_164] : memref<10256x128xf32, #tpu.memory_space<vmem_shared>> -> memref<16x128xf32, #tpu.memory_space<vmem_shared>>
        %dma_wait3A_166 = arith.constant 0 : i32
        %dma_wait3A_167 = arith.constant 0 : i32
        %dma_wait3A_168 = tpu.memref_slice %arg5[%dma_wait3A_166, %dma_wait3A_167] : memref<640x128xf32, #tpu.memory_space<hbm>> -> memref<16x128xf32, #tpu.memory_space<hbm>>
        tpu.wait_dma2 semaphore(%run_scoped3A : memref<!tpu.dma_semaphore, #tpu.memory_space<semaphore_mem>>) src(%dma_wait3A_168 : memref<16x128xf32, #tpu.memory_space<hbm>>) dst(%dma_wait3A_165 : memref<16x128xf32, #tpu.memory_space<vmem_shared>>)
        tpu.yield
      }) : () -> ()
    } else {
    }
    %barrier3A = arith.constant 0 : index
    tpu.barrier barrier_id(%barrier3A)
    %scan3A = arith.constant 0 : i32
    %scan3A_19 = arith.constant 0 : i32
    %scan3A_20 = arith.constant 25 : i32
    %scan3A_21 = arith.addi %scan3A_19, %scan3A_20 : i32
    %scan3A_22 = arith.constant 1 : i32
    %scan3A_23 = scf.for %scan3A_159 = %scan3A_19 to %scan3A_21 step %scan3A_22 iter_args(%scan3A_160 = %scan3A) -> (i32)  : i32 {
      %mul3A_161 = arith.constant 256 : i32
      %mul3A_162 = arith.muli %scan3A_159, %mul3A_161 : i32
      %add3A_163 = arith.constant 128 : i32
      %add3A_164 = arith.addi %mul3A_162, %add3A_163 : i32
      %dma_start3A = tpu.memref_slice %arg8[%mul3A_162] : memref<6400xi32, #tpu.memory_space<vmem>> -> memref<128xi32, #tpu.memory_space<vmem>>
      %dma_start3A_165 = arith.constant 0 : i32
      %dma_start3A_166 = arith.constant 0 : i32
      %dma_start3A_167 = tpu.memref_slice %arg2[%dma_start3A_165, %dma_start3A_166] : memref<100000x128xf32, #tpu.memory_space<hbm>> -> memref<100000x128xf32, #tpu.memory_space<hbm>>
      tpu.enqueue_indirect_dma source(%dma_start3A_167 : memref<100000x128xf32, #tpu.memory_space<hbm>>) target(%arg9 : memref<128x128xf32, #tpu.memory_space<vmem>>) offsets(%dma_start3A : memref<128xi32, #tpu.memory_space<vmem>>) semaphore(%arg14 : memref<!tpu.dma_semaphore, #tpu.memory_space<semaphore_mem>>)
      %dma_start3A_168 = tpu.memref_slice %arg8[%add3A_164] : memref<6400xi32, #tpu.memory_space<vmem>> -> memref<128xi32, #tpu.memory_space<vmem>>
      %dma_start3A_169 = arith.constant 0 : i32
      %dma_start3A_170 = arith.constant 0 : i32
      %dma_start3A_171 = tpu.memref_slice %arg2[%dma_start3A_169, %dma_start3A_170] : memref<100000x128xf32, #tpu.memory_space<hbm>> -> memref<100000x128xf32, #tpu.memory_space<hbm>>
      tpu.enqueue_indirect_dma source(%dma_start3A_171 : memref<100000x128xf32, #tpu.memory_space<hbm>>) target(%arg10 : memref<128x128xf32, #tpu.memory_space<vmem>>) offsets(%dma_start3A_168 : memref<128xi32, #tpu.memory_space<vmem>>) semaphore(%arg15 : memref<!tpu.dma_semaphore, #tpu.memory_space<semaphore_mem>>)
      %dma_wait3A = tpu.memref_slice %arg8[%mul3A_162] : memref<6400xi32, #tpu.memory_space<vmem>> -> memref<128xi32, #tpu.memory_space<vmem>>
      %dma_wait3A_172 = arith.constant 0 : i32
      %dma_wait3A_173 = arith.constant 0 : i32
      %dma_wait3A_174 = tpu.memref_slice %arg2[%dma_wait3A_172, %dma_wait3A_173] : memref<100000x128xf32, #tpu.memory_space<hbm>> -> memref<100000x128xf32, #tpu.memory_space<hbm>>
      tpu.wait_indirect_dma semaphore(%arg14 : memref<!tpu.dma_semaphore, #tpu.memory_space<semaphore_mem>>) src(%dma_wait3A_174 : memref<100000x128xf32, #tpu.memory_space<hbm>>) dst(%arg9 : memref<128x128xf32, #tpu.memory_space<vmem>>)
      %add3A_175 = arith.constant 0 : i32
      %add3A_176 = arith.addi %mul3A_162, %add3A_175 : i32
      %get3A = arith.index_cast %add3A_176 : i32 to index
      %get3A_177 = tpu.vector_load %arg7[%get3A] {strides = array<i32>} : memref<6400xi32, #tpu.memory_space<vmem>>, vector<16xi32>,
      %get3A_178 = vector.shape_cast %get3A_177 : vector<16xi32> to vector<16xi32>
      %ge3A = arith.cmpi sge, %get3A_178, %add3A_11 : vector<16xi32>
      %lt3A = arith.cmpi slt, %get3A_178, %add3A_14 : vector<16xi32>
      %and3A = arith.andi %ge3A, %lt3A : vector<16xi1>
      %sub3A = arith.subi %get3A_178, %add3A_11 : vector<16xi32>
      %select_n3A = arith.select %and3A, %sub3A, %add3A : vector<16xi1>, vector<16xi32>
      %swap3A = arith.constant 0 : index
      %swap3A_179 = tpu.vector_load %arg11[%swap3A] {strides = array<i32>} : memref<128xi32, #tpu.memory_space<vmem>>, vector<16xi32>,
      %swap3A_180 = vector.shape_cast %swap3A_179 : vector<16xi32> to vector<16xi32>
      %swap3A_181 = vector.shape_cast %select_n3A : vector<16xi32> to vector<16xi32>
      tpu.vector_store %arg11[%swap3A], %swap3A_181 {strides = array<i32>} : memref<128xi32, #tpu.memory_space<vmem>>, vector<16xi32>,
      %add3A_182 = arith.constant 16 : i32
      %add3A_183 = arith.addi %mul3A_162, %add3A_182 : i32
      %get3A_184 = arith.index_cast %add3A_183 : i32 to index
      %get3A_185 = tpu.vector_load %arg7[%get3A_184] {strides = array<i32>} : memref<6400xi32, #tpu.memory_space<vmem>>, vector<16xi32>,
      %get3A_186 = vector.shape_cast %get3A_185 : vector<16xi32> to vector<16xi32>
      %ge3A_187 = arith.cmpi sge, %get3A_186, %add3A_11 : vector<16xi32>
      %lt3A_188 = arith.cmpi slt, %get3A_186, %add3A_14 : vector<16xi32>
      %and3A_189 = arith.andi %ge3A_187, %lt3A_188 : vector<16xi1>
      %sub3A_190 = arith.subi %get3A_186, %add3A_11 : vector<16xi32>
      %select_n3A_191 = arith.select %and3A_189, %sub3A_190, %add3A : vector<16xi1>, vector<16xi32>
      %swap3A_192 = arith.constant 16 : index
      %swap3A_193 = tpu.vector_load %arg11[%swap3A_192] {strides = array<i32>} : memref<128xi32, #tpu.memory_space<vmem>>, vector<16xi32>,
      %swap3A_194 = vector.shape_cast %swap3A_193 : vector<16xi32> to vector<16xi32>
      %swap3A_195 = vector.shape_cast %select_n3A_191 : vector<16xi32> to vector<16xi32>
      tpu.vector_store %arg11[%swap3A_192], %swap3A_195 {strides = array<i32>} : memref<128xi32, #tpu.memory_space<vmem>>, vector<16xi32>,
      %add3A_196 = arith.constant 32 : i32
      %add3A_197 = arith.addi %mul3A_162, %add3A_196 : i32
      %get3A_198 = arith.index_cast %add3A_197 : i32 to index
      %get3A_199 = tpu.vector_load %arg7[%get3A_198] {strides = array<i32>} : memref<6400xi32, #tpu.memory_space<vmem>>, vector<16xi32>,
      %get3A_200 = vector.shape_cast %get3A_199 : vector<16xi32> to vector<16xi32>
      %ge3A_201 = arith.cmpi sge, %get3A_200, %add3A_11 : vector<16xi32>
      %lt3A_202 = arith.cmpi slt, %get3A_200, %add3A_14 : vector<16xi32>
      %and3A_203 = arith.andi %ge3A_201, %lt3A_202 : vector<16xi1>
      %sub3A_204 = arith.subi %get3A_200, %add3A_11 : vector<16xi32>
      %select_n3A_205 = arith.select %and3A_203, %sub3A_204, %add3A : vector<16xi1>, vector<16xi32>
      %swap3A_206 = arith.constant 32 : index
      %swap3A_207 = tpu.vector_load %arg11[%swap3A_206] {strides = array<i32>} : memref<128xi32, #tpu.memory_space<vmem>>, vector<16xi32>,
      %swap3A_208 = vector.shape_cast %swap3A_207 : vector<16xi32> to vector<16xi32>
      %swap3A_209 = vector.shape_cast %select_n3A_205 : vector<16xi32> to vector<16xi32>
      tpu.vector_store %arg11[%swap3A_206], %swap3A_209 {strides = array<i32>} : memref<128xi32, #tpu.memory_space<vmem>>, vector<16xi32>,
      %add3A_210 = arith.constant 48 : i32
      %add3A_211 = arith.addi %mul3A_162, %add3A_210 : i32
      %get3A_212 = arith.index_cast %add3A_211 : i32 to index
      %get3A_213 = tpu.vector_load %arg7[%get3A_212] {strides = array<i32>} : memref<6400xi32, #tpu.memory_space<vmem>>, vector<16xi32>,
      %get3A_214 = vector.shape_cast %get3A_213 : vector<16xi32> to vector<16xi32>
      %ge3A_215 = arith.cmpi sge, %get3A_214, %add3A_11 : vector<16xi32>
      %lt3A_216 = arith.cmpi slt, %get3A_214, %add3A_14 : vector<16xi32>
      %and3A_217 = arith.andi %ge3A_215, %lt3A_216 : vector<16xi1>
      %sub3A_218 = arith.subi %get3A_214, %add3A_11 : vector<16xi32>
      %select_n3A_219 = arith.select %and3A_217, %sub3A_218, %add3A : vector<16xi1>, vector<16xi32>
      %swap3A_220 = arith.constant 48 : index
      %swap3A_221 = tpu.vector_load %arg11[%swap3A_220] {strides = array<i32>} : memref<128xi32, #tpu.memory_space<vmem>>, vector<16xi32>,
      %swap3A_222 = vector.shape_cast %swap3A_221 : vector<16xi32> to vector<16xi32>
      %swap3A_223 = vector.shape_cast %select_n3A_219 : vector<16xi32> to vector<16xi32>
      tpu.vector_store %arg11[%swap3A_220], %swap3A_223 {strides = array<i32>} : memref<128xi32, #tpu.memory_space<vmem>>, vector<16xi32>,
      %add3A_224 = arith.constant 64 : i32
      %add3A_225 = arith.addi %mul3A_162, %add3A_224 : i32
      %get3A_226 = arith.index_cast %add3A_225 : i32 to index
      %get3A_227 = tpu.vector_load %arg7[%get3A_226] {strides = array<i32>} : memref<6400xi32, #tpu.memory_space<vmem>>, vector<16xi32>,
      %get3A_228 = vector.shape_cast %get3A_227 : vector<16xi32> to vector<16xi32>
      %ge3A_229 = arith.cmpi sge, %get3A_228, %add3A_11 : vector<16xi32>
      %lt3A_230 = arith.cmpi slt, %get3A_228, %add3A_14 : vector<16xi32>
      %and3A_231 = arith.andi %ge3A_229, %lt3A_230 : vector<16xi1>
      %sub3A_232 = arith.subi %get3A_228, %add3A_11 : vector<16xi32>
      %select_n3A_233 = arith.select %and3A_231, %sub3A_232, %add3A : vector<16xi1>, vector<16xi32>
      %swap3A_234 = arith.constant 64 : index
      %swap3A_235 = tpu.vector_load %arg11[%swap3A_234] {strides = array<i32>} : memref<128xi32, #tpu.memory_space<vmem>>, vector<16xi32>,
      %swap3A_236 = vector.shape_cast %swap3A_235 : vector<16xi32> to vector<16xi32>
      %swap3A_237 = vector.shape_cast %select_n3A_233 : vector<16xi32> to vector<16xi32>
      tpu.vector_store %arg11[%swap3A_234], %swap3A_237 {strides = array<i32>} : memref<128xi32, #tpu.memory_space<vmem>>, vector<16xi32>,
      %add3A_238 = arith.constant 80 : i32
      %add3A_239 = arith.addi %mul3A_162, %add3A_238 : i32
      %get3A_240 = arith.index_cast %add3A_239 : i32 to index
      %get3A_241 = tpu.vector_load %arg7[%get3A_240] {strides = array<i32>} : memref<6400xi32, #tpu.memory_space<vmem>>, vector<16xi32>,
      %get3A_242 = vector.shape_cast %get3A_241 : vector<16xi32> to vector<16xi32>
      %ge3A_243 = arith.cmpi sge, %get3A_242, %add3A_11 : vector<16xi32>
      %lt3A_244 = arith.cmpi slt, %get3A_242, %add3A_14 : vector<16xi32>
      %and3A_245 = arith.andi %ge3A_243, %lt3A_244 : vector<16xi1>
      %sub3A_246 = arith.subi %get3A_242, %add3A_11 : vector<16xi32>
      %select_n3A_247 = arith.select %and3A_245, %sub3A_246, %add3A : vector<16xi1>, vector<16xi32>
      %swap3A_248 = arith.constant 80 : index
      %swap3A_249 = tpu.vector_load %arg11[%swap3A_248] {strides = array<i32>} : memref<128xi32, #tpu.memory_space<vmem>>, vector<16xi32>,
      %swap3A_250 = vector.shape_cast %swap3A_249 : vector<16xi32> to vector<16xi32>
      %swap3A_251 = vector.shape_cast %select_n3A_247 : vector<16xi32> to vector<16xi32>
      tpu.vector_store %arg11[%swap3A_248], %swap3A_251 {strides = array<i32>} : memref<128xi32, #tpu.memory_space<vmem>>, vector<16xi32>,
      %add3A_252 = arith.constant 96 : i32
      %add3A_253 = arith.addi %mul3A_162, %add3A_252 : i32
      %get3A_254 = arith.index_cast %add3A_253 : i32 to index
      %get3A_255 = tpu.vector_load %arg7[%get3A_254] {strides = array<i32>} : memref<6400xi32, #tpu.memory_space<vmem>>, vector<16xi32>,
      %get3A_256 = vector.shape_cast %get3A_255 : vector<16xi32> to vector<16xi32>
      %ge3A_257 = arith.cmpi sge, %get3A_256, %add3A_11 : vector<16xi32>
      %lt3A_258 = arith.cmpi slt, %get3A_256, %add3A_14 : vector<16xi32>
      %and3A_259 = arith.andi %ge3A_257, %lt3A_258 : vector<16xi1>
      %sub3A_260 = arith.subi %get3A_256, %add3A_11 : vector<16xi32>
      %select_n3A_261 = arith.select %and3A_259, %sub3A_260, %add3A : vector<16xi1>, vector<16xi32>
      %swap3A_262 = arith.constant 96 : index
      %swap3A_263 = tpu.vector_load %arg11[%swap3A_262] {strides = array<i32>} : memref<128xi32, #tpu.memory_space<vmem>>, vector<16xi32>,
      %swap3A_264 = vector.shape_cast %swap3A_263 : vector<16xi32> to vector<16xi32>
      %swap3A_265 = vector.shape_cast %select_n3A_261 : vector<16xi32> to vector<16xi32>
      tpu.vector_store %arg11[%swap3A_262], %swap3A_265 {strides = array<i32>} : memref<128xi32, #tpu.memory_space<vmem>>, vector<16xi32>,
      %add3A_266 = arith.constant 112 : i32
      %add3A_267 = arith.addi %mul3A_162, %add3A_266 : i32
      %get3A_268 = arith.index_cast %add3A_267 : i32 to index
      %get3A_269 = tpu.vector_load %arg7[%get3A_268] {strides = array<i32>} : memref<6400xi32, #tpu.memory_space<vmem>>, vector<16xi32>,
      %get3A_270 = vector.shape_cast %get3A_269 : vector<16xi32> to vector<16xi32>
      %ge3A_271 = arith.cmpi sge, %get3A_270, %add3A_11 : vector<16xi32>
      %lt3A_272 = arith.cmpi slt, %get3A_270, %add3A_14 : vector<16xi32>
      %and3A_273 = arith.andi %ge3A_271, %lt3A_272 : vector<16xi1>
      %sub3A_274 = arith.subi %get3A_270, %add3A_11 : vector<16xi32>
      %select_n3A_275 = arith.select %and3A_273, %sub3A_274, %add3A : vector<16xi1>, vector<16xi32>
      %swap3A_276 = arith.constant 112 : index
      %swap3A_277 = tpu.vector_load %arg11[%swap3A_276] {strides = array<i32>} : memref<128xi32, #tpu.memory_space<vmem>>, vector<16xi32>,
      %swap3A_278 = vector.shape_cast %swap3A_277 : vector<16xi32> to vector<16xi32>
      %swap3A_279 = vector.shape_cast %select_n3A_275 : vector<16xi32> to vector<16xi32>
      tpu.vector_store %arg11[%swap3A_276], %swap3A_279 {strides = array<i32>} : memref<128xi32, #tpu.memory_space<vmem>>, vector<16xi32>,
      %dma_start3A_280 = arith.constant 0 : i32
      %dma_start3A_281 = arith.constant 0 : i32
      %dma_start3A_282 = tpu.memref_slice %arg13[%dma_start3A_280, %dma_start3A_281] : memref<10256x128xf32, #tpu.memory_space<vmem_shared>> -> memref<10256x128xf32, #tpu.memory_space<vmem_shared>>
      tpu.enqueue_indirect_dma source(%arg9 : memref<128x128xf32, #tpu.memory_space<vmem>>) target(%dma_start3A_282 : memref<10256x128xf32, #tpu.memory_space<vmem_shared>>) offsets(%arg11 : memref<128xi32, #tpu.memory_space<vmem>>) semaphore(%arg16 : memref<!tpu.dma_semaphore, #tpu.memory_space<semaphore_mem>>) {add = true}
      %dma_wait3A_283 = tpu.memref_slice %arg8[%add3A_164] : memref<6400xi32, #tpu.memory_space<vmem>> -> memref<128xi32, #tpu.memory_space<vmem>>
      %dma_wait3A_284 = arith.constant 0 : i32
      %dma_wait3A_285 = arith.constant 0 : i32
      %dma_wait3A_286 = tpu.memref_slice %arg2[%dma_wait3A_284, %dma_wait3A_285] : memref<100000x128xf32, #tpu.memory_space<hbm>> -> memref<100000x128xf32, #tpu.memory_space<hbm>>
      tpu.wait_indirect_dma semaphore(%arg15 : memref<!tpu.dma_semaphore, #tpu.memory_space<semaphore_mem>>) src(%dma_wait3A_286 : memref<100000x128xf32, #tpu.memory_space<hbm>>) dst(%arg10 : memref<128x128xf32, #tpu.memory_space<vmem>>)
      %add3A_287 = arith.constant 0 : i32
      %add3A_288 = arith.addi %add3A_164, %add3A_287 : i32
      %get3A_289 = arith.index_cast %add3A_288 : i32 to index
      %get3A_290 = tpu.vector_load %arg7[%get3A_289] {strides = array<i32>} : memref<6400xi32, #tpu.memory_space<vmem>>, vector<16xi32>,
      %get3A_291 = vector.shape_cast %get3A_290 : vector<16xi32> to vector<16xi32>
      %ge3A_292 = arith.cmpi sge, %get3A_291, %add3A_11 : vector<16xi32>
      %lt3A_293 = arith.cmpi slt, %get3A_291, %add3A_14 : vector<16xi32>
      %and3A_294 = arith.andi %ge3A_292, %lt3A_293 : vector<16xi1>
      %sub3A_295 = arith.subi %get3A_291, %add3A_11 : vector<16xi32>
      %select_n3A_296 = arith.select %and3A_294, %sub3A_295, %add3A : vector<16xi1>, vector<16xi32>
      %swap3A_297 = arith.constant 0 : index
      %swap3A_298 = tpu.vector_load %arg12[%swap3A_297] {strides = array<i32>} : memref<128xi32, #tpu.memory_space<vmem>>, vector<16xi32>,
      %swap3A_299 = vector.shape_cast %swap3A_298 : vector<16xi32> to vector<16xi32>
      %swap3A_300 = vector.shape_cast %select_n3A_296 : vector<16xi32> to vector<16xi32>
      tpu.vector_store %arg12[%swap3A_297], %swap3A_300 {strides = array<i32>} : memref<128xi32, #tpu.memory_space<vmem>>, vector<16xi32>,
      %add3A_301 = arith.constant 16 : i32
      %add3A_302 = arith.addi %add3A_164, %add3A_301 : i32
      %get3A_303 = arith.index_cast %add3A_302 : i32 to index
      %get3A_304 = tpu.vector_load %arg7[%get3A_303] {strides = array<i32>} : memref<6400xi32, #tpu.memory_space<vmem>>, vector<16xi32>,
      %get3A_305 = vector.shape_cast %get3A_304 : vector<16xi32> to vector<16xi32>
      %ge3A_306 = arith.cmpi sge, %get3A_305, %add3A_11 : vector<16xi32>
      %lt3A_307 = arith.cmpi slt, %get3A_305, %add3A_14 : vector<16xi32>
      %and3A_308 = arith.andi %ge3A_306, %lt3A_307 : vector<16xi1>
      %sub3A_309 = arith.subi %get3A_305, %add3A_11 : vector<16xi32>
      %select_n3A_310 = arith.select %and3A_308, %sub3A_309, %add3A : vector<16xi1>, vector<16xi32>
      %swap3A_311 = arith.constant 16 : index
      %swap3A_312 = tpu.vector_load %arg12[%swap3A_311] {strides = array<i32>} : memref<128xi32, #tpu.memory_space<vmem>>, vector<16xi32>,
      %swap3A_313 = vector.shape_cast %swap3A_312 : vector<16xi32> to vector<16xi32>
      %swap3A_314 = vector.shape_cast %select_n3A_310 : vector<16xi32> to vector<16xi32>
      tpu.vector_store %arg12[%swap3A_311], %swap3A_314 {strides = array<i32>} : memref<128xi32, #tpu.memory_space<vmem>>, vector<16xi32>,
      %add3A_315 = arith.constant 32 : i32
      %add3A_316 = arith.addi %add3A_164, %add3A_315 : i32
      %get3A_317 = arith.index_cast %add3A_316 : i32 to index
      %get3A_318 = tpu.vector_load %arg7[%get3A_317] {strides = array<i32>} : memref<6400xi32, #tpu.memory_space<vmem>>, vector<16xi32>,
      %get3A_319 = vector.shape_cast %get3A_318 : vector<16xi32> to vector<16xi32>
      %ge3A_320 = arith.cmpi sge, %get3A_319, %add3A_11 : vector<16xi32>
      %lt3A_321 = arith.cmpi slt, %get3A_319, %add3A_14 : vector<16xi32>
      %and3A_322 = arith.andi %ge3A_320, %lt3A_321 : vector<16xi1>
      %sub3A_323 = arith.subi %get3A_319, %add3A_11 : vector<16xi32>
      %select_n3A_324 = arith.select %and3A_322, %sub3A_323, %add3A : vector<16xi1>, vector<16xi32>
      %swap3A_325 = arith.constant 32 : index
      %swap3A_326 = tpu.vector_load %arg12[%swap3A_325] {strides = array<i32>} : memref<128xi32, #tpu.memory_space<vmem>>, vector<16xi32>,
      %swap3A_327 = vector.shape_cast %swap3A_326 : vector<16xi32> to vector<16xi32>
      %swap3A_328 = vector.shape_cast %select_n3A_324 : vector<16xi32> to vector<16xi32>
      tpu.vector_store %arg12[%swap3A_325], %swap3A_328 {strides = array<i32>} : memref<128xi32, #tpu.memory_space<vmem>>, vector<16xi32>,
      %add3A_329 = arith.constant 48 : i32
      %add3A_330 = arith.addi %add3A_164, %add3A_329 : i32
      %get3A_331 = arith.index_cast %add3A_330 : i32 to index
      %get3A_332 = tpu.vector_load %arg7[%get3A_331] {strides = array<i32>} : memref<6400xi32, #tpu.memory_space<vmem>>, vector<16xi32>,
      %get3A_333 = vector.shape_cast %get3A_332 : vector<16xi32> to vector<16xi32>
      %ge3A_334 = arith.cmpi sge, %get3A_333, %add3A_11 : vector<16xi32>
      %lt3A_335 = arith.cmpi slt, %get3A_333, %add3A_14 : vector<16xi32>
      %and3A_336 = arith.andi %ge3A_334, %lt3A_335 : vector<16xi1>
      %sub3A_337 = arith.subi %get3A_333, %add3A_11 : vector<16xi32>
      %select_n3A_338 = arith.select %and3A_336, %sub3A_337, %add3A : vector<16xi1>, vector<16xi32>
      %swap3A_339 = arith.constant 48 : index
      %swap3A_340 = tpu.vector_load %arg12[%swap3A_339] {strides = array<i32>} : memref<128xi32, #tpu.memory_space<vmem>>, vector<16xi32>,
      %swap3A_341 = vector.shape_cast %swap3A_340 : vector<16xi32> to vector<16xi32>
      %swap3A_342 = vector.shape_cast %select_n3A_338 : vector<16xi32> to vector<16xi32>
      tpu.vector_store %arg12[%swap3A_339], %swap3A_342 {strides = array<i32>} : memref<128xi32, #tpu.memory_space<vmem>>, vector<16xi32>,
      %add3A_343 = arith.constant 64 : i32
      %add3A_344 = arith.addi %add3A_164, %add3A_343 : i32
      %get3A_345 = arith.index_cast %add3A_344 : i32 to index
      %get3A_346 = tpu.vector_load %arg7[%get3A_345] {strides = array<i32>} : memref<6400xi32, #tpu.memory_space<vmem>>, vector<16xi32>,
      %get3A_347 = vector.shape_cast %get3A_346 : vector<16xi32> to vector<16xi32>
      %ge3A_348 = arith.cmpi sge, %get3A_347, %add3A_11 : vector<16xi32>
      %lt3A_349 = arith.cmpi slt, %get3A_347, %add3A_14 : vector<16xi32>
      %and3A_350 = arith.andi %ge3A_348, %lt3A_349 : vector<16xi1>
      %sub3A_351 = arith.subi %get3A_347, %add3A_11 : vector<16xi32>
      %select_n3A_352 = arith.select %and3A_350, %sub3A_351, %add3A : vector<16xi1>, vector<16xi32>
      %swap3A_353 = arith.constant 64 : index
      %swap3A_354 = tpu.vector_load %arg12[%swap3A_353] {strides = array<i32>} : memref<128xi32, #tpu.memory_space<vmem>>, vector<16xi32>,
      %swap3A_355 = vector.shape_cast %swap3A_354 : vector<16xi32> to vector<16xi32>
      %swap3A_356 = vector.shape_cast %select_n3A_352 : vector<16xi32> to vector<16xi32>
      tpu.vector_store %arg12[%swap3A_353], %swap3A_356 {strides = array<i32>} : memref<128xi32, #tpu.memory_space<vmem>>, vector<16xi32>,
      %add3A_357 = arith.constant 80 : i32
      %add3A_358 = arith.addi %add3A_164, %add3A_357 : i32
      %get3A_359 = arith.index_cast %add3A_358 : i32 to index
      %get3A_360 = tpu.vector_load %arg7[%get3A_359] {strides = array<i32>} : memref<6400xi32, #tpu.memory_space<vmem>>, vector<16xi32>,
      %get3A_361 = vector.shape_cast %get3A_360 : vector<16xi32> to vector<16xi32>
      %ge3A_362 = arith.cmpi sge, %get3A_361, %add3A_11 : vector<16xi32>
      %lt3A_363 = arith.cmpi slt, %get3A_361, %add3A_14 : vector<16xi32>
      %and3A_364 = arith.andi %ge3A_362, %lt3A_363 : vector<16xi1>
      %sub3A_365 = arith.subi %get3A_361, %add3A_11 : vector<16xi32>
      %select_n3A_366 = arith.select %and3A_364, %sub3A_365, %add3A : vector<16xi1>, vector<16xi32>
      %swap3A_367 = arith.constant 80 : index
      %swap3A_368 = tpu.vector_load %arg12[%swap3A_367] {strides = array<i32>} : memref<128xi32, #tpu.memory_space<vmem>>, vector<16xi32>,
      %swap3A_369 = vector.shape_cast %swap3A_368 : vector<16xi32> to vector<16xi32>
      %swap3A_370 = vector.shape_cast %select_n3A_366 : vector<16xi32> to vector<16xi32>
      tpu.vector_store %arg12[%swap3A_367], %swap3A_370 {strides = array<i32>} : memref<128xi32, #tpu.memory_space<vmem>>, vector<16xi32>,
      %add3A_371 = arith.constant 96 : i32
      %add3A_372 = arith.addi %add3A_164, %add3A_371 : i32
      %get3A_373 = arith.index_cast %add3A_372 : i32 to index
      %get3A_374 = tpu.vector_load %arg7[%get3A_373] {strides = array<i32>} : memref<6400xi32, #tpu.memory_space<vmem>>, vector<16xi32>,
      %get3A_375 = vector.shape_cast %get3A_374 : vector<16xi32> to vector<16xi32>
      %ge3A_376 = arith.cmpi sge, %get3A_375, %add3A_11 : vector<16xi32>
      %lt3A_377 = arith.cmpi slt, %get3A_375, %add3A_14 : vector<16xi32>
      %and3A_378 = arith.andi %ge3A_376, %lt3A_377 : vector<16xi1>
      %sub3A_379 = arith.subi %get3A_375, %add3A_11 : vector<16xi32>
      %select_n3A_380 = arith.select %and3A_378, %sub3A_379, %add3A : vector<16xi1>, vector<16xi32>
      %swap3A_381 = arith.constant 96 : index
      %swap3A_382 = tpu.vector_load %arg12[%swap3A_381] {strides = array<i32>} : memref<128xi32, #tpu.memory_space<vmem>>, vector<16xi32>,
      %swap3A_383 = vector.shape_cast %swap3A_382 : vector<16xi32> to vector<16xi32>
      %swap3A_384 = vector.shape_cast %select_n3A_380 : vector<16xi32> to vector<16xi32>
      tpu.vector_store %arg12[%swap3A_381], %swap3A_384 {strides = array<i32>} : memref<128xi32, #tpu.memory_space<vmem>>, vector<16xi32>,
      %add3A_385 = arith.constant 112 : i32
      %add3A_386 = arith.addi %add3A_164, %add3A_385 : i32
      %get3A_387 = arith.index_cast %add3A_386 : i32 to index
      %get3A_388 = tpu.vector_load %arg7[%get3A_387] {strides = array<i32>} : memref<6400xi32, #tpu.memory_space<vmem>>, vector<16xi32>,
      %get3A_389 = vector.shape_cast %get3A_388 : vector<16xi32> to vector<16xi32>
      %ge3A_390 = arith.cmpi sge, %get3A_389, %add3A_11 : vector<16xi32>
      %lt3A_391 = arith.cmpi slt, %get3A_389, %add3A_14 : vector<16xi32>
      %and3A_392 = arith.andi %ge3A_390, %lt3A_391 : vector<16xi1>
      %sub3A_393 = arith.subi %get3A_389, %add3A_11 : vector<16xi32>
      %select_n3A_394 = arith.select %and3A_392, %sub3A_393, %add3A : vector<16xi1>, vector<16xi32>
      %swap3A_395 = arith.constant 112 : index
      %swap3A_396 = tpu.vector_load %arg12[%swap3A_395] {strides = array<i32>} : memref<128xi32, #tpu.memory_space<vmem>>, vector<16xi32>,
      %swap3A_397 = vector.shape_cast %swap3A_396 : vector<16xi32> to vector<16xi32>
      %swap3A_398 = vector.shape_cast %select_n3A_394 : vector<16xi32> to vector<16xi32>
      tpu.vector_store %arg12[%swap3A_395], %swap3A_398 {strides = array<i32>} : memref<128xi32, #tpu.memory_space<vmem>>, vector<16xi32>,
      %dma_start3A_399 = arith.constant 0 : i32
      %dma_start3A_400 = arith.constant 0 : i32
      %dma_start3A_401 = tpu.memref_slice %arg13[%dma_start3A_399, %dma_start3A_400] : memref<10256x128xf32, #tpu.memory_space<vmem_shared>> -> memref<10256x128xf32, #tpu.memory_space<vmem_shared>>
      tpu.enqueue_indirect_dma source(%arg10 : memref<128x128xf32, #tpu.memory_space<vmem>>) target(%dma_start3A_401 : memref<10256x128xf32, #tpu.memory_space<vmem_shared>>) offsets(%arg12 : memref<128xi32, #tpu.memory_space<vmem>>) semaphore(%arg17 : memref<!tpu.dma_semaphore, #tpu.memory_space<semaphore_mem>>) {add = true}
      %dma_wait3A_402 = arith.constant 0 : i32
      %dma_wait3A_403 = arith.constant 0 : i32
      %dma_wait3A_404 = tpu.memref_slice %arg13[%dma_wait3A_402, %dma_wait3A_403] : memref<10256x128xf32, #tpu.memory_space<vmem_shared>> -> memref<128x128xf32, #tpu.memory_space<vmem_shared>>
      %dma_wait3A_405 = arith.constant 0 : i32
      %dma_wait3A_406 = arith.constant 0 : i32
      %dma_wait3A_407 = tpu.memref_slice %arg13[%dma_wait3A_405, %dma_wait3A_406] : memref<10256x128xf32, #tpu.memory_space<vmem_shared>> -> memref<128x128xf32, #tpu.memory_space<vmem_shared>>
      tpu.wait_dma2 semaphore(%arg16 : memref<!tpu.dma_semaphore, #tpu.memory_space<semaphore_mem>>) src(%arg9 : memref<128x128xf32, #tpu.memory_space<vmem>>) dst(%dma_wait3A_407 : memref<128x128xf32, #tpu.memory_space<vmem_shared>>)
      %dma_wait3A_408 = arith.constant 0 : i32
      %dma_wait3A_409 = arith.constant 0 : i32
      %dma_wait3A_410 = tpu.memref_slice %arg13[%dma_wait3A_408, %dma_wait3A_409] : memref<10256x128xf32, #tpu.memory_space<vmem_shared>> -> memref<128x128xf32, #tpu.memory_space<vmem_shared>>
      %dma_wait3A_411 = arith.constant 0 : i32
      %dma_wait3A_412 = arith.constant 0 : i32
      %dma_wait3A_413 = tpu.memref_slice %arg13[%dma_wait3A_411, %dma_wait3A_412] : memref<10256x128xf32, #tpu.memory_space<vmem_shared>> -> memref<128x128xf32, #tpu.memory_space<vmem_shared>>
      tpu.wait_dma2 semaphore(%arg17 : memref<!tpu.dma_semaphore, #tpu.memory_space<semaphore_mem>>) src(%arg10 : memref<128x128xf32, #tpu.memory_space<vmem>>) dst(%dma_wait3A_413 : memref<128x128xf32, #tpu.memory_space<vmem_shared>>)
      %scan3A_414 = arith.constant 0 : i32
      scf.yield %scan3A_414 : i32
    }
    %scan3A_24 = arith.constant 25 : i32
    %barrier3A_25 = arith.constant 0 : index
    tpu.barrier barrier_id(%barrier3A_25)
    %mul3A_26 = arith.constant 640 : i32
    %mul3A_27 = arith.muli %arg1, %mul3A_26 : i32
    %mul3A_28 = arith.constant 640 : i32
    %mul3A_29 = arith.muli %arg1, %mul3A_28 : i32
    %add3A_30 = arith.addi %mul3A_9, %mul3A_29 : i32
    "tpu.region"() ({
      %run_scoped3A = tpu.sem_alloc : memref<!tpu.dma_semaphore, #tpu.memory_space<semaphore_mem>>
      %dma_start3A = arith.constant 0 : i32
      %dma_start3A_159 = tpu.memref_slice %arg6[%add3A_30, %dma_start3A] : memref<102400x128xf32, #tpu.memory_space<hbm>> -> memref<640x128xf32, #tpu.memory_space<hbm>>
      %dma_start3A_160 = arith.constant 0 : i32
      %dma_start3A_161 = tpu.memref_slice %arg13[%mul3A_27, %dma_start3A_160] : memref<10256x128xf32, #tpu.memory_space<vmem_shared>> -> memref<640x128xf32, #tpu.memory_space<vmem_shared>>
      tpu.enqueue_dma source(%dma_start3A_161 : memref<640x128xf32, #tpu.memory_space<vmem_shared>>) target(%dma_start3A_159 : memref<640x128xf32, #tpu.memory_space<hbm>>) target_semaphore(%run_scoped3A : memref<!tpu.dma_semaphore, #tpu.memory_space<semaphore_mem>>)
      %dma_wait3A = arith.constant 0 : i32
      %dma_wait3A_162 = tpu.memref_slice %arg6[%add3A_30, %dma_wait3A] : memref<102400x128xf32, #tpu.memory_space<hbm>> -> memref<640x128xf32, #tpu.memory_space<hbm>>
      %dma_wait3A_163 = arith.constant 0 : i32
      %dma_wait3A_164 = tpu.memref_slice %arg13[%mul3A_27, %dma_wait3A_163] : memref<10256x128xf32, #tpu.memory_space<vmem_shared>> -> memref<640x128xf32, #tpu.memory_space<vmem_shared>>
      tpu.wait_dma2 semaphore(%run_scoped3A : memref<!tpu.dma_semaphore, #tpu.memory_space<semaphore_mem>>) src(%dma_wait3A_164 : memref<640x128xf32, #tpu.memory_space<vmem_shared>>) dst(%dma_wait3A_162 : memref<640x128xf32, #tpu.memory_space<hbm>>)
      tpu.yield
    }) : () -> ()
    %mul3A_31 = arith.constant 5 : i32
    %mul3A_32 = arith.muli %arg0, %mul3A_31 : i32
    %add3A_33 = arith.constant 1 : i32
    %add3A_34 = arith.addi %mul3A_32, %add3A_33 : i32
    %mul3A_35 = arith.constant 10240 : i32
    %mul3A_36 = arith.muli %add3A_34, %mul3A_35 : i32
    %add3A_37 = vector.broadcast %mul3A_36 : i32 to vector<16xi32>
    %add3A_38 = arith.addi %broadcast_in_dim3A_1, %add3A_37 : vector<16xi32>
    %add3A_39 = arith.constant 10240 : i32
    %add3A_40 = vector.broadcast %add3A_39 : i32 to vector<16xi32>
    %add3A_41 = arith.addi %add3A_38, %add3A_40 : vector<16xi32>
    %mul3A_42 = arith.constant 640 : i32
    %mul3A_43 = arith.muli %arg1, %mul3A_42 : i32
    "tpu.region"() ({
      %run_scoped3A = tpu.sem_alloc : memref<!tpu.dma_semaphore, #tpu.memory_space<semaphore_mem>>
      %dma_start3A = arith.constant 0 : i32
      %dma_start3A_159 = tpu.memref_slice %arg13[%mul3A_43, %dma_start3A] : memref<10256x128xf32, #tpu.memory_space<vmem_shared>> -> memref<640x128xf32, #tpu.memory_space<vmem_shared>>
      tpu.enqueue_dma source(%arg5 : memref<640x128xf32, #tpu.memory_space<hbm>>) target(%dma_start3A_159 : memref<640x128xf32, #tpu.memory_space<vmem_shared>>) target_semaphore(%run_scoped3A : memref<!tpu.dma_semaphore, #tpu.memory_space<semaphore_mem>>)
      %dma_wait3A = arith.constant 0 : i32
      %dma_wait3A_160 = tpu.memref_slice %arg13[%mul3A_43, %dma_wait3A] : memref<10256x128xf32, #tpu.memory_space<vmem_shared>> -> memref<640x128xf32, #tpu.memory_space<vmem_shared>>
      tpu.wait_dma2 semaphore(%run_scoped3A : memref<!tpu.dma_semaphore, #tpu.memory_space<semaphore_mem>>) src(%arg5 : memref<640x128xf32, #tpu.memory_space<hbm>>) dst(%dma_wait3A_160 : memref<640x128xf32, #tpu.memory_space<vmem_shared>>)
      tpu.yield
    }) : () -> ()
    %eq3A_44 = arith.constant 0 : i32
    %eq3A_45 = arith.cmpi eq, %arg1, %eq3A_44 : i32
    %convert_element_type3A_46 = arith.extui %eq3A_45 : i1 to i32
    %cond3A_47 = arith.constant 0 : i32
    %cond3A_48 = arith.cmpi ne, %convert_element_type3A_46, %cond3A_47 : i32
    scf.if %cond3A_48 {
      "tpu.region"() ({
        %run_scoped3A = tpu.sem_alloc : memref<!tpu.dma_semaphore, #tpu.memory_space<semaphore_mem>>
        %dma_start3A = arith.constant 10240 : i32
        %dma_start3A_159 = arith.constant 0 : i32
        %dma_start3A_160 = tpu.memref_slice %arg13[%dma_start3A, %dma_start3A_159] : memref<10256x128xf32, #tpu.memory_space<vmem_shared>> -> memref<16x128xf32, #tpu.memory_space<vmem_shared>>
        %dma_start3A_161 = arith.constant 0 : i32
        %dma_start3A_162 = arith.constant 0 : i32
        %dma_start3A_163 = tpu.memref_slice %arg5[%dma_start3A_161, %dma_start3A_162] : memref<640x128xf32, #tpu.memory_space<hbm>> -> memref<16x128xf32, #tpu.memory_space<hbm>>
        tpu.enqueue_dma source(%dma_start3A_163 : memref<16x128xf32, #tpu.memory_space<hbm>>) target(%dma_start3A_160 : memref<16x128xf32, #tpu.memory_space<vmem_shared>>) target_semaphore(%run_scoped3A : memref<!tpu.dma_semaphore, #tpu.memory_space<semaphore_mem>>)
        %dma_wait3A = arith.constant 10240 : i32
        %dma_wait3A_164 = arith.constant 0 : i32
        %dma_wait3A_165 = tpu.memref_slice %arg13[%dma_wait3A, %dma_wait3A_164] : memref<10256x128xf32, #tpu.memory_space<vmem_shared>> -> memref<16x128xf32, #tpu.memory_space<vmem_shared>>
        %dma_wait3A_166 = arith.constant 0 : i32
        %dma_wait3A_167 = arith.constant 0 : i32
        %dma_wait3A_168 = tpu.memref_slice %arg5[%dma_wait3A_166, %dma_wait3A_167] : memref<640x128xf32, #tpu.memory_space<hbm>> -> memref<16x128xf32, #tpu.memory_space<hbm>>
        tpu.wait_dma2 semaphore(%run_scoped3A : memref<!tpu.dma_semaphore, #tpu.memory_space<semaphore_mem>>) src(%dma_wait3A_168 : memref<16x128xf32, #tpu.memory_space<hbm>>) dst(%dma_wait3A_165 : memref<16x128xf32, #tpu.memory_space<vmem_shared>>)
        tpu.yield
      }) : () -> ()
    } else {
    }
    %barrier3A_49 = arith.constant 0 : index
    tpu.barrier barrier_id(%barrier3A_49)
    %scan3A_50 = arith.constant 0 : i32
    %scan3A_51 = arith.constant 0 : i32
    %scan3A_52 = arith.constant 25 : i32
    %scan3A_53 = arith.addi %scan3A_51, %scan3A_52 : i32
    %scan3A_54 = arith.constant 1 : i32
    %scan3A_55 = scf.for %scan3A_159 = %scan3A_51 to %scan3A_53 step %scan3A_54 iter_args(%scan3A_160 = %scan3A_50) -> (i32)  : i32 {
      %mul3A_161 = arith.constant 256 : i32
      %mul3A_162 = arith.muli %scan3A_159, %mul3A_161 : i32
      %add3A_163 = arith.constant 128 : i32
      %add3A_164 = arith.addi %mul3A_162, %add3A_163 : i32
      %dma_start3A = tpu.memref_slice %arg8[%mul3A_162] : memref<6400xi32, #tpu.memory_space<vmem>> -> memref<128xi32, #tpu.memory_space<vmem>>
      %dma_start3A_165 = arith.constant 0 : i32
      %dma_start3A_166 = arith.constant 0 : i32
      %dma_start3A_167 = tpu.memref_slice %arg2[%dma_start3A_165, %dma_start3A_166] : memref<100000x128xf32, #tpu.memory_space<hbm>> -> memref<100000x128xf32, #tpu.memory_space<hbm>>
      tpu.enqueue_indirect_dma source(%dma_start3A_167 : memref<100000x128xf32, #tpu.memory_space<hbm>>) target(%arg9 : memref<128x128xf32, #tpu.memory_space<vmem>>) offsets(%dma_start3A : memref<128xi32, #tpu.memory_space<vmem>>) semaphore(%arg14 : memref<!tpu.dma_semaphore, #tpu.memory_space<semaphore_mem>>)
      %dma_start3A_168 = tpu.memref_slice %arg8[%add3A_164] : memref<6400xi32, #tpu.memory_space<vmem>> -> memref<128xi32, #tpu.memory_space<vmem>>
      %dma_start3A_169 = arith.constant 0 : i32
      %dma_start3A_170 = arith.constant 0 : i32
      %dma_start3A_171 = tpu.memref_slice %arg2[%dma_start3A_169, %dma_start3A_170] : memref<100000x128xf32, #tpu.memory_space<hbm>> -> memref<100000x128xf32, #tpu.memory_space<hbm>>
      tpu.enqueue_indirect_dma source(%dma_start3A_171 : memref<100000x128xf32, #tpu.memory_space<hbm>>) target(%arg10 : memref<128x128xf32, #tpu.memory_space<vmem>>) offsets(%dma_start3A_168 : memref<128xi32, #tpu.memory_space<vmem>>) semaphore(%arg15 : memref<!tpu.dma_semaphore, #tpu.memory_space<semaphore_mem>>)
      %dma_wait3A = tpu.memref_slice %arg8[%mul3A_162] : memref<6400xi32, #tpu.memory_space<vmem>> -> memref<128xi32, #tpu.memory_space<vmem>>
      %dma_wait3A_172 = arith.constant 0 : i32
      %dma_wait3A_173 = arith.constant 0 : i32
      %dma_wait3A_174 = tpu.memref_slice %arg2[%dma_wait3A_172, %dma_wait3A_173] : memref<100000x128xf32, #tpu.memory_space<hbm>> -> memref<100000x128xf32, #tpu.memory_space<hbm>>
      tpu.wait_indirect_dma semaphore(%arg14 : memref<!tpu.dma_semaphore, #tpu.memory_space<semaphore_mem>>) src(%dma_wait3A_174 : memref<100000x128xf32, #tpu.memory_space<hbm>>) dst(%arg9 : memref<128x128xf32, #tpu.memory_space<vmem>>)
      %add3A_175 = arith.constant 0 : i32
      %add3A_176 = arith.addi %mul3A_162, %add3A_175 : i32
      %get3A = arith.index_cast %add3A_176 : i32 to index
      %get3A_177 = tpu.vector_load %arg7[%get3A] {strides = array<i32>} : memref<6400xi32, #tpu.memory_space<vmem>>, vector<16xi32>,
      %get3A_178 = vector.shape_cast %get3A_177 : vector<16xi32> to vector<16xi32>
      %ge3A = arith.cmpi sge, %get3A_178, %add3A_38 : vector<16xi32>
      %lt3A = arith.cmpi slt, %get3A_178, %add3A_41 : vector<16xi32>
      %and3A = arith.andi %ge3A, %lt3A : vector<16xi1>
      %sub3A = arith.subi %get3A_178, %add3A_38 : vector<16xi32>
      %select_n3A = arith.select %and3A, %sub3A, %add3A : vector<16xi1>, vector<16xi32>
      %swap3A = arith.constant 0 : index
      %swap3A_179 = tpu.vector_load %arg11[%swap3A] {strides = array<i32>} : memref<128xi32, #tpu.memory_space<vmem>>, vector<16xi32>,
      %swap3A_180 = vector.shape_cast %swap3A_179 : vector<16xi32> to vector<16xi32>
      %swap3A_181 = vector.shape_cast %select_n3A : vector<16xi32> to vector<16xi32>
      tpu.vector_store %arg11[%swap3A], %swap3A_181 {strides = array<i32>} : memref<128xi32, #tpu.memory_space<vmem>>, vector<16xi32>,
      %add3A_182 = arith.constant 16 : i32
      %add3A_183 = arith.addi %mul3A_162, %add3A_182 : i32
      %get3A_184 = arith.index_cast %add3A_183 : i32 to index
      %get3A_185 = tpu.vector_load %arg7[%get3A_184] {strides = array<i32>} : memref<6400xi32, #tpu.memory_space<vmem>>, vector<16xi32>,
      %get3A_186 = vector.shape_cast %get3A_185 : vector<16xi32> to vector<16xi32>
      %ge3A_187 = arith.cmpi sge, %get3A_186, %add3A_38 : vector<16xi32>
      %lt3A_188 = arith.cmpi slt, %get3A_186, %add3A_41 : vector<16xi32>
      %and3A_189 = arith.andi %ge3A_187, %lt3A_188 : vector<16xi1>
      %sub3A_190 = arith.subi %get3A_186, %add3A_38 : vector<16xi32>
      %select_n3A_191 = arith.select %and3A_189, %sub3A_190, %add3A : vector<16xi1>, vector<16xi32>
      %swap3A_192 = arith.constant 16 : index
      %swap3A_193 = tpu.vector_load %arg11[%swap3A_192] {strides = array<i32>} : memref<128xi32, #tpu.memory_space<vmem>>, vector<16xi32>,
      %swap3A_194 = vector.shape_cast %swap3A_193 : vector<16xi32> to vector<16xi32>
      %swap3A_195 = vector.shape_cast %select_n3A_191 : vector<16xi32> to vector<16xi32>
      tpu.vector_store %arg11[%swap3A_192], %swap3A_195 {strides = array<i32>} : memref<128xi32, #tpu.memory_space<vmem>>, vector<16xi32>,
      %add3A_196 = arith.constant 32 : i32
      %add3A_197 = arith.addi %mul3A_162, %add3A_196 : i32
      %get3A_198 = arith.index_cast %add3A_197 : i32 to index
      %get3A_199 = tpu.vector_load %arg7[%get3A_198] {strides = array<i32>} : memref<6400xi32, #tpu.memory_space<vmem>>, vector<16xi32>,
      %get3A_200 = vector.shape_cast %get3A_199 : vector<16xi32> to vector<16xi32>
      %ge3A_201 = arith.cmpi sge, %get3A_200, %add3A_38 : vector<16xi32>
      %lt3A_202 = arith.cmpi slt, %get3A_200, %add3A_41 : vector<16xi32>
      %and3A_203 = arith.andi %ge3A_201, %lt3A_202 : vector<16xi1>
      %sub3A_204 = arith.subi %get3A_200, %add3A_38 : vector<16xi32>
      %select_n3A_205 = arith.select %and3A_203, %sub3A_204, %add3A : vector<16xi1>, vector<16xi32>
      %swap3A_206 = arith.constant 32 : index
      %swap3A_207 = tpu.vector_load %arg11[%swap3A_206] {strides = array<i32>} : memref<128xi32, #tpu.memory_space<vmem>>, vector<16xi32>,
      %swap3A_208 = vector.shape_cast %swap3A_207 : vector<16xi32> to vector<16xi32>
      %swap3A_209 = vector.shape_cast %select_n3A_205 : vector<16xi32> to vector<16xi32>
      tpu.vector_store %arg11[%swap3A_206], %swap3A_209 {strides = array<i32>} : memref<128xi32, #tpu.memory_space<vmem>>, vector<16xi32>,
      %add3A_210 = arith.constant 48 : i32
      %add3A_211 = arith.addi %mul3A_162, %add3A_210 : i32
      %get3A_212 = arith.index_cast %add3A_211 : i32 to index
      %get3A_213 = tpu.vector_load %arg7[%get3A_212] {strides = array<i32>} : memref<6400xi32, #tpu.memory_space<vmem>>, vector<16xi32>,
      %get3A_214 = vector.shape_cast %get3A_213 : vector<16xi32> to vector<16xi32>
      %ge3A_215 = arith.cmpi sge, %get3A_214, %add3A_38 : vector<16xi32>
      %lt3A_216 = arith.cmpi slt, %get3A_214, %add3A_41 : vector<16xi32>
      %and3A_217 = arith.andi %ge3A_215, %lt3A_216 : vector<16xi1>
      %sub3A_218 = arith.subi %get3A_214, %add3A_38 : vector<16xi32>
      %select_n3A_219 = arith.select %and3A_217, %sub3A_218, %add3A : vector<16xi1>, vector<16xi32>
      %swap3A_220 = arith.constant 48 : index
      %swap3A_221 = tpu.vector_load %arg11[%swap3A_220] {strides = array<i32>} : memref<128xi32, #tpu.memory_space<vmem>>, vector<16xi32>,
      %swap3A_222 = vector.shape_cast %swap3A_221 : vector<16xi32> to vector<16xi32>
      %swap3A_223 = vector.shape_cast %select_n3A_219 : vector<16xi32> to vector<16xi32>
      tpu.vector_store %arg11[%swap3A_220], %swap3A_223 {strides = array<i32>} : memref<128xi32, #tpu.memory_space<vmem>>, vector<16xi32>,
      %add3A_224 = arith.constant 64 : i32
      %add3A_225 = arith.addi %mul3A_162, %add3A_224 : i32
      %get3A_226 = arith.index_cast %add3A_225 : i32 to index
      %get3A_227 = tpu.vector_load %arg7[%get3A_226] {strides = array<i32>} : memref<6400xi32, #tpu.memory_space<vmem>>, vector<16xi32>,
      %get3A_228 = vector.shape_cast %get3A_227 : vector<16xi32> to vector<16xi32>
      %ge3A_229 = arith.cmpi sge, %get3A_228, %add3A_38 : vector<16xi32>
      %lt3A_230 = arith.cmpi slt, %get3A_228, %add3A_41 : vector<16xi32>
      %and3A_231 = arith.andi %ge3A_229, %lt3A_230 : vector<16xi1>
      %sub3A_232 = arith.subi %get3A_228, %add3A_38 : vector<16xi32>
      %select_n3A_233 = arith.select %and3A_231, %sub3A_232, %add3A : vector<16xi1>, vector<16xi32>
      %swap3A_234 = arith.constant 64 : index
      %swap3A_235 = tpu.vector_load %arg11[%swap3A_234] {strides = array<i32>} : memref<128xi32, #tpu.memory_space<vmem>>, vector<16xi32>,
      %swap3A_236 = vector.shape_cast %swap3A_235 : vector<16xi32> to vector<16xi32>
      %swap3A_237 = vector.shape_cast %select_n3A_233 : vector<16xi32> to vector<16xi32>
      tpu.vector_store %arg11[%swap3A_234], %swap3A_237 {strides = array<i32>} : memref<128xi32, #tpu.memory_space<vmem>>, vector<16xi32>,
      %add3A_238 = arith.constant 80 : i32
      %add3A_239 = arith.addi %mul3A_162, %add3A_238 : i32
      %get3A_240 = arith.index_cast %add3A_239 : i32 to index
      %get3A_241 = tpu.vector_load %arg7[%get3A_240] {strides = array<i32>} : memref<6400xi32, #tpu.memory_space<vmem>>, vector<16xi32>,
      %get3A_242 = vector.shape_cast %get3A_241 : vector<16xi32> to vector<16xi32>
      %ge3A_243 = arith.cmpi sge, %get3A_242, %add3A_38 : vector<16xi32>
      %lt3A_244 = arith.cmpi slt, %get3A_242, %add3A_41 : vector<16xi32>
      %and3A_245 = arith.andi %ge3A_243, %lt3A_244 : vector<16xi1>
      %sub3A_246 = arith.subi %get3A_242, %add3A_38 : vector<16xi32>
      %select_n3A_247 = arith.select %and3A_245, %sub3A_246, %add3A : vector<16xi1>, vector<16xi32>
      %swap3A_248 = arith.constant 80 : index
      %swap3A_249 = tpu.vector_load %arg11[%swap3A_248] {strides = array<i32>} : memref<128xi32, #tpu.memory_space<vmem>>, vector<16xi32>,
      %swap3A_250 = vector.shape_cast %swap3A_249 : vector<16xi32> to vector<16xi32>
      %swap3A_251 = vector.shape_cast %select_n3A_247 : vector<16xi32> to vector<16xi32>
      tpu.vector_store %arg11[%swap3A_248], %swap3A_251 {strides = array<i32>} : memref<128xi32, #tpu.memory_space<vmem>>, vector<16xi32>,
      %add3A_252 = arith.constant 96 : i32
      %add3A_253 = arith.addi %mul3A_162, %add3A_252 : i32
      %get3A_254 = arith.index_cast %add3A_253 : i32 to index
      %get3A_255 = tpu.vector_load %arg7[%get3A_254] {strides = array<i32>} : memref<6400xi32, #tpu.memory_space<vmem>>, vector<16xi32>,
      %get3A_256 = vector.shape_cast %get3A_255 : vector<16xi32> to vector<16xi32>
      %ge3A_257 = arith.cmpi sge, %get3A_256, %add3A_38 : vector<16xi32>
      %lt3A_258 = arith.cmpi slt, %get3A_256, %add3A_41 : vector<16xi32>
      %and3A_259 = arith.andi %ge3A_257, %lt3A_258 : vector<16xi1>
      %sub3A_260 = arith.subi %get3A_256, %add3A_38 : vector<16xi32>
      %select_n3A_261 = arith.select %and3A_259, %sub3A_260, %add3A : vector<16xi1>, vector<16xi32>
      %swap3A_262 = arith.constant 96 : index
      %swap3A_263 = tpu.vector_load %arg11[%swap3A_262] {strides = array<i32>} : memref<128xi32, #tpu.memory_space<vmem>>, vector<16xi32>,
      %swap3A_264 = vector.shape_cast %swap3A_263 : vector<16xi32> to vector<16xi32>
      %swap3A_265 = vector.shape_cast %select_n3A_261 : vector<16xi32> to vector<16xi32>
      tpu.vector_store %arg11[%swap3A_262], %swap3A_265 {strides = array<i32>} : memref<128xi32, #tpu.memory_space<vmem>>, vector<16xi32>,
      %add3A_266 = arith.constant 112 : i32
      %add3A_267 = arith.addi %mul3A_162, %add3A_266 : i32
      %get3A_268 = arith.index_cast %add3A_267 : i32 to index
      %get3A_269 = tpu.vector_load %arg7[%get3A_268] {strides = array<i32>} : memref<6400xi32, #tpu.memory_space<vmem>>, vector<16xi32>,
      %get3A_270 = vector.shape_cast %get3A_269 : vector<16xi32> to vector<16xi32>
      %ge3A_271 = arith.cmpi sge, %get3A_270, %add3A_38 : vector<16xi32>
      %lt3A_272 = arith.cmpi slt, %get3A_270, %add3A_41 : vector<16xi32>
      %and3A_273 = arith.andi %ge3A_271, %lt3A_272 : vector<16xi1>
      %sub3A_274 = arith.subi %get3A_270, %add3A_38 : vector<16xi32>
      %select_n3A_275 = arith.select %and3A_273, %sub3A_274, %add3A : vector<16xi1>, vector<16xi32>
      %swap3A_276 = arith.constant 112 : index
      %swap3A_277 = tpu.vector_load %arg11[%swap3A_276] {strides = array<i32>} : memref<128xi32, #tpu.memory_space<vmem>>, vector<16xi32>,
      %swap3A_278 = vector.shape_cast %swap3A_277 : vector<16xi32> to vector<16xi32>
      %swap3A_279 = vector.shape_cast %select_n3A_275 : vector<16xi32> to vector<16xi32>
      tpu.vector_store %arg11[%swap3A_276], %swap3A_279 {strides = array<i32>} : memref<128xi32, #tpu.memory_space<vmem>>, vector<16xi32>,
      %dma_start3A_280 = arith.constant 0 : i32
      %dma_start3A_281 = arith.constant 0 : i32
      %dma_start3A_282 = tpu.memref_slice %arg13[%dma_start3A_280, %dma_start3A_281] : memref<10256x128xf32, #tpu.memory_space<vmem_shared>> -> memref<10256x128xf32, #tpu.memory_space<vmem_shared>>
      tpu.enqueue_indirect_dma source(%arg9 : memref<128x128xf32, #tpu.memory_space<vmem>>) target(%dma_start3A_282 : memref<10256x128xf32, #tpu.memory_space<vmem_shared>>) offsets(%arg11 : memref<128xi32, #tpu.memory_space<vmem>>) semaphore(%arg16 : memref<!tpu.dma_semaphore, #tpu.memory_space<semaphore_mem>>) {add = true}
      %dma_wait3A_283 = tpu.memref_slice %arg8[%add3A_164] : memref<6400xi32, #tpu.memory_space<vmem>> -> memref<128xi32, #tpu.memory_space<vmem>>
      %dma_wait3A_284 = arith.constant 0 : i32
      %dma_wait3A_285 = arith.constant 0 : i32
      %dma_wait3A_286 = tpu.memref_slice %arg2[%dma_wait3A_284, %dma_wait3A_285] : memref<100000x128xf32, #tpu.memory_space<hbm>> -> memref<100000x128xf32, #tpu.memory_space<hbm>>
      tpu.wait_indirect_dma semaphore(%arg15 : memref<!tpu.dma_semaphore, #tpu.memory_space<semaphore_mem>>) src(%dma_wait3A_286 : memref<100000x128xf32, #tpu.memory_space<hbm>>) dst(%arg10 : memref<128x128xf32, #tpu.memory_space<vmem>>)
      %add3A_287 = arith.constant 0 : i32
      %add3A_288 = arith.addi %add3A_164, %add3A_287 : i32
      %get3A_289 = arith.index_cast %add3A_288 : i32 to index
      %get3A_290 = tpu.vector_load %arg7[%get3A_289] {strides = array<i32>} : memref<6400xi32, #tpu.memory_space<vmem>>, vector<16xi32>,
      %get3A_291 = vector.shape_cast %get3A_290 : vector<16xi32> to vector<16xi32>
      %ge3A_292 = arith.cmpi sge, %get3A_291, %add3A_38 : vector<16xi32>
      %lt3A_293 = arith.cmpi slt, %get3A_291, %add3A_41 : vector<16xi32>
      %and3A_294 = arith.andi %ge3A_292, %lt3A_293 : vector<16xi1>
      %sub3A_295 = arith.subi %get3A_291, %add3A_38 : vector<16xi32>
      %select_n3A_296 = arith.select %and3A_294, %sub3A_295, %add3A : vector<16xi1>, vector<16xi32>
      %swap3A_297 = arith.constant 0 : index
      %swap3A_298 = tpu.vector_load %arg12[%swap3A_297] {strides = array<i32>} : memref<128xi32, #tpu.memory_space<vmem>>, vector<16xi32>,
      %swap3A_299 = vector.shape_cast %swap3A_298 : vector<16xi32> to vector<16xi32>
      %swap3A_300 = vector.shape_cast %select_n3A_296 : vector<16xi32> to vector<16xi32>
      tpu.vector_store %arg12[%swap3A_297], %swap3A_300 {strides = array<i32>} : memref<128xi32, #tpu.memory_space<vmem>>, vector<16xi32>,
      %add3A_301 = arith.constant 16 : i32
      %add3A_302 = arith.addi %add3A_164, %add3A_301 : i32
      %get3A_303 = arith.index_cast %add3A_302 : i32 to index
      %get3A_304 = tpu.vector_load %arg7[%get3A_303] {strides = array<i32>} : memref<6400xi32, #tpu.memory_space<vmem>>, vector<16xi32>,
      %get3A_305 = vector.shape_cast %get3A_304 : vector<16xi32> to vector<16xi32>
      %ge3A_306 = arith.cmpi sge, %get3A_305, %add3A_38 : vector<16xi32>
      %lt3A_307 = arith.cmpi slt, %get3A_305, %add3A_41 : vector<16xi32>
      %and3A_308 = arith.andi %ge3A_306, %lt3A_307 : vector<16xi1>
      %sub3A_309 = arith.subi %get3A_305, %add3A_38 : vector<16xi32>
      %select_n3A_310 = arith.select %and3A_308, %sub3A_309, %add3A : vector<16xi1>, vector<16xi32>
      %swap3A_311 = arith.constant 16 : index
      %swap3A_312 = tpu.vector_load %arg12[%swap3A_311] {strides = array<i32>} : memref<128xi32, #tpu.memory_space<vmem>>, vector<16xi32>,
      %swap3A_313 = vector.shape_cast %swap3A_312 : vector<16xi32> to vector<16xi32>
      %swap3A_314 = vector.shape_cast %select_n3A_310 : vector<16xi32> to vector<16xi32>
      tpu.vector_store %arg12[%swap3A_311], %swap3A_314 {strides = array<i32>} : memref<128xi32, #tpu.memory_space<vmem>>, vector<16xi32>,
      %add3A_315 = arith.constant 32 : i32
      %add3A_316 = arith.addi %add3A_164, %add3A_315 : i32
      %get3A_317 = arith.index_cast %add3A_316 : i32 to index
      %get3A_318 = tpu.vector_load %arg7[%get3A_317] {strides = array<i32>} : memref<6400xi32, #tpu.memory_space<vmem>>, vector<16xi32>,
      %get3A_319 = vector.shape_cast %get3A_318 : vector<16xi32> to vector<16xi32>
      %ge3A_320 = arith.cmpi sge, %get3A_319, %add3A_38 : vector<16xi32>
      %lt3A_321 = arith.cmpi slt, %get3A_319, %add3A_41 : vector<16xi32>
      %and3A_322 = arith.andi %ge3A_320, %lt3A_321 : vector<16xi1>
      %sub3A_323 = arith.subi %get3A_319, %add3A_38 : vector<16xi32>
      %select_n3A_324 = arith.select %and3A_322, %sub3A_323, %add3A : vector<16xi1>, vector<16xi32>
      %swap3A_325 = arith.constant 32 : index
      %swap3A_326 = tpu.vector_load %arg12[%swap3A_325] {strides = array<i32>} : memref<128xi32, #tpu.memory_space<vmem>>, vector<16xi32>,
      %swap3A_327 = vector.shape_cast %swap3A_326 : vector<16xi32> to vector<16xi32>
      %swap3A_328 = vector.shape_cast %select_n3A_324 : vector<16xi32> to vector<16xi32>
      tpu.vector_store %arg12[%swap3A_325], %swap3A_328 {strides = array<i32>} : memref<128xi32, #tpu.memory_space<vmem>>, vector<16xi32>,
      %add3A_329 = arith.constant 48 : i32
      %add3A_330 = arith.addi %add3A_164, %add3A_329 : i32
      %get3A_331 = arith.index_cast %add3A_330 : i32 to index
      %get3A_332 = tpu.vector_load %arg7[%get3A_331] {strides = array<i32>} : memref<6400xi32, #tpu.memory_space<vmem>>, vector<16xi32>,
      %get3A_333 = vector.shape_cast %get3A_332 : vector<16xi32> to vector<16xi32>
      %ge3A_334 = arith.cmpi sge, %get3A_333, %add3A_38 : vector<16xi32>
      %lt3A_335 = arith.cmpi slt, %get3A_333, %add3A_41 : vector<16xi32>
      %and3A_336 = arith.andi %ge3A_334, %lt3A_335 : vector<16xi1>
      %sub3A_337 = arith.subi %get3A_333, %add3A_38 : vector<16xi32>
      %select_n3A_338 = arith.select %and3A_336, %sub3A_337, %add3A : vector<16xi1>, vector<16xi32>
      %swap3A_339 = arith.constant 48 : index
      %swap3A_340 = tpu.vector_load %arg12[%swap3A_339] {strides = array<i32>} : memref<128xi32, #tpu.memory_space<vmem>>, vector<16xi32>,
      %swap3A_341 = vector.shape_cast %swap3A_340 : vector<16xi32> to vector<16xi32>
      %swap3A_342 = vector.shape_cast %select_n3A_338 : vector<16xi32> to vector<16xi32>
      tpu.vector_store %arg12[%swap3A_339], %swap3A_342 {strides = array<i32>} : memref<128xi32, #tpu.memory_space<vmem>>, vector<16xi32>,
      %add3A_343 = arith.constant 64 : i32
      %add3A_344 = arith.addi %add3A_164, %add3A_343 : i32
      %get3A_345 = arith.index_cast %add3A_344 : i32 to index
      %get3A_346 = tpu.vector_load %arg7[%get3A_345] {strides = array<i32>} : memref<6400xi32, #tpu.memory_space<vmem>>, vector<16xi32>,
      %get3A_347 = vector.shape_cast %get3A_346 : vector<16xi32> to vector<16xi32>
      %ge3A_348 = arith.cmpi sge, %get3A_347, %add3A_38 : vector<16xi32>
      %lt3A_349 = arith.cmpi slt, %get3A_347, %add3A_41 : vector<16xi32>
      %and3A_350 = arith.andi %ge3A_348, %lt3A_349 : vector<16xi1>
      %sub3A_351 = arith.subi %get3A_347, %add3A_38 : vector<16xi32>
      %select_n3A_352 = arith.select %and3A_350, %sub3A_351, %add3A : vector<16xi1>, vector<16xi32>
      %swap3A_353 = arith.constant 64 : index
      %swap3A_354 = tpu.vector_load %arg12[%swap3A_353] {strides = array<i32>} : memref<128xi32, #tpu.memory_space<vmem>>, vector<16xi32>,
      %swap3A_355 = vector.shape_cast %swap3A_354 : vector<16xi32> to vector<16xi32>
      %swap3A_356 = vector.shape_cast %select_n3A_352 : vector<16xi32> to vector<16xi32>
      tpu.vector_store %arg12[%swap3A_353], %swap3A_356 {strides = array<i32>} : memref<128xi32, #tpu.memory_space<vmem>>, vector<16xi32>,
      %add3A_357 = arith.constant 80 : i32
      %add3A_358 = arith.addi %add3A_164, %add3A_357 : i32
      %get3A_359 = arith.index_cast %add3A_358 : i32 to index
      %get3A_360 = tpu.vector_load %arg7[%get3A_359] {strides = array<i32>} : memref<6400xi32, #tpu.memory_space<vmem>>, vector<16xi32>,
      %get3A_361 = vector.shape_cast %get3A_360 : vector<16xi32> to vector<16xi32>
      %ge3A_362 = arith.cmpi sge, %get3A_361, %add3A_38 : vector<16xi32>
      %lt3A_363 = arith.cmpi slt, %get3A_361, %add3A_41 : vector<16xi32>
      %and3A_364 = arith.andi %ge3A_362, %lt3A_363 : vector<16xi1>
      %sub3A_365 = arith.subi %get3A_361, %add3A_38 : vector<16xi32>
      %select_n3A_366 = arith.select %and3A_364, %sub3A_365, %add3A : vector<16xi1>, vector<16xi32>
      %swap3A_367 = arith.constant 80 : index
      %swap3A_368 = tpu.vector_load %arg12[%swap3A_367] {strides = array<i32>} : memref<128xi32, #tpu.memory_space<vmem>>, vector<16xi32>,
      %swap3A_369 = vector.shape_cast %swap3A_368 : vector<16xi32> to vector<16xi32>
      %swap3A_370 = vector.shape_cast %select_n3A_366 : vector<16xi32> to vector<16xi32>
      tpu.vector_store %arg12[%swap3A_367], %swap3A_370 {strides = array<i32>} : memref<128xi32, #tpu.memory_space<vmem>>, vector<16xi32>,
      %add3A_371 = arith.constant 96 : i32
      %add3A_372 = arith.addi %add3A_164, %add3A_371 : i32
      %get3A_373 = arith.index_cast %add3A_372 : i32 to index
      %get3A_374 = tpu.vector_load %arg7[%get3A_373] {strides = array<i32>} : memref<6400xi32, #tpu.memory_space<vmem>>, vector<16xi32>,
      %get3A_375 = vector.shape_cast %get3A_374 : vector<16xi32> to vector<16xi32>
      %ge3A_376 = arith.cmpi sge, %get3A_375, %add3A_38 : vector<16xi32>
      %lt3A_377 = arith.cmpi slt, %get3A_375, %add3A_41 : vector<16xi32>
      %and3A_378 = arith.andi %ge3A_376, %lt3A_377 : vector<16xi1>
      %sub3A_379 = arith.subi %get3A_375, %add3A_38 : vector<16xi32>
      %select_n3A_380 = arith.select %and3A_378, %sub3A_379, %add3A : vector<16xi1>, vector<16xi32>
      %swap3A_381 = arith.constant 96 : index
      %swap3A_382 = tpu.vector_load %arg12[%swap3A_381] {strides = array<i32>} : memref<128xi32, #tpu.memory_space<vmem>>, vector<16xi32>,
      %swap3A_383 = vector.shape_cast %swap3A_382 : vector<16xi32> to vector<16xi32>
      %swap3A_384 = vector.shape_cast %select_n3A_380 : vector<16xi32> to vector<16xi32>
      tpu.vector_store %arg12[%swap3A_381], %swap3A_384 {strides = array<i32>} : memref<128xi32, #tpu.memory_space<vmem>>, vector<16xi32>,
      %add3A_385 = arith.constant 112 : i32
      %add3A_386 = arith.addi %add3A_164, %add3A_385 : i32
      %get3A_387 = arith.index_cast %add3A_386 : i32 to index
      %get3A_388 = tpu.vector_load %arg7[%get3A_387] {strides = array<i32>} : memref<6400xi32, #tpu.memory_space<vmem>>, vector<16xi32>,
      %get3A_389 = vector.shape_cast %get3A_388 : vector<16xi32> to vector<16xi32>
      %ge3A_390 = arith.cmpi sge, %get3A_389, %add3A_38 : vector<16xi32>
      %lt3A_391 = arith.cmpi slt, %get3A_389, %add3A_41 : vector<16xi32>
      %and3A_392 = arith.andi %ge3A_390, %lt3A_391 : vector<16xi1>
      %sub3A_393 = arith.subi %get3A_389, %add3A_38 : vector<16xi32>
      %select_n3A_394 = arith.select %and3A_392, %sub3A_393, %add3A : vector<16xi1>, vector<16xi32>
      %swap3A_395 = arith.constant 112 : index
      %swap3A_396 = tpu.vector_load %arg12[%swap3A_395] {strides = array<i32>} : memref<128xi32, #tpu.memory_space<vmem>>, vector<16xi32>,
      %swap3A_397 = vector.shape_cast %swap3A_396 : vector<16xi32> to vector<16xi32>
      %swap3A_398 = vector.shape_cast %select_n3A_394 : vector<16xi32> to vector<16xi32>
      tpu.vector_store %arg12[%swap3A_395], %swap3A_398 {strides = array<i32>} : memref<128xi32, #tpu.memory_space<vmem>>, vector<16xi32>,
      %dma_start3A_399 = arith.constant 0 : i32
      %dma_start3A_400 = arith.constant 0 : i32
      %dma_start3A_401 = tpu.memref_slice %arg13[%dma_start3A_399, %dma_start3A_400] : memref<10256x128xf32, #tpu.memory_space<vmem_shared>> -> memref<10256x128xf32, #tpu.memory_space<vmem_shared>>
      tpu.enqueue_indirect_dma source(%arg10 : memref<128x128xf32, #tpu.memory_space<vmem>>) target(%dma_start3A_401 : memref<10256x128xf32, #tpu.memory_space<vmem_shared>>) offsets(%arg12 : memref<128xi32, #tpu.memory_space<vmem>>) semaphore(%arg17 : memref<!tpu.dma_semaphore, #tpu.memory_space<semaphore_mem>>) {add = true}
      %dma_wait3A_402 = arith.constant 0 : i32
      %dma_wait3A_403 = arith.constant 0 : i32
      %dma_wait3A_404 = tpu.memref_slice %arg13[%dma_wait3A_402, %dma_wait3A_403] : memref<10256x128xf32, #tpu.memory_space<vmem_shared>> -> memref<128x128xf32, #tpu.memory_space<vmem_shared>>
      %dma_wait3A_405 = arith.constant 0 : i32
      %dma_wait3A_406 = arith.constant 0 : i32
      %dma_wait3A_407 = tpu.memref_slice %arg13[%dma_wait3A_405, %dma_wait3A_406] : memref<10256x128xf32, #tpu.memory_space<vmem_shared>> -> memref<128x128xf32, #tpu.memory_space<vmem_shared>>
      tpu.wait_dma2 semaphore(%arg16 : memref<!tpu.dma_semaphore, #tpu.memory_space<semaphore_mem>>) src(%arg9 : memref<128x128xf32, #tpu.memory_space<vmem>>) dst(%dma_wait3A_407 : memref<128x128xf32, #tpu.memory_space<vmem_shared>>)
      %dma_wait3A_408 = arith.constant 0 : i32
      %dma_wait3A_409 = arith.constant 0 : i32
      %dma_wait3A_410 = tpu.memref_slice %arg13[%dma_wait3A_408, %dma_wait3A_409] : memref<10256x128xf32, #tpu.memory_space<vmem_shared>> -> memref<128x128xf32, #tpu.memory_space<vmem_shared>>
      %dma_wait3A_411 = arith.constant 0 : i32
      %dma_wait3A_412 = arith.constant 0 : i32
      %dma_wait3A_413 = tpu.memref_slice %arg13[%dma_wait3A_411, %dma_wait3A_412] : memref<10256x128xf32, #tpu.memory_space<vmem_shared>> -> memref<128x128xf32, #tpu.memory_space<vmem_shared>>
      tpu.wait_dma2 semaphore(%arg17 : memref<!tpu.dma_semaphore, #tpu.memory_space<semaphore_mem>>) src(%arg10 : memref<128x128xf32, #tpu.memory_space<vmem>>) dst(%dma_wait3A_413 : memref<128x128xf32, #tpu.memory_space<vmem_shared>>)
      %scan3A_414 = arith.constant 0 : i32
      scf.yield %scan3A_414 : i32
    }
    %scan3A_56 = arith.constant 25 : i32
    %barrier3A_57 = arith.constant 0 : index
    tpu.barrier barrier_id(%barrier3A_57)
    %mul3A_58 = arith.constant 640 : i32
    %mul3A_59 = arith.muli %arg1, %mul3A_58 : i32
    %mul3A_60 = arith.constant 640 : i32
    %mul3A_61 = arith.muli %arg1, %mul3A_60 : i32
    %add3A_62 = arith.addi %mul3A_36, %mul3A_61 : i32
    "tpu.region"() ({
      %run_scoped3A = tpu.sem_alloc : memref<!tpu.dma_semaphore, #tpu.memory_space<semaphore_mem>>
      %dma_start3A = arith.constant 0 : i32
      %dma_start3A_159 = tpu.memref_slice %arg6[%add3A_62, %dma_start3A] : memref<102400x128xf32, #tpu.memory_space<hbm>> -> memref<640x128xf32, #tpu.memory_space<hbm>>
      %dma_start3A_160 = arith.constant 0 : i32
      %dma_start3A_161 = tpu.memref_slice %arg13[%mul3A_59, %dma_start3A_160] : memref<10256x128xf32, #tpu.memory_space<vmem_shared>> -> memref<640x128xf32, #tpu.memory_space<vmem_shared>>
      tpu.enqueue_dma source(%dma_start3A_161 : memref<640x128xf32, #tpu.memory_space<vmem_shared>>) target(%dma_start3A_159 : memref<640x128xf32, #tpu.memory_space<hbm>>) target_semaphore(%run_scoped3A : memref<!tpu.dma_semaphore, #tpu.memory_space<semaphore_mem>>)
      %dma_wait3A = arith.constant 0 : i32
      %dma_wait3A_162 = tpu.memref_slice %arg6[%add3A_62, %dma_wait3A] : memref<102400x128xf32, #tpu.memory_space<hbm>> -> memref<640x128xf32, #tpu.memory_space<hbm>>
      %dma_wait3A_163 = arith.constant 0 : i32
      %dma_wait3A_164 = tpu.memref_slice %arg13[%mul3A_59, %dma_wait3A_163] : memref<10256x128xf32, #tpu.memory_space<vmem_shared>> -> memref<640x128xf32, #tpu.memory_space<vmem_shared>>
      tpu.wait_dma2 semaphore(%run_scoped3A : memref<!tpu.dma_semaphore, #tpu.memory_space<semaphore_mem>>) src(%dma_wait3A_164 : memref<640x128xf32, #tpu.memory_space<vmem_shared>>) dst(%dma_wait3A_162 : memref<640x128xf32, #tpu.memory_space<hbm>>)
      tpu.yield
    }) : () -> ()
    %mul3A_63 = arith.constant 5 : i32
    %mul3A_64 = arith.muli %arg0, %mul3A_63 : i32
    %add3A_65 = arith.constant 2 : i32
    %add3A_66 = arith.addi %mul3A_64, %add3A_65 : i32
    %mul3A_67 = arith.constant 10240 : i32
    %mul3A_68 = arith.muli %add3A_66, %mul3A_67 : i32
    %add3A_69 = vector.broadcast %mul3A_68 : i32 to vector<16xi32>
    %add3A_70 = arith.addi %broadcast_in_dim3A_1, %add3A_69 : vector<16xi32>
    %add3A_71 = arith.constant 10240 : i32
    %add3A_72 = vector.broadcast %add3A_71 : i32 to vector<16xi32>
    %add3A_73 = arith.addi %add3A_70, %add3A_72 : vector<16xi32>
    %mul3A_74 = arith.constant 640 : i32
    %mul3A_75 = arith.muli %arg1, %mul3A_74 : i32
    "tpu.region"() ({
      %run_scoped3A = tpu.sem_alloc : memref<!tpu.dma_semaphore, #tpu.memory_space<semaphore_mem>>
      %dma_start3A = arith.constant 0 : i32
      %dma_start3A_159 = tpu.memref_slice %arg13[%mul3A_75, %dma_start3A] : memref<10256x128xf32, #tpu.memory_space<vmem_shared>> -> memref<640x128xf32, #tpu.memory_space<vmem_shared>>
      tpu.enqueue_dma source(%arg5 : memref<640x128xf32, #tpu.memory_space<hbm>>) target(%dma_start3A_159 : memref<640x128xf32, #tpu.memory_space<vmem_shared>>) target_semaphore(%run_scoped3A : memref<!tpu.dma_semaphore, #tpu.memory_space<semaphore_mem>>)
      %dma_wait3A = arith.constant 0 : i32
      %dma_wait3A_160 = tpu.memref_slice %arg13[%mul3A_75, %dma_wait3A] : memref<10256x128xf32, #tpu.memory_space<vmem_shared>> -> memref<640x128xf32, #tpu.memory_space<vmem_shared>>
      tpu.wait_dma2 semaphore(%run_scoped3A : memref<!tpu.dma_semaphore, #tpu.memory_space<semaphore_mem>>) src(%arg5 : memref<640x128xf32, #tpu.memory_space<hbm>>) dst(%dma_wait3A_160 : memref<640x128xf32, #tpu.memory_space<vmem_shared>>)
      tpu.yield
    }) : () -> ()
    %eq3A_76 = arith.constant 0 : i32
    %eq3A_77 = arith.cmpi eq, %arg1, %eq3A_76 : i32
    %convert_element_type3A_78 = arith.extui %eq3A_77 : i1 to i32
    %cond3A_79 = arith.constant 0 : i32
    %cond3A_80 = arith.cmpi ne, %convert_element_type3A_78, %cond3A_79 : i32
    scf.if %cond3A_80 {
      "tpu.region"() ({
        %run_scoped3A = tpu.sem_alloc : memref<!tpu.dma_semaphore, #tpu.memory_space<semaphore_mem>>
        %dma_start3A = arith.constant 10240 : i32
        %dma_start3A_159 = arith.constant 0 : i32
        %dma_start3A_160 = tpu.memref_slice %arg13[%dma_start3A, %dma_start3A_159] : memref<10256x128xf32, #tpu.memory_space<vmem_shared>> -> memref<16x128xf32, #tpu.memory_space<vmem_shared>>
        %dma_start3A_161 = arith.constant 0 : i32
        %dma_start3A_162 = arith.constant 0 : i32
        %dma_start3A_163 = tpu.memref_slice %arg5[%dma_start3A_161, %dma_start3A_162] : memref<640x128xf32, #tpu.memory_space<hbm>> -> memref<16x128xf32, #tpu.memory_space<hbm>>
        tpu.enqueue_dma source(%dma_start3A_163 : memref<16x128xf32, #tpu.memory_space<hbm>>) target(%dma_start3A_160 : memref<16x128xf32, #tpu.memory_space<vmem_shared>>) target_semaphore(%run_scoped3A : memref<!tpu.dma_semaphore, #tpu.memory_space<semaphore_mem>>)
        %dma_wait3A = arith.constant 10240 : i32
        %dma_wait3A_164 = arith.constant 0 : i32
        %dma_wait3A_165 = tpu.memref_slice %arg13[%dma_wait3A, %dma_wait3A_164] : memref<10256x128xf32, #tpu.memory_space<vmem_shared>> -> memref<16x128xf32, #tpu.memory_space<vmem_shared>>
        %dma_wait3A_166 = arith.constant 0 : i32
        %dma_wait3A_167 = arith.constant 0 : i32
        %dma_wait3A_168 = tpu.memref_slice %arg5[%dma_wait3A_166, %dma_wait3A_167] : memref<640x128xf32, #tpu.memory_space<hbm>> -> memref<16x128xf32, #tpu.memory_space<hbm>>
        tpu.wait_dma2 semaphore(%run_scoped3A : memref<!tpu.dma_semaphore, #tpu.memory_space<semaphore_mem>>) src(%dma_wait3A_168 : memref<16x128xf32, #tpu.memory_space<hbm>>) dst(%dma_wait3A_165 : memref<16x128xf32, #tpu.memory_space<vmem_shared>>)
        tpu.yield
      }) : () -> ()
    } else {
    }
    %barrier3A_81 = arith.constant 0 : index
    tpu.barrier barrier_id(%barrier3A_81)
    %scan3A_82 = arith.constant 0 : i32
    %scan3A_83 = arith.constant 0 : i32
    %scan3A_84 = arith.constant 25 : i32
    %scan3A_85 = arith.addi %scan3A_83, %scan3A_84 : i32
    %scan3A_86 = arith.constant 1 : i32
    %scan3A_87 = scf.for %scan3A_159 = %scan3A_83 to %scan3A_85 step %scan3A_86 iter_args(%scan3A_160 = %scan3A_82) -> (i32)  : i32 {
      %mul3A_161 = arith.constant 256 : i32
      %mul3A_162 = arith.muli %scan3A_159, %mul3A_161 : i32
      %add3A_163 = arith.constant 128 : i32
      %add3A_164 = arith.addi %mul3A_162, %add3A_163 : i32
      %dma_start3A = tpu.memref_slice %arg8[%mul3A_162] : memref<6400xi32, #tpu.memory_space<vmem>> -> memref<128xi32, #tpu.memory_space<vmem>>
      %dma_start3A_165 = arith.constant 0 : i32
      %dma_start3A_166 = arith.constant 0 : i32
      %dma_start3A_167 = tpu.memref_slice %arg2[%dma_start3A_165, %dma_start3A_166] : memref<100000x128xf32, #tpu.memory_space<hbm>> -> memref<100000x128xf32, #tpu.memory_space<hbm>>
      tpu.enqueue_indirect_dma source(%dma_start3A_167 : memref<100000x128xf32, #tpu.memory_space<hbm>>) target(%arg9 : memref<128x128xf32, #tpu.memory_space<vmem>>) offsets(%dma_start3A : memref<128xi32, #tpu.memory_space<vmem>>) semaphore(%arg14 : memref<!tpu.dma_semaphore, #tpu.memory_space<semaphore_mem>>)
      %dma_start3A_168 = tpu.memref_slice %arg8[%add3A_164] : memref<6400xi32, #tpu.memory_space<vmem>> -> memref<128xi32, #tpu.memory_space<vmem>>
      %dma_start3A_169 = arith.constant 0 : i32
      %dma_start3A_170 = arith.constant 0 : i32
      %dma_start3A_171 = tpu.memref_slice %arg2[%dma_start3A_169, %dma_start3A_170] : memref<100000x128xf32, #tpu.memory_space<hbm>> -> memref<100000x128xf32, #tpu.memory_space<hbm>>
      tpu.enqueue_indirect_dma source(%dma_start3A_171 : memref<100000x128xf32, #tpu.memory_space<hbm>>) target(%arg10 : memref<128x128xf32, #tpu.memory_space<vmem>>) offsets(%dma_start3A_168 : memref<128xi32, #tpu.memory_space<vmem>>) semaphore(%arg15 : memref<!tpu.dma_semaphore, #tpu.memory_space<semaphore_mem>>)
      %dma_wait3A = tpu.memref_slice %arg8[%mul3A_162] : memref<6400xi32, #tpu.memory_space<vmem>> -> memref<128xi32, #tpu.memory_space<vmem>>
      %dma_wait3A_172 = arith.constant 0 : i32
      %dma_wait3A_173 = arith.constant 0 : i32
      %dma_wait3A_174 = tpu.memref_slice %arg2[%dma_wait3A_172, %dma_wait3A_173] : memref<100000x128xf32, #tpu.memory_space<hbm>> -> memref<100000x128xf32, #tpu.memory_space<hbm>>
      tpu.wait_indirect_dma semaphore(%arg14 : memref<!tpu.dma_semaphore, #tpu.memory_space<semaphore_mem>>) src(%dma_wait3A_174 : memref<100000x128xf32, #tpu.memory_space<hbm>>) dst(%arg9 : memref<128x128xf32, #tpu.memory_space<vmem>>)
      %add3A_175 = arith.constant 0 : i32
      %add3A_176 = arith.addi %mul3A_162, %add3A_175 : i32
      %get3A = arith.index_cast %add3A_176 : i32 to index
      %get3A_177 = tpu.vector_load %arg7[%get3A] {strides = array<i32>} : memref<6400xi32, #tpu.memory_space<vmem>>, vector<16xi32>,
      %get3A_178 = vector.shape_cast %get3A_177 : vector<16xi32> to vector<16xi32>
      %ge3A = arith.cmpi sge, %get3A_178, %add3A_70 : vector<16xi32>
      %lt3A = arith.cmpi slt, %get3A_178, %add3A_73 : vector<16xi32>
      %and3A = arith.andi %ge3A, %lt3A : vector<16xi1>
      %sub3A = arith.subi %get3A_178, %add3A_70 : vector<16xi32>
      %select_n3A = arith.select %and3A, %sub3A, %add3A : vector<16xi1>, vector<16xi32>
      %swap3A = arith.constant 0 : index
      %swap3A_179 = tpu.vector_load %arg11[%swap3A] {strides = array<i32>} : memref<128xi32, #tpu.memory_space<vmem>>, vector<16xi32>,
      %swap3A_180 = vector.shape_cast %swap3A_179 : vector<16xi32> to vector<16xi32>
      %swap3A_181 = vector.shape_cast %select_n3A : vector<16xi32> to vector<16xi32>
      tpu.vector_store %arg11[%swap3A], %swap3A_181 {strides = array<i32>} : memref<128xi32, #tpu.memory_space<vmem>>, vector<16xi32>,
      %add3A_182 = arith.constant 16 : i32
      %add3A_183 = arith.addi %mul3A_162, %add3A_182 : i32
      %get3A_184 = arith.index_cast %add3A_183 : i32 to index
      %get3A_185 = tpu.vector_load %arg7[%get3A_184] {strides = array<i32>} : memref<6400xi32, #tpu.memory_space<vmem>>, vector<16xi32>,
      %get3A_186 = vector.shape_cast %get3A_185 : vector<16xi32> to vector<16xi32>
      %ge3A_187 = arith.cmpi sge, %get3A_186, %add3A_70 : vector<16xi32>
      %lt3A_188 = arith.cmpi slt, %get3A_186, %add3A_73 : vector<16xi32>
      %and3A_189 = arith.andi %ge3A_187, %lt3A_188 : vector<16xi1>
      %sub3A_190 = arith.subi %get3A_186, %add3A_70 : vector<16xi32>
      %select_n3A_191 = arith.select %and3A_189, %sub3A_190, %add3A : vector<16xi1>, vector<16xi32>
      %swap3A_192 = arith.constant 16 : index
      %swap3A_193 = tpu.vector_load %arg11[%swap3A_192] {strides = array<i32>} : memref<128xi32, #tpu.memory_space<vmem>>, vector<16xi32>,
      %swap3A_194 = vector.shape_cast %swap3A_193 : vector<16xi32> to vector<16xi32>
      %swap3A_195 = vector.shape_cast %select_n3A_191 : vector<16xi32> to vector<16xi32>
      tpu.vector_store %arg11[%swap3A_192], %swap3A_195 {strides = array<i32>} : memref<128xi32, #tpu.memory_space<vmem>>, vector<16xi32>,
      %add3A_196 = arith.constant 32 : i32
      %add3A_197 = arith.addi %mul3A_162, %add3A_196 : i32
      %get3A_198 = arith.index_cast %add3A_197 : i32 to index
      %get3A_199 = tpu.vector_load %arg7[%get3A_198] {strides = array<i32>} : memref<6400xi32, #tpu.memory_space<vmem>>, vector<16xi32>,
      %get3A_200 = vector.shape_cast %get3A_199 : vector<16xi32> to vector<16xi32>
      %ge3A_201 = arith.cmpi sge, %get3A_200, %add3A_70 : vector<16xi32>
      %lt3A_202 = arith.cmpi slt, %get3A_200, %add3A_73 : vector<16xi32>
      %and3A_203 = arith.andi %ge3A_201, %lt3A_202 : vector<16xi1>
      %sub3A_204 = arith.subi %get3A_200, %add3A_70 : vector<16xi32>
      %select_n3A_205 = arith.select %and3A_203, %sub3A_204, %add3A : vector<16xi1>, vector<16xi32>
      %swap3A_206 = arith.constant 32 : index
      %swap3A_207 = tpu.vector_load %arg11[%swap3A_206] {strides = array<i32>} : memref<128xi32, #tpu.memory_space<vmem>>, vector<16xi32>,
      %swap3A_208 = vector.shape_cast %swap3A_207 : vector<16xi32> to vector<16xi32>
      %swap3A_209 = vector.shape_cast %select_n3A_205 : vector<16xi32> to vector<16xi32>
      tpu.vector_store %arg11[%swap3A_206], %swap3A_209 {strides = array<i32>} : memref<128xi32, #tpu.memory_space<vmem>>, vector<16xi32>,
      %add3A_210 = arith.constant 48 : i32
      %add3A_211 = arith.addi %mul3A_162, %add3A_210 : i32
      %get3A_212 = arith.index_cast %add3A_211 : i32 to index
      %get3A_213 = tpu.vector_load %arg7[%get3A_212] {strides = array<i32>} : memref<6400xi32, #tpu.memory_space<vmem>>, vector<16xi32>,
      %get3A_214 = vector.shape_cast %get3A_213 : vector<16xi32> to vector<16xi32>
      %ge3A_215 = arith.cmpi sge, %get3A_214, %add3A_70 : vector<16xi32>
      %lt3A_216 = arith.cmpi slt, %get3A_214, %add3A_73 : vector<16xi32>
      %and3A_217 = arith.andi %ge3A_215, %lt3A_216 : vector<16xi1>
      %sub3A_218 = arith.subi %get3A_214, %add3A_70 : vector<16xi32>
      %select_n3A_219 = arith.select %and3A_217, %sub3A_218, %add3A : vector<16xi1>, vector<16xi32>
      %swap3A_220 = arith.constant 48 : index
      %swap3A_221 = tpu.vector_load %arg11[%swap3A_220] {strides = array<i32>} : memref<128xi32, #tpu.memory_space<vmem>>, vector<16xi32>,
      %swap3A_222 = vector.shape_cast %swap3A_221 : vector<16xi32> to vector<16xi32>
      %swap3A_223 = vector.shape_cast %select_n3A_219 : vector<16xi32> to vector<16xi32>
      tpu.vector_store %arg11[%swap3A_220], %swap3A_223 {strides = array<i32>} : memref<128xi32, #tpu.memory_space<vmem>>, vector<16xi32>,
      %add3A_224 = arith.constant 64 : i32
      %add3A_225 = arith.addi %mul3A_162, %add3A_224 : i32
      %get3A_226 = arith.index_cast %add3A_225 : i32 to index
      %get3A_227 = tpu.vector_load %arg7[%get3A_226] {strides = array<i32>} : memref<6400xi32, #tpu.memory_space<vmem>>, vector<16xi32>,
      %get3A_228 = vector.shape_cast %get3A_227 : vector<16xi32> to vector<16xi32>
      %ge3A_229 = arith.cmpi sge, %get3A_228, %add3A_70 : vector<16xi32>
      %lt3A_230 = arith.cmpi slt, %get3A_228, %add3A_73 : vector<16xi32>
      %and3A_231 = arith.andi %ge3A_229, %lt3A_230 : vector<16xi1>
      %sub3A_232 = arith.subi %get3A_228, %add3A_70 : vector<16xi32>
      %select_n3A_233 = arith.select %and3A_231, %sub3A_232, %add3A : vector<16xi1>, vector<16xi32>
      %swap3A_234 = arith.constant 64 : index
      %swap3A_235 = tpu.vector_load %arg11[%swap3A_234] {strides = array<i32>} : memref<128xi32, #tpu.memory_space<vmem>>, vector<16xi32>,
      %swap3A_236 = vector.shape_cast %swap3A_235 : vector<16xi32> to vector<16xi32>
      %swap3A_237 = vector.shape_cast %select_n3A_233 : vector<16xi32> to vector<16xi32>
      tpu.vector_store %arg11[%swap3A_234], %swap3A_237 {strides = array<i32>} : memref<128xi32, #tpu.memory_space<vmem>>, vector<16xi32>,
      %add3A_238 = arith.constant 80 : i32
      %add3A_239 = arith.addi %mul3A_162, %add3A_238 : i32
      %get3A_240 = arith.index_cast %add3A_239 : i32 to index
      %get3A_241 = tpu.vector_load %arg7[%get3A_240] {strides = array<i32>} : memref<6400xi32, #tpu.memory_space<vmem>>, vector<16xi32>,
      %get3A_242 = vector.shape_cast %get3A_241 : vector<16xi32> to vector<16xi32>
      %ge3A_243 = arith.cmpi sge, %get3A_242, %add3A_70 : vector<16xi32>
      %lt3A_244 = arith.cmpi slt, %get3A_242, %add3A_73 : vector<16xi32>
      %and3A_245 = arith.andi %ge3A_243, %lt3A_244 : vector<16xi1>
      %sub3A_246 = arith.subi %get3A_242, %add3A_70 : vector<16xi32>
      %select_n3A_247 = arith.select %and3A_245, %sub3A_246, %add3A : vector<16xi1>, vector<16xi32>
      %swap3A_248 = arith.constant 80 : index
      %swap3A_249 = tpu.vector_load %arg11[%swap3A_248] {strides = array<i32>} : memref<128xi32, #tpu.memory_space<vmem>>, vector<16xi32>,
      %swap3A_250 = vector.shape_cast %swap3A_249 : vector<16xi32> to vector<16xi32>
      %swap3A_251 = vector.shape_cast %select_n3A_247 : vector<16xi32> to vector<16xi32>
      tpu.vector_store %arg11[%swap3A_248], %swap3A_251 {strides = array<i32>} : memref<128xi32, #tpu.memory_space<vmem>>, vector<16xi32>,
      %add3A_252 = arith.constant 96 : i32
      %add3A_253 = arith.addi %mul3A_162, %add3A_252 : i32
      %get3A_254 = arith.index_cast %add3A_253 : i32 to index
      %get3A_255 = tpu.vector_load %arg7[%get3A_254] {strides = array<i32>} : memref<6400xi32, #tpu.memory_space<vmem>>, vector<16xi32>,
      %get3A_256 = vector.shape_cast %get3A_255 : vector<16xi32> to vector<16xi32>
      %ge3A_257 = arith.cmpi sge, %get3A_256, %add3A_70 : vector<16xi32>
      %lt3A_258 = arith.cmpi slt, %get3A_256, %add3A_73 : vector<16xi32>
      %and3A_259 = arith.andi %ge3A_257, %lt3A_258 : vector<16xi1>
      %sub3A_260 = arith.subi %get3A_256, %add3A_70 : vector<16xi32>
      %select_n3A_261 = arith.select %and3A_259, %sub3A_260, %add3A : vector<16xi1>, vector<16xi32>
      %swap3A_262 = arith.constant 96 : index
      %swap3A_263 = tpu.vector_load %arg11[%swap3A_262] {strides = array<i32>} : memref<128xi32, #tpu.memory_space<vmem>>, vector<16xi32>,
      %swap3A_264 = vector.shape_cast %swap3A_263 : vector<16xi32> to vector<16xi32>
      %swap3A_265 = vector.shape_cast %select_n3A_261 : vector<16xi32> to vector<16xi32>
      tpu.vector_store %arg11[%swap3A_262], %swap3A_265 {strides = array<i32>} : memref<128xi32, #tpu.memory_space<vmem>>, vector<16xi32>,
      %add3A_266 = arith.constant 112 : i32
      %add3A_267 = arith.addi %mul3A_162, %add3A_266 : i32
      %get3A_268 = arith.index_cast %add3A_267 : i32 to index
      %get3A_269 = tpu.vector_load %arg7[%get3A_268] {strides = array<i32>} : memref<6400xi32, #tpu.memory_space<vmem>>, vector<16xi32>,
      %get3A_270 = vector.shape_cast %get3A_269 : vector<16xi32> to vector<16xi32>
      %ge3A_271 = arith.cmpi sge, %get3A_270, %add3A_70 : vector<16xi32>
      %lt3A_272 = arith.cmpi slt, %get3A_270, %add3A_73 : vector<16xi32>
      %and3A_273 = arith.andi %ge3A_271, %lt3A_272 : vector<16xi1>
      %sub3A_274 = arith.subi %get3A_270, %add3A_70 : vector<16xi32>
      %select_n3A_275 = arith.select %and3A_273, %sub3A_274, %add3A : vector<16xi1>, vector<16xi32>
      %swap3A_276 = arith.constant 112 : index
      %swap3A_277 = tpu.vector_load %arg11[%swap3A_276] {strides = array<i32>} : memref<128xi32, #tpu.memory_space<vmem>>, vector<16xi32>,
      %swap3A_278 = vector.shape_cast %swap3A_277 : vector<16xi32> to vector<16xi32>
      %swap3A_279 = vector.shape_cast %select_n3A_275 : vector<16xi32> to vector<16xi32>
      tpu.vector_store %arg11[%swap3A_276], %swap3A_279 {strides = array<i32>} : memref<128xi32, #tpu.memory_space<vmem>>, vector<16xi32>,
      %dma_start3A_280 = arith.constant 0 : i32
      %dma_start3A_281 = arith.constant 0 : i32
      %dma_start3A_282 = tpu.memref_slice %arg13[%dma_start3A_280, %dma_start3A_281] : memref<10256x128xf32, #tpu.memory_space<vmem_shared>> -> memref<10256x128xf32, #tpu.memory_space<vmem_shared>>
      tpu.enqueue_indirect_dma source(%arg9 : memref<128x128xf32, #tpu.memory_space<vmem>>) target(%dma_start3A_282 : memref<10256x128xf32, #tpu.memory_space<vmem_shared>>) offsets(%arg11 : memref<128xi32, #tpu.memory_space<vmem>>) semaphore(%arg16 : memref<!tpu.dma_semaphore, #tpu.memory_space<semaphore_mem>>) {add = true}
      %dma_wait3A_283 = tpu.memref_slice %arg8[%add3A_164] : memref<6400xi32, #tpu.memory_space<vmem>> -> memref<128xi32, #tpu.memory_space<vmem>>
      %dma_wait3A_284 = arith.constant 0 : i32
      %dma_wait3A_285 = arith.constant 0 : i32
      %dma_wait3A_286 = tpu.memref_slice %arg2[%dma_wait3A_284, %dma_wait3A_285] : memref<100000x128xf32, #tpu.memory_space<hbm>> -> memref<100000x128xf32, #tpu.memory_space<hbm>>
      tpu.wait_indirect_dma semaphore(%arg15 : memref<!tpu.dma_semaphore, #tpu.memory_space<semaphore_mem>>) src(%dma_wait3A_286 : memref<100000x128xf32, #tpu.memory_space<hbm>>) dst(%arg10 : memref<128x128xf32, #tpu.memory_space<vmem>>)
      %add3A_287 = arith.constant 0 : i32
      %add3A_288 = arith.addi %add3A_164, %add3A_287 : i32
      %get3A_289 = arith.index_cast %add3A_288 : i32 to index
      %get3A_290 = tpu.vector_load %arg7[%get3A_289] {strides = array<i32>} : memref<6400xi32, #tpu.memory_space<vmem>>, vector<16xi32>,
      %get3A_291 = vector.shape_cast %get3A_290 : vector<16xi32> to vector<16xi32>
      %ge3A_292 = arith.cmpi sge, %get3A_291, %add3A_70 : vector<16xi32>
      %lt3A_293 = arith.cmpi slt, %get3A_291, %add3A_73 : vector<16xi32>
      %and3A_294 = arith.andi %ge3A_292, %lt3A_293 : vector<16xi1>
      %sub3A_295 = arith.subi %get3A_291, %add3A_70 : vector<16xi32>
      %select_n3A_296 = arith.select %and3A_294, %sub3A_295, %add3A : vector<16xi1>, vector<16xi32>
      %swap3A_297 = arith.constant 0 : index
      %swap3A_298 = tpu.vector_load %arg12[%swap3A_297] {strides = array<i32>} : memref<128xi32, #tpu.memory_space<vmem>>, vector<16xi32>,
      %swap3A_299 = vector.shape_cast %swap3A_298 : vector<16xi32> to vector<16xi32>
      %swap3A_300 = vector.shape_cast %select_n3A_296 : vector<16xi32> to vector<16xi32>
      tpu.vector_store %arg12[%swap3A_297], %swap3A_300 {strides = array<i32>} : memref<128xi32, #tpu.memory_space<vmem>>, vector<16xi32>,
      %add3A_301 = arith.constant 16 : i32
      %add3A_302 = arith.addi %add3A_164, %add3A_301 : i32
      %get3A_303 = arith.index_cast %add3A_302 : i32 to index
      %get3A_304 = tpu.vector_load %arg7[%get3A_303] {strides = array<i32>} : memref<6400xi32, #tpu.memory_space<vmem>>, vector<16xi32>,
      %get3A_305 = vector.shape_cast %get3A_304 : vector<16xi32> to vector<16xi32>
      %ge3A_306 = arith.cmpi sge, %get3A_305, %add3A_70 : vector<16xi32>
      %lt3A_307 = arith.cmpi slt, %get3A_305, %add3A_73 : vector<16xi32>
      %and3A_308 = arith.andi %ge3A_306, %lt3A_307 : vector<16xi1>
      %sub3A_309 = arith.subi %get3A_305, %add3A_70 : vector<16xi32>
      %select_n3A_310 = arith.select %and3A_308, %sub3A_309, %add3A : vector<16xi1>, vector<16xi32>
      %swap3A_311 = arith.constant 16 : index
      %swap3A_312 = tpu.vector_load %arg12[%swap3A_311] {strides = array<i32>} : memref<128xi32, #tpu.memory_space<vmem>>, vector<16xi32>,
      %swap3A_313 = vector.shape_cast %swap3A_312 : vector<16xi32> to vector<16xi32>
      %swap3A_314 = vector.shape_cast %select_n3A_310 : vector<16xi32> to vector<16xi32>
      tpu.vector_store %arg12[%swap3A_311], %swap3A_314 {strides = array<i32>} : memref<128xi32, #tpu.memory_space<vmem>>, vector<16xi32>,
      %add3A_315 = arith.constant 32 : i32
      %add3A_316 = arith.addi %add3A_164, %add3A_315 : i32
      %get3A_317 = arith.index_cast %add3A_316 : i32 to index
      %get3A_318 = tpu.vector_load %arg7[%get3A_317] {strides = array<i32>} : memref<6400xi32, #tpu.memory_space<vmem>>, vector<16xi32>,
      %get3A_319 = vector.shape_cast %get3A_318 : vector<16xi32> to vector<16xi32>
      %ge3A_320 = arith.cmpi sge, %get3A_319, %add3A_70 : vector<16xi32>
      %lt3A_321 = arith.cmpi slt, %get3A_319, %add3A_73 : vector<16xi32>
      %and3A_322 = arith.andi %ge3A_320, %lt3A_321 : vector<16xi1>
      %sub3A_323 = arith.subi %get3A_319, %add3A_70 : vector<16xi32>
      %select_n3A_324 = arith.select %and3A_322, %sub3A_323, %add3A : vector<16xi1>, vector<16xi32>
      %swap3A_325 = arith.constant 32 : index
      %swap3A_326 = tpu.vector_load %arg12[%swap3A_325] {strides = array<i32>} : memref<128xi32, #tpu.memory_space<vmem>>, vector<16xi32>,
      %swap3A_327 = vector.shape_cast %swap3A_326 : vector<16xi32> to vector<16xi32>
      %swap3A_328 = vector.shape_cast %select_n3A_324 : vector<16xi32> to vector<16xi32>
      tpu.vector_store %arg12[%swap3A_325], %swap3A_328 {strides = array<i32>} : memref<128xi32, #tpu.memory_space<vmem>>, vector<16xi32>,
      %add3A_329 = arith.constant 48 : i32
      %add3A_330 = arith.addi %add3A_164, %add3A_329 : i32
      %get3A_331 = arith.index_cast %add3A_330 : i32 to index
      %get3A_332 = tpu.vector_load %arg7[%get3A_331] {strides = array<i32>} : memref<6400xi32, #tpu.memory_space<vmem>>, vector<16xi32>,
      %get3A_333 = vector.shape_cast %get3A_332 : vector<16xi32> to vector<16xi32>
      %ge3A_334 = arith.cmpi sge, %get3A_333, %add3A_70 : vector<16xi32>
      %lt3A_335 = arith.cmpi slt, %get3A_333, %add3A_73 : vector<16xi32>
      %and3A_336 = arith.andi %ge3A_334, %lt3A_335 : vector<16xi1>
      %sub3A_337 = arith.subi %get3A_333, %add3A_70 : vector<16xi32>
      %select_n3A_338 = arith.select %and3A_336, %sub3A_337, %add3A : vector<16xi1>, vector<16xi32>
      %swap3A_339 = arith.constant 48 : index
      %swap3A_340 = tpu.vector_load %arg12[%swap3A_339] {strides = array<i32>} : memref<128xi32, #tpu.memory_space<vmem>>, vector<16xi32>,
      %swap3A_341 = vector.shape_cast %swap3A_340 : vector<16xi32> to vector<16xi32>
      %swap3A_342 = vector.shape_cast %select_n3A_338 : vector<16xi32> to vector<16xi32>
      tpu.vector_store %arg12[%swap3A_339], %swap3A_342 {strides = array<i32>} : memref<128xi32, #tpu.memory_space<vmem>>, vector<16xi32>,
      %add3A_343 = arith.constant 64 : i32
      %add3A_344 = arith.addi %add3A_164, %add3A_343 : i32
      %get3A_345 = arith.index_cast %add3A_344 : i32 to index
      %get3A_346 = tpu.vector_load %arg7[%get3A_345] {strides = array<i32>} : memref<6400xi32, #tpu.memory_space<vmem>>, vector<16xi32>,
      %get3A_347 = vector.shape_cast %get3A_346 : vector<16xi32> to vector<16xi32>
      %ge3A_348 = arith.cmpi sge, %get3A_347, %add3A_70 : vector<16xi32>
      %lt3A_349 = arith.cmpi slt, %get3A_347, %add3A_73 : vector<16xi32>
      %and3A_350 = arith.andi %ge3A_348, %lt3A_349 : vector<16xi1>
      %sub3A_351 = arith.subi %get3A_347, %add3A_70 : vector<16xi32>
      %select_n3A_352 = arith.select %and3A_350, %sub3A_351, %add3A : vector<16xi1>, vector<16xi32>
      %swap3A_353 = arith.constant 64 : index
      %swap3A_354 = tpu.vector_load %arg12[%swap3A_353] {strides = array<i32>} : memref<128xi32, #tpu.memory_space<vmem>>, vector<16xi32>,
      %swap3A_355 = vector.shape_cast %swap3A_354 : vector<16xi32> to vector<16xi32>
      %swap3A_356 = vector.shape_cast %select_n3A_352 : vector<16xi32> to vector<16xi32>
      tpu.vector_store %arg12[%swap3A_353], %swap3A_356 {strides = array<i32>} : memref<128xi32, #tpu.memory_space<vmem>>, vector<16xi32>,
      %add3A_357 = arith.constant 80 : i32
      %add3A_358 = arith.addi %add3A_164, %add3A_357 : i32
      %get3A_359 = arith.index_cast %add3A_358 : i32 to index
      %get3A_360 = tpu.vector_load %arg7[%get3A_359] {strides = array<i32>} : memref<6400xi32, #tpu.memory_space<vmem>>, vector<16xi32>,
      %get3A_361 = vector.shape_cast %get3A_360 : vector<16xi32> to vector<16xi32>
      %ge3A_362 = arith.cmpi sge, %get3A_361, %add3A_70 : vector<16xi32>
      %lt3A_363 = arith.cmpi slt, %get3A_361, %add3A_73 : vector<16xi32>
      %and3A_364 = arith.andi %ge3A_362, %lt3A_363 : vector<16xi1>
      %sub3A_365 = arith.subi %get3A_361, %add3A_70 : vector<16xi32>
      %select_n3A_366 = arith.select %and3A_364, %sub3A_365, %add3A : vector<16xi1>, vector<16xi32>
      %swap3A_367 = arith.constant 80 : index
      %swap3A_368 = tpu.vector_load %arg12[%swap3A_367] {strides = array<i32>} : memref<128xi32, #tpu.memory_space<vmem>>, vector<16xi32>,
      %swap3A_369 = vector.shape_cast %swap3A_368 : vector<16xi32> to vector<16xi32>
      %swap3A_370 = vector.shape_cast %select_n3A_366 : vector<16xi32> to vector<16xi32>
      tpu.vector_store %arg12[%swap3A_367], %swap3A_370 {strides = array<i32>} : memref<128xi32, #tpu.memory_space<vmem>>, vector<16xi32>,
      %add3A_371 = arith.constant 96 : i32
      %add3A_372 = arith.addi %add3A_164, %add3A_371 : i32
      %get3A_373 = arith.index_cast %add3A_372 : i32 to index
      %get3A_374 = tpu.vector_load %arg7[%get3A_373] {strides = array<i32>} : memref<6400xi32, #tpu.memory_space<vmem>>, vector<16xi32>,
      %get3A_375 = vector.shape_cast %get3A_374 : vector<16xi32> to vector<16xi32>
      %ge3A_376 = arith.cmpi sge, %get3A_375, %add3A_70 : vector<16xi32>
      %lt3A_377 = arith.cmpi slt, %get3A_375, %add3A_73 : vector<16xi32>
      %and3A_378 = arith.andi %ge3A_376, %lt3A_377 : vector<16xi1>
      %sub3A_379 = arith.subi %get3A_375, %add3A_70 : vector<16xi32>
      %select_n3A_380 = arith.select %and3A_378, %sub3A_379, %add3A : vector<16xi1>, vector<16xi32>
      %swap3A_381 = arith.constant 96 : index
      %swap3A_382 = tpu.vector_load %arg12[%swap3A_381] {strides = array<i32>} : memref<128xi32, #tpu.memory_space<vmem>>, vector<16xi32>,
      %swap3A_383 = vector.shape_cast %swap3A_382 : vector<16xi32> to vector<16xi32>
      %swap3A_384 = vector.shape_cast %select_n3A_380 : vector<16xi32> to vector<16xi32>
      tpu.vector_store %arg12[%swap3A_381], %swap3A_384 {strides = array<i32>} : memref<128xi32, #tpu.memory_space<vmem>>, vector<16xi32>,
      %add3A_385 = arith.constant 112 : i32
      %add3A_386 = arith.addi %add3A_164, %add3A_385 : i32
      %get3A_387 = arith.index_cast %add3A_386 : i32 to index
      %get3A_388 = tpu.vector_load %arg7[%get3A_387] {strides = array<i32>} : memref<6400xi32, #tpu.memory_space<vmem>>, vector<16xi32>,
      %get3A_389 = vector.shape_cast %get3A_388 : vector<16xi32> to vector<16xi32>
      %ge3A_390 = arith.cmpi sge, %get3A_389, %add3A_70 : vector<16xi32>
      %lt3A_391 = arith.cmpi slt, %get3A_389, %add3A_73 : vector<16xi32>
      %and3A_392 = arith.andi %ge3A_390, %lt3A_391 : vector<16xi1>
      %sub3A_393 = arith.subi %get3A_389, %add3A_70 : vector<16xi32>
      %select_n3A_394 = arith.select %and3A_392, %sub3A_393, %add3A : vector<16xi1>, vector<16xi32>
      %swap3A_395 = arith.constant 112 : index
      %swap3A_396 = tpu.vector_load %arg12[%swap3A_395] {strides = array<i32>} : memref<128xi32, #tpu.memory_space<vmem>>, vector<16xi32>,
      %swap3A_397 = vector.shape_cast %swap3A_396 : vector<16xi32> to vector<16xi32>
      %swap3A_398 = vector.shape_cast %select_n3A_394 : vector<16xi32> to vector<16xi32>
      tpu.vector_store %arg12[%swap3A_395], %swap3A_398 {strides = array<i32>} : memref<128xi32, #tpu.memory_space<vmem>>, vector<16xi32>,
      %dma_start3A_399 = arith.constant 0 : i32
      %dma_start3A_400 = arith.constant 0 : i32
      %dma_start3A_401 = tpu.memref_slice %arg13[%dma_start3A_399, %dma_start3A_400] : memref<10256x128xf32, #tpu.memory_space<vmem_shared>> -> memref<10256x128xf32, #tpu.memory_space<vmem_shared>>
      tpu.enqueue_indirect_dma source(%arg10 : memref<128x128xf32, #tpu.memory_space<vmem>>) target(%dma_start3A_401 : memref<10256x128xf32, #tpu.memory_space<vmem_shared>>) offsets(%arg12 : memref<128xi32, #tpu.memory_space<vmem>>) semaphore(%arg17 : memref<!tpu.dma_semaphore, #tpu.memory_space<semaphore_mem>>) {add = true}
      %dma_wait3A_402 = arith.constant 0 : i32
      %dma_wait3A_403 = arith.constant 0 : i32
      %dma_wait3A_404 = tpu.memref_slice %arg13[%dma_wait3A_402, %dma_wait3A_403] : memref<10256x128xf32, #tpu.memory_space<vmem_shared>> -> memref<128x128xf32, #tpu.memory_space<vmem_shared>>
      %dma_wait3A_405 = arith.constant 0 : i32
      %dma_wait3A_406 = arith.constant 0 : i32
      %dma_wait3A_407 = tpu.memref_slice %arg13[%dma_wait3A_405, %dma_wait3A_406] : memref<10256x128xf32, #tpu.memory_space<vmem_shared>> -> memref<128x128xf32, #tpu.memory_space<vmem_shared>>
      tpu.wait_dma2 semaphore(%arg16 : memref<!tpu.dma_semaphore, #tpu.memory_space<semaphore_mem>>) src(%arg9 : memref<128x128xf32, #tpu.memory_space<vmem>>) dst(%dma_wait3A_407 : memref<128x128xf32, #tpu.memory_space<vmem_shared>>)
      %dma_wait3A_408 = arith.constant 0 : i32
      %dma_wait3A_409 = arith.constant 0 : i32
      %dma_wait3A_410 = tpu.memref_slice %arg13[%dma_wait3A_408, %dma_wait3A_409] : memref<10256x128xf32, #tpu.memory_space<vmem_shared>> -> memref<128x128xf32, #tpu.memory_space<vmem_shared>>
      %dma_wait3A_411 = arith.constant 0 : i32
      %dma_wait3A_412 = arith.constant 0 : i32
      %dma_wait3A_413 = tpu.memref_slice %arg13[%dma_wait3A_411, %dma_wait3A_412] : memref<10256x128xf32, #tpu.memory_space<vmem_shared>> -> memref<128x128xf32, #tpu.memory_space<vmem_shared>>
      tpu.wait_dma2 semaphore(%arg17 : memref<!tpu.dma_semaphore, #tpu.memory_space<semaphore_mem>>) src(%arg10 : memref<128x128xf32, #tpu.memory_space<vmem>>) dst(%dma_wait3A_413 : memref<128x128xf32, #tpu.memory_space<vmem_shared>>)
      %scan3A_414 = arith.constant 0 : i32
      scf.yield %scan3A_414 : i32
    }
    %scan3A_88 = arith.constant 25 : i32
    %barrier3A_89 = arith.constant 0 : index
    tpu.barrier barrier_id(%barrier3A_89)
    %mul3A_90 = arith.constant 640 : i32
    %mul3A_91 = arith.muli %arg1, %mul3A_90 : i32
    %mul3A_92 = arith.constant 640 : i32
    %mul3A_93 = arith.muli %arg1, %mul3A_92 : i32
    %add3A_94 = arith.addi %mul3A_68, %mul3A_93 : i32
    "tpu.region"() ({
      %run_scoped3A = tpu.sem_alloc : memref<!tpu.dma_semaphore, #tpu.memory_space<semaphore_mem>>
      %dma_start3A = arith.constant 0 : i32
      %dma_start3A_159 = tpu.memref_slice %arg6[%add3A_94, %dma_start3A] : memref<102400x128xf32, #tpu.memory_space<hbm>> -> memref<640x128xf32, #tpu.memory_space<hbm>>
      %dma_start3A_160 = arith.constant 0 : i32
      %dma_start3A_161 = tpu.memref_slice %arg13[%mul3A_91, %dma_start3A_160] : memref<10256x128xf32, #tpu.memory_space<vmem_shared>> -> memref<640x128xf32, #tpu.memory_space<vmem_shared>>
      tpu.enqueue_dma source(%dma_start3A_161 : memref<640x128xf32, #tpu.memory_space<vmem_shared>>) target(%dma_start3A_159 : memref<640x128xf32, #tpu.memory_space<hbm>>) target_semaphore(%run_scoped3A : memref<!tpu.dma_semaphore, #tpu.memory_space<semaphore_mem>>)
      %dma_wait3A = arith.constant 0 : i32
      %dma_wait3A_162 = tpu.memref_slice %arg6[%add3A_94, %dma_wait3A] : memref<102400x128xf32, #tpu.memory_space<hbm>> -> memref<640x128xf32, #tpu.memory_space<hbm>>
      %dma_wait3A_163 = arith.constant 0 : i32
      %dma_wait3A_164 = tpu.memref_slice %arg13[%mul3A_91, %dma_wait3A_163] : memref<10256x128xf32, #tpu.memory_space<vmem_shared>> -> memref<640x128xf32, #tpu.memory_space<vmem_shared>>
      tpu.wait_dma2 semaphore(%run_scoped3A : memref<!tpu.dma_semaphore, #tpu.memory_space<semaphore_mem>>) src(%dma_wait3A_164 : memref<640x128xf32, #tpu.memory_space<vmem_shared>>) dst(%dma_wait3A_162 : memref<640x128xf32, #tpu.memory_space<hbm>>)
      tpu.yield
    }) : () -> ()
    %mul3A_95 = arith.constant 5 : i32
    %mul3A_96 = arith.muli %arg0, %mul3A_95 : i32
    %add3A_97 = arith.constant 3 : i32
    %add3A_98 = arith.addi %mul3A_96, %add3A_97 : i32
    %mul3A_99 = arith.constant 10240 : i32
    %mul3A_100 = arith.muli %add3A_98, %mul3A_99 : i32
    %add3A_101 = vector.broadcast %mul3A_100 : i32 to vector<16xi32>
    %add3A_102 = arith.addi %broadcast_in_dim3A_1, %add3A_101 : vector<16xi32>
    %add3A_103 = arith.constant 10240 : i32
    %add3A_104 = vector.broadcast %add3A_103 : i32 to vector<16xi32>
    %add3A_105 = arith.addi %add3A_102, %add3A_104 : vector<16xi32>
    %mul3A_106 = arith.constant 640 : i32
    %mul3A_107 = arith.muli %arg1, %mul3A_106 : i32
    "tpu.region"() ({
      %run_scoped3A = tpu.sem_alloc : memref<!tpu.dma_semaphore, #tpu.memory_space<semaphore_mem>>
      %dma_start3A = arith.constant 0 : i32
      %dma_start3A_159 = tpu.memref_slice %arg13[%mul3A_107, %dma_start3A] : memref<10256x128xf32, #tpu.memory_space<vmem_shared>> -> memref<640x128xf32, #tpu.memory_space<vmem_shared>>
      tpu.enqueue_dma source(%arg5 : memref<640x128xf32, #tpu.memory_space<hbm>>) target(%dma_start3A_159 : memref<640x128xf32, #tpu.memory_space<vmem_shared>>) target_semaphore(%run_scoped3A : memref<!tpu.dma_semaphore, #tpu.memory_space<semaphore_mem>>)
      %dma_wait3A = arith.constant 0 : i32
      %dma_wait3A_160 = tpu.memref_slice %arg13[%mul3A_107, %dma_wait3A] : memref<10256x128xf32, #tpu.memory_space<vmem_shared>> -> memref<640x128xf32, #tpu.memory_space<vmem_shared>>
      tpu.wait_dma2 semaphore(%run_scoped3A : memref<!tpu.dma_semaphore, #tpu.memory_space<semaphore_mem>>) src(%arg5 : memref<640x128xf32, #tpu.memory_space<hbm>>) dst(%dma_wait3A_160 : memref<640x128xf32, #tpu.memory_space<vmem_shared>>)
      tpu.yield
    }) : () -> ()
    %eq3A_108 = arith.constant 0 : i32
    %eq3A_109 = arith.cmpi eq, %arg1, %eq3A_108 : i32
    %convert_element_type3A_110 = arith.extui %eq3A_109 : i1 to i32
    %cond3A_111 = arith.constant 0 : i32
    %cond3A_112 = arith.cmpi ne, %convert_element_type3A_110, %cond3A_111 : i32
    scf.if %cond3A_112 {
      "tpu.region"() ({
        %run_scoped3A = tpu.sem_alloc : memref<!tpu.dma_semaphore, #tpu.memory_space<semaphore_mem>>
        %dma_start3A = arith.constant 10240 : i32
        %dma_start3A_159 = arith.constant 0 : i32
        %dma_start3A_160 = tpu.memref_slice %arg13[%dma_start3A, %dma_start3A_159] : memref<10256x128xf32, #tpu.memory_space<vmem_shared>> -> memref<16x128xf32, #tpu.memory_space<vmem_shared>>
        %dma_start3A_161 = arith.constant 0 : i32
        %dma_start3A_162 = arith.constant 0 : i32
        %dma_start3A_163 = tpu.memref_slice %arg5[%dma_start3A_161, %dma_start3A_162] : memref<640x128xf32, #tpu.memory_space<hbm>> -> memref<16x128xf32, #tpu.memory_space<hbm>>
        tpu.enqueue_dma source(%dma_start3A_163 : memref<16x128xf32, #tpu.memory_space<hbm>>) target(%dma_start3A_160 : memref<16x128xf32, #tpu.memory_space<vmem_shared>>) target_semaphore(%run_scoped3A : memref<!tpu.dma_semaphore, #tpu.memory_space<semaphore_mem>>)
        %dma_wait3A = arith.constant 10240 : i32
        %dma_wait3A_164 = arith.constant 0 : i32
        %dma_wait3A_165 = tpu.memref_slice %arg13[%dma_wait3A, %dma_wait3A_164] : memref<10256x128xf32, #tpu.memory_space<vmem_shared>> -> memref<16x128xf32, #tpu.memory_space<vmem_shared>>
        %dma_wait3A_166 = arith.constant 0 : i32
        %dma_wait3A_167 = arith.constant 0 : i32
        %dma_wait3A_168 = tpu.memref_slice %arg5[%dma_wait3A_166, %dma_wait3A_167] : memref<640x128xf32, #tpu.memory_space<hbm>> -> memref<16x128xf32, #tpu.memory_space<hbm>>
        tpu.wait_dma2 semaphore(%run_scoped3A : memref<!tpu.dma_semaphore, #tpu.memory_space<semaphore_mem>>) src(%dma_wait3A_168 : memref<16x128xf32, #tpu.memory_space<hbm>>) dst(%dma_wait3A_165 : memref<16x128xf32, #tpu.memory_space<vmem_shared>>)
        tpu.yield
      }) : () -> ()
    } else {
    }
    %barrier3A_113 = arith.constant 0 : index
    tpu.barrier barrier_id(%barrier3A_113)
    %scan3A_114 = arith.constant 0 : i32
    %scan3A_115 = arith.constant 0 : i32
    %scan3A_116 = arith.constant 25 : i32
    %scan3A_117 = arith.addi %scan3A_115, %scan3A_116 : i32
    %scan3A_118 = arith.constant 1 : i32
    %scan3A_119 = scf.for %scan3A_159 = %scan3A_115 to %scan3A_117 step %scan3A_118 iter_args(%scan3A_160 = %scan3A_114) -> (i32)  : i32 {
      %mul3A_161 = arith.constant 256 : i32
      %mul3A_162 = arith.muli %scan3A_159, %mul3A_161 : i32
      %add3A_163 = arith.constant 128 : i32
      %add3A_164 = arith.addi %mul3A_162, %add3A_163 : i32
      %dma_start3A = tpu.memref_slice %arg8[%mul3A_162] : memref<6400xi32, #tpu.memory_space<vmem>> -> memref<128xi32, #tpu.memory_space<vmem>>
      %dma_start3A_165 = arith.constant 0 : i32
      %dma_start3A_166 = arith.constant 0 : i32
      %dma_start3A_167 = tpu.memref_slice %arg2[%dma_start3A_165, %dma_start3A_166] : memref<100000x128xf32, #tpu.memory_space<hbm>> -> memref<100000x128xf32, #tpu.memory_space<hbm>>
      tpu.enqueue_indirect_dma source(%dma_start3A_167 : memref<100000x128xf32, #tpu.memory_space<hbm>>) target(%arg9 : memref<128x128xf32, #tpu.memory_space<vmem>>) offsets(%dma_start3A : memref<128xi32, #tpu.memory_space<vmem>>) semaphore(%arg14 : memref<!tpu.dma_semaphore, #tpu.memory_space<semaphore_mem>>)
      %dma_start3A_168 = tpu.memref_slice %arg8[%add3A_164] : memref<6400xi32, #tpu.memory_space<vmem>> -> memref<128xi32, #tpu.memory_space<vmem>>
      %dma_start3A_169 = arith.constant 0 : i32
      %dma_start3A_170 = arith.constant 0 : i32
      %dma_start3A_171 = tpu.memref_slice %arg2[%dma_start3A_169, %dma_start3A_170] : memref<100000x128xf32, #tpu.memory_space<hbm>> -> memref<100000x128xf32, #tpu.memory_space<hbm>>
      tpu.enqueue_indirect_dma source(%dma_start3A_171 : memref<100000x128xf32, #tpu.memory_space<hbm>>) target(%arg10 : memref<128x128xf32, #tpu.memory_space<vmem>>) offsets(%dma_start3A_168 : memref<128xi32, #tpu.memory_space<vmem>>) semaphore(%arg15 : memref<!tpu.dma_semaphore, #tpu.memory_space<semaphore_mem>>)
      %dma_wait3A = tpu.memref_slice %arg8[%mul3A_162] : memref<6400xi32, #tpu.memory_space<vmem>> -> memref<128xi32, #tpu.memory_space<vmem>>
      %dma_wait3A_172 = arith.constant 0 : i32
      %dma_wait3A_173 = arith.constant 0 : i32
      %dma_wait3A_174 = tpu.memref_slice %arg2[%dma_wait3A_172, %dma_wait3A_173] : memref<100000x128xf32, #tpu.memory_space<hbm>> -> memref<100000x128xf32, #tpu.memory_space<hbm>>
      tpu.wait_indirect_dma semaphore(%arg14 : memref<!tpu.dma_semaphore, #tpu.memory_space<semaphore_mem>>) src(%dma_wait3A_174 : memref<100000x128xf32, #tpu.memory_space<hbm>>) dst(%arg9 : memref<128x128xf32, #tpu.memory_space<vmem>>)
      %add3A_175 = arith.constant 0 : i32
      %add3A_176 = arith.addi %mul3A_162, %add3A_175 : i32
      %get3A = arith.index_cast %add3A_176 : i32 to index
      %get3A_177 = tpu.vector_load %arg7[%get3A] {strides = array<i32>} : memref<6400xi32, #tpu.memory_space<vmem>>, vector<16xi32>,
      %get3A_178 = vector.shape_cast %get3A_177 : vector<16xi32> to vector<16xi32>
      %ge3A = arith.cmpi sge, %get3A_178, %add3A_102 : vector<16xi32>
      %lt3A = arith.cmpi slt, %get3A_178, %add3A_105 : vector<16xi32>
      %and3A = arith.andi %ge3A, %lt3A : vector<16xi1>
      %sub3A = arith.subi %get3A_178, %add3A_102 : vector<16xi32>
      %select_n3A = arith.select %and3A, %sub3A, %add3A : vector<16xi1>, vector<16xi32>
      %swap3A = arith.constant 0 : index
      %swap3A_179 = tpu.vector_load %arg11[%swap3A] {strides = array<i32>} : memref<128xi32, #tpu.memory_space<vmem>>, vector<16xi32>,
      %swap3A_180 = vector.shape_cast %swap3A_179 : vector<16xi32> to vector<16xi32>
      %swap3A_181 = vector.shape_cast %select_n3A : vector<16xi32> to vector<16xi32>
      tpu.vector_store %arg11[%swap3A], %swap3A_181 {strides = array<i32>} : memref<128xi32, #tpu.memory_space<vmem>>, vector<16xi32>,
      %add3A_182 = arith.constant 16 : i32
      %add3A_183 = arith.addi %mul3A_162, %add3A_182 : i32
      %get3A_184 = arith.index_cast %add3A_183 : i32 to index
      %get3A_185 = tpu.vector_load %arg7[%get3A_184] {strides = array<i32>} : memref<6400xi32, #tpu.memory_space<vmem>>, vector<16xi32>,
      %get3A_186 = vector.shape_cast %get3A_185 : vector<16xi32> to vector<16xi32>
      %ge3A_187 = arith.cmpi sge, %get3A_186, %add3A_102 : vector<16xi32>
      %lt3A_188 = arith.cmpi slt, %get3A_186, %add3A_105 : vector<16xi32>
      %and3A_189 = arith.andi %ge3A_187, %lt3A_188 : vector<16xi1>
      %sub3A_190 = arith.subi %get3A_186, %add3A_102 : vector<16xi32>
      %select_n3A_191 = arith.select %and3A_189, %sub3A_190, %add3A : vector<16xi1>, vector<16xi32>
      %swap3A_192 = arith.constant 16 : index
      %swap3A_193 = tpu.vector_load %arg11[%swap3A_192] {strides = array<i32>} : memref<128xi32, #tpu.memory_space<vmem>>, vector<16xi32>,
      %swap3A_194 = vector.shape_cast %swap3A_193 : vector<16xi32> to vector<16xi32>
      %swap3A_195 = vector.shape_cast %select_n3A_191 : vector<16xi32> to vector<16xi32>
      tpu.vector_store %arg11[%swap3A_192], %swap3A_195 {strides = array<i32>} : memref<128xi32, #tpu.memory_space<vmem>>, vector<16xi32>,
      %add3A_196 = arith.constant 32 : i32
      %add3A_197 = arith.addi %mul3A_162, %add3A_196 : i32
      %get3A_198 = arith.index_cast %add3A_197 : i32 to index
      %get3A_199 = tpu.vector_load %arg7[%get3A_198] {strides = array<i32>} : memref<6400xi32, #tpu.memory_space<vmem>>, vector<16xi32>,
      %get3A_200 = vector.shape_cast %get3A_199 : vector<16xi32> to vector<16xi32>
      %ge3A_201 = arith.cmpi sge, %get3A_200, %add3A_102 : vector<16xi32>
      %lt3A_202 = arith.cmpi slt, %get3A_200, %add3A_105 : vector<16xi32>
      %and3A_203 = arith.andi %ge3A_201, %lt3A_202 : vector<16xi1>
      %sub3A_204 = arith.subi %get3A_200, %add3A_102 : vector<16xi32>
      %select_n3A_205 = arith.select %and3A_203, %sub3A_204, %add3A : vector<16xi1>, vector<16xi32>
      %swap3A_206 = arith.constant 32 : index
      %swap3A_207 = tpu.vector_load %arg11[%swap3A_206] {strides = array<i32>} : memref<128xi32, #tpu.memory_space<vmem>>, vector<16xi32>,
      %swap3A_208 = vector.shape_cast %swap3A_207 : vector<16xi32> to vector<16xi32>
      %swap3A_209 = vector.shape_cast %select_n3A_205 : vector<16xi32> to vector<16xi32>
      tpu.vector_store %arg11[%swap3A_206], %swap3A_209 {strides = array<i32>} : memref<128xi32, #tpu.memory_space<vmem>>, vector<16xi32>,
      %add3A_210 = arith.constant 48 : i32
      %add3A_211 = arith.addi %mul3A_162, %add3A_210 : i32
      %get3A_212 = arith.index_cast %add3A_211 : i32 to index
      %get3A_213 = tpu.vector_load %arg7[%get3A_212] {strides = array<i32>} : memref<6400xi32, #tpu.memory_space<vmem>>, vector<16xi32>,
      %get3A_214 = vector.shape_cast %get3A_213 : vector<16xi32> to vector<16xi32>
      %ge3A_215 = arith.cmpi sge, %get3A_214, %add3A_102 : vector<16xi32>
      %lt3A_216 = arith.cmpi slt, %get3A_214, %add3A_105 : vector<16xi32>
      %and3A_217 = arith.andi %ge3A_215, %lt3A_216 : vector<16xi1>
      %sub3A_218 = arith.subi %get3A_214, %add3A_102 : vector<16xi32>
      %select_n3A_219 = arith.select %and3A_217, %sub3A_218, %add3A : vector<16xi1>, vector<16xi32>
      %swap3A_220 = arith.constant 48 : index
      %swap3A_221 = tpu.vector_load %arg11[%swap3A_220] {strides = array<i32>} : memref<128xi32, #tpu.memory_space<vmem>>, vector<16xi32>,
      %swap3A_222 = vector.shape_cast %swap3A_221 : vector<16xi32> to vector<16xi32>
      %swap3A_223 = vector.shape_cast %select_n3A_219 : vector<16xi32> to vector<16xi32>
      tpu.vector_store %arg11[%swap3A_220], %swap3A_223 {strides = array<i32>} : memref<128xi32, #tpu.memory_space<vmem>>, vector<16xi32>,
      %add3A_224 = arith.constant 64 : i32
      %add3A_225 = arith.addi %mul3A_162, %add3A_224 : i32
      %get3A_226 = arith.index_cast %add3A_225 : i32 to index
      %get3A_227 = tpu.vector_load %arg7[%get3A_226] {strides = array<i32>} : memref<6400xi32, #tpu.memory_space<vmem>>, vector<16xi32>,
      %get3A_228 = vector.shape_cast %get3A_227 : vector<16xi32> to vector<16xi32>
      %ge3A_229 = arith.cmpi sge, %get3A_228, %add3A_102 : vector<16xi32>
      %lt3A_230 = arith.cmpi slt, %get3A_228, %add3A_105 : vector<16xi32>
      %and3A_231 = arith.andi %ge3A_229, %lt3A_230 : vector<16xi1>
      %sub3A_232 = arith.subi %get3A_228, %add3A_102 : vector<16xi32>
      %select_n3A_233 = arith.select %and3A_231, %sub3A_232, %add3A : vector<16xi1>, vector<16xi32>
      %swap3A_234 = arith.constant 64 : index
      %swap3A_235 = tpu.vector_load %arg11[%swap3A_234] {strides = array<i32>} : memref<128xi32, #tpu.memory_space<vmem>>, vector<16xi32>,
      %swap3A_236 = vector.shape_cast %swap3A_235 : vector<16xi32> to vector<16xi32>
      %swap3A_237 = vector.shape_cast %select_n3A_233 : vector<16xi32> to vector<16xi32>
      tpu.vector_store %arg11[%swap3A_234], %swap3A_237 {strides = array<i32>} : memref<128xi32, #tpu.memory_space<vmem>>, vector<16xi32>,
      %add3A_238 = arith.constant 80 : i32
      %add3A_239 = arith.addi %mul3A_162, %add3A_238 : i32
      %get3A_240 = arith.index_cast %add3A_239 : i32 to index
      %get3A_241 = tpu.vector_load %arg7[%get3A_240] {strides = array<i32>} : memref<6400xi32, #tpu.memory_space<vmem>>, vector<16xi32>,
      %get3A_242 = vector.shape_cast %get3A_241 : vector<16xi32> to vector<16xi32>
      %ge3A_243 = arith.cmpi sge, %get3A_242, %add3A_102 : vector<16xi32>
      %lt3A_244 = arith.cmpi slt, %get3A_242, %add3A_105 : vector<16xi32>
      %and3A_245 = arith.andi %ge3A_243, %lt3A_244 : vector<16xi1>
      %sub3A_246 = arith.subi %get3A_242, %add3A_102 : vector<16xi32>
      %select_n3A_247 = arith.select %and3A_245, %sub3A_246, %add3A : vector<16xi1>, vector<16xi32>
      %swap3A_248 = arith.constant 80 : index
      %swap3A_249 = tpu.vector_load %arg11[%swap3A_248] {strides = array<i32>} : memref<128xi32, #tpu.memory_space<vmem>>, vector<16xi32>,
      %swap3A_250 = vector.shape_cast %swap3A_249 : vector<16xi32> to vector<16xi32>
      %swap3A_251 = vector.shape_cast %select_n3A_247 : vector<16xi32> to vector<16xi32>
      tpu.vector_store %arg11[%swap3A_248], %swap3A_251 {strides = array<i32>} : memref<128xi32, #tpu.memory_space<vmem>>, vector<16xi32>,
      %add3A_252 = arith.constant 96 : i32
      %add3A_253 = arith.addi %mul3A_162, %add3A_252 : i32
      %get3A_254 = arith.index_cast %add3A_253 : i32 to index
      %get3A_255 = tpu.vector_load %arg7[%get3A_254] {strides = array<i32>} : memref<6400xi32, #tpu.memory_space<vmem>>, vector<16xi32>,
      %get3A_256 = vector.shape_cast %get3A_255 : vector<16xi32> to vector<16xi32>
      %ge3A_257 = arith.cmpi sge, %get3A_256, %add3A_102 : vector<16xi32>
      %lt3A_258 = arith.cmpi slt, %get3A_256, %add3A_105 : vector<16xi32>
      %and3A_259 = arith.andi %ge3A_257, %lt3A_258 : vector<16xi1>
      %sub3A_260 = arith.subi %get3A_256, %add3A_102 : vector<16xi32>
      %select_n3A_261 = arith.select %and3A_259, %sub3A_260, %add3A : vector<16xi1>, vector<16xi32>
      %swap3A_262 = arith.constant 96 : index
      %swap3A_263 = tpu.vector_load %arg11[%swap3A_262] {strides = array<i32>} : memref<128xi32, #tpu.memory_space<vmem>>, vector<16xi32>,
      %swap3A_264 = vector.shape_cast %swap3A_263 : vector<16xi32> to vector<16xi32>
      %swap3A_265 = vector.shape_cast %select_n3A_261 : vector<16xi32> to vector<16xi32>
      tpu.vector_store %arg11[%swap3A_262], %swap3A_265 {strides = array<i32>} : memref<128xi32, #tpu.memory_space<vmem>>, vector<16xi32>,
      %add3A_266 = arith.constant 112 : i32
      %add3A_267 = arith.addi %mul3A_162, %add3A_266 : i32
      %get3A_268 = arith.index_cast %add3A_267 : i32 to index
      %get3A_269 = tpu.vector_load %arg7[%get3A_268] {strides = array<i32>} : memref<6400xi32, #tpu.memory_space<vmem>>, vector<16xi32>,
      %get3A_270 = vector.shape_cast %get3A_269 : vector<16xi32> to vector<16xi32>
      %ge3A_271 = arith.cmpi sge, %get3A_270, %add3A_102 : vector<16xi32>
      %lt3A_272 = arith.cmpi slt, %get3A_270, %add3A_105 : vector<16xi32>
      %and3A_273 = arith.andi %ge3A_271, %lt3A_272 : vector<16xi1>
      %sub3A_274 = arith.subi %get3A_270, %add3A_102 : vector<16xi32>
      %select_n3A_275 = arith.select %and3A_273, %sub3A_274, %add3A : vector<16xi1>, vector<16xi32>
      %swap3A_276 = arith.constant 112 : index
      %swap3A_277 = tpu.vector_load %arg11[%swap3A_276] {strides = array<i32>} : memref<128xi32, #tpu.memory_space<vmem>>, vector<16xi32>,
      %swap3A_278 = vector.shape_cast %swap3A_277 : vector<16xi32> to vector<16xi32>
      %swap3A_279 = vector.shape_cast %select_n3A_275 : vector<16xi32> to vector<16xi32>
      tpu.vector_store %arg11[%swap3A_276], %swap3A_279 {strides = array<i32>} : memref<128xi32, #tpu.memory_space<vmem>>, vector<16xi32>,
      %dma_start3A_280 = arith.constant 0 : i32
      %dma_start3A_281 = arith.constant 0 : i32
      %dma_start3A_282 = tpu.memref_slice %arg13[%dma_start3A_280, %dma_start3A_281] : memref<10256x128xf32, #tpu.memory_space<vmem_shared>> -> memref<10256x128xf32, #tpu.memory_space<vmem_shared>>
      tpu.enqueue_indirect_dma source(%arg9 : memref<128x128xf32, #tpu.memory_space<vmem>>) target(%dma_start3A_282 : memref<10256x128xf32, #tpu.memory_space<vmem_shared>>) offsets(%arg11 : memref<128xi32, #tpu.memory_space<vmem>>) semaphore(%arg16 : memref<!tpu.dma_semaphore, #tpu.memory_space<semaphore_mem>>) {add = true}
      %dma_wait3A_283 = tpu.memref_slice %arg8[%add3A_164] : memref<6400xi32, #tpu.memory_space<vmem>> -> memref<128xi32, #tpu.memory_space<vmem>>
      %dma_wait3A_284 = arith.constant 0 : i32
      %dma_wait3A_285 = arith.constant 0 : i32
      %dma_wait3A_286 = tpu.memref_slice %arg2[%dma_wait3A_284, %dma_wait3A_285] : memref<100000x128xf32, #tpu.memory_space<hbm>> -> memref<100000x128xf32, #tpu.memory_space<hbm>>
      tpu.wait_indirect_dma semaphore(%arg15 : memref<!tpu.dma_semaphore, #tpu.memory_space<semaphore_mem>>) src(%dma_wait3A_286 : memref<100000x128xf32, #tpu.memory_space<hbm>>) dst(%arg10 : memref<128x128xf32, #tpu.memory_space<vmem>>)
      %add3A_287 = arith.constant 0 : i32
      %add3A_288 = arith.addi %add3A_164, %add3A_287 : i32
      %get3A_289 = arith.index_cast %add3A_288 : i32 to index
      %get3A_290 = tpu.vector_load %arg7[%get3A_289] {strides = array<i32>} : memref<6400xi32, #tpu.memory_space<vmem>>, vector<16xi32>,
      %get3A_291 = vector.shape_cast %get3A_290 : vector<16xi32> to vector<16xi32>
      %ge3A_292 = arith.cmpi sge, %get3A_291, %add3A_102 : vector<16xi32>
      %lt3A_293 = arith.cmpi slt, %get3A_291, %add3A_105 : vector<16xi32>
      %and3A_294 = arith.andi %ge3A_292, %lt3A_293 : vector<16xi1>
      %sub3A_295 = arith.subi %get3A_291, %add3A_102 : vector<16xi32>
      %select_n3A_296 = arith.select %and3A_294, %sub3A_295, %add3A : vector<16xi1>, vector<16xi32>
      %swap3A_297 = arith.constant 0 : index
      %swap3A_298 = tpu.vector_load %arg12[%swap3A_297] {strides = array<i32>} : memref<128xi32, #tpu.memory_space<vmem>>, vector<16xi32>,
      %swap3A_299 = vector.shape_cast %swap3A_298 : vector<16xi32> to vector<16xi32>
      %swap3A_300 = vector.shape_cast %select_n3A_296 : vector<16xi32> to vector<16xi32>
      tpu.vector_store %arg12[%swap3A_297], %swap3A_300 {strides = array<i32>} : memref<128xi32, #tpu.memory_space<vmem>>, vector<16xi32>,
      %add3A_301 = arith.constant 16 : i32
      %add3A_302 = arith.addi %add3A_164, %add3A_301 : i32
      %get3A_303 = arith.index_cast %add3A_302 : i32 to index
      %get3A_304 = tpu.vector_load %arg7[%get3A_303] {strides = array<i32>} : memref<6400xi32, #tpu.memory_space<vmem>>, vector<16xi32>,
      %get3A_305 = vector.shape_cast %get3A_304 : vector<16xi32> to vector<16xi32>
      %ge3A_306 = arith.cmpi sge, %get3A_305, %add3A_102 : vector<16xi32>
      %lt3A_307 = arith.cmpi slt, %get3A_305, %add3A_105 : vector<16xi32>
      %and3A_308 = arith.andi %ge3A_306, %lt3A_307 : vector<16xi1>
      %sub3A_309 = arith.subi %get3A_305, %add3A_102 : vector<16xi32>
      %select_n3A_310 = arith.select %and3A_308, %sub3A_309, %add3A : vector<16xi1>, vector<16xi32>
      %swap3A_311 = arith.constant 16 : index
      %swap3A_312 = tpu.vector_load %arg12[%swap3A_311] {strides = array<i32>} : memref<128xi32, #tpu.memory_space<vmem>>, vector<16xi32>,
      %swap3A_313 = vector.shape_cast %swap3A_312 : vector<16xi32> to vector<16xi32>
      %swap3A_314 = vector.shape_cast %select_n3A_310 : vector<16xi32> to vector<16xi32>
      tpu.vector_store %arg12[%swap3A_311], %swap3A_314 {strides = array<i32>} : memref<128xi32, #tpu.memory_space<vmem>>, vector<16xi32>,
      %add3A_315 = arith.constant 32 : i32
      %add3A_316 = arith.addi %add3A_164, %add3A_315 : i32
      %get3A_317 = arith.index_cast %add3A_316 : i32 to index
      %get3A_318 = tpu.vector_load %arg7[%get3A_317] {strides = array<i32>} : memref<6400xi32, #tpu.memory_space<vmem>>, vector<16xi32>,
      %get3A_319 = vector.shape_cast %get3A_318 : vector<16xi32> to vector<16xi32>
      %ge3A_320 = arith.cmpi sge, %get3A_319, %add3A_102 : vector<16xi32>
      %lt3A_321 = arith.cmpi slt, %get3A_319, %add3A_105 : vector<16xi32>
      %and3A_322 = arith.andi %ge3A_320, %lt3A_321 : vector<16xi1>
      %sub3A_323 = arith.subi %get3A_319, %add3A_102 : vector<16xi32>
      %select_n3A_324 = arith.select %and3A_322, %sub3A_323, %add3A : vector<16xi1>, vector<16xi32>
      %swap3A_325 = arith.constant 32 : index
      %swap3A_326 = tpu.vector_load %arg12[%swap3A_325] {strides = array<i32>} : memref<128xi32, #tpu.memory_space<vmem>>, vector<16xi32>,
      %swap3A_327 = vector.shape_cast %swap3A_326 : vector<16xi32> to vector<16xi32>
      %swap3A_328 = vector.shape_cast %select_n3A_324 : vector<16xi32> to vector<16xi32>
      tpu.vector_store %arg12[%swap3A_325], %swap3A_328 {strides = array<i32>} : memref<128xi32, #tpu.memory_space<vmem>>, vector<16xi32>,
      %add3A_329 = arith.constant 48 : i32
      %add3A_330 = arith.addi %add3A_164, %add3A_329 : i32
      %get3A_331 = arith.index_cast %add3A_330 : i32 to index
      %get3A_332 = tpu.vector_load %arg7[%get3A_331] {strides = array<i32>} : memref<6400xi32, #tpu.memory_space<vmem>>, vector<16xi32>,
      %get3A_333 = vector.shape_cast %get3A_332 : vector<16xi32> to vector<16xi32>
      %ge3A_334 = arith.cmpi sge, %get3A_333, %add3A_102 : vector<16xi32>
      %lt3A_335 = arith.cmpi slt, %get3A_333, %add3A_105 : vector<16xi32>
      %and3A_336 = arith.andi %ge3A_334, %lt3A_335 : vector<16xi1>
      %sub3A_337 = arith.subi %get3A_333, %add3A_102 : vector<16xi32>
      %select_n3A_338 = arith.select %and3A_336, %sub3A_337, %add3A : vector<16xi1>, vector<16xi32>
      %swap3A_339 = arith.constant 48 : index
      %swap3A_340 = tpu.vector_load %arg12[%swap3A_339] {strides = array<i32>} : memref<128xi32, #tpu.memory_space<vmem>>, vector<16xi32>,
      %swap3A_341 = vector.shape_cast %swap3A_340 : vector<16xi32> to vector<16xi32>
      %swap3A_342 = vector.shape_cast %select_n3A_338 : vector<16xi32> to vector<16xi32>
      tpu.vector_store %arg12[%swap3A_339], %swap3A_342 {strides = array<i32>} : memref<128xi32, #tpu.memory_space<vmem>>, vector<16xi32>,
      %add3A_343 = arith.constant 64 : i32
      %add3A_344 = arith.addi %add3A_164, %add3A_343 : i32
      %get3A_345 = arith.index_cast %add3A_344 : i32 to index
      %get3A_346 = tpu.vector_load %arg7[%get3A_345] {strides = array<i32>} : memref<6400xi32, #tpu.memory_space<vmem>>, vector<16xi32>,
      %get3A_347 = vector.shape_cast %get3A_346 : vector<16xi32> to vector<16xi32>
      %ge3A_348 = arith.cmpi sge, %get3A_347, %add3A_102 : vector<16xi32>
      %lt3A_349 = arith.cmpi slt, %get3A_347, %add3A_105 : vector<16xi32>
      %and3A_350 = arith.andi %ge3A_348, %lt3A_349 : vector<16xi1>
      %sub3A_351 = arith.subi %get3A_347, %add3A_102 : vector<16xi32>
      %select_n3A_352 = arith.select %and3A_350, %sub3A_351, %add3A : vector<16xi1>, vector<16xi32>
      %swap3A_353 = arith.constant 64 : index
      %swap3A_354 = tpu.vector_load %arg12[%swap3A_353] {strides = array<i32>} : memref<128xi32, #tpu.memory_space<vmem>>, vector<16xi32>,
      %swap3A_355 = vector.shape_cast %swap3A_354 : vector<16xi32> to vector<16xi32>
      %swap3A_356 = vector.shape_cast %select_n3A_352 : vector<16xi32> to vector<16xi32>
      tpu.vector_store %arg12[%swap3A_353], %swap3A_356 {strides = array<i32>} : memref<128xi32, #tpu.memory_space<vmem>>, vector<16xi32>,
      %add3A_357 = arith.constant 80 : i32
      %add3A_358 = arith.addi %add3A_164, %add3A_357 : i32
      %get3A_359 = arith.index_cast %add3A_358 : i32 to index
      %get3A_360 = tpu.vector_load %arg7[%get3A_359] {strides = array<i32>} : memref<6400xi32, #tpu.memory_space<vmem>>, vector<16xi32>,
      %get3A_361 = vector.shape_cast %get3A_360 : vector<16xi32> to vector<16xi32>
      %ge3A_362 = arith.cmpi sge, %get3A_361, %add3A_102 : vector<16xi32>
      %lt3A_363 = arith.cmpi slt, %get3A_361, %add3A_105 : vector<16xi32>
      %and3A_364 = arith.andi %ge3A_362, %lt3A_363 : vector<16xi1>
      %sub3A_365 = arith.subi %get3A_361, %add3A_102 : vector<16xi32>
      %select_n3A_366 = arith.select %and3A_364, %sub3A_365, %add3A : vector<16xi1>, vector<16xi32>
      %swap3A_367 = arith.constant 80 : index
      %swap3A_368 = tpu.vector_load %arg12[%swap3A_367] {strides = array<i32>} : memref<128xi32, #tpu.memory_space<vmem>>, vector<16xi32>,
      %swap3A_369 = vector.shape_cast %swap3A_368 : vector<16xi32> to vector<16xi32>
      %swap3A_370 = vector.shape_cast %select_n3A_366 : vector<16xi32> to vector<16xi32>
      tpu.vector_store %arg12[%swap3A_367], %swap3A_370 {strides = array<i32>} : memref<128xi32, #tpu.memory_space<vmem>>, vector<16xi32>,
      %add3A_371 = arith.constant 96 : i32
      %add3A_372 = arith.addi %add3A_164, %add3A_371 : i32
      %get3A_373 = arith.index_cast %add3A_372 : i32 to index
      %get3A_374 = tpu.vector_load %arg7[%get3A_373] {strides = array<i32>} : memref<6400xi32, #tpu.memory_space<vmem>>, vector<16xi32>,
      %get3A_375 = vector.shape_cast %get3A_374 : vector<16xi32> to vector<16xi32>
      %ge3A_376 = arith.cmpi sge, %get3A_375, %add3A_102 : vector<16xi32>
      %lt3A_377 = arith.cmpi slt, %get3A_375, %add3A_105 : vector<16xi32>
      %and3A_378 = arith.andi %ge3A_376, %lt3A_377 : vector<16xi1>
      %sub3A_379 = arith.subi %get3A_375, %add3A_102 : vector<16xi32>
      %select_n3A_380 = arith.select %and3A_378, %sub3A_379, %add3A : vector<16xi1>, vector<16xi32>
      %swap3A_381 = arith.constant 96 : index
      %swap3A_382 = tpu.vector_load %arg12[%swap3A_381] {strides = array<i32>} : memref<128xi32, #tpu.memory_space<vmem>>, vector<16xi32>,
      %swap3A_383 = vector.shape_cast %swap3A_382 : vector<16xi32> to vector<16xi32>
      %swap3A_384 = vector.shape_cast %select_n3A_380 : vector<16xi32> to vector<16xi32>
      tpu.vector_store %arg12[%swap3A_381], %swap3A_384 {strides = array<i32>} : memref<128xi32, #tpu.memory_space<vmem>>, vector<16xi32>,
      %add3A_385 = arith.constant 112 : i32
      %add3A_386 = arith.addi %add3A_164, %add3A_385 : i32
      %get3A_387 = arith.index_cast %add3A_386 : i32 to index
      %get3A_388 = tpu.vector_load %arg7[%get3A_387] {strides = array<i32>} : memref<6400xi32, #tpu.memory_space<vmem>>, vector<16xi32>,
      %get3A_389 = vector.shape_cast %get3A_388 : vector<16xi32> to vector<16xi32>
      %ge3A_390 = arith.cmpi sge, %get3A_389, %add3A_102 : vector<16xi32>
      %lt3A_391 = arith.cmpi slt, %get3A_389, %add3A_105 : vector<16xi32>
      %and3A_392 = arith.andi %ge3A_390, %lt3A_391 : vector<16xi1>
      %sub3A_393 = arith.subi %get3A_389, %add3A_102 : vector<16xi32>
      %select_n3A_394 = arith.select %and3A_392, %sub3A_393, %add3A : vector<16xi1>, vector<16xi32>
      %swap3A_395 = arith.constant 112 : index
      %swap3A_396 = tpu.vector_load %arg12[%swap3A_395] {strides = array<i32>} : memref<128xi32, #tpu.memory_space<vmem>>, vector<16xi32>,
      %swap3A_397 = vector.shape_cast %swap3A_396 : vector<16xi32> to vector<16xi32>
      %swap3A_398 = vector.shape_cast %select_n3A_394 : vector<16xi32> to vector<16xi32>
      tpu.vector_store %arg12[%swap3A_395], %swap3A_398 {strides = array<i32>} : memref<128xi32, #tpu.memory_space<vmem>>, vector<16xi32>,
      %dma_start3A_399 = arith.constant 0 : i32
      %dma_start3A_400 = arith.constant 0 : i32
      %dma_start3A_401 = tpu.memref_slice %arg13[%dma_start3A_399, %dma_start3A_400] : memref<10256x128xf32, #tpu.memory_space<vmem_shared>> -> memref<10256x128xf32, #tpu.memory_space<vmem_shared>>
      tpu.enqueue_indirect_dma source(%arg10 : memref<128x128xf32, #tpu.memory_space<vmem>>) target(%dma_start3A_401 : memref<10256x128xf32, #tpu.memory_space<vmem_shared>>) offsets(%arg12 : memref<128xi32, #tpu.memory_space<vmem>>) semaphore(%arg17 : memref<!tpu.dma_semaphore, #tpu.memory_space<semaphore_mem>>) {add = true}
      %dma_wait3A_402 = arith.constant 0 : i32
      %dma_wait3A_403 = arith.constant 0 : i32
      %dma_wait3A_404 = tpu.memref_slice %arg13[%dma_wait3A_402, %dma_wait3A_403] : memref<10256x128xf32, #tpu.memory_space<vmem_shared>> -> memref<128x128xf32, #tpu.memory_space<vmem_shared>>
      %dma_wait3A_405 = arith.constant 0 : i32
      %dma_wait3A_406 = arith.constant 0 : i32
      %dma_wait3A_407 = tpu.memref_slice %arg13[%dma_wait3A_405, %dma_wait3A_406] : memref<10256x128xf32, #tpu.memory_space<vmem_shared>> -> memref<128x128xf32, #tpu.memory_space<vmem_shared>>
      tpu.wait_dma2 semaphore(%arg16 : memref<!tpu.dma_semaphore, #tpu.memory_space<semaphore_mem>>) src(%arg9 : memref<128x128xf32, #tpu.memory_space<vmem>>) dst(%dma_wait3A_407 : memref<128x128xf32, #tpu.memory_space<vmem_shared>>)
      %dma_wait3A_408 = arith.constant 0 : i32
      %dma_wait3A_409 = arith.constant 0 : i32
      %dma_wait3A_410 = tpu.memref_slice %arg13[%dma_wait3A_408, %dma_wait3A_409] : memref<10256x128xf32, #tpu.memory_space<vmem_shared>> -> memref<128x128xf32, #tpu.memory_space<vmem_shared>>
      %dma_wait3A_411 = arith.constant 0 : i32
      %dma_wait3A_412 = arith.constant 0 : i32
      %dma_wait3A_413 = tpu.memref_slice %arg13[%dma_wait3A_411, %dma_wait3A_412] : memref<10256x128xf32, #tpu.memory_space<vmem_shared>> -> memref<128x128xf32, #tpu.memory_space<vmem_shared>>
      tpu.wait_dma2 semaphore(%arg17 : memref<!tpu.dma_semaphore, #tpu.memory_space<semaphore_mem>>) src(%arg10 : memref<128x128xf32, #tpu.memory_space<vmem>>) dst(%dma_wait3A_413 : memref<128x128xf32, #tpu.memory_space<vmem_shared>>)
      %scan3A_414 = arith.constant 0 : i32
      scf.yield %scan3A_414 : i32
    }
    %scan3A_120 = arith.constant 25 : i32
    %barrier3A_121 = arith.constant 0 : index
    tpu.barrier barrier_id(%barrier3A_121)
    %mul3A_122 = arith.constant 640 : i32
    %mul3A_123 = arith.muli %arg1, %mul3A_122 : i32
    %mul3A_124 = arith.constant 640 : i32
    %mul3A_125 = arith.muli %arg1, %mul3A_124 : i32
    %add3A_126 = arith.addi %mul3A_100, %mul3A_125 : i32
    "tpu.region"() ({
      %run_scoped3A = tpu.sem_alloc : memref<!tpu.dma_semaphore, #tpu.memory_space<semaphore_mem>>
      %dma_start3A = arith.constant 0 : i32
      %dma_start3A_159 = tpu.memref_slice %arg6[%add3A_126, %dma_start3A] : memref<102400x128xf32, #tpu.memory_space<hbm>> -> memref<640x128xf32, #tpu.memory_space<hbm>>
      %dma_start3A_160 = arith.constant 0 : i32
      %dma_start3A_161 = tpu.memref_slice %arg13[%mul3A_123, %dma_start3A_160] : memref<10256x128xf32, #tpu.memory_space<vmem_shared>> -> memref<640x128xf32, #tpu.memory_space<vmem_shared>>
      tpu.enqueue_dma source(%dma_start3A_161 : memref<640x128xf32, #tpu.memory_space<vmem_shared>>) target(%dma_start3A_159 : memref<640x128xf32, #tpu.memory_space<hbm>>) target_semaphore(%run_scoped3A : memref<!tpu.dma_semaphore, #tpu.memory_space<semaphore_mem>>)
      %dma_wait3A = arith.constant 0 : i32
      %dma_wait3A_162 = tpu.memref_slice %arg6[%add3A_126, %dma_wait3A] : memref<102400x128xf32, #tpu.memory_space<hbm>> -> memref<640x128xf32, #tpu.memory_space<hbm>>
      %dma_wait3A_163 = arith.constant 0 : i32
      %dma_wait3A_164 = tpu.memref_slice %arg13[%mul3A_123, %dma_wait3A_163] : memref<10256x128xf32, #tpu.memory_space<vmem_shared>> -> memref<640x128xf32, #tpu.memory_space<vmem_shared>>
      tpu.wait_dma2 semaphore(%run_scoped3A : memref<!tpu.dma_semaphore, #tpu.memory_space<semaphore_mem>>) src(%dma_wait3A_164 : memref<640x128xf32, #tpu.memory_space<vmem_shared>>) dst(%dma_wait3A_162 : memref<640x128xf32, #tpu.memory_space<hbm>>)
      tpu.yield
    }) : () -> ()
    %mul3A_127 = arith.constant 5 : i32
    %mul3A_128 = arith.muli %arg0, %mul3A_127 : i32
    %add3A_129 = arith.constant 4 : i32
    %add3A_130 = arith.addi %mul3A_128, %add3A_129 : i32
    %mul3A_131 = arith.constant 10240 : i32
    %mul3A_132 = arith.muli %add3A_130, %mul3A_131 : i32
    %add3A_133 = vector.broadcast %mul3A_132 : i32 to vector<16xi32>
    %add3A_134 = arith.addi %broadcast_in_dim3A_1, %add3A_133 : vector<16xi32>
    %add3A_135 = arith.constant 10240 : i32
    %add3A_136 = vector.broadcast %add3A_135 : i32 to vector<16xi32>
    %add3A_137 = arith.addi %add3A_134, %add3A_136 : vector<16xi32>
    %mul3A_138 = arith.constant 640 : i32
    %mul3A_139 = arith.muli %arg1, %mul3A_138 : i32
    "tpu.region"() ({
      %run_scoped3A = tpu.sem_alloc : memref<!tpu.dma_semaphore, #tpu.memory_space<semaphore_mem>>
      %dma_start3A = arith.constant 0 : i32
      %dma_start3A_159 = tpu.memref_slice %arg13[%mul3A_139, %dma_start3A] : memref<10256x128xf32, #tpu.memory_space<vmem_shared>> -> memref<640x128xf32, #tpu.memory_space<vmem_shared>>
      tpu.enqueue_dma source(%arg5 : memref<640x128xf32, #tpu.memory_space<hbm>>) target(%dma_start3A_159 : memref<640x128xf32, #tpu.memory_space<vmem_shared>>) target_semaphore(%run_scoped3A : memref<!tpu.dma_semaphore, #tpu.memory_space<semaphore_mem>>)
      %dma_wait3A = arith.constant 0 : i32
      %dma_wait3A_160 = tpu.memref_slice %arg13[%mul3A_139, %dma_wait3A] : memref<10256x128xf32, #tpu.memory_space<vmem_shared>> -> memref<640x128xf32, #tpu.memory_space<vmem_shared>>
      tpu.wait_dma2 semaphore(%run_scoped3A : memref<!tpu.dma_semaphore, #tpu.memory_space<semaphore_mem>>) src(%arg5 : memref<640x128xf32, #tpu.memory_space<hbm>>) dst(%dma_wait3A_160 : memref<640x128xf32, #tpu.memory_space<vmem_shared>>)
      tpu.yield
    }) : () -> ()
    %eq3A_140 = arith.constant 0 : i32
    %eq3A_141 = arith.cmpi eq, %arg1, %eq3A_140 : i32
    %convert_element_type3A_142 = arith.extui %eq3A_141 : i1 to i32
    %cond3A_143 = arith.constant 0 : i32
    %cond3A_144 = arith.cmpi ne, %convert_element_type3A_142, %cond3A_143 : i32
    scf.if %cond3A_144 {
      "tpu.region"() ({
        %run_scoped3A = tpu.sem_alloc : memref<!tpu.dma_semaphore, #tpu.memory_space<semaphore_mem>>
        %dma_start3A = arith.constant 10240 : i32
        %dma_start3A_159 = arith.constant 0 : i32
        %dma_start3A_160 = tpu.memref_slice %arg13[%dma_start3A, %dma_start3A_159] : memref<10256x128xf32, #tpu.memory_space<vmem_shared>> -> memref<16x128xf32, #tpu.memory_space<vmem_shared>>
        %dma_start3A_161 = arith.constant 0 : i32
        %dma_start3A_162 = arith.constant 0 : i32
        %dma_start3A_163 = tpu.memref_slice %arg5[%dma_start3A_161, %dma_start3A_162] : memref<640x128xf32, #tpu.memory_space<hbm>> -> memref<16x128xf32, #tpu.memory_space<hbm>>
        tpu.enqueue_dma source(%dma_start3A_163 : memref<16x128xf32, #tpu.memory_space<hbm>>) target(%dma_start3A_160 : memref<16x128xf32, #tpu.memory_space<vmem_shared>>) target_semaphore(%run_scoped3A : memref<!tpu.dma_semaphore, #tpu.memory_space<semaphore_mem>>)
        %dma_wait3A = arith.constant 10240 : i32
        %dma_wait3A_164 = arith.constant 0 : i32
        %dma_wait3A_165 = tpu.memref_slice %arg13[%dma_wait3A, %dma_wait3A_164] : memref<10256x128xf32, #tpu.memory_space<vmem_shared>> -> memref<16x128xf32, #tpu.memory_space<vmem_shared>>
        %dma_wait3A_166 = arith.constant 0 : i32
        %dma_wait3A_167 = arith.constant 0 : i32
        %dma_wait3A_168 = tpu.memref_slice %arg5[%dma_wait3A_166, %dma_wait3A_167] : memref<640x128xf32, #tpu.memory_space<hbm>> -> memref<16x128xf32, #tpu.memory_space<hbm>>
        tpu.wait_dma2 semaphore(%run_scoped3A : memref<!tpu.dma_semaphore, #tpu.memory_space<semaphore_mem>>) src(%dma_wait3A_168 : memref<16x128xf32, #tpu.memory_space<hbm>>) dst(%dma_wait3A_165 : memref<16x128xf32, #tpu.memory_space<vmem_shared>>)
        tpu.yield
      }) : () -> ()
    } else {
    }
    %barrier3A_145 = arith.constant 0 : index
    tpu.barrier barrier_id(%barrier3A_145)
    %scan3A_146 = arith.constant 0 : i32
    %scan3A_147 = arith.constant 0 : i32
    %scan3A_148 = arith.constant 25 : i32
    %scan3A_149 = arith.addi %scan3A_147, %scan3A_148 : i32
    %scan3A_150 = arith.constant 1 : i32
    %scan3A_151 = scf.for %scan3A_159 = %scan3A_147 to %scan3A_149 step %scan3A_150 iter_args(%scan3A_160 = %scan3A_146) -> (i32)  : i32 {
      %mul3A_161 = arith.constant 256 : i32
      %mul3A_162 = arith.muli %scan3A_159, %mul3A_161 : i32
      %add3A_163 = arith.constant 128 : i32
      %add3A_164 = arith.addi %mul3A_162, %add3A_163 : i32
      %dma_start3A = tpu.memref_slice %arg8[%mul3A_162] : memref<6400xi32, #tpu.memory_space<vmem>> -> memref<128xi32, #tpu.memory_space<vmem>>
      %dma_start3A_165 = arith.constant 0 : i32
      %dma_start3A_166 = arith.constant 0 : i32
      %dma_start3A_167 = tpu.memref_slice %arg2[%dma_start3A_165, %dma_start3A_166] : memref<100000x128xf32, #tpu.memory_space<hbm>> -> memref<100000x128xf32, #tpu.memory_space<hbm>>
      tpu.enqueue_indirect_dma source(%dma_start3A_167 : memref<100000x128xf32, #tpu.memory_space<hbm>>) target(%arg9 : memref<128x128xf32, #tpu.memory_space<vmem>>) offsets(%dma_start3A : memref<128xi32, #tpu.memory_space<vmem>>) semaphore(%arg14 : memref<!tpu.dma_semaphore, #tpu.memory_space<semaphore_mem>>)
      %dma_start3A_168 = tpu.memref_slice %arg8[%add3A_164] : memref<6400xi32, #tpu.memory_space<vmem>> -> memref<128xi32, #tpu.memory_space<vmem>>
      %dma_start3A_169 = arith.constant 0 : i32
      %dma_start3A_170 = arith.constant 0 : i32
      %dma_start3A_171 = tpu.memref_slice %arg2[%dma_start3A_169, %dma_start3A_170] : memref<100000x128xf32, #tpu.memory_space<hbm>> -> memref<100000x128xf32, #tpu.memory_space<hbm>>
      tpu.enqueue_indirect_dma source(%dma_start3A_171 : memref<100000x128xf32, #tpu.memory_space<hbm>>) target(%arg10 : memref<128x128xf32, #tpu.memory_space<vmem>>) offsets(%dma_start3A_168 : memref<128xi32, #tpu.memory_space<vmem>>) semaphore(%arg15 : memref<!tpu.dma_semaphore, #tpu.memory_space<semaphore_mem>>)
      %dma_wait3A = tpu.memref_slice %arg8[%mul3A_162] : memref<6400xi32, #tpu.memory_space<vmem>> -> memref<128xi32, #tpu.memory_space<vmem>>
      %dma_wait3A_172 = arith.constant 0 : i32
      %dma_wait3A_173 = arith.constant 0 : i32
      %dma_wait3A_174 = tpu.memref_slice %arg2[%dma_wait3A_172, %dma_wait3A_173] : memref<100000x128xf32, #tpu.memory_space<hbm>> -> memref<100000x128xf32, #tpu.memory_space<hbm>>
      tpu.wait_indirect_dma semaphore(%arg14 : memref<!tpu.dma_semaphore, #tpu.memory_space<semaphore_mem>>) src(%dma_wait3A_174 : memref<100000x128xf32, #tpu.memory_space<hbm>>) dst(%arg9 : memref<128x128xf32, #tpu.memory_space<vmem>>)
      %add3A_175 = arith.constant 0 : i32
      %add3A_176 = arith.addi %mul3A_162, %add3A_175 : i32
      %get3A = arith.index_cast %add3A_176 : i32 to index
      %get3A_177 = tpu.vector_load %arg7[%get3A] {strides = array<i32>} : memref<6400xi32, #tpu.memory_space<vmem>>, vector<16xi32>,
      %get3A_178 = vector.shape_cast %get3A_177 : vector<16xi32> to vector<16xi32>
      %ge3A = arith.cmpi sge, %get3A_178, %add3A_134 : vector<16xi32>
      %lt3A = arith.cmpi slt, %get3A_178, %add3A_137 : vector<16xi32>
      %and3A = arith.andi %ge3A, %lt3A : vector<16xi1>
      %sub3A = arith.subi %get3A_178, %add3A_134 : vector<16xi32>
      %select_n3A = arith.select %and3A, %sub3A, %add3A : vector<16xi1>, vector<16xi32>
      %swap3A = arith.constant 0 : index
      %swap3A_179 = tpu.vector_load %arg11[%swap3A] {strides = array<i32>} : memref<128xi32, #tpu.memory_space<vmem>>, vector<16xi32>,
      %swap3A_180 = vector.shape_cast %swap3A_179 : vector<16xi32> to vector<16xi32>
      %swap3A_181 = vector.shape_cast %select_n3A : vector<16xi32> to vector<16xi32>
      tpu.vector_store %arg11[%swap3A], %swap3A_181 {strides = array<i32>} : memref<128xi32, #tpu.memory_space<vmem>>, vector<16xi32>,
      %add3A_182 = arith.constant 16 : i32
      %add3A_183 = arith.addi %mul3A_162, %add3A_182 : i32
      %get3A_184 = arith.index_cast %add3A_183 : i32 to index
      %get3A_185 = tpu.vector_load %arg7[%get3A_184] {strides = array<i32>} : memref<6400xi32, #tpu.memory_space<vmem>>, vector<16xi32>,
      %get3A_186 = vector.shape_cast %get3A_185 : vector<16xi32> to vector<16xi32>
      %ge3A_187 = arith.cmpi sge, %get3A_186, %add3A_134 : vector<16xi32>
      %lt3A_188 = arith.cmpi slt, %get3A_186, %add3A_137 : vector<16xi32>
      %and3A_189 = arith.andi %ge3A_187, %lt3A_188 : vector<16xi1>
      %sub3A_190 = arith.subi %get3A_186, %add3A_134 : vector<16xi32>
      %select_n3A_191 = arith.select %and3A_189, %sub3A_190, %add3A : vector<16xi1>, vector<16xi32>
      %swap3A_192 = arith.constant 16 : index
      %swap3A_193 = tpu.vector_load %arg11[%swap3A_192] {strides = array<i32>} : memref<128xi32, #tpu.memory_space<vmem>>, vector<16xi32>,
      %swap3A_194 = vector.shape_cast %swap3A_193 : vector<16xi32> to vector<16xi32>
      %swap3A_195 = vector.shape_cast %select_n3A_191 : vector<16xi32> to vector<16xi32>
      tpu.vector_store %arg11[%swap3A_192], %swap3A_195 {strides = array<i32>} : memref<128xi32, #tpu.memory_space<vmem>>, vector<16xi32>,
      %add3A_196 = arith.constant 32 : i32
      %add3A_197 = arith.addi %mul3A_162, %add3A_196 : i32
      %get3A_198 = arith.index_cast %add3A_197 : i32 to index
      %get3A_199 = tpu.vector_load %arg7[%get3A_198] {strides = array<i32>} : memref<6400xi32, #tpu.memory_space<vmem>>, vector<16xi32>,
      %get3A_200 = vector.shape_cast %get3A_199 : vector<16xi32> to vector<16xi32>
      %ge3A_201 = arith.cmpi sge, %get3A_200, %add3A_134 : vector<16xi32>
      %lt3A_202 = arith.cmpi slt, %get3A_200, %add3A_137 : vector<16xi32>
      %and3A_203 = arith.andi %ge3A_201, %lt3A_202 : vector<16xi1>
      %sub3A_204 = arith.subi %get3A_200, %add3A_134 : vector<16xi32>
      %select_n3A_205 = arith.select %and3A_203, %sub3A_204, %add3A : vector<16xi1>, vector<16xi32>
      %swap3A_206 = arith.constant 32 : index
      %swap3A_207 = tpu.vector_load %arg11[%swap3A_206] {strides = array<i32>} : memref<128xi32, #tpu.memory_space<vmem>>, vector<16xi32>,
      %swap3A_208 = vector.shape_cast %swap3A_207 : vector<16xi32> to vector<16xi32>
      %swap3A_209 = vector.shape_cast %select_n3A_205 : vector<16xi32> to vector<16xi32>
      tpu.vector_store %arg11[%swap3A_206], %swap3A_209 {strides = array<i32>} : memref<128xi32, #tpu.memory_space<vmem>>, vector<16xi32>,
      %add3A_210 = arith.constant 48 : i32
      %add3A_211 = arith.addi %mul3A_162, %add3A_210 : i32
      %get3A_212 = arith.index_cast %add3A_211 : i32 to index
      %get3A_213 = tpu.vector_load %arg7[%get3A_212] {strides = array<i32>} : memref<6400xi32, #tpu.memory_space<vmem>>, vector<16xi32>,
      %get3A_214 = vector.shape_cast %get3A_213 : vector<16xi32> to vector<16xi32>
      %ge3A_215 = arith.cmpi sge, %get3A_214, %add3A_134 : vector<16xi32>
      %lt3A_216 = arith.cmpi slt, %get3A_214, %add3A_137 : vector<16xi32>
      %and3A_217 = arith.andi %ge3A_215, %lt3A_216 : vector<16xi1>
      %sub3A_218 = arith.subi %get3A_214, %add3A_134 : vector<16xi32>
      %select_n3A_219 = arith.select %and3A_217, %sub3A_218, %add3A : vector<16xi1>, vector<16xi32>
      %swap3A_220 = arith.constant 48 : index
      %swap3A_221 = tpu.vector_load %arg11[%swap3A_220] {strides = array<i32>} : memref<128xi32, #tpu.memory_space<vmem>>, vector<16xi32>,
      %swap3A_222 = vector.shape_cast %swap3A_221 : vector<16xi32> to vector<16xi32>
      %swap3A_223 = vector.shape_cast %select_n3A_219 : vector<16xi32> to vector<16xi32>
      tpu.vector_store %arg11[%swap3A_220], %swap3A_223 {strides = array<i32>} : memref<128xi32, #tpu.memory_space<vmem>>, vector<16xi32>,
      %add3A_224 = arith.constant 64 : i32
      %add3A_225 = arith.addi %mul3A_162, %add3A_224 : i32
      %get3A_226 = arith.index_cast %add3A_225 : i32 to index
      %get3A_227 = tpu.vector_load %arg7[%get3A_226] {strides = array<i32>} : memref<6400xi32, #tpu.memory_space<vmem>>, vector<16xi32>,
      %get3A_228 = vector.shape_cast %get3A_227 : vector<16xi32> to vector<16xi32>
      %ge3A_229 = arith.cmpi sge, %get3A_228, %add3A_134 : vector<16xi32>
      %lt3A_230 = arith.cmpi slt, %get3A_228, %add3A_137 : vector<16xi32>
      %and3A_231 = arith.andi %ge3A_229, %lt3A_230 : vector<16xi1>
      %sub3A_232 = arith.subi %get3A_228, %add3A_134 : vector<16xi32>
      %select_n3A_233 = arith.select %and3A_231, %sub3A_232, %add3A : vector<16xi1>, vector<16xi32>
      %swap3A_234 = arith.constant 64 : index
      %swap3A_235 = tpu.vector_load %arg11[%swap3A_234] {strides = array<i32>} : memref<128xi32, #tpu.memory_space<vmem>>, vector<16xi32>,
      %swap3A_236 = vector.shape_cast %swap3A_235 : vector<16xi32> to vector<16xi32>
      %swap3A_237 = vector.shape_cast %select_n3A_233 : vector<16xi32> to vector<16xi32>
      tpu.vector_store %arg11[%swap3A_234], %swap3A_237 {strides = array<i32>} : memref<128xi32, #tpu.memory_space<vmem>>, vector<16xi32>,
      %add3A_238 = arith.constant 80 : i32
      %add3A_239 = arith.addi %mul3A_162, %add3A_238 : i32
      %get3A_240 = arith.index_cast %add3A_239 : i32 to index
      %get3A_241 = tpu.vector_load %arg7[%get3A_240] {strides = array<i32>} : memref<6400xi32, #tpu.memory_space<vmem>>, vector<16xi32>,
      %get3A_242 = vector.shape_cast %get3A_241 : vector<16xi32> to vector<16xi32>
      %ge3A_243 = arith.cmpi sge, %get3A_242, %add3A_134 : vector<16xi32>
      %lt3A_244 = arith.cmpi slt, %get3A_242, %add3A_137 : vector<16xi32>
      %and3A_245 = arith.andi %ge3A_243, %lt3A_244 : vector<16xi1>
      %sub3A_246 = arith.subi %get3A_242, %add3A_134 : vector<16xi32>
      %select_n3A_247 = arith.select %and3A_245, %sub3A_246, %add3A : vector<16xi1>, vector<16xi32>
      %swap3A_248 = arith.constant 80 : index
      %swap3A_249 = tpu.vector_load %arg11[%swap3A_248] {strides = array<i32>} : memref<128xi32, #tpu.memory_space<vmem>>, vector<16xi32>,
      %swap3A_250 = vector.shape_cast %swap3A_249 : vector<16xi32> to vector<16xi32>
      %swap3A_251 = vector.shape_cast %select_n3A_247 : vector<16xi32> to vector<16xi32>
      tpu.vector_store %arg11[%swap3A_248], %swap3A_251 {strides = array<i32>} : memref<128xi32, #tpu.memory_space<vmem>>, vector<16xi32>,
      %add3A_252 = arith.constant 96 : i32
      %add3A_253 = arith.addi %mul3A_162, %add3A_252 : i32
      %get3A_254 = arith.index_cast %add3A_253 : i32 to index
      %get3A_255 = tpu.vector_load %arg7[%get3A_254] {strides = array<i32>} : memref<6400xi32, #tpu.memory_space<vmem>>, vector<16xi32>,
      %get3A_256 = vector.shape_cast %get3A_255 : vector<16xi32> to vector<16xi32>
      %ge3A_257 = arith.cmpi sge, %get3A_256, %add3A_134 : vector<16xi32>
      %lt3A_258 = arith.cmpi slt, %get3A_256, %add3A_137 : vector<16xi32>
      %and3A_259 = arith.andi %ge3A_257, %lt3A_258 : vector<16xi1>
      %sub3A_260 = arith.subi %get3A_256, %add3A_134 : vector<16xi32>
      %select_n3A_261 = arith.select %and3A_259, %sub3A_260, %add3A : vector<16xi1>, vector<16xi32>
      %swap3A_262 = arith.constant 96 : index
      %swap3A_263 = tpu.vector_load %arg11[%swap3A_262] {strides = array<i32>} : memref<128xi32, #tpu.memory_space<vmem>>, vector<16xi32>,
      %swap3A_264 = vector.shape_cast %swap3A_263 : vector<16xi32> to vector<16xi32>
      %swap3A_265 = vector.shape_cast %select_n3A_261 : vector<16xi32> to vector<16xi32>
      tpu.vector_store %arg11[%swap3A_262], %swap3A_265 {strides = array<i32>} : memref<128xi32, #tpu.memory_space<vmem>>, vector<16xi32>,
      %add3A_266 = arith.constant 112 : i32
      %add3A_267 = arith.addi %mul3A_162, %add3A_266 : i32
      %get3A_268 = arith.index_cast %add3A_267 : i32 to index
      %get3A_269 = tpu.vector_load %arg7[%get3A_268] {strides = array<i32>} : memref<6400xi32, #tpu.memory_space<vmem>>, vector<16xi32>,
      %get3A_270 = vector.shape_cast %get3A_269 : vector<16xi32> to vector<16xi32>
      %ge3A_271 = arith.cmpi sge, %get3A_270, %add3A_134 : vector<16xi32>
      %lt3A_272 = arith.cmpi slt, %get3A_270, %add3A_137 : vector<16xi32>
      %and3A_273 = arith.andi %ge3A_271, %lt3A_272 : vector<16xi1>
      %sub3A_274 = arith.subi %get3A_270, %add3A_134 : vector<16xi32>
      %select_n3A_275 = arith.select %and3A_273, %sub3A_274, %add3A : vector<16xi1>, vector<16xi32>
      %swap3A_276 = arith.constant 112 : index
      %swap3A_277 = tpu.vector_load %arg11[%swap3A_276] {strides = array<i32>} : memref<128xi32, #tpu.memory_space<vmem>>, vector<16xi32>,
      %swap3A_278 = vector.shape_cast %swap3A_277 : vector<16xi32> to vector<16xi32>
      %swap3A_279 = vector.shape_cast %select_n3A_275 : vector<16xi32> to vector<16xi32>
      tpu.vector_store %arg11[%swap3A_276], %swap3A_279 {strides = array<i32>} : memref<128xi32, #tpu.memory_space<vmem>>, vector<16xi32>,
      %dma_start3A_280 = arith.constant 0 : i32
      %dma_start3A_281 = arith.constant 0 : i32
      %dma_start3A_282 = tpu.memref_slice %arg13[%dma_start3A_280, %dma_start3A_281] : memref<10256x128xf32, #tpu.memory_space<vmem_shared>> -> memref<10256x128xf32, #tpu.memory_space<vmem_shared>>
      tpu.enqueue_indirect_dma source(%arg9 : memref<128x128xf32, #tpu.memory_space<vmem>>) target(%dma_start3A_282 : memref<10256x128xf32, #tpu.memory_space<vmem_shared>>) offsets(%arg11 : memref<128xi32, #tpu.memory_space<vmem>>) semaphore(%arg16 : memref<!tpu.dma_semaphore, #tpu.memory_space<semaphore_mem>>) {add = true}
      %dma_wait3A_283 = tpu.memref_slice %arg8[%add3A_164] : memref<6400xi32, #tpu.memory_space<vmem>> -> memref<128xi32, #tpu.memory_space<vmem>>
      %dma_wait3A_284 = arith.constant 0 : i32
      %dma_wait3A_285 = arith.constant 0 : i32
      %dma_wait3A_286 = tpu.memref_slice %arg2[%dma_wait3A_284, %dma_wait3A_285] : memref<100000x128xf32, #tpu.memory_space<hbm>> -> memref<100000x128xf32, #tpu.memory_space<hbm>>
      tpu.wait_indirect_dma semaphore(%arg15 : memref<!tpu.dma_semaphore, #tpu.memory_space<semaphore_mem>>) src(%dma_wait3A_286 : memref<100000x128xf32, #tpu.memory_space<hbm>>) dst(%arg10 : memref<128x128xf32, #tpu.memory_space<vmem>>)
      %add3A_287 = arith.constant 0 : i32
      %add3A_288 = arith.addi %add3A_164, %add3A_287 : i32
      %get3A_289 = arith.index_cast %add3A_288 : i32 to index
      %get3A_290 = tpu.vector_load %arg7[%get3A_289] {strides = array<i32>} : memref<6400xi32, #tpu.memory_space<vmem>>, vector<16xi32>,
      %get3A_291 = vector.shape_cast %get3A_290 : vector<16xi32> to vector<16xi32>
      %ge3A_292 = arith.cmpi sge, %get3A_291, %add3A_134 : vector<16xi32>
      %lt3A_293 = arith.cmpi slt, %get3A_291, %add3A_137 : vector<16xi32>
      %and3A_294 = arith.andi %ge3A_292, %lt3A_293 : vector<16xi1>
      %sub3A_295 = arith.subi %get3A_291, %add3A_134 : vector<16xi32>
      %select_n3A_296 = arith.select %and3A_294, %sub3A_295, %add3A : vector<16xi1>, vector<16xi32>
      %swap3A_297 = arith.constant 0 : index
      %swap3A_298 = tpu.vector_load %arg12[%swap3A_297] {strides = array<i32>} : memref<128xi32, #tpu.memory_space<vmem>>, vector<16xi32>,
      %swap3A_299 = vector.shape_cast %swap3A_298 : vector<16xi32> to vector<16xi32>
      %swap3A_300 = vector.shape_cast %select_n3A_296 : vector<16xi32> to vector<16xi32>
      tpu.vector_store %arg12[%swap3A_297], %swap3A_300 {strides = array<i32>} : memref<128xi32, #tpu.memory_space<vmem>>, vector<16xi32>,
      %add3A_301 = arith.constant 16 : i32
      %add3A_302 = arith.addi %add3A_164, %add3A_301 : i32
      %get3A_303 = arith.index_cast %add3A_302 : i32 to index
      %get3A_304 = tpu.vector_load %arg7[%get3A_303] {strides = array<i32>} : memref<6400xi32, #tpu.memory_space<vmem>>, vector<16xi32>,
      %get3A_305 = vector.shape_cast %get3A_304 : vector<16xi32> to vector<16xi32>
      %ge3A_306 = arith.cmpi sge, %get3A_305, %add3A_134 : vector<16xi32>
      %lt3A_307 = arith.cmpi slt, %get3A_305, %add3A_137 : vector<16xi32>
      %and3A_308 = arith.andi %ge3A_306, %lt3A_307 : vector<16xi1>
      %sub3A_309 = arith.subi %get3A_305, %add3A_134 : vector<16xi32>
      %select_n3A_310 = arith.select %and3A_308, %sub3A_309, %add3A : vector<16xi1>, vector<16xi32>
      %swap3A_311 = arith.constant 16 : index
      %swap3A_312 = tpu.vector_load %arg12[%swap3A_311] {strides = array<i32>} : memref<128xi32, #tpu.memory_space<vmem>>, vector<16xi32>,
      %swap3A_313 = vector.shape_cast %swap3A_312 : vector<16xi32> to vector<16xi32>
      %swap3A_314 = vector.shape_cast %select_n3A_310 : vector<16xi32> to vector<16xi32>
      tpu.vector_store %arg12[%swap3A_311], %swap3A_314 {strides = array<i32>} : memref<128xi32, #tpu.memory_space<vmem>>, vector<16xi32>,
      %add3A_315 = arith.constant 32 : i32
      %add3A_316 = arith.addi %add3A_164, %add3A_315 : i32
      %get3A_317 = arith.index_cast %add3A_316 : i32 to index
      %get3A_318 = tpu.vector_load %arg7[%get3A_317] {strides = array<i32>} : memref<6400xi32, #tpu.memory_space<vmem>>, vector<16xi32>,
      %get3A_319 = vector.shape_cast %get3A_318 : vector<16xi32> to vector<16xi32>
      %ge3A_320 = arith.cmpi sge, %get3A_319, %add3A_134 : vector<16xi32>
      %lt3A_321 = arith.cmpi slt, %get3A_319, %add3A_137 : vector<16xi32>
      %and3A_322 = arith.andi %ge3A_320, %lt3A_321 : vector<16xi1>
      %sub3A_323 = arith.subi %get3A_319, %add3A_134 : vector<16xi32>
      %select_n3A_324 = arith.select %and3A_322, %sub3A_323, %add3A : vector<16xi1>, vector<16xi32>
      %swap3A_325 = arith.constant 32 : index
      %swap3A_326 = tpu.vector_load %arg12[%swap3A_325] {strides = array<i32>} : memref<128xi32, #tpu.memory_space<vmem>>, vector<16xi32>,
      %swap3A_327 = vector.shape_cast %swap3A_326 : vector<16xi32> to vector<16xi32>
      %swap3A_328 = vector.shape_cast %select_n3A_324 : vector<16xi32> to vector<16xi32>
      tpu.vector_store %arg12[%swap3A_325], %swap3A_328 {strides = array<i32>} : memref<128xi32, #tpu.memory_space<vmem>>, vector<16xi32>,
      %add3A_329 = arith.constant 48 : i32
      %add3A_330 = arith.addi %add3A_164, %add3A_329 : i32
      %get3A_331 = arith.index_cast %add3A_330 : i32 to index
      %get3A_332 = tpu.vector_load %arg7[%get3A_331] {strides = array<i32>} : memref<6400xi32, #tpu.memory_space<vmem>>, vector<16xi32>,
      %get3A_333 = vector.shape_cast %get3A_332 : vector<16xi32> to vector<16xi32>
      %ge3A_334 = arith.cmpi sge, %get3A_333, %add3A_134 : vector<16xi32>
      %lt3A_335 = arith.cmpi slt, %get3A_333, %add3A_137 : vector<16xi32>
      %and3A_336 = arith.andi %ge3A_334, %lt3A_335 : vector<16xi1>
      %sub3A_337 = arith.subi %get3A_333, %add3A_134 : vector<16xi32>
      %select_n3A_338 = arith.select %and3A_336, %sub3A_337, %add3A : vector<16xi1>, vector<16xi32>
      %swap3A_339 = arith.constant 48 : index
      %swap3A_340 = tpu.vector_load %arg12[%swap3A_339] {strides = array<i32>} : memref<128xi32, #tpu.memory_space<vmem>>, vector<16xi32>,
      %swap3A_341 = vector.shape_cast %swap3A_340 : vector<16xi32> to vector<16xi32>
      %swap3A_342 = vector.shape_cast %select_n3A_338 : vector<16xi32> to vector<16xi32>
      tpu.vector_store %arg12[%swap3A_339], %swap3A_342 {strides = array<i32>} : memref<128xi32, #tpu.memory_space<vmem>>, vector<16xi32>,
      %add3A_343 = arith.constant 64 : i32
      %add3A_344 = arith.addi %add3A_164, %add3A_343 : i32
      %get3A_345 = arith.index_cast %add3A_344 : i32 to index
      %get3A_346 = tpu.vector_load %arg7[%get3A_345] {strides = array<i32>} : memref<6400xi32, #tpu.memory_space<vmem>>, vector<16xi32>,
      %get3A_347 = vector.shape_cast %get3A_346 : vector<16xi32> to vector<16xi32>
      %ge3A_348 = arith.cmpi sge, %get3A_347, %add3A_134 : vector<16xi32>
      %lt3A_349 = arith.cmpi slt, %get3A_347, %add3A_137 : vector<16xi32>
      %and3A_350 = arith.andi %ge3A_348, %lt3A_349 : vector<16xi1>
      %sub3A_351 = arith.subi %get3A_347, %add3A_134 : vector<16xi32>
      %select_n3A_352 = arith.select %and3A_350, %sub3A_351, %add3A : vector<16xi1>, vector<16xi32>
      %swap3A_353 = arith.constant 64 : index
      %swap3A_354 = tpu.vector_load %arg12[%swap3A_353] {strides = array<i32>} : memref<128xi32, #tpu.memory_space<vmem>>, vector<16xi32>,
      %swap3A_355 = vector.shape_cast %swap3A_354 : vector<16xi32> to vector<16xi32>
      %swap3A_356 = vector.shape_cast %select_n3A_352 : vector<16xi32> to vector<16xi32>
      tpu.vector_store %arg12[%swap3A_353], %swap3A_356 {strides = array<i32>} : memref<128xi32, #tpu.memory_space<vmem>>, vector<16xi32>,
      %add3A_357 = arith.constant 80 : i32
      %add3A_358 = arith.addi %add3A_164, %add3A_357 : i32
      %get3A_359 = arith.index_cast %add3A_358 : i32 to index
      %get3A_360 = tpu.vector_load %arg7[%get3A_359] {strides = array<i32>} : memref<6400xi32, #tpu.memory_space<vmem>>, vector<16xi32>,
      %get3A_361 = vector.shape_cast %get3A_360 : vector<16xi32> to vector<16xi32>
      %ge3A_362 = arith.cmpi sge, %get3A_361, %add3A_134 : vector<16xi32>
      %lt3A_363 = arith.cmpi slt, %get3A_361, %add3A_137 : vector<16xi32>
      %and3A_364 = arith.andi %ge3A_362, %lt3A_363 : vector<16xi1>
      %sub3A_365 = arith.subi %get3A_361, %add3A_134 : vector<16xi32>
      %select_n3A_366 = arith.select %and3A_364, %sub3A_365, %add3A : vector<16xi1>, vector<16xi32>
      %swap3A_367 = arith.constant 80 : index
      %swap3A_368 = tpu.vector_load %arg12[%swap3A_367] {strides = array<i32>} : memref<128xi32, #tpu.memory_space<vmem>>, vector<16xi32>,
      %swap3A_369 = vector.shape_cast %swap3A_368 : vector<16xi32> to vector<16xi32>
      %swap3A_370 = vector.shape_cast %select_n3A_366 : vector<16xi32> to vector<16xi32>
      tpu.vector_store %arg12[%swap3A_367], %swap3A_370 {strides = array<i32>} : memref<128xi32, #tpu.memory_space<vmem>>, vector<16xi32>,
      %add3A_371 = arith.constant 96 : i32
      %add3A_372 = arith.addi %add3A_164, %add3A_371 : i32
      %get3A_373 = arith.index_cast %add3A_372 : i32 to index
      %get3A_374 = tpu.vector_load %arg7[%get3A_373] {strides = array<i32>} : memref<6400xi32, #tpu.memory_space<vmem>>, vector<16xi32>,
      %get3A_375 = vector.shape_cast %get3A_374 : vector<16xi32> to vector<16xi32>
      %ge3A_376 = arith.cmpi sge, %get3A_375, %add3A_134 : vector<16xi32>
      %lt3A_377 = arith.cmpi slt, %get3A_375, %add3A_137 : vector<16xi32>
      %and3A_378 = arith.andi %ge3A_376, %lt3A_377 : vector<16xi1>
      %sub3A_379 = arith.subi %get3A_375, %add3A_134 : vector<16xi32>
      %select_n3A_380 = arith.select %and3A_378, %sub3A_379, %add3A : vector<16xi1>, vector<16xi32>
      %swap3A_381 = arith.constant 96 : index
      %swap3A_382 = tpu.vector_load %arg12[%swap3A_381] {strides = array<i32>} : memref<128xi32, #tpu.memory_space<vmem>>, vector<16xi32>,
      %swap3A_383 = vector.shape_cast %swap3A_382 : vector<16xi32> to vector<16xi32>
      %swap3A_384 = vector.shape_cast %select_n3A_380 : vector<16xi32> to vector<16xi32>
      tpu.vector_store %arg12[%swap3A_381], %swap3A_384 {strides = array<i32>} : memref<128xi32, #tpu.memory_space<vmem>>, vector<16xi32>,
      %add3A_385 = arith.constant 112 : i32
      %add3A_386 = arith.addi %add3A_164, %add3A_385 : i32
      %get3A_387 = arith.index_cast %add3A_386 : i32 to index
      %get3A_388 = tpu.vector_load %arg7[%get3A_387] {strides = array<i32>} : memref<6400xi32, #tpu.memory_space<vmem>>, vector<16xi32>,
      %get3A_389 = vector.shape_cast %get3A_388 : vector<16xi32> to vector<16xi32>
      %ge3A_390 = arith.cmpi sge, %get3A_389, %add3A_134 : vector<16xi32>
      %lt3A_391 = arith.cmpi slt, %get3A_389, %add3A_137 : vector<16xi32>
      %and3A_392 = arith.andi %ge3A_390, %lt3A_391 : vector<16xi1>
      %sub3A_393 = arith.subi %get3A_389, %add3A_134 : vector<16xi32>
      %select_n3A_394 = arith.select %and3A_392, %sub3A_393, %add3A : vector<16xi1>, vector<16xi32>
      %swap3A_395 = arith.constant 112 : index
      %swap3A_396 = tpu.vector_load %arg12[%swap3A_395] {strides = array<i32>} : memref<128xi32, #tpu.memory_space<vmem>>, vector<16xi32>,
      %swap3A_397 = vector.shape_cast %swap3A_396 : vector<16xi32> to vector<16xi32>
      %swap3A_398 = vector.shape_cast %select_n3A_394 : vector<16xi32> to vector<16xi32>
      tpu.vector_store %arg12[%swap3A_395], %swap3A_398 {strides = array<i32>} : memref<128xi32, #tpu.memory_space<vmem>>, vector<16xi32>,
      %dma_start3A_399 = arith.constant 0 : i32
      %dma_start3A_400 = arith.constant 0 : i32
      %dma_start3A_401 = tpu.memref_slice %arg13[%dma_start3A_399, %dma_start3A_400] : memref<10256x128xf32, #tpu.memory_space<vmem_shared>> -> memref<10256x128xf32, #tpu.memory_space<vmem_shared>>
      tpu.enqueue_indirect_dma source(%arg10 : memref<128x128xf32, #tpu.memory_space<vmem>>) target(%dma_start3A_401 : memref<10256x128xf32, #tpu.memory_space<vmem_shared>>) offsets(%arg12 : memref<128xi32, #tpu.memory_space<vmem>>) semaphore(%arg17 : memref<!tpu.dma_semaphore, #tpu.memory_space<semaphore_mem>>) {add = true}
      %dma_wait3A_402 = arith.constant 0 : i32
      %dma_wait3A_403 = arith.constant 0 : i32
      %dma_wait3A_404 = tpu.memref_slice %arg13[%dma_wait3A_402, %dma_wait3A_403] : memref<10256x128xf32, #tpu.memory_space<vmem_shared>> -> memref<128x128xf32, #tpu.memory_space<vmem_shared>>
      %dma_wait3A_405 = arith.constant 0 : i32
      %dma_wait3A_406 = arith.constant 0 : i32
      %dma_wait3A_407 = tpu.memref_slice %arg13[%dma_wait3A_405, %dma_wait3A_406] : memref<10256x128xf32, #tpu.memory_space<vmem_shared>> -> memref<128x128xf32, #tpu.memory_space<vmem_shared>>
      tpu.wait_dma2 semaphore(%arg16 : memref<!tpu.dma_semaphore, #tpu.memory_space<semaphore_mem>>) src(%arg9 : memref<128x128xf32, #tpu.memory_space<vmem>>) dst(%dma_wait3A_407 : memref<128x128xf32, #tpu.memory_space<vmem_shared>>)
      %dma_wait3A_408 = arith.constant 0 : i32
      %dma_wait3A_409 = arith.constant 0 : i32
      %dma_wait3A_410 = tpu.memref_slice %arg13[%dma_wait3A_408, %dma_wait3A_409] : memref<10256x128xf32, #tpu.memory_space<vmem_shared>> -> memref<128x128xf32, #tpu.memory_space<vmem_shared>>
      %dma_wait3A_411 = arith.constant 0 : i32
      %dma_wait3A_412 = arith.constant 0 : i32
      %dma_wait3A_413 = tpu.memref_slice %arg13[%dma_wait3A_411, %dma_wait3A_412] : memref<10256x128xf32, #tpu.memory_space<vmem_shared>> -> memref<128x128xf32, #tpu.memory_space<vmem_shared>>
      tpu.wait_dma2 semaphore(%arg17 : memref<!tpu.dma_semaphore, #tpu.memory_space<semaphore_mem>>) src(%arg10 : memref<128x128xf32, #tpu.memory_space<vmem>>) dst(%dma_wait3A_413 : memref<128x128xf32, #tpu.memory_space<vmem_shared>>)
      %scan3A_414 = arith.constant 0 : i32
      scf.yield %scan3A_414 : i32
    }
    %scan3A_152 = arith.constant 25 : i32
    %barrier3A_153 = arith.constant 0 : index
    tpu.barrier barrier_id(%barrier3A_153)
    %mul3A_154 = arith.constant 640 : i32
    %mul3A_155 = arith.muli %arg1, %mul3A_154 : i32
    %mul3A_156 = arith.constant 640 : i32
    %mul3A_157 = arith.muli %arg1, %mul3A_156 : i32
    %add3A_158 = arith.addi %mul3A_132, %mul3A_157 : i32
    "tpu.region"() ({
      %run_scoped3A = tpu.sem_alloc : memref<!tpu.dma_semaphore, #tpu.memory_space<semaphore_mem>>
      %dma_start3A = arith.constant 0 : i32
      %dma_start3A_159 = tpu.memref_slice %arg6[%add3A_158, %dma_start3A] : memref<102400x128xf32, #tpu.memory_space<hbm>> -> memref<640x128xf32, #tpu.memory_space<hbm>>
      %dma_start3A_160 = arith.constant 0 : i32
      %dma_start3A_161 = tpu.memref_slice %arg13[%mul3A_155, %dma_start3A_160] : memref<10256x128xf32, #tpu.memory_space<vmem_shared>> -> memref<640x128xf32, #tpu.memory_space<vmem_shared>>
      tpu.enqueue_dma source(%dma_start3A_161 : memref<640x128xf32, #tpu.memory_space<vmem_shared>>) target(%dma_start3A_159 : memref<640x128xf32, #tpu.memory_space<hbm>>) target_semaphore(%run_scoped3A : memref<!tpu.dma_semaphore, #tpu.memory_space<semaphore_mem>>)
      %dma_wait3A = arith.constant 0 : i32
      %dma_wait3A_162 = tpu.memref_slice %arg6[%add3A_158, %dma_wait3A] : memref<102400x128xf32, #tpu.memory_space<hbm>> -> memref<640x128xf32, #tpu.memory_space<hbm>>
      %dma_wait3A_163 = arith.constant 0 : i32
      %dma_wait3A_164 = tpu.memref_slice %arg13[%mul3A_155, %dma_wait3A_163] : memref<10256x128xf32, #tpu.memory_space<vmem_shared>> -> memref<640x128xf32, #tpu.memory_space<vmem_shared>>
      tpu.wait_dma2 semaphore(%run_scoped3A : memref<!tpu.dma_semaphore, #tpu.memory_space<semaphore_mem>>) src(%dma_wait3A_164 : memref<640x128xf32, #tpu.memory_space<vmem_shared>>) dst(%dma_wait3A_162 : memref<640x128xf32, #tpu.memory_space<hbm>>)
      tpu.yield
    }) : () -> ()
    return
  }
}

module attributes {stable_mosaic.version = 14 : i64} {
  func.func @_mm_body(%arg0: i32, %arg1: memref<2048x128xf32, #tpu.memory_space<vmem>>, %arg2: memref<128x128xf32, #tpu.memory_space<vmem>>, %arg3: memref<2048x128xf32, #tpu.memory_space<vmem>>) attributes {dimension_semantics = [#tpu.dimension_semantics<arbitrary>], iteration_bounds = array<i64: 49>, scalar_prefetch = 0 : i64, scratch_operands = 0 : i64, tpu.core_type = #tpu.core_type<tc>, window_params = [{transform_indices = @transform_0, window_bounds = array<i64: 2048, 128>}, {pipeline_mode = #tpu.pipeline_mode<synchronous>, transform_indices = @transform_1, window_bounds = array<i64: 128, 128>}, {transform_indices = @transform_2, window_bounds = array<i64: 2048, 128>}]} {
    %get3A = arith.constant 0 : index
    %get3A_0 = arith.constant 0 : index
    %get3A_1 = vector.load %arg1[%get3A, %get3A_0] : memref<2048x128xf32, #tpu.memory_space<vmem>>, vector<2048x128xf32>
    %get3A_2 = arith.constant 0 : index
    %get3A_3 = arith.constant 0 : index
    %get3A_4 = vector.load %arg2[%get3A_2, %get3A_3] : memref<128x128xf32, #tpu.memory_space<vmem>>, vector<128x128xf32>
    %dot_general3A = arith.constant dense<0.000000e+00> : vector<2048x128xf32>
    %dot_general3A_5 = tpu.matmul %get3A_1, %get3A_4, %dot_general3A {dimension_numbers = #tpu.dot_dimension_numbers<[1], [0], [0], [1], [0, 0, 1, 1], [], []>, transpose_lhs_hint = false} : vector<2048x128xf32>, vector<128x128xf32>, vector<2048x128xf32> -> vector<2048x128xf32>
    %swap3A = arith.constant 0 : index
    %swap3A_6 = arith.constant 0 : index
    %swap3A_7 = vector.load %arg3[%swap3A, %swap3A_6] : memref<2048x128xf32, #tpu.memory_space<vmem>>, vector<2048x128xf32>
    tpu.vector_store %arg3[%swap3A, %swap3A_6], %dot_general3A_5 {strides = array<i32>} : memref<2048x128xf32, #tpu.memory_space<vmem>>, vector<2048x128xf32>,
    return
  }
  func.func @transform_0(%arg0: i32) -> (i32, i32) {
    %c0_i32 = arith.constant 0 : i32
    %c0_i32_0 = arith.constant 0 : i32
    return %arg0, %c0_i32 : i32, i32
  }
  func.func @transform_1(%arg0: i32) -> (i32, i32) {
    %c0_i32 = arith.constant 0 : i32
    %c0_i32_0 = arith.constant 0 : i32
    %c0_i32_1 = arith.constant 0 : i32
    return %c0_i32, %c0_i32_0 : i32, i32
  }
  func.func @transform_2(%arg0: i32) -> (i32, i32) {
    %c0_i32 = arith.constant 0 : i32
    %c0_i32_0 = arith.constant 0 : i32
    return %arg0, %c0_i32 : i32, i32
  }
}

module attributes {stable_mosaic.version = 14 : i64} {
  func.func @_softmax_body(%arg0: memref<800x128xf32, #tpu.memory_space<vmem>>, %arg1: memref<800x128xf32, #tpu.memory_space<vmem>>) attributes {dimension_semantics = [], scalar_prefetch = 0 : i64, scratch_operands = 0 : i64, tpu.core_type = #tpu.core_type<tc>} {
    %iota3A = tpu.iota {dimensions = array<i32: 0>} : vector<800x128xi32>
    %iota3A_0 = tpu.iota {dimensions = array<i32: 1>} : vector<800x128xi32>
    %mul3A = arith.constant 128 : i32
    %mul3A_1 = vector.broadcast %mul3A : i32 to vector<800x128xi32>
    %mul3A_2 = arith.muli %iota3A, %mul3A_1 : vector<800x128xi32>
    %add3A = arith.addi %mul3A_2, %iota3A_0 : vector<800x128xi32>
    %lt3A = arith.constant 100000 : i32
    %lt3A_3 = vector.broadcast %lt3A : i32 to vector<800x128xi32>
    %lt3A_4 = arith.cmpi slt, %add3A, %lt3A_3 : vector<800x128xi32>
    %get3A = arith.constant 0 : index
    %get3A_5 = arith.constant 0 : index
    %get3A_6 = vector.load %arg0[%get3A, %get3A_5] : memref<800x128xf32, #tpu.memory_space<vmem>>, vector<800x128xf32>
    %jit3A = arith.constant -1.000000e+30 : f32
    %broadcast_in_dim3A = vector.broadcast %jit3A : f32 to vector<800x128xf32>
    %select_n3A = arith.select %lt3A_4, %get3A_6, %broadcast_in_dim3A : vector<800x128xi1>, vector<800x128xf32>
    %reduce_max3A = vector.shape_cast %select_n3A : vector<800x128xf32> to vector<1x800x128xf32>
    %reduce_max3A_7 = arith.constant dense<0xFF800000> : vector<1xf32>
    %reduce_max3A_8 = vector.multi_reduction <maximumf>, %reduce_max3A, %reduce_max3A_7 [1, 2] : vector<1x800x128xf32> to vector<1xf32>
    %reduce_max3A_9 = vector.shape_cast %reduce_max3A_8 : vector<1xf32> to vector<1x1x1xf32>
    %reduce_max3A_10 = vector.extract %reduce_max3A_9[0, 0, 0] : f32 from vector<1x1x1xf32>
    %sub3A = vector.broadcast %reduce_max3A_10 : f32 to vector<800x128xf32>
    %sub3A_11 = arith.subf %select_n3A, %sub3A : vector<800x128xf32>
    %exp3A = math.exp %sub3A_11 : vector<800x128xf32>
    %jit3A_12 = arith.constant 0.000000e+00 : f32
    %broadcast_in_dim3A_13 = vector.broadcast %jit3A_12 : f32 to vector<800x128xf32>
    %select_n3A_14 = arith.select %lt3A_4, %exp3A, %broadcast_in_dim3A_13 : vector<800x128xi1>, vector<800x128xf32>
    %reduce_sum3A = vector.shape_cast %select_n3A_14 : vector<800x128xf32> to vector<1x800x128xf32>
    %reduce_sum3A_15 = arith.constant dense<0.000000e+00> : vector<1xf32>
    %reduce_sum3A_16 = vector.multi_reduction <add>, %reduce_sum3A, %reduce_sum3A_15 [1, 2] : vector<1x800x128xf32> to vector<1xf32>
    %reduce_sum3A_17 = vector.shape_cast %reduce_sum3A_16 : vector<1xf32> to vector<1x1x1xf32>
    %reduce_sum3A_18 = vector.extract %reduce_sum3A_17[0, 0, 0] : f32 from vector<1x1x1xf32>
    %div3A = arith.constant 1.000000e+00 : f32
    %div3A_19 = arith.divf %div3A, %reduce_sum3A_18 : f32
    %mul3A_20 = vector.broadcast %div3A_19 : f32 to vector<800x128xf32>
    %mul3A_21 = arith.mulf %select_n3A_14, %mul3A_20 : vector<800x128xf32>
    %swap3A = arith.constant 0 : index
    %swap3A_22 = arith.constant 0 : index
    %swap3A_23 = vector.load %arg1[%swap3A, %swap3A_22] : memref<800x128xf32, #tpu.memory_space<vmem>>, vector<800x128xf32>
    tpu.vector_store %arg1[%swap3A, %swap3A_22], %mul3A_21 {strides = array<i32>} : memref<800x128xf32, #tpu.memory_space<vmem>>, vector<800x128xf32>,
    return
  }
}

module attributes {stable_mosaic.version = 14 : i64} {
  func.func @_scores_body(%arg0: i32, %arg1: memref<2048x128xf32, #tpu.memory_space<vmem>>, %arg2: memref<1x128xf32, #tpu.memory_space<vmem>>, %arg3: memref<1x128xf32, #tpu.memory_space<vmem>>, %arg4: memref<1x128xf32, #tpu.memory_space<vmem>>, %arg5: memref<16x128xf32, #tpu.memory_space<vmem>>, %arg6: memref<16x128xf32, #tpu.memory_space<vmem>>) attributes {dimension_semantics = [#tpu.dimension_semantics<arbitrary>], iteration_bounds = array<i64: 50>, scalar_prefetch = 0 : i64, scratch_operands = 0 : i64, tpu.core_type = #tpu.core_type<tc>, window_params = [{transform_indices = @transform_0, window_bounds = array<i64: 2048, 128>}, {pipeline_mode = #tpu.pipeline_mode<synchronous>, transform_indices = @transform_1, window_bounds = array<i64: 1, 128>}, {pipeline_mode = #tpu.pipeline_mode<synchronous>, transform_indices = @transform_2, window_bounds = array<i64: 1, 128>}, {pipeline_mode = #tpu.pipeline_mode<synchronous>, transform_indices = @transform_3, window_bounds = array<i64: 1, 128>}, {transform_indices = @transform_4, window_bounds = array<i64: 16, 128>}, {transform_indices = @transform_5, window_bounds = array<i64: 16, 128>}]} {
    %get3A = arith.constant 0 : index
    %get3A_0 = arith.constant 0 : index
    %get3A_1 = vector.load %arg1[%get3A, %get3A_0] : memref<2048x128xf32, #tpu.memory_space<vmem>>, vector<2048x128xf32>
    %get3A_2 = arith.constant 0 : index
    %get3A_3 = arith.constant 0 : index
    %get3A_4 = vector.load %arg2[%get3A_2, %get3A_3] : memref<1x128xf32, #tpu.memory_space<vmem>>, vector<1x128xf32>
    %add3A = vector.broadcast %get3A_4 : vector<1x128xf32> to vector<2048x128xf32>
    %add3A_5 = arith.addf %get3A_1, %add3A : vector<2048x128xf32>
    %max3A = arith.constant 0.000000e+00 : f32
    %max3A_6 = vector.broadcast %max3A : f32 to vector<2048x128xf32>
    %max3A_7 = arith.maximumf %add3A_5, %max3A_6 : vector<2048x128xf32>
    %get3A_8 = arith.constant 0 : index
    %get3A_9 = arith.constant 0 : index
    %get3A_10 = vector.load %arg3[%get3A_8, %get3A_9] : memref<1x128xf32, #tpu.memory_space<vmem>>, vector<1x128xf32>
    %mul3A = vector.broadcast %get3A_10 : vector<1x128xf32> to vector<2048x128xf32>
    %mul3A_11 = arith.mulf %max3A_7, %mul3A : vector<2048x128xf32>
    %reduce_sum3A = arith.constant dense<0.000000e+00> : vector<2048xf32>
    %reduce_sum3A_12 = vector.multi_reduction <add>, %mul3A_11, %reduce_sum3A [1] : vector<2048x128xf32> to vector<2048xf32>
    %reshape3A = vector.shape_cast %reduce_sum3A_12 : vector<2048xf32> to vector<16x128xf32>
    %swap3A = arith.constant 0 : index
    %swap3A_13 = arith.constant 0 : index
    %swap3A_14 = vector.load %arg5[%swap3A, %swap3A_13] : memref<16x128xf32, #tpu.memory_space<vmem>>, vector<16x128xf32>
    tpu.vector_store %arg5[%swap3A, %swap3A_13], %reshape3A {strides = array<i32>} : memref<16x128xf32, #tpu.memory_space<vmem>>, vector<16x128xf32>,
    %get3A_15 = arith.constant 0 : index
    %get3A_16 = arith.constant 0 : index
    %get3A_17 = vector.load %arg4[%get3A_15, %get3A_16] : memref<1x128xf32, #tpu.memory_space<vmem>>, vector<1x128xf32>
    %mul3A_18 = vector.broadcast %get3A_17 : vector<1x128xf32> to vector<2048x128xf32>
    %mul3A_19 = arith.mulf %max3A_7, %mul3A_18 : vector<2048x128xf32>
    %reduce_sum3A_20 = arith.constant dense<0.000000e+00> : vector<2048xf32>
    %reduce_sum3A_21 = vector.multi_reduction <add>, %mul3A_19, %reduce_sum3A_20 [1] : vector<2048x128xf32> to vector<2048xf32>
    %reshape3A_22 = vector.shape_cast %reduce_sum3A_21 : vector<2048xf32> to vector<16x128xf32>
    %swap3A_23 = arith.constant 0 : index
    %swap3A_24 = arith.constant 0 : index
    %swap3A_25 = vector.load %arg6[%swap3A_23, %swap3A_24] : memref<16x128xf32, #tpu.memory_space<vmem>>, vector<16x128xf32>
    tpu.vector_store %arg6[%swap3A_23, %swap3A_24], %reshape3A_22 {strides = array<i32>} : memref<16x128xf32, #tpu.memory_space<vmem>>, vector<16x128xf32>,
    return
  }
  func.func @transform_0(%arg0: i32) -> (i32, i32) {
    %c0_i32 = arith.constant 0 : i32
    %c0_i32_0 = arith.constant 0 : i32
    return %arg0, %c0_i32 : i32, i32
  }
  func.func @transform_1(%arg0: i32) -> (i32, i32) {
    %c0_i32 = arith.constant 0 : i32
    %c0_i32_0 = arith.constant 0 : i32
    %c0_i32_1 = arith.constant 0 : i32
    return %c0_i32, %c0_i32_0 : i32, i32
  }
  func.func @transform_2(%arg0: i32) -> (i32, i32) {
    %c0_i32 = arith.constant 0 : i32
    %c0_i32_0 = arith.constant 0 : i32
    %c0_i32_1 = arith.constant 0 : i32
    return %c0_i32, %c0_i32_0 : i32, i32
  }
  func.func @transform_3(%arg0: i32) -> (i32, i32) {
    %c0_i32 = arith.constant 0 : i32
    %c0_i32_0 = arith.constant 0 : i32
    %c0_i32_1 = arith.constant 0 : i32
    return %c0_i32, %c0_i32_0 : i32, i32
  }
  func.func @transform_4(%arg0: i32) -> (i32, i32) {
    %c0_i32 = arith.constant 0 : i32
    %c0_i32_0 = arith.constant 0 : i32
    return %arg0, %c0_i32 : i32, i32
  }
  func.func @transform_5(%arg0: i32) -> (i32, i32) {
    %c0_i32 = arith.constant 0 : i32
    %c0_i32_0 = arith.constant 0 : i32
    return %arg0, %c0_i32 : i32, i32
  }
}

module attributes {stable_mosaic.version = 14 : i64} {
  func.func @_scale_body(%arg0: i32, %arg1: memref<2048x128xf32, #tpu.memory_space<vmem>>, %arg2: memref<1x128xf32, #tpu.memory_space<vmem>>, %arg3: memref<2048x1xf32, #tpu.memory_space<vmem>>, %arg4: memref<2048x128xf32, #tpu.memory_space<vmem>>) attributes {dimension_semantics = [#tpu.dimension_semantics<arbitrary>], iteration_bounds = array<i64: 49>, scalar_prefetch = 0 : i64, scratch_operands = 0 : i64, tpu.core_type = #tpu.core_type<tc>, window_params = [{transform_indices = @transform_0, window_bounds = array<i64: 2048, 128>}, {pipeline_mode = #tpu.pipeline_mode<synchronous>, transform_indices = @transform_1, window_bounds = array<i64: 1, 128>}, {transform_indices = @transform_2, window_bounds = array<i64: 2048, 1>}, {transform_indices = @transform_3, window_bounds = array<i64: 2048, 128>}]} {
    %get3A = arith.constant 0 : index
    %get3A_0 = arith.constant 0 : index
    %get3A_1 = vector.load %arg1[%get3A, %get3A_0] : memref<2048x128xf32, #tpu.memory_space<vmem>>, vector<2048x128xf32>
    %get3A_2 = arith.constant 0 : index
    %get3A_3 = arith.constant 0 : index
    %get3A_4 = vector.load %arg2[%get3A_2, %get3A_3] : memref<1x128xf32, #tpu.memory_space<vmem>>, vector<1x128xf32>
    %add3A = vector.broadcast %get3A_4 : vector<1x128xf32> to vector<2048x128xf32>
    %add3A_5 = arith.addf %get3A_1, %add3A : vector<2048x128xf32>
    %max3A = arith.constant 0.000000e+00 : f32
    %max3A_6 = vector.broadcast %max3A : f32 to vector<2048x128xf32>
    %max3A_7 = arith.maximumf %add3A_5, %max3A_6 : vector<2048x128xf32>
    %get3A_8 = arith.constant 0 : index
    %get3A_9 = arith.constant 0 : index
    %get3A_10 = vector.load %arg3[%get3A_8, %get3A_9] : memref<2048x1xf32, #tpu.memory_space<vmem>>, vector<2048x1xf32>
    %mul3A = vector.broadcast %get3A_10 : vector<2048x1xf32> to vector<2048x128xf32>
    %mul3A_11 = arith.mulf %max3A_7, %mul3A : vector<2048x128xf32>
    %swap3A = arith.constant 0 : index
    %swap3A_12 = arith.constant 0 : index
    %swap3A_13 = vector.load %arg4[%swap3A, %swap3A_12] : memref<2048x128xf32, #tpu.memory_space<vmem>>, vector<2048x128xf32>
    tpu.vector_store %arg4[%swap3A, %swap3A_12], %mul3A_11 {strides = array<i32>} : memref<2048x128xf32, #tpu.memory_space<vmem>>, vector<2048x128xf32>,
    return
  }
  func.func @transform_0(%arg0: i32) -> (i32, i32) {
    %c0_i32 = arith.constant 0 : i32
    %c0_i32_0 = arith.constant 0 : i32
    return %arg0, %c0_i32 : i32, i32
  }
  func.func @transform_1(%arg0: i32) -> (i32, i32) {
    %c0_i32 = arith.constant 0 : i32
    %c0_i32_0 = arith.constant 0 : i32
    %c0_i32_1 = arith.constant 0 : i32
    return %c0_i32, %c0_i32_0 : i32, i32
  }
  func.func @transform_2(%arg0: i32) -> (i32, i32) {
    %c0_i32 = arith.constant 0 : i32
    %c0_i32_0 = arith.constant 0 : i32
    return %arg0, %c0_i32 : i32, i32
  }
  func.func @transform_3(%arg0: i32) -> (i32, i32) {
    %c0_i32 = arith.constant 0 : i32
    %c0_i32_0 = arith.constant 0 : i32
    return %arg0, %c0_i32 : i32, i32
  }
}

</mosaic_0001>

<sc_bundles>
// kernel: kernel.11.cloned.1.call-start
scs
__scs_entry_jumppad:
0x0: {  	(pc) =	sbr.rel $0x88, $3  }
0x1: {  	(tag) =	ssettag $0x0;
	lr =	simm.s32 $0x1  }
0x2: {  	[smem:$0x3F9C] =	sst lr;
	_ =	strace $0xD0000000  }
0x3: {  	_ = 	snop  }
0x4: {  	_ = 	snop  }
0x5: {  	_ = 	snop  }
0x6: {  	_ = 	snop  }
0x7: {  	_ = 	snop  }
__scs_overlays_trampoline_lowered:
0x8: {  	[smem:$0x3FAB] =	sst s0  }
0x9: {  	[smem:$0x3FAC] =	sst s1  }
0xa: {  	[smem:$0x3FAD] =	sst s2  }
0xb: {  	[smem:$0x3FAE] =	sst s3  }
0xc: {  	[smem:$0x3FAF] =	sst s4  }
0xd: {  	[smem:$0x3FB0] =	sst s5  }
0xe: {  	[smem:$0x3FB1] =	sst s6  }
0xf: {  	[smem:$0x3FB2] =	sst s7  }
0x10: {  	[smem:$0x3FB3] =	sst s8  }
0x11: {  	[smem:$0x3FB4] =	sst s9;
	s0 =	simm.s32 @!p0 $0x0  }
0x12: {  	s1 =	sld [smem:$0x3F9A];
	s0 =	simm.s32 @p0 $0x1  }
0x13: {  	[smem:$0x3FB5] =	sst s0;
	s0 =	simm.s32 @!p1 $0x0  }
0x14: {  	s2 =	sld [smem:$0x3F99];
	s0 =	simm.s32 @p1 $0x1  }
0x15: {  	[smem:$0x3FB6] =	sst s0;
	s0 =	simm.s32 @!p2 $0x0  }
0x16: {  	s3 =	sld [smem:$0x3FDB];
	s0 =	simm.s32 @p2 $0x1  }
0x17: {  	s4 =	simm.s32 $0x1BF5;
	[smem:$0x3FB8] =	sst s0  }
0x18: {  	s0 =	sld [smem:$0x3F9B];
	_ =	swait.ge [sflag:s4], $0x0  }
0x19: {  	s7 =	sld [smem:$0x3F9C]  }
0x1a: {  	s8 =	sadd.s32 $0xFFFFE003, lr  }
0x1b: {  	s9 =	sadd.s32 $0xFFFFFEF7, lr;
	s5 =	simm.s32 $0xFFFFFFFF;
	p2 =	slt.u32 s8, $0xFFFFF086  }
0x1c: {  	p1 =	slt.u32 s9, $0xF7A;
	s5 =	simm.s32 @!p2 $0x0  }
0x1d: {  	s5 =	simm.s32 @p1 $0x1;
	p0 =	seq.s32 s7, s2  }
0x1e: {  	s7 =	smul.u32 @!p0 $0xF7A, s2;
	p2 =	seq.s32 @!p0 s5, $0x0  }
0x1f: {  	s9 =	smul.u32 $0xF7A, s1;
	s8 =	simm.s32 @!p0 $0x1BF5;
	p2 =	por !p2, p0  }
0x20: {  	[sflag:s8] =	ssyncset.s32 @!p0 $0xFFFFF086;
	s6 =	sadd.s32 @!p0 s3, s7;
	s7 =	simm.s32 @!p0 $0x108  }
0x21: {  	s3 =	sadd.s32 s3, s9;
	s6 =	sadd.s32 @!p0 $0x88, s6;
	s7 =	simm.s32 @p2 $0x1082  }
0x22: {  	[simem:s7], [sflag:s8] =	dma.local @!p0 [hbm:s6], $0xF7A  }
0x23: {  	s9 =	sor.u32 $0xD0000000, s2;
	s6 =	simm.s32 $0x108;
	_ =	swait.ge @!p0 [sflag:s8], $0x0  }
0x24: {  	s3 =	sadd.s32 $0x88, s3;
	s6 =	simm.s32 @!p1 $0x1082;
	[sflag:s4] =	ssyncset.s32 $0xFFFFF086  }
0x25: {  	[simem:s6], [sflag:s4] =	dma.local [hbm:s3], $0xF7A  }
0x26: {  	[smem:$0x3F9C] =	sst s1;
	(tag) =	ssettag s2;
	_ =	strace s9  }
0x27: {  	s1 =	sld [smem:$0x3FAC]  }
0x28: {  	s2 =	sld [smem:$0x3FAD]  }
0x29: {  	s4 =	sld [smem:$0x3FAF]  }
0x2a: {  	p0 =	seq.s32 s5, $0x0;
	s5 =	sld [smem:$0x3FB0]  }
0x2b: {  	s6 =	sld [smem:$0x3FB1]  }
0x2c: {  	s7 =	sld [smem:$0x3FB2]  }
0x2d: {  	s3 =	simm.s32 $0x108;
	s8 =	sld [smem:$0x3FB3]  }
0x2e: {  	s3 =	simm.s32 @!p0 $0x1082;
	s9 =	sld [smem:$0x3FB4]  }
0x2f: {  	lr =	sadd.s32 s0, s3;
	s0 =	sld [smem:$0x3FAB]  }
0x30: {  	s3 =	sld [smem:$0x3FAE]  }
0x31: {  	[smem:$0x3FB7] =	sst s10  }
0x32: {  	s10 =	sld [smem:$0x3FB5];
	_ =	sdelay $0x3  }
0x33: {  	p0 =	seq.s32 s10, $0x1;
	s10 =	sld [smem:$0x3FB7];
	_ =	sdelay $0x3  }
0x34: {  	[smem:$0x3FB7] =	sst s10  }
0x35: {  	s10 =	sld [smem:$0x3FB6];
	_ =	sdelay $0x3  }
0x36: {  	p1 =	seq.s32 s10, $0x1;
	s10 =	sld [smem:$0x3FB7];
	_ =	sdelay $0x3  }
0x37: {  	[smem:$0x3FB7] =	sst s10  }
0x38: {  	s10 =	sld [smem:$0x3FB8]  }
0x39: {  	_ = 	snop;
	(pc) =	sbr.ind lr, $3  }
0x3a: {  	_ = 	snop  }
0x3b: {  	_ = 	snop  }
0x3c: {  	p2 =	seq.s32 s10, $0x1;
	s10 =	sld [smem:$0x3FB7]  }
0x3d: {  	_ =	shalt  }
0x3e: {  	_ =	shalt  }
0x3f: {  	_ =	shalt  }
0x40: {  	_ =	shalt  }
0x41: {  	_ =	shalt  }
0x42: {  	_ =	shalt  }
0x43: {  	_ =	shalt  }
0x44: {  	_ =	shalt  }
0x45: {  	_ =	shalt  }
0x46: {  	_ =	shalt  }
0x47: {  	_ =	shalt  }
0x48: {  	_ =	shalt  }
0x49: {  	_ =	shalt  }
0x4a: {  	_ =	shalt  }
0x4b: {  	_ =	shalt  }
0x4c: {  	_ =	shalt  }
0x4d: {  	_ =	shalt  }
0x4e: {  	_ =	shalt  }
0x4f: {  	_ =	shalt  }
0x50: {  	_ =	shalt  }
0x51: {  	_ =	shalt  }
0x52: {  	_ =	shalt  }
0x53: {  	_ =	shalt  }
0x54: {  	_ =	shalt  }
0x55: {  	_ =	shalt  }
0x56: {  	_ =	shalt  }
0x57: {  	_ =	shalt  }
0x58: {  	_ =	shalt  }
0x59: {  	_ =	shalt  }
0x5a: {  	_ =	shalt  }
0x5b: {  	_ =	shalt  }
0x5c: {  	_ =	shalt  }
0x5d: {  	_ =	shalt  }
0x5e: {  	_ =	shalt  }
0x5f: {  	_ =	shalt  }
0x60: {  	_ =	shalt  }
0x61: {  	_ =	shalt  }
0x62: {  	_ =	shalt  }
0x63: {  	_ =	shalt  }
0x64: {  	_ =	shalt  }
0x65: {  	_ =	shalt  }
0x66: {  	_ =	shalt  }
0x67: {  	_ =	shalt  }
0x68: {  	_ =	shalt  }
0x69: {  	_ =	shalt  }
0x6a: {  	_ =	shalt  }
0x6b: {  	_ =	shalt  }
0x6c: {  	_ =	shalt  }
0x6d: {  	_ =	shalt  }
0x6e: {  	_ =	shalt  }
0x6f: {  	_ =	shalt  }
0x70: {  	_ =	shalt  }
0x71: {  	_ =	shalt  }
0x72: {  	_ =	shalt  }
0x73: {  	_ =	shalt  }
0x74: {  	_ =	shalt  }
0x75: {  	_ =	shalt  }
0x76: {  	_ =	shalt  }
0x77: {  	_ =	shalt  }
0x78: {  	_ =	shalt  }
0x79: {  	_ =	shalt  }
0x7a: {  	_ =	shalt  }
0x7b: {  	_ =	shalt  }
0x7c: {  	_ =	shalt  }
0x7d: {  	_ =	shalt  }
0x7e: {  	_ =	shalt  }
0x7f: {  	_ =	shalt  }
0x80: {  	_ =	shalt  }
0x81: {  	_ =	shalt  }
0x82: {  	_ =	shalt  }
0x83: {  	_ =	shalt  }
0x84: {  	_ =	shalt  }
0x85: {  	_ =	shalt  }
0x86: {  	_ =	shalt  }
0x87: {  	_ =	shalt  }
.Lfunc_end0:
.L_simem_size_0:
called_computation.1_lowered:
.L_overlay_start_0:
0x88: {  	s2 =	sld [smem:$0x3FD9]  }
0x89: {  	s3 =	sld [smem:$0x3FFE];
	_ =	sdelay $0x1  }
0x8a: {  	s1 =	srdreg.scid  }
0x8b: {  	s0 =	sand.u32 $0x1, s1  }
0x8c: {  	s17 =	sshll.u32 s0, $0xA;
	s2 =	sadd.s32 s3, s2  }
0x8d: {  	s2 =	sadd.s32 s2, s17  }
0x8e: {  	[smem:$0x3FC3] =	sst s2  }
0x8f: {  	_ = 	snop  }
0x90: {  	s2 =	sld [smem:$0x3FD0];
	(tm) =	ssettm $0x1  }
0x91: {  	s18 =	sld [smem:$0x3FFB];
	_ =	sdelay $0x3  }
0x92: {  	_ =	strace s18  }
0x93: {  	s3 =	sld [smem:$0x3FFC];
	_ =	sdelay $0x3  }
0x94: {  	_ =	strace s3  }
0x95: {  	s3 =	sld [smem:$0x3FFD];
	_ =	sdelay $0x3  }
0x96: {  	_ =	strace s3  }
0x97: {  	_ =	strace $0x8FFFFFFF  }
0x98: {  	s19 =	sld [smem:$0x3FDB];
	_ =	sdelay $0x1  }
0x99: {  	s4 =	simm.s32 $_scs_section_size  }
0x9a: {  	s5 =	simm.s32 $_size__tile_overlayer_lowered;
	s6 =	simm.s32 $_tile_overlayer_lowered  }
0x9b: {  	s22 =	simm.s32 $0x1BFF;
	s21 =	sshll.u32 s6, $0x1;
	s3 =	sadd.s32 s4, s19  }
0x9c: {  	s7 =	simm.s32 $0x0;
	s20 =	sshll.u32 s5, $0x1;
	s5 =	sadd.s32 s21, s3  }
0x9d: {  	[timem:s7], [sflag:s22] =	dma.local [hbm:s5], s20  }
0x9e: {  	_ =	swait.ge [sflag:s22], s20  }
0x9f: {  	s4 =	ssub.s32 $0x0, s20;
	[sflag:s22] =	ssyncset.done $0x0  }
0xa0: {  	[sflag:s22] =	ssyncadd.s32 s4;
	_ =	sdelay $0x1  }
0xa1: {  	s23 =	simm.s32 $0x1B8B  }
0xa2: {  	_ =	swait.ge [sflag:s23], $0x1  }
0xa3: {  	[sflag:s23] =	ssyncset.done $0x0  }
0xa4: {  	s25 =	simm.s32 $0x1B8E;
	s24 =	sld [smem:$0x3FFE];
	[sflag:s23] =	ssyncadd.s32 $0xFFFFFFFF  }
0xa5: {  	s26 =	simm.s32 $execute0_lowered;
	[smem:$0x3FD2] =	sst s25  }
0xa6: {  	s5 =	sshll.u32 s26, $0x1;
	_ =	strace $0x80000049;
	[dreg:$0x1] =	wrdreg $0xFFFFFFFF  }
0xa7: {  	s28 =	simm.s32 $_size_execute0_lowered;
	s3 =	sadd.s32 s3, s5;
	[dreg:$0x0] =	wrdreg $0x0  }
0xa8: {  	s5 =	sshll.u32 s28, $0x1;
	[dreg:$0x2] =	wrdreg s3  }
0xa9: {  	[dreg:$0x3] =	wrdreg s5  }
0xaa: {  	[dreg:$0x4] =	wrdreg $0xC0  }
0xab: {  	_ =	task [dreg:s7], $0x5FFFF  }
0xac: {  	[dreg:$0x1] =	wrdreg $0xFFFFFFFF  }
0xad: {  	[dreg:$0x0] =	wrdreg $0x60  }
0xae: {  	[dreg:$0x2] =	wrdreg s24  }
0xaf: {  	[dreg:$0x3] =	wrdreg s2  }
0xb0: {  	[dreg:$0x4] =	wrdreg $0x9  }
0xb1: {  	_ =	task.clear_ibuf [dreg:s7], $0x5FFFF;
	_ =	strace $0x90000049  }
0xb2: {  	s29 =	simm.s32 $0x9;
	_ =	strace $0x8000004B  }
0xb3: {  	_ =	swait.ge [sflag:s29], $0x1  }
0xb4: {  	[sflag:s29] =	ssyncadd.s32 $0xFFFFFFFF  }
0xb5: {  	_ =	strace $0x9000004B  }
0xb6: {  	_ =	sfence  }
0xb7: {  	s30 =	sld [smem:$0x0];
	_ =	sdelay $0x2  }
0xb8: {  	s31 =	sshll.u32 s1, $0xD;
	s1 =	sshrl.u32 s1, $0x2  }
0xb9: {  	s3 =	sand.u32 $0x4000, s31;
	s1 =	sadd.s32 s1, s30  }
0xba: {  	s0 =	sor.u32 s3, s0;
	s1 =	sshll.u32 s1, $0x11  }
0xbb: {  	s0 =	sor.u32 s1, s0  }
0xbc: {  	s0 =	sadd.s32 $0x8F2B, s0  }
0xbd: {  	[sflag:s0] =	ssyncadd.remote.s32 $0x1  }
0xbe: {  	_ =	sfence.sel $0xFFFF  }
0xbf: {  	[dreg:$0x0] =	wrdreg $0xFFFFFFFF;
	(pc) =	sbr.abs _section_cstart, $3  }
0xc0: {  	[dreg:$0x1] =	wrdreg $0xFFFFFFFF  }
0xc1: {  	_ =	task.clear_ibuf [dreg:s7], $0x2FFFF;
	_ =	strace $0x9FFFFFFF  }
0xc2: {  	(tm) =	ssettm $0x7FFFFFFF  }
0xc3: {  	_ =	shalt  }
tec
execute0_lowered:
.L_overlay_start_1:
0x0: {  	(tag) =	ssettag $0x1  }
0x1: {  	s5 =	rddreg [dreg:$0x0]  }
0x2: {  	s0 =	srdreg.scid;
	s2 =	rddreg [dreg:$0x1]  }
0x3: {  	s3 =	simm.s32 $0x0;
	s10 =	simm.s32 $0xC80;
	s4 =	sand.u32 $0x1, s0  }
0x4: {  	s11 =	simm.s32 $0x80;
	s0 =	stileid.u32;
	s1 =	sshll.u32 s4, $0x4  }
0x5: {  	s12 =	simm.s32 $0x1;
	s13 =	simm.s32 $0x1900;
	s6 =	sor.u32 s0, s1  }
0x6: {  	s14 =	simm.s32 $0x0;
	[smem:$0x7FF] =	sst s3;
	s6 =	smul.u32 $0x190, s6  }
0x7: {  	s7 =	ssub.s32 $0x2, s4;
	s4 =	sadd.s32 $0x199E00, s5;
	s1 =	rddreg [dreg:$0x2]  }
0x8: {  	_ =	strace $0x8000004A;
	s31 =	sshrl.u32 s7, $0x1;
	s8 =	sadd.s32 s6, s5  }
0x9: {  	s9 =	ssub.s32 s7, s31;
	s5 =	sadd.s32 $0x1200, s8;
	s6 =	sadd.s32 $0x4400, s8  }
0xa: {  	s7 =	sadd.s32 $0x19D000, s8;
	s8 =	smax.u32 s9, $0x1;
	s9 =	simm.s32 $0x2  }
.LBB2_1:
0xb: {  	[tilespmem:s3], [sflag:$0x2] =	stream.linear.gather [hbm4b:s5+s3], $0xC80, $0x38;
	[tilespmem:$0x3200] =	vst v63  }
0xc: {  	_ =	swait.ge [sflag:s9], $0xC80  }
0xd: {  	[sflag:s9] =	ssyncset.done $0x0  }
0xe: {  	[sflag:s9] =	ssyncadd.s32 $0xFFFFF380  }
0xf: {  	[tilespmem:s10], [sflag:$0x2] =	stream.linear.gather [hbm4b:s6+s3], $0xC80, $0x38;
	[tilespmem:$0x3200] =	vst v63  }
0x10: {  	_ =	swait.ge [sflag:s9], $0xC80  }
0x11: {  	[sflag:s9] =	ssyncset.done $0x0  }
0x12: {  	s15 =	simm.s32 $0x0;
	s16 =	simm.s32 $0x1900;
	[sflag:s9] =	ssyncadd.s32 $0xFFFFF380  }
0x13: {  	[tilespmem:s16], [sflag:$0x1] =	stream.indirect.gather [hbm4b:s2+s11], $0x1, s15, s11, $0xb8;
	[tilespmem:$0x3200] =	vst v63  }
0x14: {  	s30 =	simm.s32 $0x2580;
	s31 =	simm.s32 $0xC80  }
0x15: {  	[tilespmem:s30], [sflag:$0x1] =	stream.indirect.gather [hbm4b:s4+s11], $0x1, s31, s11, $0xb8;
	[tilespmem:$0x3200] =	vst v63  }
0x16: {  	_ =	swait.ge [sflag:s12], $0x80  }
0x17: {  	[sflag:s12] =	ssyncset.done $0x0  }
0x18: {  	[sflag:s12] =	ssyncadd.s32 $0xFFFFFF80  }
0x19: {  	_ =	swait.ge [sflag:s12], $0x80  }
0x1a: {  	s16 =	simm.s32 $0x400;
	s15 =	simm.s32 $0x80;
	[sflag:s12] =	ssyncset.done $0x0  }
.LBB2_2:
0x1b: {  	s17 =	sadd.s32 $0x1900, s15  }
0x1c: {  	[sflag:s12] =	ssyncadd.s32 $0xFFFFFF80;
	s18 =	smov.u32 s16;
	s19 =	sadd.s32 $0x200, s16  }
0x1d: {  	[tilespmem:s17], [sflag:$0x1] =	stream.indirect.gather [hbm4b:s2+s11], $0x1, s15, s11, $0xb8;
	[tilespmem:$0x3200] =	vst v63  }
0x1e: {  	p0 =	sne.s32 s16, $0x3000;
	s16 =	sadd.s32 $0x2580, s15;
	s15 =	sadd.s32 $0xC80, s15  }
0x1f: {  	[tilespmem:s16], [sflag:$0x1] =	stream.indirect.gather [hbm4b:s4+s11], $0x1, s15, s11, $0xb8;
	[tilespmem:$0x3200] =	vst v63  }
.Ltmp0:
0x20: {  	_ =	swait.ge [sflag:s12], $0x80;
	(pc) =	sbr.rel @p0 .LBB2_2-.Ltmp0, $4  }
0x21: {  	[sflag:s12] =	ssyncset.done $0x0  }
0x22: {  	[sflag:s12] =	ssyncadd.s32 $0xFFFFFF80  }
0x23: {  	_ =	swait.ge [sflag:s12], $0x80  }
0x24: {  	s15 =	sshra.s32 s18, $0x2;
	s16 =	smov.u32 s19;
	[sflag:s12] =	ssyncset.done $0x0  }
0x25: {  	s16 =	sadd.s32 $0x1900, s15;
	[sflag:s12] =	ssyncadd.s32 $0xFFFFFF80  }
0x26: {  	[tilespmem:s16], [sflag:$0x1] =	stream.indirect.gather [hbm4b:s2+s11], $0x1, s15, s11, $0xb8;
	[tilespmem:$0x3200] =	vst v63  }
0x27: {  	s30 =	sadd.s32 $0x2580, s15;
	s31 =	sadd.s32 $0xC80, s15  }
0x28: {  	[tilespmem:s30], [sflag:$0x1] =	stream.indirect.gather [hbm4b:s4+s11], $0x1, s31, s11, $0xb8;
	[tilespmem:$0x3200] =	vst v63  }
0x29: {  	_ =	swait.ge [sflag:s12], $0x80  }
0x2a: {  	[sflag:s12] =	ssyncset.done $0x0  }
0x2b: {  	[sflag:s12] =	ssyncadd.s32 $0xFFFFFF80  }
0x2c: {  	_ =	swait.ge [sflag:s12], $0x80  }
0x2d: {  	[sflag:s12] =	ssyncset.done $0x0  }
0x2e: {  	s15 =	simm.s32 $0x0;
	[sflag:s12] =	ssyncadd.s32 $0xFFFFFF80  }
0x2f: {  	s16 =	simm.s32 $0x40;
	v0 =	vld [tilespmem:s15+$0x2580]  }
.LBB2_4:
0x30: {  	p0 =	sne.s32 s16, $0x31C0;
	v1 =	vld [tilespmem:s15+$0x1900];
	_ =	sdelay $0x4  }
0x31: {  	v0 =	vadd.f32 v0, v1  }
.Ltmp1:
0x32: {  	(pc) =	sbr.rel @p0 .LBB2_4-.Ltmp1, $4  }
0x33: {  	v1 =	vmul.f32 $2.000000030e-01, v0  }
0x34: {  	vm0 =	vge.f32 v0, $0.0e+00  }
0x35: {  	s17 =	sshra.s32 s16, $0x2;
	v1 =	vsel vm0, v0, v1  }
0x36: {  	s16 =	sadd.s32 $0x40, s16;
	v0 =	vld [tilespmem:s17+$0x2580];
	[tilespmem:s15+$0x1900] =	vst v1;
	s15 =	smov.u32 s17  }
0x37: {  	v1 =	vld [tilespmem:s15+$0x1900];
	_ =	sdelay $0x4  }
0x38: {  	v0 =	vadd.f32 v0, v1;
	_ =	sdelay $0x1  }
0x39: {  	v1 =	vmul.f32 $2.000000030e-01, v0  }
0x3a: {  	s14 =	sadd.s32 $0x1, s14;
	vm0 =	vge.f32 v0, $0.0e+00  }
0x3b: {  	p0 =	sne.s32 s14, s8;
	v0 =	vsel vm0, v0, v1  }
.Ltmp2:
0x3c: {  	[tilespmem:s15+$0x1900] =	vst v0;
	(pc) =	sbr.rel @p0 .LBB2_1-.Ltmp2, $4  }
0x3d: {  	[hbm4b:s7+s3] =	stream.linear.scatter [tilespmem:s13], [sflag:$0x2], $0xC80, $0x38;
	[tilespmem:$0x3200] =	vst v63  }
0x3e: {  	_ =	swait.ge [sflag:s9], $0xC80  }
0x3f: {  	[sflag:s9] =	ssyncset.done $0x0  }
0x40: {  	[sflag:s9] =	ssyncadd.s32 $0xFFFFF380  }
0x41: {  	_ =	sfence.sel $0x180000  }
0x42: {  	[bflag:$0x0] =	sbarrier.arrive $0xFFFF  }
0x43: {  	p0 =	sne.s32 s0, $0x0;
	_ =	strace $0x9000004A  }
0x44: {  	s0 =	sadd.s32 @!p0 $0x100000, s1;
	[bflag:$0x2] =	sbarrier.arrive $0xFFFF  }
0x45: {  	[sflag:s0] =	ssyncadd.tile.s32 @!p0 $0x1;
	_ =	shalt  }
.Lfunc_end2:
_tile_overlayer_lowered:
.L_overlay_start_2:
0x46: {  	(tag) =	ssettag $0x2  }
0x47: {  	s0 =	rddreg [dreg:$0x0];
	s2 =	stileid.u32  }
0x48: {  	s1 =	rddreg [dreg:$0x1];
	p0 =	sne.s32 s2, $0x0  }
0x49: {  	s3 =	rddreg [dreg:$0x2];
	[bflag:$0x3] =	sbarrier.arrive $0xFFFF;
	s2 =	simm.s32 @!p0 $0x1C02  }
0x4a: {  	[timem:s3], [sflag:s2] =	dma.local @!p0 [hbm:s0], s1  }
0x4b: {  	s0 =	simm.s32 @!p0 $0x2  }
0x4c: {  	_ =	swait.ge @!p0 [sflag:s0], s1  }
0x4d: {  	s1 =	ssub.s32 @!p0 $0x0, s1;
	[sflag:s0] =	ssyncset.done @!p0 $0x0  }
0x4e: {  	[sflag:s0] =	ssyncadd.s32 @!p0 s1  }
0x4f: {  	[bflag:$0x3] =	sbarrier.arrive $0xFFFF  }
0x50: {  	_ =	shalt  }

// kernel: kernel.8.cloned.1.call-start
scs
__scs_entry_jumppad:
0x0: {  	(pc) =	sbr.rel $0x88, $3  }
0x1: {  	(tag) =	ssettag $0x0;
	lr =	simm.s32 $0x1  }
0x2: {  	[smem:$0x3F9C] =	sst lr;
	_ =	strace $0xD0000000  }
0x3: {  	_ = 	snop  }
0x4: {  	_ = 	snop  }
0x5: {  	_ = 	snop  }
0x6: {  	_ = 	snop  }
0x7: {  	_ = 	snop  }
__scs_overlays_trampoline_lowered:
0x8: {  	[smem:$0x3FAB] =	sst s0  }
0x9: {  	[smem:$0x3FAC] =	sst s1  }
0xa: {  	[smem:$0x3FAD] =	sst s2  }
0xb: {  	[smem:$0x3FAE] =	sst s3  }
0xc: {  	[smem:$0x3FAF] =	sst s4  }
0xd: {  	[smem:$0x3FB0] =	sst s5  }
0xe: {  	[smem:$0x3FB1] =	sst s6  }
0xf: {  	[smem:$0x3FB2] =	sst s7  }
0x10: {  	[smem:$0x3FB3] =	sst s8  }
0x11: {  	[smem:$0x3FB4] =	sst s9;
	s0 =	simm.s32 @!p0 $0x0  }
0x12: {  	s1 =	sld [smem:$0x3F9A];
	s0 =	simm.s32 @p0 $0x1  }
0x13: {  	[smem:$0x3FB5] =	sst s0;
	s0 =	simm.s32 @!p1 $0x0  }
0x14: {  	s2 =	sld [smem:$0x3F99];
	s0 =	simm.s32 @p1 $0x1  }
0x15: {  	[smem:$0x3FB6] =	sst s0;
	s0 =	simm.s32 @!p2 $0x0  }
0x16: {  	s3 =	sld [smem:$0x3FDB];
	s0 =	simm.s32 @p2 $0x1  }
0x17: {  	s4 =	simm.s32 $0x1BF5;
	[smem:$0x3FB8] =	sst s0  }
0x18: {  	s0 =	sld [smem:$0x3F9B];
	_ =	swait.ge [sflag:s4], $0x0  }
0x19: {  	s7 =	sld [smem:$0x3F9C]  }
0x1a: {  	s8 =	sadd.s32 $0xFFFFE003, lr  }
0x1b: {  	s9 =	sadd.s32 $0xFFFFFEF7, lr;
	s5 =	simm.s32 $0xFFFFFFFF;
	p2 =	slt.u32 s8, $0xFFFFF086  }
0x1c: {  	p1 =	slt.u32 s9, $0xF7A;
	s5 =	simm.s32 @!p2 $0x0  }
0x1d: {  	s5 =	simm.s32 @p1 $0x1;
	p0 =	seq.s32 s7, s2  }
0x1e: {  	s7 =	smul.u32 @!p0 $0xF7A, s2;
	p2 =	seq.s32 @!p0 s5, $0x0  }
0x1f: {  	s9 =	smul.u32 $0xF7A, s1;
	s8 =	simm.s32 @!p0 $0x1BF5;
	p2 =	por !p2, p0  }
0x20: {  	[sflag:s8] =	ssyncset.s32 @!p0 $0xFFFFF086;
	s6 =	sadd.s32 @!p0 s3, s7;
	s7 =	simm.s32 @!p0 $0x108  }
0x21: {  	s3 =	sadd.s32 s3, s9;
	s6 =	sadd.s32 @!p0 $0x88, s6;
	s7 =	simm.s32 @p2 $0x1082  }
0x22: {  	[simem:s7], [sflag:s8] =	dma.local @!p0 [hbm:s6], $0xF7A  }
0x23: {  	s9 =	sor.u32 $0xD0000000, s2;
	s6 =	simm.s32 $0x108;
	_ =	swait.ge @!p0 [sflag:s8], $0x0  }
0x24: {  	s3 =	sadd.s32 $0x88, s3;
	s6 =	simm.s32 @!p1 $0x1082;
	[sflag:s4] =	ssyncset.s32 $0xFFFFF086  }
0x25: {  	[simem:s6], [sflag:s4] =	dma.local [hbm:s3], $0xF7A  }
0x26: {  	[smem:$0x3F9C] =	sst s1;
	(tag) =	ssettag s2;
	_ =	strace s9  }
0x27: {  	s1 =	sld [smem:$0x3FAC]  }
0x28: {  	s2 =	sld [smem:$0x3FAD]  }
0x29: {  	s4 =	sld [smem:$0x3FAF]  }
0x2a: {  	p0 =	seq.s32 s5, $0x0;
	s5 =	sld [smem:$0x3FB0]  }
0x2b: {  	s6 =	sld [smem:$0x3FB1]  }
0x2c: {  	s7 =	sld [smem:$0x3FB2]  }
0x2d: {  	s3 =	simm.s32 $0x108;
	s8 =	sld [smem:$0x3FB3]  }
0x2e: {  	s3 =	simm.s32 @!p0 $0x1082;
	s9 =	sld [smem:$0x3FB4]  }
0x2f: {  	lr =	sadd.s32 s0, s3;
	s0 =	sld [smem:$0x3FAB]  }
0x30: {  	s3 =	sld [smem:$0x3FAE]  }
0x31: {  	[smem:$0x3FB7] =	sst s10  }
0x32: {  	s10 =	sld [smem:$0x3FB5];
	_ =	sdelay $0x3  }
0x33: {  	p0 =	seq.s32 s10, $0x1;
	s10 =	sld [smem:$0x3FB7];
	_ =	sdelay $0x3  }
0x34: {  	[smem:$0x3FB7] =	sst s10  }
0x35: {  	s10 =	sld [smem:$0x3FB6];
	_ =	sdelay $0x3  }
0x36: {  	p1 =	seq.s32 s10, $0x1;
	s10 =	sld [smem:$0x3FB7];
	_ =	sdelay $0x3  }
0x37: {  	[smem:$0x3FB7] =	sst s10  }
0x38: {  	s10 =	sld [smem:$0x3FB8]  }
0x39: {  	_ = 	snop;
	(pc) =	sbr.ind lr, $3  }
0x3a: {  	_ = 	snop  }
0x3b: {  	_ = 	snop  }
0x3c: {  	p2 =	seq.s32 s10, $0x1;
	s10 =	sld [smem:$0x3FB7]  }
0x3d: {  	_ =	shalt  }
0x3e: {  	_ =	shalt  }
0x3f: {  	_ =	shalt  }
0x40: {  	_ =	shalt  }
0x41: {  	_ =	shalt  }
0x42: {  	_ =	shalt  }
0x43: {  	_ =	shalt  }
0x44: {  	_ =	shalt  }
0x45: {  	_ =	shalt  }
0x46: {  	_ =	shalt  }
0x47: {  	_ =	shalt  }
0x48: {  	_ =	shalt  }
0x49: {  	_ =	shalt  }
0x4a: {  	_ =	shalt  }
0x4b: {  	_ =	shalt  }
0x4c: {  	_ =	shalt  }
0x4d: {  	_ =	shalt  }
0x4e: {  	_ =	shalt  }
0x4f: {  	_ =	shalt  }
0x50: {  	_ =	shalt  }
0x51: {  	_ =	shalt  }
0x52: {  	_ =	shalt  }
0x53: {  	_ =	shalt  }
0x54: {  	_ =	shalt  }
0x55: {  	_ =	shalt  }
0x56: {  	_ =	shalt  }
0x57: {  	_ =	shalt  }
0x58: {  	_ =	shalt  }
0x59: {  	_ =	shalt  }
0x5a: {  	_ =	shalt  }
0x5b: {  	_ =	shalt  }
0x5c: {  	_ =	shalt  }
0x5d: {  	_ =	shalt  }
0x5e: {  	_ =	shalt  }
0x5f: {  	_ =	shalt  }
0x60: {  	_ =	shalt  }
0x61: {  	_ =	shalt  }
0x62: {  	_ =	shalt  }
0x63: {  	_ =	shalt  }
0x64: {  	_ =	shalt  }
0x65: {  	_ =	shalt  }
0x66: {  	_ =	shalt  }
0x67: {  	_ =	shalt  }
0x68: {  	_ =	shalt  }
0x69: {  	_ =	shalt  }
0x6a: {  	_ =	shalt  }
0x6b: {  	_ =	shalt  }
0x6c: {  	_ =	shalt  }
0x6d: {  	_ =	shalt  }
0x6e: {  	_ =	shalt  }
0x6f: {  	_ =	shalt  }
0x70: {  	_ =	shalt  }
0x71: {  	_ =	shalt  }
0x72: {  	_ =	shalt  }
0x73: {  	_ =	shalt  }
0x74: {  	_ =	shalt  }
0x75: {  	_ =	shalt  }
0x76: {  	_ =	shalt  }
0x77: {  	_ =	shalt  }
0x78: {  	_ =	shalt  }
0x79: {  	_ =	shalt  }
0x7a: {  	_ =	shalt  }
0x7b: {  	_ =	shalt  }
0x7c: {  	_ =	shalt  }
0x7d: {  	_ =	shalt  }
0x7e: {  	_ =	shalt  }
0x7f: {  	_ =	shalt  }
0x80: {  	_ =	shalt  }
0x81: {  	_ =	shalt  }
0x82: {  	_ =	shalt  }
0x83: {  	_ =	shalt  }
0x84: {  	_ =	shalt  }
0x85: {  	_ =	shalt  }
0x86: {  	_ =	shalt  }
0x87: {  	_ =	shalt  }
.Lfunc_end0:
.L_simem_size_0:
called_computation_lowered:
.L_overlay_start_0:
0x88: {  	s2 =	sld [smem:$0x3FD9]  }
0x89: {  	s3 =	sld [smem:$0x3FFE];
	_ =	sdelay $0x1  }
0x8a: {  	s1 =	srdreg.scid  }
0x8b: {  	s0 =	sand.u32 $0x1, s1  }
0x8c: {  	s17 =	sshll.u32 s0, $0xA;
	s2 =	sadd.s32 s3, s2  }
0x8d: {  	s2 =	sadd.s32 s2, s17  }
0x8e: {  	[smem:$0x3FC3] =	sst s2  }
0x8f: {  	_ = 	snop  }
0x90: {  	s2 =	sld [smem:$0x3FD0];
	(tm) =	ssettm $0x1  }
0x91: {  	s18 =	sld [smem:$0x3FFB];
	_ =	sdelay $0x3  }
0x92: {  	_ =	strace s18  }
0x93: {  	s3 =	sld [smem:$0x3FFC];
	_ =	sdelay $0x3  }
0x94: {  	_ =	strace s3  }
0x95: {  	s3 =	sld [smem:$0x3FFD];
	_ =	sdelay $0x3  }
0x96: {  	_ =	strace s3  }
0x97: {  	_ =	strace $0x8FFFFFFF  }
0x98: {  	s19 =	sld [smem:$0x3FDB];
	_ =	sdelay $0x1  }
0x99: {  	s4 =	simm.s32 $_scs_section_size  }
0x9a: {  	s5 =	simm.s32 $_size__tile_overlayer_lowered;
	s6 =	simm.s32 $_tile_overlayer_lowered  }
0x9b: {  	s22 =	simm.s32 $0x1BFF;
	s21 =	sshll.u32 s6, $0x1;
	s3 =	sadd.s32 s4, s19  }
0x9c: {  	s7 =	simm.s32 $0x0;
	s20 =	sshll.u32 s5, $0x1;
	s5 =	sadd.s32 s21, s3  }
0x9d: {  	[timem:s7], [sflag:s22] =	dma.local [hbm:s5], s20  }
0x9e: {  	_ =	swait.ge [sflag:s22], s20  }
0x9f: {  	s4 =	ssub.s32 $0x0, s20;
	[sflag:s22] =	ssyncset.done $0x0  }
0xa0: {  	[sflag:s22] =	ssyncadd.s32 s4;
	_ =	sdelay $0x1  }
0xa1: {  	s23 =	simm.s32 $0x1B8B  }
0xa2: {  	_ =	swait.ge [sflag:s23], $0x1  }
0xa3: {  	[sflag:s23] =	ssyncset.done $0x0  }
0xa4: {  	s25 =	simm.s32 $0x1B8E;
	s24 =	sld [smem:$0x3FFE];
	[sflag:s23] =	ssyncadd.s32 $0xFFFFFFFF  }
0xa5: {  	s26 =	simm.s32 $execute0_lowered;
	[smem:$0x3FD2] =	sst s25  }
0xa6: {  	s5 =	sshll.u32 s26, $0x1;
	_ =	strace $0x80000046;
	[dreg:$0x1] =	wrdreg $0xFFFFFFFF  }
0xa7: {  	s28 =	simm.s32 $_size_execute0_lowered;
	s3 =	sadd.s32 s3, s5;
	[dreg:$0x0] =	wrdreg $0x0  }
0xa8: {  	s5 =	sshll.u32 s28, $0x1;
	[dreg:$0x2] =	wrdreg s3  }
0xa9: {  	[dreg:$0x3] =	wrdreg s5  }
0xaa: {  	[dreg:$0x4] =	wrdreg $0xC0  }
0xab: {  	_ =	task [dreg:s7], $0x5FFFF  }
0xac: {  	[dreg:$0x1] =	wrdreg $0xFFFFFFFF  }
0xad: {  	[dreg:$0x0] =	wrdreg $0x60  }
0xae: {  	[dreg:$0x2] =	wrdreg s2  }
0xaf: {  	[dreg:$0x3] =	wrdreg s24  }
0xb0: {  	[dreg:$0x4] =	wrdreg $0xB3000  }
0xb1: {  	[dreg:$0x5] =	wrdreg $0x9  }
0xb2: {  	_ =	task.clear_ibuf [dreg:s7], $0x6FFFF;
	_ =	strace $0x90000046  }
0xb3: {  	s29 =	simm.s32 $0x9;
	_ =	strace $0x80000048  }
0xb4: {  	_ =	swait.ge [sflag:s29], $0x1  }
0xb5: {  	[sflag:s29] =	ssyncadd.s32 $0xFFFFFFFF  }
0xb6: {  	_ =	strace $0x90000048  }
0xb7: {  	_ =	sfence  }
0xb8: {  	s30 =	sld [smem:$0x0];
	_ =	sdelay $0x2  }
0xb9: {  	s31 =	sshll.u32 s1, $0xD;
	s1 =	sshrl.u32 s1, $0x2  }
0xba: {  	s3 =	sand.u32 $0x4000, s31;
	s1 =	sadd.s32 s1, s30  }
0xbb: {  	s0 =	sor.u32 s3, s0;
	s1 =	sshll.u32 s1, $0x11  }
0xbc: {  	s0 =	sor.u32 s1, s0  }
0xbd: {  	s0 =	sadd.s32 $0x8F2B, s0  }
0xbe: {  	[sflag:s0] =	ssyncadd.remote.s32 $0x1  }
0xbf: {  	_ =	sfence.sel $0xFFFF  }
0xc0: {  	[dreg:$0x0] =	wrdreg $0xFFFFFFFF;
	(pc) =	sbr.abs _section_cstart, $3  }
0xc1: {  	[dreg:$0x1] =	wrdreg $0xFFFFFFFF  }
0xc2: {  	_ =	task.clear_ibuf [dreg:s7], $0x2FFFF;
	_ =	strace $0x9FFFFFFF  }
0xc3: {  	(tm) =	ssettm $0x7FFFFFFF  }
tec
execute0_lowered:
.L_overlay_start_1:
0x0: {  	(tag) =	ssettag $0x1  }
0x1: {  	s1 =	rddreg [dreg:$0x0]  }
0x2: {  	s0 =	rddreg [dreg:$0x1]  }
0x3: {  	s2 =	rddreg [dreg:$0x2];
	s15 =	stileid.u32;
	s3 =	simm.s32 $0x0  }
0x4: {  	s5 =	srdreg.scid;
	s20 =	simm.s32 $0x7200;
	s21 =	simm.s32 $0x1  }
0x5: {  	s24 =	simm.s32 $0xB280;
	s25 =	simm.s32 $0x3;
	s4 =	smul.u32 $0x320, s15  }
0x6: {  	s28 =	simm.s32 $0x0;
	[smem:$0x7FF] =	sst s3;
	s10 =	smul.u32 $0x280, s15  }
0x7: {  	s5 =	sand.u32 $0x1, s5;
	s8 =	smul.u32 $0x50000, s15;
	p0 =	sne.s32 s15, $0x0  }
0x8: {  	s31 =	sshll.u32 s15, $0x6;
	_ =	strace $0x80000047;
	s16 =	smul.u32 $0xC800, s5  }
0x9: {  	s5 =	ssub.s32 $0x2, s5;
	s6 =	sadd.s32 s4, s0;
	s4 =	sadd.s32 $0x7600, s0  }
0xa: {  	s0 =	sadd.s32 $0x9E00, s0;
	s7 =	sshrl.u32 s5, $0x1;
	s26 =	sshrl.u32 s8, $0x2  }
0xb: {  	s13 =	ssub.s32 s5, s7;
	s5 =	sadd.s32 $0x1200, s6;
	s6 =	sadd.s32 $0x4400, s6  }
0xc: {  	s29 =	sadd.s32 s10, s16;
	s17 =	sadd.s32 $0x2800, s16;
	s18 =	sadd.s32 s26, s2  }
0xd: {  	s7 =	sadd.s32 $0x140000, s2;
	s19 =	sadd.s32 $0x5000, s16;
	s22 =	sadd.s32 $0x7800, s16  }
0xe: {  	s23 =	sadd.s32 $0xA000, s16;
	v0 =	vmov s16;
	s16 =	sor.u32 $0x1C05, s31;
	s26 =	simm.s32 $0x4  }
0xf: {  	s8 =	sshll.u32 s29, $0x4;
	s9 =	sadd.s32 s10, s17;
	s11 =	sadd.s32 s10, s19  }
0x10: {  	s12 =	sadd.s32 s10, s22;
	s14 =	sadd.s32 s10, s23;
	s13 =	smax.u32 s13, $0x1  }
0x11: {  	v1 =	vmov s17;
	v2 =	vmov s19;
	s17 =	sshrl.u32 s18, $0x3;
	s18 =	simm.s32 $0x80;
	s19 =	simm.s32 $0x3200  }
0x12: {  	v6 =	vmov s22;
	v7 =	vmov s23;
	s22 =	simm.s32 $0xB200;
	s23 =	simm.s32 $0x2;
	s8 =	sadd.s32 s0, s8  }
0x13: {  	v10 =	vlaneseq.u32;
	s9 =	sshll.u32 s9, $0x4;
	s11 =	sshll.u32 s11, $0x4;
	s12 =	sshll.u32 s12, $0x4  }
0x14: {  	v10 =	vor.u32 $0x2800, v10;
	v3 =	vadd.s32 $0x2800, v0;
	s30 =	sshll.u32 s14, $0x4;
	s14 =	simm.s32 $0x5;
	v4 =	vadd.s32 $0x2800, v1;
	s9 =	sadd.s32 s0, s9  }
0x15: {  	v5 =	vadd.s32 $0x2800, v2;
	v8 =	vadd.s32 $0x2800, v6;
	v9 =	vadd.s32 $0x2800, v7;
	s10 =	sadd.s32 s0, s11;
	s11 =	sadd.s32 s0, s12;
	s12 =	sadd.s32 s0, s30  }
.LBB2_1:
0x16: {  	s0 =	simm.s32 $0x0  }
0x17: {  	[tilespmem:s0], [sflag:$0x5] =	stream.linear.gather [hbm4b:s5+s0], $0x1900, $0x38;
	[tilespmem:$0x1F380] =	vst v63  }
0x18: {  	_ =	swait.ge [sflag:s14], $0x1900  }
0x19: {  	[sflag:s14] =	ssyncset.done $0x0  }
0x1a: {  	s3 =	simm.s32 $0x1900;
	[sflag:s14] =	ssyncadd.s32 $0xFFFFE700  }
0x1b: {  	[tilespmem:s3], [sflag:$0x5] =	stream.linear.gather [hbm4b:s6+s0], $0x1900, $0x38;
	[tilespmem:$0x1F380] =	vst v63  }
0x1c: {  	_ =	swait.ge [sflag:s14], $0x1900  }
0x1d: {  	[sflag:s14] =	ssyncset.done $0x0  }
0x1e: {  	[sflag:s14] =	ssyncadd.s32 $0xFFFFE700  }
0x1f: {  	[spmem:s17], [sflag:s16] =	dma.local [hbm:s4], $0x2800  }
0x20: {  	_ =	swait.ge [sflag:s14], $0x2800  }
0x21: {  	[sflag:s14] =	ssyncset.done $0x0  }
0x22: {  	s29 =	sshrl.u32 @!p0 s7, $0x3;
	s0 =	simm.s32 @!p0 $0x5;
	[sflag:s14] =	ssyncadd.s32 $0xFFFFD800  }
0x23: {  	[spmem:s29], [sflag:s16] =	dma.local @!p0 [hbm:s4], $0x100  }
0x24: {  	_ =	swait.ge @!p0 [sflag:s0], $0x100  }
0x25: {  	[sflag:s0] =	ssyncset.done @!p0 $0x0  }
0x26: {  	[sflag:s0] =	ssyncadd.s32 @!p0 $0xFFFFFF00  }
0x27: {  	s15 =	simm.s32 $0x1900;
	[bflag:$0x0] =	sbarrier.arrive $0xFFFF  }
0x28: {  	[tilespmem:s19], [sflag:$0x1] =	stream.indirect.gather [hbm4b:s1+s18], $0x80, s15, s18, $0xb8;
	[tilespmem:$0x1F380] =	vst v63  }
0x29: {  	s3 =	simm.s32 $0x1980  }
0x2a: {  	[tilespmem:s20], [sflag:$0x2] =	stream.indirect.gather [hbm4b:s1+s18], $0x80, s3, s18, $0xb8;
	[tilespmem:$0x1F380] =	vst v63  }
0x2b: {  	_ =	swait.ge [sflag:s21], $0x4000  }
0x2c: {  	[sflag:s21] =	ssyncset.done $0x0  }
0x2d: {  	s15 =	simm.s32 $0x0;
	[sflag:s21] =	ssyncadd.s32 $0xFFFFC000  }
0x2e: {  	v11 =	vld [tilespmem:s15+$0x0];
	_ =	sdelay $0x4  }
0x2f: {  	vm0 =	vge.s32 v11, v0;
	vm1 =	vlt.s32 v11, v3  }
0x30: {  	v11 =	vsub.s32 v11, v0;
	vm0 =	vmand vm0, vm1  }
0x31: {  	v11 =	vsel vm0, v11, v10  }
0x32: {  	[tilespmem:$0xB200] =	vst v11  }
0x33: {  	v11 =	vld [tilespmem:s15+$0x10];
	_ =	sdelay $0x4  }
0x34: {  	vm10 =	vge.s32 v11, v0;
	vm11 =	vlt.s32 v11, v3  }
0x35: {  	v11 =	vsub.s32 v11, v0;
	vm0 =	vmand vm10, vm11  }
0x36: {  	v11 =	vsel vm0, v11, v10  }
0x37: {  	[tilespmem:$0xB210] =	vst v11  }
0x38: {  	v11 =	vld [tilespmem:s15+$0x20];
	_ =	sdelay $0x4  }
0x39: {  	vm12 =	vge.s32 v11, v0;
	vm13 =	vlt.s32 v11, v3  }
0x3a: {  	v11 =	vsub.s32 v11, v0;
	vm0 =	vmand vm12, vm13  }
0x3b: {  	v11 =	vsel vm0, v11, v10  }
0x3c: {  	[tilespmem:$0xB220] =	vst v11  }
0x3d: {  	v11 =	vld [tilespmem:s15+$0x30];
	_ =	sdelay $0x4  }
0x3e: {  	vm14 =	vge.s32 v11, v0;
	vm15 =	vlt.s32 v11, v3  }
0x3f: {  	v11 =	vsub.s32 v11, v0;
	vm0 =	vmand vm14, vm15  }
0x40: {  	v11 =	vsel vm0, v11, v10  }
0x41: {  	[tilespmem:$0xB230] =	vst v11  }
0x42: {  	v11 =	vld [tilespmem:s15+$0x40];
	_ =	sdelay $0x4  }
0x43: {  	vm4 =	vge.s32 v11, v0;
	vm5 =	vlt.s32 v11, v3  }
0x44: {  	v11 =	vsub.s32 v11, v0;
	vm0 =	vmand vm4, vm5  }
0x45: {  	v11 =	vsel vm0, v11, v10  }
0x46: {  	[tilespmem:$0xB240] =	vst v11  }
0x47: {  	v11 =	vld [tilespmem:s15+$0x50];
	_ =	sdelay $0x4  }
0x48: {  	vm6 =	vge.s32 v11, v0;
	vm7 =	vlt.s32 v11, v3  }
0x49: {  	v11 =	vsub.s32 v11, v0;
	vm0 =	vmand vm6, vm7  }
0x4a: {  	v11 =	vsel vm0, v11, v10  }
0x4b: {  	[tilespmem:$0xB250] =	vst v11  }
0x4c: {  	v11 =	vld [tilespmem:s15+$0x60];
	_ =	sdelay $0x4  }
0x4d: {  	vm8 =	vge.s32 v11, v0;
	vm9 =	vlt.s32 v11, v3  }
0x4e: {  	v11 =	vsub.s32 v11, v0;
	vm0 =	vmand vm8, vm9  }
0x4f: {  	v11 =	vsel vm0, v11, v10  }
0x50: {  	[tilespmem:$0xB260] =	vst v11  }
0x51: {  	v11 =	vld [tilespmem:s15+$0x70];
	_ =	sdelay $0x4  }
0x52: {  	vm10 =	vge.s32 v11, v0;
	vm11 =	vlt.s32 v11, v3  }
0x53: {  	v11 =	vsub.s32 v11, v0;
	vm0 =	vmand vm10, vm11  }
0x54: {  	v11 =	vsel vm0, v11, v10  }
0x55: {  	[tilespmem:$0xB270] =	vst v11  }
0x56: {  	[spmem:s2] =	stream.indirect.scatter.add.f32 [tilespmem:s19], [sflag:$0x3], $0x80, s22, s18, $0xb8;
	[tilespmem:$0x1F380] =	vst v63  }
0x57: {  	_ =	swait.ge [sflag:s23], $0x4000  }
0x58: {  	[sflag:s23] =	ssyncset.done $0x0  }
0x59: {  	[sflag:s23] =	ssyncadd.s32 $0xFFFFC000  }
0x5a: {  	v11 =	vld [tilespmem:s15+$0x80];
	_ =	sdelay $0x4  }
0x5b: {  	vm12 =	vge.s32 v11, v0;
	vm13 =	vlt.s32 v11, v3  }
0x5c: {  	v11 =	vsub.s32 v11, v0;
	vm0 =	vmand vm12, vm13  }
0x5d: {  	v11 =	vsel vm0, v11, v10  }
0x5e: {  	[tilespmem:$0xB280] =	vst v11  }
0x5f: {  	v11 =	vld [tilespmem:s15+$0x90];
	_ =	sdelay $0x4  }
0x60: {  	vm14 =	vge.s32 v11, v0;
	vm15 =	vlt.s32 v11, v3  }
0x61: {  	v11 =	vsub.s32 v11, v0;
	vm0 =	vmand vm14, vm15  }
0x62: {  	v11 =	vsel vm0, v11, v10  }
0x63: {  	[tilespmem:$0xB290] =	vst v11  }
0x64: {  	v11 =	vld [tilespmem:s15+$0xA0];
	_ =	sdelay $0x4  }
0x65: {  	vm4 =	vge.s32 v11, v0;
	vm5 =	vlt.s32 v11, v3  }
0x66: {  	v11 =	vsub.s32 v11, v0;
	vm0 =	vmand vm4, vm5  }
0x67: {  	v11 =	vsel vm0, v11, v10  }
0x68: {  	[tilespmem:$0xB2A0] =	vst v11  }
0x69: {  	v11 =	vld [tilespmem:s15+$0xB0];
	_ =	sdelay $0x4  }
0x6a: {  	vm6 =	vge.s32 v11, v0;
	vm7 =	vlt.s32 v11, v3  }
0x6b: {  	v11 =	vsub.s32 v11, v0;
	vm0 =	vmand vm6, vm7  }
0x6c: {  	v11 =	vsel vm0, v11, v10  }
0x6d: {  	[tilespmem:$0xB2B0] =	vst v11  }
0x6e: {  	v11 =	vld [tilespmem:s15+$0xC0];
	_ =	sdelay $0x4  }
0x6f: {  	vm8 =	vge.s32 v11, v0;
	vm9 =	vlt.s32 v11, v3  }
0x70: {  	v11 =	vsub.s32 v11, v0;
	vm0 =	vmand vm8, vm9  }
0x71: {  	v11 =	vsel vm0, v11, v10  }
0x72: {  	[tilespmem:$0xB2C0] =	vst v11  }
0x73: {  	v11 =	vld [tilespmem:s15+$0xD0];
	_ =	sdelay $0x4  }
0x74: {  	vm10 =	vge.s32 v11, v0;
	vm11 =	vlt.s32 v11, v3  }
0x75: {  	v11 =	vsub.s32 v11, v0;
	vm0 =	vmand vm10, vm11  }
0x76: {  	v11 =	vsel vm0, v11, v10  }
0x77: {  	[tilespmem:$0xB2D0] =	vst v11  }
0x78: {  	v11 =	vld [tilespmem:s15+$0xE0];
	_ =	sdelay $0x4  }
0x79: {  	vm12 =	vge.s32 v11, v0;
	vm13 =	vlt.s32 v11, v3  }
0x7a: {  	v11 =	vsub.s32 v11, v0;
	vm0 =	vmand vm12, vm13  }
0x7b: {  	v11 =	vsel vm0, v11, v10  }
0x7c: {  	[tilespmem:$0xB2E0] =	vst v11  }
0x7d: {  	v11 =	vld [tilespmem:s15+$0xF0];
	_ =	sdelay $0x4  }
0x7e: {  	vm14 =	vge.s32 v11, v0;
	vm15 =	vlt.s32 v11, v3  }
0x7f: {  	v11 =	vsub.s32 v11, v0;
	vm0 =	vmand vm14, vm15  }
0x80: {  	v11 =	vsel vm0, v11, v10  }
0x81: {  	[tilespmem:$0xB2F0] =	vst v11  }
0x82: {  	[spmem:s2] =	stream.indirect.scatter.add.f32 [tilespmem:s20], [sflag:$0x4], $0x80, s24, s18, $0xb8;
	[tilespmem:$0x1F380] =	vst v63  }
0x83: {  	_ =	swait.ge [sflag:s25], $0x4000  }
0x84: {  	[sflag:s25] =	ssyncset.done $0x0  }
0x85: {  	[sflag:s25] =	ssyncadd.s32 $0xFFFFC000  }
0x86: {  	_ =	swait.ge [sflag:s26], $0x4000  }
0x87: {  	s31 =	simm.s32 $0x800;
	s30 =	simm.s32 $0x100;
	[sflag:s26] =	ssyncset.done $0x0  }
.LBB2_2:
0x88: {  	s3 =	sadd.s32 $0x1900, s30  }
0x89: {  	[sflag:s26] =	ssyncadd.s32 $0xFFFFC000;
	s0 =	smov.u32 s31;
	s15 =	sadd.s32 $0x400, s31  }
0x8a: {  	[tilespmem:s19], [sflag:$0x1] =	stream.indirect.gather [hbm4b:s1+s18], $0x80, s3, s18, $0xb8;
	[tilespmem:$0x1F380] =	vst v63  }
0x8b: {  	p1 =	sne.s32 s31, $0x6000;
	s3 =	sadd.s32 $0x1980, s30  }
0x8c: {  	[tilespmem:s20], [sflag:$0x2] =	stream.indirect.gather [hbm4b:s1+s18], $0x80, s3, s18, $0xb8;
	[tilespmem:$0x1F380] =	vst v63  }
0x8d: {  	_ =	swait.ge [sflag:s21], $0x4000  }
0x8e: {  	[sflag:s21] =	ssyncset.done $0x0  }
0x8f: {  	[sflag:s21] =	ssyncadd.s32 $0xFFFFC000  }
0x90: {  	v11 =	vld [tilespmem:s30+$0x0];
	_ =	sdelay $0x4  }
0x91: {  	vm0 =	vge.s32 v11, v0;
	vm1 =	vlt.s32 v11, v3  }
0x92: {  	v11 =	vsub.s32 v11, v0;
	vm0 =	vmand vm0, vm1  }
0x93: {  	v11 =	vsel vm0, v11, v10  }
0x94: {  	[tilespmem:$0xB200] =	vst v11  }
0x95: {  	v11 =	vld [tilespmem:s30+$0x10];
	_ =	sdelay $0x4  }
0x96: {  	vm0 =	vge.s32 v11, v0;
	vm1 =	vlt.s32 v11, v3  }
0x97: {  	v11 =	vsub.s32 v11, v0;
	vm0 =	vmand vm0, vm1  }
0x98: {  	v11 =	vsel vm0, v11, v10  }
0x99: {  	[tilespmem:$0xB210] =	vst v11  }
0x9a: {  	v11 =	vld [tilespmem:s30+$0x20];
	_ =	sdelay $0x4  }
0x9b: {  	vm0 =	vge.s32 v11, v0;
	vm1 =	vlt.s32 v11, v3  }
0x9c: {  	v11 =	vsub.s32 v11, v0;
	vm0 =	vmand vm0, vm1  }
0x9d: {  	v11 =	vsel vm0, v11, v10  }
0x9e: {  	[tilespmem:$0xB220] =	vst v11  }
0x9f: {  	v11 =	vld [tilespmem:s30+$0x30];
	_ =	sdelay $0x4  }
0xa0: {  	vm0 =	vge.s32 v11, v0;
	vm1 =	vlt.s32 v11, v3  }
0xa1: {  	v11 =	vsub.s32 v11, v0;
	vm0 =	vmand vm0, vm1  }
0xa2: {  	v11 =	vsel vm0, v11, v10  }
0xa3: {  	[tilespmem:$0xB230] =	vst v11  }
0xa4: {  	v11 =	vld [tilespmem:s30+$0x40];
	_ =	sdelay $0x4  }
0xa5: {  	vm0 =	vge.s32 v11, v0;
	vm1 =	vlt.s32 v11, v3  }
0xa6: {  	v11 =	vsub.s32 v11, v0;
	vm0 =	vmand vm0, vm1  }
0xa7: {  	v11 =	vsel vm0, v11, v10  }
0xa8: {  	[tilespmem:$0xB240] =	vst v11  }
0xa9: {  	v11 =	vld [tilespmem:s30+$0x50];
	_ =	sdelay $0x4  }
0xaa: {  	vm0 =	vge.s32 v11, v0;
	vm1 =	vlt.s32 v11, v3  }
0xab: {  	v11 =	vsub.s32 v11, v0;
	vm0 =	vmand vm0, vm1  }
0xac: {  	v11 =	vsel vm0, v11, v10  }
0xad: {  	[tilespmem:$0xB250] =	vst v11  }
0xae: {  	v11 =	vld [tilespmem:s30+$0x60];
	_ =	sdelay $0x4  }
0xaf: {  	vm0 =	vge.s32 v11, v0;
	vm1 =	vlt.s32 v11, v3  }
0xb0: {  	v11 =	vsub.s32 v11, v0;
	vm0 =	vmand vm0, vm1  }
0xb1: {  	v11 =	vsel vm0, v11, v10  }
0xb2: {  	[tilespmem:$0xB260] =	vst v11  }
0xb3: {  	v11 =	vld [tilespmem:s30+$0x70];
	_ =	sdelay $0x4  }
0xb4: {  	vm0 =	vge.s32 v11, v0;
	vm1 =	vlt.s32 v11, v3  }
0xb5: {  	v11 =	vsub.s32 v11, v0;
	vm0 =	vmand vm0, vm1  }
0xb6: {  	v11 =	vsel vm0, v11, v10  }
0xb7: {  	[tilespmem:$0xB270] =	vst v11  }
0xb8: {  	[spmem:s2] =	stream.indirect.scatter.add.f32 [tilespmem:s19], [sflag:$0x3], $0x80, s22, s18, $0xb8;
	[tilespmem:$0x1F380] =	vst v63  }
0xb9: {  	_ =	swait.ge [sflag:s23], $0x4000  }
0xba: {  	[sflag:s23] =	ssyncset.done $0x0  }
0xbb: {  	[sflag:s23] =	ssyncadd.s32 $0xFFFFC000  }
0xbc: {  	v11 =	vld [tilespmem:s30+$0x80];
	_ =	sdelay $0x4  }
0xbd: {  	vm0 =	vge.s32 v11, v0;
	vm1 =	vlt.s32 v11, v3  }
0xbe: {  	v11 =	vsub.s32 v11, v0;
	vm0 =	vmand vm0, vm1  }
0xbf: {  	v11 =	vsel vm0, v11, v10  }
0xc0: {  	[tilespmem:$0xB280] =	vst v11  }
0xc1: {  	v11 =	vld [tilespmem:s30+$0x90];
	_ =	sdelay $0x4  }
0xc2: {  	vm0 =	vge.s32 v11, v0;
	vm1 =	vlt.s32 v11, v3  }
0xc3: {  	v11 =	vsub.s32 v11, v0;
	vm0 =	vmand vm0, vm1  }
0xc4: {  	v11 =	vsel vm0, v11, v10  }
0xc5: {  	[tilespmem:$0xB290] =	vst v11  }
0xc6: {  	v11 =	vld [tilespmem:s30+$0xA0];
	_ =	sdelay $0x4  }
0xc7: {  	vm0 =	vge.s32 v11, v0;
	vm1 =	vlt.s32 v11, v3  }
0xc8: {  	v11 =	vsub.s32 v11, v0;
	vm0 =	vmand vm0, vm1  }
0xc9: {  	v11 =	vsel vm0, v11, v10  }
0xca: {  	[tilespmem:$0xB2A0] =	vst v11  }
0xcb: {  	v11 =	vld [tilespmem:s30+$0xB0];
	_ =	sdelay $0x4  }
0xcc: {  	vm0 =	vge.s32 v11, v0;
	vm1 =	vlt.s32 v11, v3  }
0xcd: {  	v11 =	vsub.s32 v11, v0;
	vm0 =	vmand vm0, vm1  }
0xce: {  	v11 =	vsel vm0, v11, v10  }
0xcf: {  	[tilespmem:$0xB2B0] =	vst v11  }
0xd0: {  	v11 =	vld [tilespmem:s30+$0xC0];
	_ =	sdelay $0x4  }
0xd1: {  	vm0 =	vge.s32 v11, v0;
	vm1 =	vlt.s32 v11, v3  }
0xd2: {  	v11 =	vsub.s32 v11, v0;
	vm0 =	vmand vm0, vm1  }
0xd3: {  	v11 =	vsel vm0, v11, v10  }
0xd4: {  	[tilespmem:$0xB2C0] =	vst v11  }
0xd5: {  	v11 =	vld [tilespmem:s30+$0xD0];
	_ =	sdelay $0x4  }
0xd6: {  	vm0 =	vge.s32 v11, v0;
	vm1 =	vlt.s32 v11, v3  }
0xd7: {  	v11 =	vsub.s32 v11, v0;
	vm0 =	vmand vm0, vm1  }
0xd8: {  	v11 =	vsel vm0, v11, v10  }
0xd9: {  	[tilespmem:$0xB2D0] =	vst v11  }
0xda: {  	v11 =	vld [tilespmem:s30+$0xE0];
	_ =	sdelay $0x4  }
0xdb: {  	vm0 =	vge.s32 v11, v0;
	vm1 =	vlt.s32 v11, v3  }
0xdc: {  	v11 =	vsub.s32 v11, v0;
	vm0 =	vmand vm0, vm1  }
0xdd: {  	v11 =	vsel vm0, v11, v10  }
0xde: {  	[tilespmem:$0xB2E0] =	vst v11  }
0xdf: {  	v11 =	vld [tilespmem:s30+$0xF0];
	_ =	sdelay $0x4  }
0xe0: {  	vm0 =	vge.s32 v11, v0;
	vm1 =	vlt.s32 v11, v3  }
0xe1: {  	v11 =	vsub.s32 v11, v0;
	vm0 =	vmand vm0, vm1  }
0xe2: {  	v11 =	vsel vm0, v11, v10  }
0xe3: {  	[tilespmem:$0xB2F0] =	vst v11  }
0xe4: {  	[spmem:s2] =	stream.indirect.scatter.add.f32 [tilespmem:s20], [sflag:$0x4], $0x80, s24, s18, $0xb8;
	[tilespmem:$0x1F380] =	vst v63  }
.Ltmp0:
0xe5: {  	_ =	swait.ge [sflag:s25], $0x4000;
	(pc) =	sbr.rel @p1 .LBB2_2-.Ltmp0, $4  }
0xe6: {  	[sflag:s25] =	ssyncset.done $0x0  }
0xe7: {  	[sflag:s25] =	ssyncadd.s32 $0xFFFFC000  }
0xe8: {  	_ =	swait.ge [sflag:s26], $0x4000  }
0xe9: {  	s31 =	smov.u32 s15;
	s30 =	sshra.s32 s0, $0x2;
	[sflag:s26] =	ssyncset.done $0x0  }
0xea: {  	s0 =	sadd.s32 $0x1900, s30;
	[sflag:s26] =	ssyncadd.s32 $0xFFFFC000  }
0xeb: {  	[tilespmem:s19], [sflag:$0x1] =	stream.indirect.gather [hbm4b:s1+s18], $0x80, s0, s18, $0xb8;
	[tilespmem:$0x1F380] =	vst v63  }
0xec: {  	s31 =	sadd.s32 $0x1980, s30  }
0xed: {  	[tilespmem:s20], [sflag:$0x2] =	stream.indirect.gather [hbm4b:s1+s18], $0x80, s31, s18, $0xb8;
	[tilespmem:$0x1F380] =	vst v63  }
0xee: {  	_ =	swait.ge [sflag:s21], $0x4000  }
0xef: {  	[sflag:s21] =	ssyncset.done $0x0  }
0xf0: {  	[sflag:s21] =	ssyncadd.s32 $0xFFFFC000  }
0xf1: {  	v11 =	vld [tilespmem:s30+$0x0];
	_ =	sdelay $0x4  }
0xf2: {  	vm0 =	vge.s32 v11, v0;
	vm1 =	vlt.s32 v11, v3  }
0xf3: {  	v11 =	vsub.s32 v11, v0;
	vm0 =	vmand vm0, vm1  }
0xf4: {  	v11 =	vsel vm0, v11, v10  }
0xf5: {  	[tilespmem:$0xB200] =	vst v11  }
0xf6: {  	v11 =	vld [tilespmem:s30+$0x10];
	_ =	sdelay $0x4  }
0xf7: {  	vm14 =	vge.s32 v11, v0;
	vm15 =	vlt.s32 v11, v3  }
0xf8: {  	v11 =	vsub.s32 v11, v0;
	vm0 =	vmand vm14, vm15  }
0xf9: {  	v11 =	vsel vm0, v11, v10  }
0xfa: {  	[tilespmem:$0xB210] =	vst v11  }
0xfb: {  	v11 =	vld [tilespmem:s30+$0x20];
	_ =	sdelay $0x4  }
0xfc: {  	vm4 =	vge.s32 v11, v0;
	vm5 =	vlt.s32 v11, v3  }
0xfd: {  	v11 =	vsub.s32 v11, v0;
	vm0 =	vmand vm4, vm5  }
0xfe: {  	v11 =	vsel vm0, v11, v10  }
0xff: {  	[tilespmem:$0xB220] =	vst v11  }
0x100: {  	v11 =	vld [tilespmem:s30+$0x30];
	_ =	sdelay $0x4  }
0x101: {  	vm6 =	vge.s32 v11, v0;
	vm7 =	vlt.s32 v11, v3  }
0x102: {  	v11 =	vsub.s32 v11, v0;
	vm0 =	vmand vm6, vm7  }
0x103: {  	v11 =	vsel vm0, v11, v10  }
0x104: {  	[tilespmem:$0xB230] =	vst v11  }
0x105: {  	v11 =	vld [tilespmem:s30+$0x40];
	_ =	sdelay $0x4  }
0x106: {  	vm8 =	vge.s32 v11, v0;
	vm9 =	vlt.s32 v11, v3  }
0x107: {  	v11 =	vsub.s32 v11, v0;
	vm0 =	vmand vm8, vm9  }
0x108: {  	v11 =	vsel vm0, v11, v10  }
0x109: {  	[tilespmem:$0xB240] =	vst v11  }
0x10a: {  	v11 =	vld [tilespmem:s30+$0x50];
	_ =	sdelay $0x4  }
0x10b: {  	vm10 =	vge.s32 v11, v0;
	vm11 =	vlt.s32 v11, v3  }
0x10c: {  	v11 =	vsub.s32 v11, v0;
	vm0 =	vmand vm10, vm11  }
0x10d: {  	v11 =	vsel vm0, v11, v10  }
0x10e: {  	[tilespmem:$0xB250] =	vst v11  }
0x10f: {  	v11 =	vld [tilespmem:s30+$0x60];
	_ =	sdelay $0x4  }
0x110: {  	vm12 =	vge.s32 v11, v0;
	vm13 =	vlt.s32 v11, v3  }
0x111: {  	v11 =	vsub.s32 v11, v0;
	vm0 =	vmand vm12, vm13  }
0x112: {  	v11 =	vsel vm0, v11, v10  }
0x113: {  	[tilespmem:$0xB260] =	vst v11  }
0x114: {  	v11 =	vld [tilespmem:s30+$0x70];
	_ =	sdelay $0x4  }
0x115: {  	vm14 =	vge.s32 v11, v0;
	vm15 =	vlt.s32 v11, v3  }
0x116: {  	v11 =	vsub.s32 v11, v0;
	vm0 =	vmand vm14, vm15  }
0x117: {  	v11 =	vsel vm0, v11, v10  }
0x118: {  	[tilespmem:$0xB270] =	vst v11  }
0x119: {  	[spmem:s2] =	stream.indirect.scatter.add.f32 [tilespmem:s19], [sflag:$0x3], $0x80, s22, s18, $0xb8;
	[tilespmem:$0x1F380] =	vst v63  }
0x11a: {  	_ =	swait.ge [sflag:s23], $0x4000  }
0x11b: {  	[sflag:s23] =	ssyncset.done $0x0  }
0x11c: {  	[sflag:s23] =	ssyncadd.s32 $0xFFFFC000  }
0x11d: {  	v11 =	vld [tilespmem:s30+$0x80];
	_ =	sdelay $0x4  }
0x11e: {  	vm4 =	vge.s32 v11, v0;
	vm5 =	vlt.s32 v11, v3  }
0x11f: {  	v11 =	vsub.s32 v11, v0;
	vm0 =	vmand vm4, vm5  }
0x120: {  	v11 =	vsel vm0, v11, v10  }
0x121: {  	[tilespmem:$0xB280] =	vst v11  }
0x122: {  	v11 =	vld [tilespmem:s30+$0x90];
	_ =	sdelay $0x4  }
0x123: {  	vm6 =	vge.s32 v11, v0;
	vm7 =	vlt.s32 v11, v3  }
0x124: {  	v11 =	vsub.s32 v11, v0;
	vm0 =	vmand vm6, vm7  }
0x125: {  	v11 =	vsel vm0, v11, v10  }
0x126: {  	[tilespmem:$0xB290] =	vst v11  }
0x127: {  	v11 =	vld [tilespmem:s30+$0xA0];
	_ =	sdelay $0x4  }
0x128: {  	vm8 =	vge.s32 v11, v0;
	vm9 =	vlt.s32 v11, v3  }
0x129: {  	v11 =	vsub.s32 v11, v0;
	vm0 =	vmand vm8, vm9  }
0x12a: {  	v11 =	vsel vm0, v11, v10  }
0x12b: {  	[tilespmem:$0xB2A0] =	vst v11  }
0x12c: {  	v11 =	vld [tilespmem:s30+$0xB0];
	_ =	sdelay $0x4  }
0x12d: {  	vm10 =	vge.s32 v11, v0;
	vm11 =	vlt.s32 v11, v3  }
0x12e: {  	v11 =	vsub.s32 v11, v0;
	vm0 =	vmand vm10, vm11  }
0x12f: {  	v11 =	vsel vm0, v11, v10  }
0x130: {  	[tilespmem:$0xB2B0] =	vst v11  }
0x131: {  	v11 =	vld [tilespmem:s30+$0xC0];
	_ =	sdelay $0x4  }
0x132: {  	vm12 =	vge.s32 v11, v0;
	vm13 =	vlt.s32 v11, v3  }
0x133: {  	v11 =	vsub.s32 v11, v0;
	vm0 =	vmand vm12, vm13  }
0x134: {  	v11 =	vsel vm0, v11, v10  }
0x135: {  	[tilespmem:$0xB2C0] =	vst v11  }
0x136: {  	v11 =	vld [tilespmem:s30+$0xD0];
	_ =	sdelay $0x4  }
0x137: {  	vm14 =	vge.s32 v11, v0;
	vm15 =	vlt.s32 v11, v3  }
0x138: {  	v11 =	vsub.s32 v11, v0;
	vm0 =	vmand vm14, vm15  }
0x139: {  	v11 =	vsel vm0, v11, v10  }
0x13a: {  	[tilespmem:$0xB2D0] =	vst v11  }
0x13b: {  	v11 =	vld [tilespmem:s30+$0xE0];
	_ =	sdelay $0x4  }
0x13c: {  	vm4 =	vge.s32 v11, v0;
	vm5 =	vlt.s32 v11, v3  }
0x13d: {  	v11 =	vsub.s32 v11, v0;
	vm0 =	vmand vm4, vm5  }
0x13e: {  	v11 =	vsel vm0, v11, v10  }
0x13f: {  	[tilespmem:$0xB2E0] =	vst v11  }
0x140: {  	v11 =	vld [tilespmem:s30+$0xF0];
	_ =	sdelay $0x4  }
0x141: {  	vm6 =	vge.s32 v11, v0;
	vm7 =	vlt.s32 v11, v3  }
0x142: {  	v11 =	vsub.s32 v11, v0;
	vm0 =	vmand vm6, vm7  }
0x143: {  	v11 =	vsel vm0, v11, v10  }
0x144: {  	[tilespmem:$0xB2F0] =	vst v11  }
0x145: {  	[spmem:s2] =	stream.indirect.scatter.add.f32 [tilespmem:s20], [sflag:$0x4], $0x80, s24, s18, $0xb8;
	[tilespmem:$0x1F380] =	vst v63  }
0x146: {  	_ =	swait.ge [sflag:s25], $0x4000  }
0x147: {  	[sflag:s25] =	ssyncset.done $0x0  }
0x148: {  	[sflag:s25] =	ssyncadd.s32 $0xFFFFC000  }
0x149: {  	_ =	swait.ge [sflag:s26], $0x4000  }
0x14a: {  	[sflag:s26] =	ssyncset.done $0x0  }
0x14b: {  	[sflag:s26] =	ssyncadd.s32 $0xFFFFC000  }
0x14c: {  	[bflag:$0x0] =	sbarrier.arrive $0xFFFF  }
0x14d: {  	[hbm:s8], [sflag:s16] =	dma.local [spmem:s17], $0x2800  }
0x14e: {  	_ =	swait.ge [sflag:s14], $0x2800  }
0x14f: {  	[sflag:s14] =	ssyncset.done $0x0  }
0x150: {  	[sflag:s14] =	ssyncadd.s32 $0xFFFFD800  }
0x151: {  	[spmem:s17], [sflag:s16] =	dma.local [hbm:s4], $0x2800  }
0x152: {  	_ =	swait.ge [sflag:s14], $0x2800  }
0x153: {  	[sflag:s14] =	ssyncset.done $0x0  }
0x154: {  	s0 =	simm.s32 @!p0 $0x5;
	[sflag:s14] =	ssyncadd.s32 $0xFFFFD800  }
0x155: {  	[spmem:s29], [sflag:s16] =	dma.local @!p0 [hbm:s4], $0x100  }
0x156: {  	_ =	swait.ge @!p0 [sflag:s0], $0x100  }
0x157: {  	[sflag:s0] =	ssyncset.done @!p0 $0x0  }
0x158: {  	[sflag:s0] =	ssyncadd.s32 @!p0 $0xFFFFFF00  }
0x159: {  	s3 =	simm.s32 $0x1900;
	[bflag:$0x0] =	sbarrier.arrive $0xFFFF  }
0x15a: {  	[tilespmem:s19], [sflag:$0x1] =	stream.indirect.gather [hbm4b:s1+s18], $0x80, s3, s18, $0xb8;
	[tilespmem:$0x1F380] =	vst v63  }
0x15b: {  	s15 =	simm.s32 $0x1980  }
0x15c: {  	[tilespmem:s20], [sflag:$0x2] =	stream.indirect.gather [hbm4b:s1+s18], $0x80, s15, s18, $0xb8;
	[tilespmem:$0x1F380] =	vst v63  }
0x15d: {  	_ =	swait.ge [sflag:s21], $0x4000  }
0x15e: {  	[sflag:s21] =	ssyncset.done $0x0  }
0x15f: {  	s31 =	simm.s32 $0x0;
	[sflag:s21] =	ssyncadd.s32 $0xFFFFC000  }
0x160: {  	v11 =	vld [tilespmem:s31+$0x0];
	_ =	sdelay $0x4  }
0x161: {  	vm8 =	vge.s32 v11, v1;
	vm9 =	vlt.s32 v11, v4  }
0x162: {  	v11 =	vsub.s32 v11, v1;
	vm0 =	vmand vm8, vm9  }
0x163: {  	v11 =	vsel vm0, v11, v10  }
0x164: {  	[tilespmem:$0xB200] =	vst v11  }
0x165: {  	v11 =	vld [tilespmem:s31+$0x10];
	_ =	sdelay $0x4  }
0x166: {  	vm10 =	vge.s32 v11, v1;
	vm11 =	vlt.s32 v11, v4  }
0x167: {  	v11 =	vsub.s32 v11, v1;
	vm0 =	vmand vm10, vm11  }
0x168: {  	v11 =	vsel vm0, v11, v10  }
0x169: {  	[tilespmem:$0xB210] =	vst v11  }
0x16a: {  	v11 =	vld [tilespmem:s31+$0x20];
	_ =	sdelay $0x4  }
0x16b: {  	vm12 =	vge.s32 v11, v1;
	vm13 =	vlt.s32 v11, v4  }
0x16c: {  	v11 =	vsub.s32 v11, v1;
	vm0 =	vmand vm12, vm13  }
0x16d: {  	v11 =	vsel vm0, v11, v10  }
0x16e: {  	[tilespmem:$0xB220] =	vst v11  }
0x16f: {  	v11 =	vld [tilespmem:s31+$0x30];
	_ =	sdelay $0x4  }
0x170: {  	vm14 =	vge.s32 v11, v1;
	vm15 =	vlt.s32 v11, v4  }
0x171: {  	v11 =	vsub.s32 v11, v1;
	vm0 =	vmand vm14, vm15  }
0x172: {  	v11 =	vsel vm0, v11, v10  }
0x173: {  	[tilespmem:$0xB230] =	vst v11  }
0x174: {  	v11 =	vld [tilespmem:s31+$0x40];
	_ =	sdelay $0x4  }
0x175: {  	vm4 =	vge.s32 v11, v1;
	vm5 =	vlt.s32 v11, v4  }
0x176: {  	v11 =	vsub.s32 v11, v1;
	vm0 =	vmand vm4, vm5  }
0x177: {  	v11 =	vsel vm0, v11, v10  }
0x178: {  	[tilespmem:$0xB240] =	vst v11  }
0x179: {  	v11 =	vld [tilespmem:s31+$0x50];
	_ =	sdelay $0x4  }
0x17a: {  	vm6 =	vge.s32 v11, v1;
	vm7 =	vlt.s32 v11, v4  }
0x17b: {  	v11 =	vsub.s32 v11, v1;
	vm0 =	vmand vm6, vm7  }
0x17c: {  	v11 =	vsel vm0, v11, v10  }
0x17d: {  	[tilespmem:$0xB250] =	vst v11  }
0x17e: {  	v11 =	vld [tilespmem:s31+$0x60];
	_ =	sdelay $0x4  }
0x17f: {  	vm8 =	vge.s32 v11, v1;
	vm9 =	vlt.s32 v11, v4  }
0x180: {  	v11 =	vsub.s32 v11, v1;
	vm0 =	vmand vm8, vm9  }
0x181: {  	v11 =	vsel vm0, v11, v10  }
0x182: {  	[tilespmem:$0xB260] =	vst v11  }
0x183: {  	v11 =	vld [tilespmem:s31+$0x70];
	_ =	sdelay $0x4  }
0x184: {  	vm10 =	vge.s32 v11, v1;
	vm11 =	vlt.s32 v11, v4  }
0x185: {  	v11 =	vsub.s32 v11, v1;
	vm0 =	vmand vm10, vm11  }
0x186: {  	v11 =	vsel vm0, v11, v10  }
0x187: {  	[tilespmem:$0xB270] =	vst v11  }
0x188: {  	[spmem:s2] =	stream.indirect.scatter.add.f32 [tilespmem:s19], [sflag:$0x3], $0x80, s22, s18, $0xb8;
	[tilespmem:$0x1F380] =	vst v63  }
0x189: {  	_ =	swait.ge [sflag:s23], $0x4000  }
0x18a: {  	[sflag:s23] =	ssyncset.done $0x0  }
0x18b: {  	[sflag:s23] =	ssyncadd.s32 $0xFFFFC000  }
0x18c: {  	v11 =	vld [tilespmem:s31+$0x80];
	_ =	sdelay $0x4  }
0x18d: {  	vm12 =	vge.s32 v11, v1;
	vm13 =	vlt.s32 v11, v4  }
0x18e: {  	v11 =	vsub.s32 v11, v1;
	vm0 =	vmand vm12, vm13  }
0x18f: {  	v11 =	vsel vm0, v11, v10  }
0x190: {  	[tilespmem:$0xB280] =	vst v11  }
0x191: {  	v11 =	vld [tilespmem:s31+$0x90];
	_ =	sdelay $0x4  }
0x192: {  	vm14 =	vge.s32 v11, v1;
	vm15 =	vlt.s32 v11, v4  }
0x193: {  	v11 =	vsub.s32 v11, v1;
	vm0 =	vmand vm14, vm15  }
0x194: {  	v11 =	vsel vm0, v11, v10  }
0x195: {  	[tilespmem:$0xB290] =	vst v11  }
0x196: {  	v11 =	vld [tilespmem:s31+$0xA0];
	_ =	sdelay $0x4  }
0x197: {  	vm4 =	vge.s32 v11, v1;
	vm5 =	vlt.s32 v11, v4  }
0x198: {  	v11 =	vsub.s32 v11, v1;
	vm0 =	vmand vm4, vm5  }
0x199: {  	v11 =	vsel vm0, v11, v10  }
0x19a: {  	[tilespmem:$0xB2A0] =	vst v11  }
0x19b: {  	v11 =	vld [tilespmem:s31+$0xB0];
	_ =	sdelay $0x4  }
0x19c: {  	vm6 =	vge.s32 v11, v1;
	vm7 =	vlt.s32 v11, v4  }
0x19d: {  	v11 =	vsub.s32 v11, v1;
	vm0 =	vmand vm6, vm7  }
0x19e: {  	v11 =	vsel vm0, v11, v10  }
0x19f: {  	[tilespmem:$0xB2B0] =	vst v11  }
0x1a0: {  	v11 =	vld [tilespmem:s31+$0xC0];
	_ =	sdelay $0x4  }
0x1a1: {  	vm8 =	vge.s32 v11, v1;
	vm9 =	vlt.s32 v11, v4  }
0x1a2: {  	v11 =	vsub.s32 v11, v1;
	vm0 =	vmand vm8, vm9  }
0x1a3: {  	v11 =	vsel vm0, v11, v10  }
0x1a4: {  	[tilespmem:$0xB2C0] =	vst v11  }
0x1a5: {  	v11 =	vld [tilespmem:s31+$0xD0];
	_ =	sdelay $0x4  }
0x1a6: {  	vm10 =	vge.s32 v11, v1;
	vm11 =	vlt.s32 v11, v4  }
0x1a7: {  	v11 =	vsub.s32 v11, v1;
	vm0 =	vmand vm10, vm11  }
0x1a8: {  	v11 =	vsel vm0, v11, v10  }
0x1a9: {  	[tilespmem:$0xB2D0] =	vst v11  }
0x1aa: {  	v11 =	vld [tilespmem:s31+$0xE0];
	_ =	sdelay $0x4  }
0x1ab: {  	vm12 =	vge.s32 v11, v1;
	vm13 =	vlt.s32 v11, v4  }
0x1ac: {  	v11 =	vsub.s32 v11, v1;
	vm0 =	vmand vm12, vm13  }
0x1ad: {  	v11 =	vsel vm0, v11, v10  }
0x1ae: {  	[tilespmem:$0xB2E0] =	vst v11  }
0x1af: {  	v11 =	vld [tilespmem:s31+$0xF0];
	_ =	sdelay $0x4  }
0x1b0: {  	vm14 =	vge.s32 v11, v1;
	vm15 =	vlt.s32 v11, v4  }
0x1b1: {  	v11 =	vsub.s32 v11, v1;
	vm0 =	vmand vm14, vm15  }
0x1b2: {  	v11 =	vsel vm0, v11, v10  }
0x1b3: {  	[tilespmem:$0xB2F0] =	vst v11  }
0x1b4: {  	[spmem:s2] =	stream.indirect.scatter.add.f32 [tilespmem:s20], [sflag:$0x4], $0x80, s24, s18, $0xb8;
	[tilespmem:$0x1F380] =	vst v63  }
0x1b5: {  	_ =	swait.ge [sflag:s25], $0x4000  }
0x1b6: {  	[sflag:s25] =	ssyncset.done $0x0  }
0x1b7: {  	[sflag:s25] =	ssyncadd.s32 $0xFFFFC000  }
0x1b8: {  	_ =	swait.ge [sflag:s26], $0x4000  }
0x1b9: {  	s30 =	simm.s32 $0x100;
	s15 =	simm.s32 $0x800;
	[sflag:s26] =	ssyncset.done $0x0  }
.LBB2_4:
0x1ba: {  	s3 =	sadd.s32 $0x1900, s30  }
0x1bb: {  	[sflag:s26] =	ssyncadd.s32 $0xFFFFC000;
	s0 =	smov.u32 s15;
	s31 =	sadd.s32 $0x400, s15  }
0x1bc: {  	[tilespmem:s19], [sflag:$0x1] =	stream.indirect.gather [hbm4b:s1+s18], $0x80, s3, s18, $0xb8;
	[tilespmem:$0x1F380] =	vst v63  }
0x1bd: {  	p1 =	sne.s32 s15, $0x6000;
	s3 =	sadd.s32 $0x1980, s30  }
0x1be: {  	[tilespmem:s20], [sflag:$0x2] =	stream.indirect.gather [hbm4b:s1+s18], $0x80, s3, s18, $0xb8;
	[tilespmem:$0x1F380] =	vst v63  }
0x1bf: {  	_ =	swait.ge [sflag:s21], $0x4000  }
0x1c0: {  	[sflag:s21] =	ssyncset.done $0x0  }
0x1c1: {  	[sflag:s21] =	ssyncadd.s32 $0xFFFFC000  }
0x1c2: {  	v11 =	vld [tilespmem:s30+$0x0];
	_ =	sdelay $0x4  }
0x1c3: {  	vm0 =	vge.s32 v11, v1;
	vm1 =	vlt.s32 v11, v4  }
0x1c4: {  	v11 =	vsub.s32 v11, v1;
	vm0 =	vmand vm0, vm1  }
0x1c5: {  	v11 =	vsel vm0, v11, v10  }
0x1c6: {  	[tilespmem:$0xB200] =	vst v11  }
0x1c7: {  	v11 =	vld [tilespmem:s30+$0x10];
	_ =	sdelay $0x4  }
0x1c8: {  	vm0 =	vge.s32 v11, v1;
	vm1 =	vlt.s32 v11, v4  }
0x1c9: {  	v11 =	vsub.s32 v11, v1;
	vm0 =	vmand vm0, vm1  }
0x1ca: {  	v11 =	vsel vm0, v11, v10  }
0x1cb: {  	[tilespmem:$0xB210] =	vst v11  }
0x1cc: {  	v11 =	vld [tilespmem:s30+$0x20];
	_ =	sdelay $0x4  }
0x1cd: {  	vm0 =	vge.s32 v11, v1;
	vm1 =	vlt.s32 v11, v4  }
0x1ce: {  	v11 =	vsub.s32 v11, v1;
	vm0 =	vmand vm0, vm1  }
0x1cf: {  	v11 =	vsel vm0, v11, v10  }
0x1d0: {  	[tilespmem:$0xB220] =	vst v11  }
0x1d1: {  	v11 =	vld [tilespmem:s30+$0x30];
	_ =	sdelay $0x4  }
0x1d2: {  	vm0 =	vge.s32 v11, v1;
	vm1 =	vlt.s32 v11, v4  }
0x1d3: {  	v11 =	vsub.s32 v11, v1;
	vm0 =	vmand vm0, vm1  }
0x1d4: {  	v11 =	vsel vm0, v11, v10  }
0x1d5: {  	[tilespmem:$0xB230] =	vst v11  }
0x1d6: {  	v11 =	vld [tilespmem:s30+$0x40];
	_ =	sdelay $0x4  }
0x1d7: {  	vm0 =	vge.s32 v11, v1;
	vm1 =	vlt.s32 v11, v4  }
0x1d8: {  	v11 =	vsub.s32 v11, v1;
	vm0 =	vmand vm0, vm1  }
0x1d9: {  	v11 =	vsel vm0, v11, v10  }
0x1da: {  	[tilespmem:$0xB240] =	vst v11  }
0x1db: {  	v11 =	vld [tilespmem:s30+$0x50];
	_ =	sdelay $0x4  }
0x1dc: {  	vm0 =	vge.s32 v11, v1;
	vm1 =	vlt.s32 v11, v4  }
0x1dd: {  	v11 =	vsub.s32 v11, v1;
	vm0 =	vmand vm0, vm1  }
0x1de: {  	v11 =	vsel vm0, v11, v10  }
0x1df: {  	[tilespmem:$0xB250] =	vst v11  }
0x1e0: {  	v11 =	vld [tilespmem:s30+$0x60];
	_ =	sdelay $0x4  }
0x1e1: {  	vm0 =	vge.s32 v11, v1;
	vm1 =	vlt.s32 v11, v4  }
0x1e2: {  	v11 =	vsub.s32 v11, v1;
	vm0 =	vmand vm0, vm1  }
0x1e3: {  	v11 =	vsel vm0, v11, v10  }
0x1e4: {  	[tilespmem:$0xB260] =	vst v11  }
0x1e5: {  	v11 =	vld [tilespmem:s30+$0x70];
	_ =	sdelay $0x4  }
0x1e6: {  	vm0 =	vge.s32 v11, v1;
	vm1 =	vlt.s32 v11, v4  }
0x1e7: {  	v11 =	vsub.s32 v11, v1;
	vm0 =	vmand vm0, vm1  }
0x1e8: {  	v11 =	vsel vm0, v11, v10  }
0x1e9: {  	[tilespmem:$0xB270] =	vst v11  }
0x1ea: {  	[spmem:s2] =	stream.indirect.scatter.add.f32 [tilespmem:s19], [sflag:$0x3], $0x80, s22, s18, $0xb8;
	[tilespmem:$0x1F380] =	vst v63  }
0x1eb: {  	_ =	swait.ge [sflag:s23], $0x4000  }
0x1ec: {  	[sflag:s23] =	ssyncset.done $0x0  }
0x1ed: {  	[sflag:s23] =	ssyncadd.s32 $0xFFFFC000  }
0x1ee: {  	v11 =	vld [tilespmem:s30+$0x80];
	_ =	sdelay $0x4  }
0x1ef: {  	vm0 =	vge.s32 v11, v1;
	vm1 =	vlt.s32 v11, v4  }
0x1f0: {  	v11 =	vsub.s32 v11, v1;
	vm0 =	vmand vm0, vm1  }
0x1f1: {  	v11 =	vsel vm0, v11, v10  }
0x1f2: {  	[tilespmem:$0xB280] =	vst v11  }
0x1f3: {  	v11 =	vld [tilespmem:s30+$0x90];
	_ =	sdelay $0x4  }
0x1f4: {  	vm0 =	vge.s32 v11, v1;
	vm1 =	vlt.s32 v11, v4  }
0x1f5: {  	v11 =	vsub.s32 v11, v1;
	vm0 =	vmand vm0, vm1  }
0x1f6: {  	v11 =	vsel vm0, v11, v10  }
0x1f7: {  	[tilespmem:$0xB290] =	vst v11  }
0x1f8: {  	v11 =	vld [tilespmem:s30+$0xA0];
	_ =	sdelay $0x4  }
0x1f9: {  	vm0 =	vge.s32 v11, v1;
	vm1 =	vlt.s32 v11, v4  }
0x1fa: {  	v11 =	vsub.s32 v11, v1;
	vm0 =	vmand vm0, vm1  }
0x1fb: {  	v11 =	vsel vm0, v11, v10  }
0x1fc: {  	[tilespmem:$0xB2A0] =	vst v11  }
0x1fd: {  	v11 =	vld [tilespmem:s30+$0xB0];
	_ =	sdelay $0x4  }
0x1fe: {  	vm0 =	vge.s32 v11, v1;
	vm1 =	vlt.s32 v11, v4  }
0x1ff: {  	v11 =	vsub.s32 v11, v1;
	vm0 =	vmand vm0, vm1  }
0x200: {  	v11 =	vsel vm0, v11, v10  }
0x201: {  	[tilespmem:$0xB2B0] =	vst v11  }
0x202: {  	v11 =	vld [tilespmem:s30+$0xC0];
	_ =	sdelay $0x4  }
0x203: {  	vm0 =	vge.s32 v11, v1;
	vm1 =	vlt.s32 v11, v4  }
0x204: {  	v11 =	vsub.s32 v11, v1;
	vm0 =	vmand vm0, vm1  }
0x205: {  	v11 =	vsel vm0, v11, v10  }
0x206: {  	[tilespmem:$0xB2C0] =	vst v11  }
0x207: {  	v11 =	vld [tilespmem:s30+$0xD0];
	_ =	sdelay $0x4  }
0x208: {  	vm0 =	vge.s32 v11, v1;
	vm1 =	vlt.s32 v11, v4  }
0x209: {  	v11 =	vsub.s32 v11, v1;
	vm0 =	vmand vm0, vm1  }
0x20a: {  	v11 =	vsel vm0, v11, v10  }
0x20b: {  	[tilespmem:$0xB2D0] =	vst v11  }
0x20c: {  	v11 =	vld [tilespmem:s30+$0xE0];
	_ =	sdelay $0x4  }
0x20d: {  	vm0 =	vge.s32 v11, v1;
	vm1 =	vlt.s32 v11, v4  }
0x20e: {  	v11 =	vsub.s32 v11, v1;
	vm0 =	vmand vm0, vm1  }
0x20f: {  	v11 =	vsel vm0, v11, v10  }
0x210: {  	[tilespmem:$0xB2E0] =	vst v11  }
0x211: {  	v11 =	vld [tilespmem:s30+$0xF0];
	_ =	sdelay $0x4  }
0x212: {  	vm0 =	vge.s32 v11, v1;
	vm1 =	vlt.s32 v11, v4  }
0x213: {  	v11 =	vsub.s32 v11, v1;
	vm0 =	vmand vm0, vm1  }
0x214: {  	v11 =	vsel vm0, v11, v10  }
0x215: {  	[tilespmem:$0xB2F0] =	vst v11  }
0x216: {  	[spmem:s2] =	stream.indirect.scatter.add.f32 [tilespmem:s20], [sflag:$0x4], $0x80, s24, s18, $0xb8;
	[tilespmem:$0x1F380] =	vst v63  }
.Ltmp1:
0x217: {  	_ =	swait.ge [sflag:s25], $0x4000;
	(pc) =	sbr.rel @p1 .LBB2_4-.Ltmp1, $4  }
0x218: {  	[sflag:s25] =	ssyncset.done $0x0  }
0x219: {  	[sflag:s25] =	ssyncadd.s32 $0xFFFFC000  }
0x21a: {  	_ =	swait.ge [sflag:s26], $0x4000  }
0x21b: {  	s15 =	smov.u32 s31;
	s30 =	sshra.s32 s0, $0x2;
	[sflag:s26] =	ssyncset.done $0x0  }
0x21c: {  	s0 =	sadd.s32 $0x1900, s30;
	[sflag:s26] =	ssyncadd.s32 $0xFFFFC000  }
0x21d: {  	[tilespmem:s19], [sflag:$0x1] =	stream.indirect.gather [hbm4b:s1+s18], $0x80, s0, s18, $0xb8;
	[tilespmem:$0x1F380] =	vst v63  }
0x21e: {  	s31 =	sadd.s32 $0x1980, s30  }
0x21f: {  	[tilespmem:s20], [sflag:$0x2] =	stream.indirect.gather [hbm4b:s1+s18], $0x80, s31, s18, $0xb8;
	[tilespmem:$0x1F380] =	vst v63  }
0x220: {  	_ =	swait.ge [sflag:s21], $0x4000  }
0x221: {  	[sflag:s21] =	ssyncset.done $0x0  }
0x222: {  	[sflag:s21] =	ssyncadd.s32 $0xFFFFC000  }
0x223: {  	v11 =	vld [tilespmem:s30+$0x0];
	_ =	sdelay $0x4  }
0x224: {  	vm0 =	vge.s32 v11, v1;
	vm1 =	vlt.s32 v11, v4  }
0x225: {  	v11 =	vsub.s32 v11, v1;
	vm0 =	vmand vm0, vm1  }
0x226: {  	v11 =	vsel vm0, v11, v10  }
0x227: {  	[tilespmem:$0xB200] =	vst v11  }
0x228: {  	v11 =	vld [tilespmem:s30+$0x10];
	_ =	sdelay $0x4  }
0x229: {  	vm14 =	vge.s32 v11, v1;
	vm15 =	vlt.s32 v11, v4  }
0x22a: {  	v11 =	vsub.s32 v11, v1;
	vm0 =	vmand vm14, vm15  }
0x22b: {  	v11 =	vsel vm0, v11, v10  }
0x22c: {  	[tilespmem:$0xB210] =	vst v11  }
0x22d: {  	v11 =	vld [tilespmem:s30+$0x20];
	_ =	sdelay $0x4  }
0x22e: {  	vm4 =	vge.s32 v11, v1;
	vm5 =	vlt.s32 v11, v4  }
0x22f: {  	v11 =	vsub.s32 v11, v1;
	vm0 =	vmand vm4, vm5  }
0x230: {  	v11 =	vsel vm0, v11, v10  }
0x231: {  	[tilespmem:$0xB220] =	vst v11  }
0x232: {  	v11 =	vld [tilespmem:s30+$0x30];
	_ =	sdelay $0x4  }
0x233: {  	vm6 =	vge.s32 v11, v1;
	vm7 =	vlt.s32 v11, v4  }
0x234: {  	v11 =	vsub.s32 v11, v1;
	vm0 =	vmand vm6, vm7  }
0x235: {  	v11 =	vsel vm0, v11, v10  }
0x236: {  	[tilespmem:$0xB230] =	vst v11  }
0x237: {  	v11 =	vld [tilespmem:s30+$0x40];
	_ =	sdelay $0x4  }
0x238: {  	vm8 =	vge.s32 v11, v1;
	vm9 =	vlt.s32 v11, v4  }
0x239: {  	v11 =	vsub.s32 v11, v1;
	vm0 =	vmand vm8, vm9  }
0x23a: {  	v11 =	vsel vm0, v11, v10  }
0x23b: {  	[tilespmem:$0xB240] =	vst v11  }
0x23c: {  	v11 =	vld [tilespmem:s30+$0x50];
	_ =	sdelay $0x4  }
0x23d: {  	vm10 =	vge.s32 v11, v1;
	vm11 =	vlt.s32 v11, v4  }
0x23e: {  	v11 =	vsub.s32 v11, v1;
	vm0 =	vmand vm10, vm11  }
0x23f: {  	v11 =	vsel vm0, v11, v10  }
0x240: {  	[tilespmem:$0xB250] =	vst v11  }
0x241: {  	v11 =	vld [tilespmem:s30+$0x60];
	_ =	sdelay $0x4  }
0x242: {  	vm12 =	vge.s32 v11, v1;
	vm13 =	vlt.s32 v11, v4  }
0x243: {  	v11 =	vsub.s32 v11, v1;
	vm0 =	vmand vm12, vm13  }
0x244: {  	v11 =	vsel vm0, v11, v10  }
0x245: {  	[tilespmem:$0xB260] =	vst v11  }
0x246: {  	v11 =	vld [tilespmem:s30+$0x70];
	_ =	sdelay $0x4  }
0x247: {  	vm14 =	vge.s32 v11, v1;
	vm15 =	vlt.s32 v11, v4  }
0x248: {  	v11 =	vsub.s32 v11, v1;
	vm0 =	vmand vm14, vm15  }
0x249: {  	v11 =	vsel vm0, v11, v10  }
0x24a: {  	[tilespmem:$0xB270] =	vst v11  }
0x24b: {  	[spmem:s2] =	stream.indirect.scatter.add.f32 [tilespmem:s19], [sflag:$0x3], $0x80, s22, s18, $0xb8;
	[tilespmem:$0x1F380] =	vst v63  }
0x24c: {  	_ =	swait.ge [sflag:s23], $0x4000  }
0x24d: {  	[sflag:s23] =	ssyncset.done $0x0  }
0x24e: {  	[sflag:s23] =	ssyncadd.s32 $0xFFFFC000  }
0x24f: {  	v11 =	vld [tilespmem:s30+$0x80];
	_ =	sdelay $0x4  }
0x250: {  	vm4 =	vge.s32 v11, v1;
	vm5 =	vlt.s32 v11, v4  }
0x251: {  	v11 =	vsub.s32 v11, v1;
	vm0 =	vmand vm4, vm5  }
0x252: {  	v11 =	vsel vm0, v11, v10  }
0x253: {  	[tilespmem:$0xB280] =	vst v11  }
0x254: {  	v11 =	vld [tilespmem:s30+$0x90];
	_ =	sdelay $0x4  }
0x255: {  	vm6 =	vge.s32 v11, v1;
	vm7 =	vlt.s32 v11, v4  }
0x256: {  	v11 =	vsub.s32 v11, v1;
	vm0 =	vmand vm6, vm7  }
0x257: {  	v11 =	vsel vm0, v11, v10  }
0x258: {  	[tilespmem:$0xB290] =	vst v11  }
0x259: {  	v11 =	vld [tilespmem:s30+$0xA0];
	_ =	sdelay $0x4  }
0x25a: {  	vm8 =	vge.s32 v11, v1;
	vm9 =	vlt.s32 v11, v4  }
0x25b: {  	v11 =	vsub.s32 v11, v1;
	vm0 =	vmand vm8, vm9  }
0x25c: {  	v11 =	vsel vm0, v11, v10  }
0x25d: {  	[tilespmem:$0xB2A0] =	vst v11  }
0x25e: {  	v11 =	vld [tilespmem:s30+$0xB0];
	_ =	sdelay $0x4  }
0x25f: {  	vm10 =	vge.s32 v11, v1;
	vm11 =	vlt.s32 v11, v4  }
0x260: {  	v11 =	vsub.s32 v11, v1;
	vm0 =	vmand vm10, vm11  }
0x261: {  	v11 =	vsel vm0, v11, v10  }
0x262: {  	[tilespmem:$0xB2B0] =	vst v11  }
0x263: {  	v11 =	vld [tilespmem:s30+$0xC0];
	_ =	sdelay $0x4  }
0x264: {  	vm12 =	vge.s32 v11, v1;
	vm13 =	vlt.s32 v11, v4  }
0x265: {  	v11 =	vsub.s32 v11, v1;
	vm0 =	vmand vm12, vm13  }
0x266: {  	v11 =	vsel vm0, v11, v10  }
0x267: {  	[tilespmem:$0xB2C0] =	vst v11  }
0x268: {  	v11 =	vld [tilespmem:s30+$0xD0];
	_ =	sdelay $0x4  }
0x269: {  	vm14 =	vge.s32 v11, v1;
	vm15 =	vlt.s32 v11, v4  }
0x26a: {  	v11 =	vsub.s32 v11, v1;
	vm0 =	vmand vm14, vm15  }
0x26b: {  	v11 =	vsel vm0, v11, v10  }
0x26c: {  	[tilespmem:$0xB2D0] =	vst v11  }
0x26d: {  	v11 =	vld [tilespmem:s30+$0xE0];
	_ =	sdelay $0x4  }
0x26e: {  	vm4 =	vge.s32 v11, v1;
	vm5 =	vlt.s32 v11, v4  }
0x26f: {  	v11 =	vsub.s32 v11, v1;
	vm0 =	vmand vm4, vm5  }
0x270: {  	v11 =	vsel vm0, v11, v10  }
0x271: {  	[tilespmem:$0xB2E0] =	vst v11  }
0x272: {  	v11 =	vld [tilespmem:s30+$0xF0];
	_ =	sdelay $0x4  }
0x273: {  	vm6 =	vge.s32 v11, v1;
	vm7 =	vlt.s32 v11, v4  }
0x274: {  	v11 =	vsub.s32 v11, v1;
	vm0 =	vmand vm6, vm7  }
0x275: {  	v11 =	vsel vm0, v11, v10  }
0x276: {  	[tilespmem:$0xB2F0] =	vst v11  }
0x277: {  	[spmem:s2] =	stream.indirect.scatter.add.f32 [tilespmem:s20], [sflag:$0x4], $0x80, s24, s18, $0xb8;
	[tilespmem:$0x1F380] =	vst v63  }
0x278: {  	_ =	swait.ge [sflag:s25], $0x4000  }
0x279: {  	[sflag:s25] =	ssyncset.done $0x0  }
0x27a: {  	[sflag:s25] =	ssyncadd.s32 $0xFFFFC000  }
0x27b: {  	_ =	swait.ge [sflag:s26], $0x4000  }
0x27c: {  	[sflag:s26] =	ssyncset.done $0x0  }
0x27d: {  	[sflag:s26] =	ssyncadd.s32 $0xFFFFC000  }
0x27e: {  	[bflag:$0x0] =	sbarrier.arrive $0xFFFF  }
0x27f: {  	[hbm:s9], [sflag:s16] =	dma.local [spmem:s17], $0x2800  }
0x280: {  	_ =	swait.ge [sflag:s14], $0x2800  }
0x281: {  	[sflag:s14] =	ssyncset.done $0x0  }
0x282: {  	[sflag:s14] =	ssyncadd.s32 $0xFFFFD800  }
0x283: {  	[spmem:s17], [sflag:s16] =	dma.local [hbm:s4], $0x2800  }
0x284: {  	_ =	swait.ge [sflag:s14], $0x2800  }
0x285: {  	[sflag:s14] =	ssyncset.done $0x0  }
0x286: {  	s0 =	simm.s32 @!p0 $0x5;
	[sflag:s14] =	ssyncadd.s32 $0xFFFFD800  }
0x287: {  	[spmem:s29], [sflag:s16] =	dma.local @!p0 [hbm:s4], $0x100  }
0x288: {  	_ =	swait.ge @!p0 [sflag:s0], $0x100  }
0x289: {  	[sflag:s0] =	ssyncset.done @!p0 $0x0  }
0x28a: {  	[sflag:s0] =	ssyncadd.s32 @!p0 $0xFFFFFF00  }
0x28b: {  	s3 =	simm.s32 $0x1900;
	[bflag:$0x0] =	sbarrier.arrive $0xFFFF  }
0x28c: {  	[tilespmem:s19], [sflag:$0x1] =	stream.indirect.gather [hbm4b:s1+s18], $0x80, s3, s18, $0xb8;
	[tilespmem:$0x1F380] =	vst v63  }
0x28d: {  	s15 =	simm.s32 $0x1980  }
0x28e: {  	[tilespmem:s20], [sflag:$0x2] =	stream.indirect.gather [hbm4b:s1+s18], $0x80, s15, s18, $0xb8;
	[tilespmem:$0x1F380] =	vst v63  }
0x28f: {  	_ =	swait.ge [sflag:s21], $0x4000  }
0x290: {  	[sflag:s21] =	ssyncset.done $0x0  }
0x291: {  	s31 =	simm.s32 $0x0;
	[sflag:s21] =	ssyncadd.s32 $0xFFFFC000  }
0x292: {  	v11 =	vld [tilespmem:s31+$0x0];
	_ =	sdelay $0x4  }
0x293: {  	vm8 =	vge.s32 v11, v2;
	vm9 =	vlt.s32 v11, v5  }
0x294: {  	v11 =	vsub.s32 v11, v2;
	vm0 =	vmand vm8, vm9  }
0x295: {  	v11 =	vsel vm0, v11, v10  }
0x296: {  	[tilespmem:$0xB200] =	vst v11  }
0x297: {  	v11 =	vld [tilespmem:s31+$0x10];
	_ =	sdelay $0x4  }
0x298: {  	vm10 =	vge.s32 v11, v2;
	vm11 =	vlt.s32 v11, v5  }
0x299: {  	v11 =	vsub.s32 v11, v2;
	vm0 =	vmand vm10, vm11  }
0x29a: {  	v11 =	vsel vm0, v11, v10  }
0x29b: {  	[tilespmem:$0xB210] =	vst v11  }
0x29c: {  	v11 =	vld [tilespmem:s31+$0x20];
	_ =	sdelay $0x4  }
0x29d: {  	vm12 =	vge.s32 v11, v2;
	vm13 =	vlt.s32 v11, v5  }
0x29e: {  	v11 =	vsub.s32 v11, v2;
	vm0 =	vmand vm12, vm13  }
0x29f: {  	v11 =	vsel vm0, v11, v10  }
0x2a0: {  	[tilespmem:$0xB220] =	vst v11  }
0x2a1: {  	v11 =	vld [tilespmem:s31+$0x30];
	_ =	sdelay $0x4  }
0x2a2: {  	vm14 =	vge.s32 v11, v2;
	vm15 =	vlt.s32 v11, v5  }
0x2a3: {  	v11 =	vsub.s32 v11, v2;
	vm0 =	vmand vm14, vm15  }
0x2a4: {  	v11 =	vsel vm0, v11, v10  }
0x2a5: {  	[tilespmem:$0xB230] =	vst v11  }
0x2a6: {  	v11 =	vld [tilespmem:s31+$0x40];
	_ =	sdelay $0x4  }
0x2a7: {  	vm4 =	vge.s32 v11, v2;
	vm5 =	vlt.s32 v11, v5  }
0x2a8: {  	v11 =	vsub.s32 v11, v2;
	vm0 =	vmand vm4, vm5  }
0x2a9: {  	v11 =	vsel vm0, v11, v10  }
0x2aa: {  	[tilespmem:$0xB240] =	vst v11  }
0x2ab: {  	v11 =	vld [tilespmem:s31+$0x50];
	_ =	sdelay $0x4  }
0x2ac: {  	vm6 =	vge.s32 v11, v2;
	vm7 =	vlt.s32 v11, v5  }
0x2ad: {  	v11 =	vsub.s32 v11, v2;
	vm0 =	vmand vm6, vm7  }
0x2ae: {  	v11 =	vsel vm0, v11, v10  }
0x2af: {  	[tilespmem:$0xB250] =	vst v11  }
0x2b0: {  	v11 =	vld [tilespmem:s31+$0x60];
	_ =	sdelay $0x4  }
0x2b1: {  	vm8 =	vge.s32 v11, v2;
	vm9 =	vlt.s32 v11, v5  }
0x2b2: {  	v11 =	vsub.s32 v11, v2;
	vm0 =	vmand vm8, vm9  }
0x2b3: {  	v11 =	vsel vm0, v11, v10  }
0x2b4: {  	[tilespmem:$0xB260] =	vst v11  }
0x2b5: {  	v11 =	vld [tilespmem:s31+$0x70];
	_ =	sdelay $0x4  }
0x2b6: {  	vm10 =	vge.s32 v11, v2;
	vm11 =	vlt.s32 v11, v5  }
0x2b7: {  	v11 =	vsub.s32 v11, v2;
	vm0 =	vmand vm10, vm11  }
0x2b8: {  	v11 =	vsel vm0, v11, v10  }
0x2b9: {  	[tilespmem:$0xB270] =	vst v11  }
0x2ba: {  	[spmem:s2] =	stream.indirect.scatter.add.f32 [tilespmem:s19], [sflag:$0x3], $0x80, s22, s18, $0xb8;
	[tilespmem:$0x1F380] =	vst v63  }
0x2bb: {  	_ =	swait.ge [sflag:s23], $0x4000  }
0x2bc: {  	[sflag:s23] =	ssyncset.done $0x0  }
0x2bd: {  	[sflag:s23] =	ssyncadd.s32 $0xFFFFC000  }
0x2be: {  	v11 =	vld [tilespmem:s31+$0x80];
	_ =	sdelay $0x4  }
0x2bf: {  	vm12 =	vge.s32 v11, v2;
	vm13 =	vlt.s32 v11, v5  }
0x2c0: {  	v11 =	vsub.s32 v11, v2;
	vm0 =	vmand vm12, vm13  }
0x2c1: {  	v11 =	vsel vm0, v11, v10  }
0x2c2: {  	[tilespmem:$0xB280] =	vst v11  }
0x2c3: {  	v11 =	vld [tilespmem:s31+$0x90];
	_ =	sdelay $0x4  }
0x2c4: {  	vm14 =	vge.s32 v11, v2;
	vm15 =	vlt.s32 v11, v5  }
0x2c5: {  	v11 =	vsub.s32 v11, v2;
	vm0 =	vmand vm14, vm15  }
0x2c6: {  	v11 =	vsel vm0, v11, v10  }
0x2c7: {  	[tilespmem:$0xB290] =	vst v11  }
0x2c8: {  	v11 =	vld [tilespmem:s31+$0xA0];
	_ =	sdelay $0x4  }
0x2c9: {  	vm4 =	vge.s32 v11, v2;
	vm5 =	vlt.s32 v11, v5  }
0x2ca: {  	v11 =	vsub.s32 v11, v2;
	vm0 =	vmand vm4, vm5  }
0x2cb: {  	v11 =	vsel vm0, v11, v10  }
0x2cc: {  	[tilespmem:$0xB2A0] =	vst v11  }
0x2cd: {  	v11 =	vld [tilespmem:s31+$0xB0];
	_ =	sdelay $0x4  }
0x2ce: {  	vm6 =	vge.s32 v11, v2;
	vm7 =	vlt.s32 v11, v5  }
0x2cf: {  	v11 =	vsub.s32 v11, v2;
	vm0 =	vmand vm6, vm7  }
0x2d0: {  	v11 =	vsel vm0, v11, v10  }
0x2d1: {  	[tilespmem:$0xB2B0] =	vst v11  }
0x2d2: {  	v11 =	vld [tilespmem:s31+$0xC0];
	_ =	sdelay $0x4  }
0x2d3: {  	vm8 =	vge.s32 v11, v2;
	vm9 =	vlt.s32 v11, v5  }
0x2d4: {  	v11 =	vsub.s32 v11, v2;
	vm0 =	vmand vm8, vm9  }
0x2d5: {  	v11 =	vsel vm0, v11, v10  }
0x2d6: {  	[tilespmem:$0xB2C0] =	vst v11  }
0x2d7: {  	v11 =	vld [tilespmem:s31+$0xD0];
	_ =	sdelay $0x4  }
0x2d8: {  	vm10 =	vge.s32 v11, v2;
	vm11 =	vlt.s32 v11, v5  }
0x2d9: {  	v11 =	vsub.s32 v11, v2;
	vm0 =	vmand vm10, vm11  }
0x2da: {  	v11 =	vsel vm0, v11, v10  }
0x2db: {  	[tilespmem:$0xB2D0] =	vst v11  }
0x2dc: {  	v11 =	vld [tilespmem:s31+$0xE0];
	_ =	sdelay $0x4  }
0x2dd: {  	vm12 =	vge.s32 v11, v2;
	vm13 =	vlt.s32 v11, v5  }
0x2de: {  	v11 =	vsub.s32 v11, v2;
	vm0 =	vmand vm12, vm13  }
0x2df: {  	v11 =	vsel vm0, v11, v10  }
0x2e0: {  	[tilespmem:$0xB2E0] =	vst v11  }
0x2e1: {  	v11 =	vld [tilespmem:s31+$0xF0];
	_ =	sdelay $0x4  }
0x2e2: {  	vm14 =	vge.s32 v11, v2;
	vm15 =	vlt.s32 v11, v5  }
0x2e3: {  	v11 =	vsub.s32 v11, v2;
	vm0 =	vmand vm14, vm15  }
0x2e4: {  	v11 =	vsel vm0, v11, v10  }
0x2e5: {  	[tilespmem:$0xB2F0] =	vst v11  }
0x2e6: {  	[spmem:s2] =	stream.indirect.scatter.add.f32 [tilespmem:s20], [sflag:$0x4], $0x80, s24, s18, $0xb8;
	[tilespmem:$0x1F380] =	vst v63  }
0x2e7: {  	_ =	swait.ge [sflag:s25], $0x4000  }
0x2e8: {  	[sflag:s25] =	ssyncset.done $0x0  }
0x2e9: {  	[sflag:s25] =	ssyncadd.s32 $0xFFFFC000  }
0x2ea: {  	_ =	swait.ge [sflag:s26], $0x4000  }
0x2eb: {  	s30 =	simm.s32 $0x100;
	s15 =	simm.s32 $0x800;
	[sflag:s26] =	ssyncset.done $0x0  }
.LBB2_6:
0x2ec: {  	s3 =	sadd.s32 $0x1900, s30  }
0x2ed: {  	[sflag:s26] =	ssyncadd.s32 $0xFFFFC000;
	s0 =	smov.u32 s15;
	s31 =	sadd.s32 $0x400, s15  }
0x2ee: {  	[tilespmem:s19], [sflag:$0x1] =	stream.indirect.gather [hbm4b:s1+s18], $0x80, s3, s18, $0xb8;
	[tilespmem:$0x1F380] =	vst v63  }
0x2ef: {  	p1 =	sne.s32 s15, $0x6000;
	s3 =	sadd.s32 $0x1980, s30  }
0x2f0: {  	[tilespmem:s20], [sflag:$0x2] =	stream.indirect.gather [hbm4b:s1+s18], $0x80, s3, s18, $0xb8;
	[tilespmem:$0x1F380] =	vst v63  }
0x2f1: {  	_ =	swait.ge [sflag:s21], $0x4000  }
0x2f2: {  	[sflag:s21] =	ssyncset.done $0x0  }
0x2f3: {  	[sflag:s21] =	ssyncadd.s32 $0xFFFFC000  }
0x2f4: {  	v11 =	vld [tilespmem:s30+$0x0];
	_ =	sdelay $0x4  }
0x2f5: {  	vm0 =	vge.s32 v11, v2;
	vm1 =	vlt.s32 v11, v5  }
0x2f6: {  	v11 =	vsub.s32 v11, v2;
	vm0 =	vmand vm0, vm1  }
0x2f7: {  	v11 =	vsel vm0, v11, v10  }
0x2f8: {  	[tilespmem:$0xB200] =	vst v11  }
0x2f9: {  	v11 =	vld [tilespmem:s30+$0x10];
	_ =	sdelay $0x4  }
0x2fa: {  	vm0 =	vge.s32 v11, v2;
	vm1 =	vlt.s32 v11, v5  }
0x2fb: {  	v11 =	vsub.s32 v11, v2;
	vm0 =	vmand vm0, vm1  }
0x2fc: {  	v11 =	vsel vm0, v11, v10  }
0x2fd: {  	[tilespmem:$0xB210] =	vst v11  }
0x2fe: {  	v11 =	vld [tilespmem:s30+$0x20];
	_ =	sdelay $0x4  }
0x2ff: {  	vm0 =	vge.s32 v11, v2;
	vm1 =	vlt.s32 v11, v5  }
0x300: {  	v11 =	vsub.s32 v11, v2;
	vm0 =	vmand vm0, vm1  }
0x301: {  	v11 =	vsel vm0, v11, v10  }
0x302: {  	[tilespmem:$0xB220] =	vst v11  }
0x303: {  	v11 =	vld [tilespmem:s30+$0x30];
	_ =	sdelay $0x4  }
0x304: {  	vm0 =	vge.s32 v11, v2;
	vm1 =	vlt.s32 v11, v5  }
0x305: {  	v11 =	vsub.s32 v11, v2;
	vm0 =	vmand vm0, vm1  }
0x306: {  	v11 =	vsel vm0, v11, v10  }
0x307: {  	[tilespmem:$0xB230] =	vst v11  }
0x308: {  	v11 =	vld [tilespmem:s30+$0x40];
	_ =	sdelay $0x4  }
0x309: {  	vm0 =	vge.s32 v11, v2;
	vm1 =	vlt.s32 v11, v5  }
0x30a: {  	v11 =	vsub.s32 v11, v2;
	vm0 =	vmand vm0, vm1  }
0x30b: {  	v11 =	vsel vm0, v11, v10  }
0x30c: {  	[tilespmem:$0xB240] =	vst v11  }
0x30d: {  	v11 =	vld [tilespmem:s30+$0x50];
	_ =	sdelay $0x4  }
0x30e: {  	vm0 =	vge.s32 v11, v2;
	vm1 =	vlt.s32 v11, v5  }
0x30f: {  	v11 =	vsub.s32 v11, v2;
	vm0 =	vmand vm0, vm1  }
0x310: {  	v11 =	vsel vm0, v11, v10  }
0x311: {  	[tilespmem:$0xB250] =	vst v11  }
0x312: {  	v11 =	vld [tilespmem:s30+$0x60];
	_ =	sdelay $0x4  }
0x313: {  	vm0 =	vge.s32 v11, v2;
	vm1 =	vlt.s32 v11, v5  }
0x314: {  	v11 =	vsub.s32 v11, v2;
	vm0 =	vmand vm0, vm1  }
0x315: {  	v11 =	vsel vm0, v11, v10  }
0x316: {  	[tilespmem:$0xB260] =	vst v11  }
0x317: {  	v11 =	vld [tilespmem:s30+$0x70];
	_ =	sdelay $0x4  }
0x318: {  	vm0 =	vge.s32 v11, v2;
	vm1 =	vlt.s32 v11, v5  }
0x319: {  	v11 =	vsub.s32 v11, v2;
	vm0 =	vmand vm0, vm1  }
0x31a: {  	v11 =	vsel vm0, v11, v10  }
0x31b: {  	[tilespmem:$0xB270] =	vst v11  }
0x31c: {  	[spmem:s2] =	stream.indirect.scatter.add.f32 [tilespmem:s19], [sflag:$0x3], $0x80, s22, s18, $0xb8;
	[tilespmem:$0x1F380] =	vst v63  }
0x31d: {  	_ =	swait.ge [sflag:s23], $0x4000  }
0x31e: {  	[sflag:s23] =	ssyncset.done $0x0  }
0x31f: {  	[sflag:s23] =	ssyncadd.s32 $0xFFFFC000  }
0x320: {  	v11 =	vld [tilespmem:s30+$0x80];
	_ =	sdelay $0x4  }
0x321: {  	vm0 =	vge.s32 v11, v2;
	vm1 =	vlt.s32 v11, v5  }
0x322: {  	v11 =	vsub.s32 v11, v2;
	vm0 =	vmand vm0, vm1  }
0x323: {  	v11 =	vsel vm0, v11, v10  }
0x324: {  	[tilespmem:$0xB280] =	vst v11  }
0x325: {  	v11 =	vld [tilespmem:s30+$0x90];
	_ =	sdelay $0x4  }
0x326: {  	vm0 =	vge.s32 v11, v2;
	vm1 =	vlt.s32 v11, v5  }
0x327: {  	v11 =	vsub.s32 v11, v2;
	vm0 =	vmand vm0, vm1  }
0x328: {  	v11 =	vsel vm0, v11, v10  }
0x329: {  	[tilespmem:$0xB290] =	vst v11  }
0x32a: {  	v11 =	vld [tilespmem:s30+$0xA0];
	_ =	sdelay $0x4  }
0x32b: {  	vm0 =	vge.s32 v11, v2;
	vm1 =	vlt.s32 v11, v5  }
0x32c: {  	v11 =	vsub.s32 v11, v2;
	vm0 =	vmand vm0, vm1  }
0x32d: {  	v11 =	vsel vm0, v11, v10  }
0x32e: {  	[tilespmem:$0xB2A0] =	vst v11  }
0x32f: {  	v11 =	vld [tilespmem:s30+$0xB0];
	_ =	sdelay $0x4  }
0x330: {  	vm0 =	vge.s32 v11, v2;
	vm1 =	vlt.s32 v11, v5  }
0x331: {  	v11 =	vsub.s32 v11, v2;
	vm0 =	vmand vm0, vm1  }
0x332: {  	v11 =	vsel vm0, v11, v10  }
0x333: {  	[tilespmem:$0xB2B0] =	vst v11  }
0x334: {  	v11 =	vld [tilespmem:s30+$0xC0];
	_ =	sdelay $0x4  }
0x335: {  	vm0 =	vge.s32 v11, v2;
	vm1 =	vlt.s32 v11, v5  }
0x336: {  	v11 =	vsub.s32 v11, v2;
	vm0 =	vmand vm0, vm1  }
0x337: {  	v11 =	vsel vm0, v11, v10  }
0x338: {  	[tilespmem:$0xB2C0] =	vst v11  }
0x339: {  	v11 =	vld [tilespmem:s30+$0xD0];
	_ =	sdelay $0x4  }
0x33a: {  	vm0 =	vge.s32 v11, v2;
	vm1 =	vlt.s32 v11, v5  }
0x33b: {  	v11 =	vsub.s32 v11, v2;
	vm0 =	vmand vm0, vm1  }
0x33c: {  	v11 =	vsel vm0, v11, v10  }
0x33d: {  	[tilespmem:$0xB2D0] =	vst v11  }
0x33e: {  	v11 =	vld [tilespmem:s30+$0xE0];
	_ =	sdelay $0x4  }
0x33f: {  	vm0 =	vge.s32 v11, v2;
	vm1 =	vlt.s32 v11, v5  }
0x340: {  	v11 =	vsub.s32 v11, v2;
	vm0 =	vmand vm0, vm1  }
0x341: {  	v11 =	vsel vm0, v11, v10  }
0x342: {  	[tilespmem:$0xB2E0] =	vst v11  }
0x343: {  	v11 =	vld [tilespmem:s30+$0xF0];
	_ =	sdelay $0x4  }
0x344: {  	vm0 =	vge.s32 v11, v2;
	vm1 =	vlt.s32 v11, v5  }
0x345: {  	v11 =	vsub.s32 v11, v2;
	vm0 =	vmand vm0, vm1  }
0x346: {  	v11 =	vsel vm0, v11, v10  }
0x347: {  	[tilespmem:$0xB2F0] =	vst v11  }
0x348: {  	[spmem:s2] =	stream.indirect.scatter.add.f32 [tilespmem:s20], [sflag:$0x4], $0x80, s24, s18, $0xb8;
	[tilespmem:$0x1F380] =	vst v63  }
.Ltmp2:
0x349: {  	_ =	swait.ge [sflag:s25], $0x4000;
	(pc) =	sbr.rel @p1 .LBB2_6-.Ltmp2, $4  }
0x34a: {  	[sflag:s25] =	ssyncset.done $0x0  }
0x34b: {  	[sflag:s25] =	ssyncadd.s32 $0xFFFFC000  }
0x34c: {  	_ =	swait.ge [sflag:s26], $0x4000  }
0x34d: {  	s15 =	smov.u32 s31;
	s30 =	sshra.s32 s0, $0x2;
	[sflag:s26] =	ssyncset.done $0x0  }
0x34e: {  	s0 =	sadd.s32 $0x1900, s30;
	[sflag:s26] =	ssyncadd.s32 $0xFFFFC000  }
0x34f: {  	[tilespmem:s19], [sflag:$0x1] =	stream.indirect.gather [hbm4b:s1+s18], $0x80, s0, s18, $0xb8;
	[tilespmem:$0x1F380] =	vst v63  }
0x350: {  	s31 =	sadd.s32 $0x1980, s30  }
0x351: {  	[tilespmem:s20], [sflag:$0x2] =	stream.indirect.gather [hbm4b:s1+s18], $0x80, s31, s18, $0xb8;
	[tilespmem:$0x1F380] =	vst v63  }
0x352: {  	_ =	swait.ge [sflag:s21], $0x4000  }
0x353: {  	[sflag:s21] =	ssyncset.done $0x0  }
0x354: {  	[sflag:s21] =	ssyncadd.s32 $0xFFFFC000  }
0x355: {  	v11 =	vld [tilespmem:s30+$0x0];
	_ =	sdelay $0x4  }
0x356: {  	vm0 =	vge.s32 v11, v2;
	vm1 =	vlt.s32 v11, v5  }
0x357: {  	v11 =	vsub.s32 v11, v2;
	vm0 =	vmand vm0, vm1  }
0x358: {  	v11 =	vsel vm0, v11, v10  }
0x359: {  	[tilespmem:$0xB200] =	vst v11  }
0x35a: {  	v11 =	vld [tilespmem:s30+$0x10];
	_ =	sdelay $0x4  }
0x35b: {  	vm14 =	vge.s32 v11, v2;
	vm15 =	vlt.s32 v11, v5  }
0x35c: {  	v11 =	vsub.s32 v11, v2;
	vm0 =	vmand vm14, vm15  }
0x35d: {  	v11 =	vsel vm0, v11, v10  }
0x35e: {  	[tilespmem:$0xB210] =	vst v11  }
0x35f: {  	v11 =	vld [tilespmem:s30+$0x20];
	_ =	sdelay $0x4  }
0x360: {  	vm4 =	vge.s32 v11, v2;
	vm5 =	vlt.s32 v11, v5  }
0x361: {  	v11 =	vsub.s32 v11, v2;
	vm0 =	vmand vm4, vm5  }
0x362: {  	v11 =	vsel vm0, v11, v10  }
0x363: {  	[tilespmem:$0xB220] =	vst v11  }
0x364: {  	v11 =	vld [tilespmem:s30+$0x30];
	_ =	sdelay $0x4  }
0x365: {  	vm6 =	vge.s32 v11, v2;
	vm7 =	vlt.s32 v11, v5  }
0x366: {  	v11 =	vsub.s32 v11, v2;
	vm0 =	vmand vm6, vm7  }
0x367: {  	v11 =	vsel vm0, v11, v10  }
0x368: {  	[tilespmem:$0xB230] =	vst v11  }
0x369: {  	v11 =	vld [tilespmem:s30+$0x40];
	_ =	sdelay $0x4  }
0x36a: {  	vm8 =	vge.s32 v11, v2;
	vm9 =	vlt.s32 v11, v5  }
0x36b: {  	v11 =	vsub.s32 v11, v2;
	vm0 =	vmand vm8, vm9  }
0x36c: {  	v11 =	vsel vm0, v11, v10  }
0x36d: {  	[tilespmem:$0xB240] =	vst v11  }
0x36e: {  	v11 =	vld [tilespmem:s30+$0x50];
	_ =	sdelay $0x4  }
0x36f: {  	vm10 =	vge.s32 v11, v2;
	vm11 =	vlt.s32 v11, v5  }
0x370: {  	v11 =	vsub.s32 v11, v2;
	vm0 =	vmand vm10, vm11  }
0x371: {  	v11 =	vsel vm0, v11, v10  }
0x372: {  	[tilespmem:$0xB250] =	vst v11  }
0x373: {  	v11 =	vld [tilespmem:s30+$0x60];
	_ =	sdelay $0x4  }
0x374: {  	vm12 =	vge.s32 v11, v2;
	vm13 =	vlt.s32 v11, v5  }
0x375: {  	v11 =	vsub.s32 v11, v2;
	vm0 =	vmand vm12, vm13  }
0x376: {  	v11 =	vsel vm0, v11, v10  }
0x377: {  	[tilespmem:$0xB260] =	vst v11  }
0x378: {  	v11 =	vld [tilespmem:s30+$0x70];
	_ =	sdelay $0x4  }
0x379: {  	vm14 =	vge.s32 v11, v2;
	vm15 =	vlt.s32 v11, v5  }
0x37a: {  	v11 =	vsub.s32 v11, v2;
	vm0 =	vmand vm14, vm15  }
0x37b: {  	v11 =	vsel vm0, v11, v10  }
0x37c: {  	[tilespmem:$0xB270] =	vst v11  }
0x37d: {  	[spmem:s2] =	stream.indirect.scatter.add.f32 [tilespmem:s19], [sflag:$0x3], $0x80, s22, s18, $0xb8;
	[tilespmem:$0x1F380] =	vst v63  }
0x37e: {  	_ =	swait.ge [sflag:s23], $0x4000  }
0x37f: {  	[sflag:s23] =	ssyncset.done $0x0  }
0x380: {  	[sflag:s23] =	ssyncadd.s32 $0xFFFFC000  }
0x381: {  	v11 =	vld [tilespmem:s30+$0x80];
	_ =	sdelay $0x4  }
0x382: {  	vm4 =	vge.s32 v11, v2;
	vm5 =	vlt.s32 v11, v5  }
0x383: {  	v11 =	vsub.s32 v11, v2;
	vm0 =	vmand vm4, vm5  }
0x384: {  	v11 =	vsel vm0, v11, v10  }
0x385: {  	[tilespmem:$0xB280] =	vst v11  }
0x386: {  	v11 =	vld [tilespmem:s30+$0x90];
	_ =	sdelay $0x4  }
0x387: {  	vm6 =	vge.s32 v11, v2;
	vm7 =	vlt.s32 v11, v5  }
0x388: {  	v11 =	vsub.s32 v11, v2;
	vm0 =	vmand vm6, vm7  }
0x389: {  	v11 =	vsel vm0, v11, v10  }
0x38a: {  	[tilespmem:$0xB290] =	vst v11  }
0x38b: {  	v11 =	vld [tilespmem:s30+$0xA0];
	_ =	sdelay $0x4  }
0x38c: {  	vm8 =	vge.s32 v11, v2;
	vm9 =	vlt.s32 v11, v5  }
0x38d: {  	v11 =	vsub.s32 v11, v2;
	vm0 =	vmand vm8, vm9  }
0x38e: {  	v11 =	vsel vm0, v11, v10  }
0x38f: {  	[tilespmem:$0xB2A0] =	vst v11  }
0x390: {  	v11 =	vld [tilespmem:s30+$0xB0];
	_ =	sdelay $0x4  }
0x391: {  	vm10 =	vge.s32 v11, v2;
	vm11 =	vlt.s32 v11, v5  }
0x392: {  	v11 =	vsub.s32 v11, v2;
	vm0 =	vmand vm10, vm11  }
0x393: {  	v11 =	vsel vm0, v11, v10  }
0x394: {  	[tilespmem:$0xB2B0] =	vst v11  }
0x395: {  	v11 =	vld [tilespmem:s30+$0xC0];
	_ =	sdelay $0x4  }
0x396: {  	vm12 =	vge.s32 v11, v2;
	vm13 =	vlt.s32 v11, v5  }
0x397: {  	v11 =	vsub.s32 v11, v2;
	vm0 =	vmand vm12, vm13  }
0x398: {  	v11 =	vsel vm0, v11, v10  }
0x399: {  	[tilespmem:$0xB2C0] =	vst v11  }
0x39a: {  	v11 =	vld [tilespmem:s30+$0xD0];
	_ =	sdelay $0x4  }
0x39b: {  	vm14 =	vge.s32 v11, v2;
	vm15 =	vlt.s32 v11, v5  }
0x39c: {  	v11 =	vsub.s32 v11, v2;
	vm0 =	vmand vm14, vm15  }
0x39d: {  	v11 =	vsel vm0, v11, v10  }
0x39e: {  	[tilespmem:$0xB2D0] =	vst v11  }
0x39f: {  	v11 =	vld [tilespmem:s30+$0xE0];
	_ =	sdelay $0x4  }
0x3a0: {  	vm4 =	vge.s32 v11, v2;
	vm5 =	vlt.s32 v11, v5  }
0x3a1: {  	v11 =	vsub.s32 v11, v2;
	vm0 =	vmand vm4, vm5  }
0x3a2: {  	v11 =	vsel vm0, v11, v10  }
0x3a3: {  	[tilespmem:$0xB2E0] =	vst v11  }
0x3a4: {  	v11 =	vld [tilespmem:s30+$0xF0];
	_ =	sdelay $0x4  }
0x3a5: {  	vm6 =	vge.s32 v11, v2;
	vm7 =	vlt.s32 v11, v5  }
0x3a6: {  	v11 =	vsub.s32 v11, v2;
	vm0 =	vmand vm6, vm7  }
0x3a7: {  	v11 =	vsel vm0, v11, v10  }
0x3a8: {  	[tilespmem:$0xB2F0] =	vst v11  }
0x3a9: {  	[spmem:s2] =	stream.indirect.scatter.add.f32 [tilespmem:s20], [sflag:$0x4], $0x80, s24, s18, $0xb8;
	[tilespmem:$0x1F380] =	vst v63  }
0x3aa: {  	_ =	swait.ge [sflag:s25], $0x4000  }
0x3ab: {  	[sflag:s25] =	ssyncset.done $0x0  }
0x3ac: {  	[sflag:s25] =	ssyncadd.s32 $0xFFFFC000  }
0x3ad: {  	_ =	swait.ge [sflag:s26], $0x4000  }
0x3ae: {  	[sflag:s26] =	ssyncset.done $0x0  }
0x3af: {  	[sflag:s26] =	ssyncadd.s32 $0xFFFFC000  }
0x3b0: {  	[bflag:$0x0] =	sbarrier.arrive $0xFFFF  }
0x3b1: {  	[hbm:s10], [sflag:s16] =	dma.local [spmem:s17], $0x2800  }
0x3b2: {  	_ =	swait.ge [sflag:s14], $0x2800  }
0x3b3: {  	[sflag:s14] =	ssyncset.done $0x0  }
0x3b4: {  	[sflag:s14] =	ssyncadd.s32 $0xFFFFD800  }
0x3b5: {  	[spmem:s17], [sflag:s16] =	dma.local [hbm:s4], $0x2800  }
0x3b6: {  	_ =	swait.ge [sflag:s14], $0x2800  }
0x3b7: {  	[sflag:s14] =	ssyncset.done $0x0  }
0x3b8: {  	s0 =	simm.s32 @!p0 $0x5;
	[sflag:s14] =	ssyncadd.s32 $0xFFFFD800  }
0x3b9: {  	[spmem:s29], [sflag:s16] =	dma.local @!p0 [hbm:s4], $0x100  }
0x3ba: {  	_ =	swait.ge @!p0 [sflag:s0], $0x100  }
0x3bb: {  	[sflag:s0] =	ssyncset.done @!p0 $0x0  }
0x3bc: {  	[sflag:s0] =	ssyncadd.s32 @!p0 $0xFFFFFF00  }
0x3bd: {  	s3 =	simm.s32 $0x1900;
	[bflag:$0x0] =	sbarrier.arrive $0xFFFF  }
0x3be: {  	[tilespmem:s19], [sflag:$0x1] =	stream.indirect.gather [hbm4b:s1+s18], $0x80, s3, s18, $0xb8;
	[tilespmem:$0x1F380] =	vst v63  }
0x3bf: {  	s15 =	simm.s32 $0x1980  }
0x3c0: {  	[tilespmem:s20], [sflag:$0x2] =	stream.indirect.gather [hbm4b:s1+s18], $0x80, s15, s18, $0xb8;
	[tilespmem:$0x1F380] =	vst v63  }
0x3c1: {  	_ =	swait.ge [sflag:s21], $0x4000  }
0x3c2: {  	[sflag:s21] =	ssyncset.done $0x0  }
0x3c3: {  	s31 =	simm.s32 $0x0;
	[sflag:s21] =	ssyncadd.s32 $0xFFFFC000  }
0x3c4: {  	v11 =	vld [tilespmem:s31+$0x0];
	_ =	sdelay $0x4  }
0x3c5: {  	vm8 =	vge.s32 v11, v6;
	vm9 =	vlt.s32 v11, v8  }
0x3c6: {  	v11 =	vsub.s32 v11, v6;
	vm0 =	vmand vm8, vm9  }
0x3c7: {  	v11 =	vsel vm0, v11, v10  }
0x3c8: {  	[tilespmem:$0xB200] =	vst v11  }
0x3c9: {  	v11 =	vld [tilespmem:s31+$0x10];
	_ =	sdelay $0x4  }
0x3ca: {  	vm10 =	vge.s32 v11, v6;
	vm11 =	vlt.s32 v11, v8  }
0x3cb: {  	v11 =	vsub.s32 v11, v6;
	vm0 =	vmand vm10, vm11  }
0x3cc: {  	v11 =	vsel vm0, v11, v10  }
0x3cd: {  	[tilespmem:$0xB210] =	vst v11  }
0x3ce: {  	v11 =	vld [tilespmem:s31+$0x20];
	_ =	sdelay $0x4  }
0x3cf: {  	vm12 =	vge.s32 v11, v6;
	vm13 =	vlt.s32 v11, v8  }
0x3d0: {  	v11 =	vsub.s32 v11, v6;
	vm0 =	vmand vm12, vm13  }
0x3d1: {  	v11 =	vsel vm0, v11, v10  }
0x3d2: {  	[tilespmem:$0xB220] =	vst v11  }
0x3d3: {  	v11 =	vld [tilespmem:s31+$0x30];
	_ =	sdelay $0x4  }
0x3d4: {  	vm14 =	vge.s32 v11, v6;
	vm15 =	vlt.s32 v11, v8  }
0x3d5: {  	v11 =	vsub.s32 v11, v6;
	vm0 =	vmand vm14, vm15  }
0x3d6: {  	v11 =	vsel vm0, v11, v10  }
0x3d7: {  	[tilespmem:$0xB230] =	vst v11  }
0x3d8: {  	v11 =	vld [tilespmem:s31+$0x40];
	_ =	sdelay $0x4  }
0x3d9: {  	vm4 =	vge.s32 v11, v6;
	vm5 =	vlt.s32 v11, v8  }
0x3da: {  	v11 =	vsub.s32 v11, v6;
	vm0 =	vmand vm4, vm5  }
0x3db: {  	v11 =	vsel vm0, v11, v10  }
0x3dc: {  	[tilespmem:$0xB240] =	vst v11  }
0x3dd: {  	v11 =	vld [tilespmem:s31+$0x50];
	_ =	sdelay $0x4  }
0x3de: {  	vm6 =	vge.s32 v11, v6;
	vm7 =	vlt.s32 v11, v8  }
0x3df: {  	v11 =	vsub.s32 v11, v6;
	vm0 =	vmand vm6, vm7  }
0x3e0: {  	v11 =	vsel vm0, v11, v10  }
0x3e1: {  	[tilespmem:$0xB250] =	vst v11  }
0x3e2: {  	v11 =	vld [tilespmem:s31+$0x60];
	_ =	sdelay $0x4  }
0x3e3: {  	vm8 =	vge.s32 v11, v6;
	vm9 =	vlt.s32 v11, v8  }
0x3e4: {  	v11 =	vsub.s32 v11, v6;
	vm0 =	vmand vm8, vm9  }
0x3e5: {  	v11 =	vsel vm0, v11, v10  }
0x3e6: {  	[tilespmem:$0xB260] =	vst v11  }
0x3e7: {  	v11 =	vld [tilespmem:s31+$0x70];
	_ =	sdelay $0x4  }
0x3e8: {  	vm10 =	vge.s32 v11, v6;
	vm11 =	vlt.s32 v11, v8  }
0x3e9: {  	v11 =	vsub.s32 v11, v6;
	vm0 =	vmand vm10, vm11  }
0x3ea: {  	v11 =	vsel vm0, v11, v10  }
0x3eb: {  	[tilespmem:$0xB270] =	vst v11  }
0x3ec: {  	[spmem:s2] =	stream.indirect.scatter.add.f32 [tilespmem:s19], [sflag:$0x3], $0x80, s22, s18, $0xb8;
	[tilespmem:$0x1F380] =	vst v63  }
0x3ed: {  	_ =	swait.ge [sflag:s23], $0x4000  }
0x3ee: {  	[sflag:s23] =	ssyncset.done $0x0  }
0x3ef: {  	[sflag:s23] =	ssyncadd.s32 $0xFFFFC000  }
0x3f0: {  	v11 =	vld [tilespmem:s31+$0x80];
	_ =	sdelay $0x4  }
0x3f1: {  	vm12 =	vge.s32 v11, v6;
	vm13 =	vlt.s32 v11, v8  }
0x3f2: {  	v11 =	vsub.s32 v11, v6;
	vm0 =	vmand vm12, vm13  }
0x3f3: {  	v11 =	vsel vm0, v11, v10  }
0x3f4: {  	[tilespmem:$0xB280] =	vst v11  }
0x3f5: {  	v11 =	vld [tilespmem:s31+$0x90];
	_ =	sdelay $0x4  }
0x3f6: {  	vm14 =	vge.s32 v11, v6;
	vm15 =	vlt.s32 v11, v8  }
0x3f7: {  	v11 =	vsub.s32 v11, v6;
	vm0 =	vmand vm14, vm15  }
0x3f8: {  	v11 =	vsel vm0, v11, v10  }
0x3f9: {  	[tilespmem:$0xB290] =	vst v11  }
0x3fa: {  	v11 =	vld [tilespmem:s31+$0xA0];
	_ =	sdelay $0x4  }
0x3fb: {  	vm4 =	vge.s32 v11, v6;
	vm5 =	vlt.s32 v11, v8  }
0x3fc: {  	v11 =	vsub.s32 v11, v6;
	vm0 =	vmand vm4, vm5  }
0x3fd: {  	v11 =	vsel vm0, v11, v10  }
0x3fe: {  	[tilespmem:$0xB2A0] =	vst v11  }
0x3ff: {  	v11 =	vld [tilespmem:s31+$0xB0];
	_ =	sdelay $0x4  }
0x400: {  	vm6 =	vge.s32 v11, v6;
	vm7 =	vlt.s32 v11, v8  }
0x401: {  	v11 =	vsub.s32 v11, v6;
	vm0 =	vmand vm6, vm7  }
0x402: {  	v11 =	vsel vm0, v11, v10  }
0x403: {  	[tilespmem:$0xB2B0] =	vst v11  }
0x404: {  	v11 =	vld [tilespmem:s31+$0xC0];
	_ =	sdelay $0x4  }
0x405: {  	vm8 =	vge.s32 v11, v6;
	vm9 =	vlt.s32 v11, v8  }
0x406: {  	v11 =	vsub.s32 v11, v6;
	vm0 =	vmand vm8, vm9  }
0x407: {  	v11 =	vsel vm0, v11, v10  }
0x408: {  	[tilespmem:$0xB2C0] =	vst v11  }
0x409: {  	v11 =	vld [tilespmem:s31+$0xD0];
	_ =	sdelay $0x4  }
0x40a: {  	vm10 =	vge.s32 v11, v6;
	vm11 =	vlt.s32 v11, v8  }
0x40b: {  	v11 =	vsub.s32 v11, v6;
	vm0 =	vmand vm10, vm11  }
0x40c: {  	v11 =	vsel vm0, v11, v10  }
0x40d: {  	[tilespmem:$0xB2D0] =	vst v11  }
0x40e: {  	v11 =	vld [tilespmem:s31+$0xE0];
	_ =	sdelay $0x4  }
0x40f: {  	vm12 =	vge.s32 v11, v6;
	vm13 =	vlt.s32 v11, v8  }
0x410: {  	v11 =	vsub.s32 v11, v6;
	vm0 =	vmand vm12, vm13  }
0x411: {  	v11 =	vsel vm0, v11, v10  }
0x412: {  	[tilespmem:$0xB2E0] =	vst v11  }
0x413: {  	v11 =	vld [tilespmem:s31+$0xF0];
	_ =	sdelay $0x4  }
0x414: {  	vm14 =	vge.s32 v11, v6;
	vm15 =	vlt.s32 v11, v8  }
0x415: {  	v11 =	vsub.s32 v11, v6;
	vm0 =	vmand vm14, vm15  }
0x416: {  	v11 =	vsel vm0, v11, v10  }
0x417: {  	[tilespmem:$0xB2F0] =	vst v11  }
0x418: {  	[spmem:s2] =	stream.indirect.scatter.add.f32 [tilespmem:s20], [sflag:$0x4], $0x80, s24, s18, $0xb8;
	[tilespmem:$0x1F380] =	vst v63  }
0x419: {  	_ =	swait.ge [sflag:s25], $0x4000  }
0x41a: {  	[sflag:s25] =	ssyncset.done $0x0  }
0x41b: {  	[sflag:s25] =	ssyncadd.s32 $0xFFFFC000  }
0x41c: {  	_ =	swait.ge [sflag:s26], $0x4000  }
0x41d: {  	s30 =	simm.s32 $0x100;
	s15 =	simm.s32 $0x800;
	[sflag:s26] =	ssyncset.done $0x0  }
.LBB2_8:
0x41e: {  	s3 =	sadd.s32 $0x1900, s30  }
0x41f: {  	[sflag:s26] =	ssyncadd.s32 $0xFFFFC000;
	s0 =	smov.u32 s15;
	s31 =	sadd.s32 $0x400, s15  }
0x420: {  	[tilespmem:s19], [sflag:$0x1] =	stream.indirect.gather [hbm4b:s1+s18], $0x80, s3, s18, $0xb8;
	[tilespmem:$0x1F380] =	vst v63  }
0x421: {  	p1 =	sne.s32 s15, $0x6000;
	s3 =	sadd.s32 $0x1980, s30  }
0x422: {  	[tilespmem:s20], [sflag:$0x2] =	stream.indirect.gather [hbm4b:s1+s18], $0x80, s3, s18, $0xb8;
	[tilespmem:$0x1F380] =	vst v63  }
0x423: {  	_ =	swait.ge [sflag:s21], $0x4000  }
0x424: {  	[sflag:s21] =	ssyncset.done $0x0  }
0x425: {  	[sflag:s21] =	ssyncadd.s32 $0xFFFFC000  }
0x426: {  	v11 =	vld [tilespmem:s30+$0x0];
	_ =	sdelay $0x4  }
0x427: {  	vm0 =	vge.s32 v11, v6;
	vm1 =	vlt.s32 v11, v8  }
0x428: {  	v11 =	vsub.s32 v11, v6;
	vm0 =	vmand vm0, vm1  }
0x429: {  	v11 =	vsel vm0, v11, v10  }
0x42a: {  	[tilespmem:$0xB200] =	vst v11  }
0x42b: {  	v11 =	vld [tilespmem:s30+$0x10];
	_ =	sdelay $0x4  }
0x42c: {  	vm0 =	vge.s32 v11, v6;
	vm1 =	vlt.s32 v11, v8  }
0x42d: {  	v11 =	vsub.s32 v11, v6;
	vm0 =	vmand vm0, vm1  }
0x42e: {  	v11 =	vsel vm0, v11, v10  }
0x42f: {  	[tilespmem:$0xB210] =	vst v11  }
0x430: {  	v11 =	vld [tilespmem:s30+$0x20];
	_ =	sdelay $0x4  }
0x431: {  	vm0 =	vge.s32 v11, v6;
	vm1 =	vlt.s32 v11, v8  }
0x432: {  	v11 =	vsub.s32 v11, v6;
	vm0 =	vmand vm0, vm1  }
0x433: {  	v11 =	vsel vm0, v11, v10  }
0x434: {  	[tilespmem:$0xB220] =	vst v11  }
0x435: {  	v11 =	vld [tilespmem:s30+$0x30];
	_ =	sdelay $0x4  }
0x436: {  	vm0 =	vge.s32 v11, v6;
	vm1 =	vlt.s32 v11, v8  }
0x437: {  	v11 =	vsub.s32 v11, v6;
	vm0 =	vmand vm0, vm1  }
0x438: {  	v11 =	vsel vm0, v11, v10  }
0x439: {  	[tilespmem:$0xB230] =	vst v11  }
0x43a: {  	v11 =	vld [tilespmem:s30+$0x40];
	_ =	sdelay $0x4  }
0x43b: {  	vm0 =	vge.s32 v11, v6;
	vm1 =	vlt.s32 v11, v8  }
0x43c: {  	v11 =	vsub.s32 v11, v6;
	vm0 =	vmand vm0, vm1  }
0x43d: {  	v11 =	vsel vm0, v11, v10  }
0x43e: {  	[tilespmem:$0xB240] =	vst v11  }
0x43f: {  	v11 =	vld [tilespmem:s30+$0x50];
	_ =	sdelay $0x4  }
0x440: {  	vm0 =	vge.s32 v11, v6;
	vm1 =	vlt.s32 v11, v8  }
0x441: {  	v11 =	vsub.s32 v11, v6;
	vm0 =	vmand vm0, vm1  }
0x442: {  	v11 =	vsel vm0, v11, v10  }
0x443: {  	[tilespmem:$0xB250] =	vst v11  }
0x444: {  	v11 =	vld [tilespmem:s30+$0x60];
	_ =	sdelay $0x4  }
0x445: {  	vm0 =	vge.s32 v11, v6;
	vm1 =	vlt.s32 v11, v8  }
0x446: {  	v11 =	vsub.s32 v11, v6;
	vm0 =	vmand vm0, vm1  }
0x447: {  	v11 =	vsel vm0, v11, v10  }
0x448: {  	[tilespmem:$0xB260] =	vst v11  }
0x449: {  	v11 =	vld [tilespmem:s30+$0x70];
	_ =	sdelay $0x4  }
0x44a: {  	vm0 =	vge.s32 v11, v6;
	vm1 =	vlt.s32 v11, v8  }
0x44b: {  	v11 =	vsub.s32 v11, v6;
	vm0 =	vmand vm0, vm1  }
0x44c: {  	v11 =	vsel vm0, v11, v10  }
0x44d: {  	[tilespmem:$0xB270] =	vst v11  }
0x44e: {  	[spmem:s2] =	stream.indirect.scatter.add.f32 [tilespmem:s19], [sflag:$0x3], $0x80, s22, s18, $0xb8;
	[tilespmem:$0x1F380] =	vst v63  }
0x44f: {  	_ =	swait.ge [sflag:s23], $0x4000  }
0x450: {  	[sflag:s23] =	ssyncset.done $0x0  }
0x451: {  	[sflag:s23] =	ssyncadd.s32 $0xFFFFC000  }
0x452: {  	v11 =	vld [tilespmem:s30+$0x80];
	_ =	sdelay $0x4  }
0x453: {  	vm0 =	vge.s32 v11, v6;
	vm1 =	vlt.s32 v11, v8  }
0x454: {  	v11 =	vsub.s32 v11, v6;
	vm0 =	vmand vm0, vm1  }
0x455: {  	v11 =	vsel vm0, v11, v10  }
0x456: {  	[tilespmem:$0xB280] =	vst v11  }
0x457: {  	v11 =	vld [tilespmem:s30+$0x90];
	_ =	sdelay $0x4  }
0x458: {  	vm0 =	vge.s32 v11, v6;
	vm1 =	vlt.s32 v11, v8  }
0x459: {  	v11 =	vsub.s32 v11, v6;
	vm0 =	vmand vm0, vm1  }
0x45a: {  	v11 =	vsel vm0, v11, v10  }
0x45b: {  	[tilespmem:$0xB290] =	vst v11  }
0x45c: {  	v11 =	vld [tilespmem:s30+$0xA0];
	_ =	sdelay $0x4  }
0x45d: {  	vm0 =	vge.s32 v11, v6;
	vm1 =	vlt.s32 v11, v8  }
0x45e: {  	v11 =	vsub.s32 v11, v6;
	vm0 =	vmand vm0, vm1  }
0x45f: {  	v11 =	vsel vm0, v11, v10  }
0x460: {  	[tilespmem:$0xB2A0] =	vst v11  }
0x461: {  	v11 =	vld [tilespmem:s30+$0xB0];
	_ =	sdelay $0x4  }
0x462: {  	vm0 =	vge.s32 v11, v6;
	vm1 =	vlt.s32 v11, v8  }
0x463: {  	v11 =	vsub.s32 v11, v6;
	vm0 =	vmand vm0, vm1  }
0x464: {  	v11 =	vsel vm0, v11, v10  }
0x465: {  	[tilespmem:$0xB2B0] =	vst v11  }
0x466: {  	v11 =	vld [tilespmem:s30+$0xC0];
	_ =	sdelay $0x4  }
0x467: {  	vm0 =	vge.s32 v11, v6;
	vm1 =	vlt.s32 v11, v8  }
0x468: {  	v11 =	vsub.s32 v11, v6;
	vm0 =	vmand vm0, vm1  }
0x469: {  	v11 =	vsel vm0, v11, v10  }
0x46a: {  	[tilespmem:$0xB2C0] =	vst v11  }
0x46b: {  	v11 =	vld [tilespmem:s30+$0xD0];
	_ =	sdelay $0x4  }
0x46c: {  	vm0 =	vge.s32 v11, v6;
	vm1 =	vlt.s32 v11, v8  }
0x46d: {  	v11 =	vsub.s32 v11, v6;
	vm0 =	vmand vm0, vm1  }
0x46e: {  	v11 =	vsel vm0, v11, v10  }
0x46f: {  	[tilespmem:$0xB2D0] =	vst v11  }
0x470: {  	v11 =	vld [tilespmem:s30+$0xE0];
	_ =	sdelay $0x4  }
0x471: {  	vm0 =	vge.s32 v11, v6;
	vm1 =	vlt.s32 v11, v8  }
0x472: {  	v11 =	vsub.s32 v11, v6;
	vm0 =	vmand vm0, vm1  }
0x473: {  	v11 =	vsel vm0, v11, v10  }
0x474: {  	[tilespmem:$0xB2E0] =	vst v11  }
0x475: {  	v11 =	vld [tilespmem:s30+$0xF0];
	_ =	sdelay $0x4  }
0x476: {  	vm0 =	vge.s32 v11, v6;
	vm1 =	vlt.s32 v11, v8  }
0x477: {  	v11 =	vsub.s32 v11, v6;
	vm0 =	vmand vm0, vm1  }
0x478: {  	v11 =	vsel vm0, v11, v10  }
0x479: {  	[tilespmem:$0xB2F0] =	vst v11  }
0x47a: {  	[spmem:s2] =	stream.indirect.scatter.add.f32 [tilespmem:s20], [sflag:$0x4], $0x80, s24, s18, $0xb8;
	[tilespmem:$0x1F380] =	vst v63  }
.Ltmp3:
0x47b: {  	_ =	swait.ge [sflag:s25], $0x4000;
	(pc) =	sbr.rel @p1 .LBB2_8-.Ltmp3, $4  }
0x47c: {  	[sflag:s25] =	ssyncset.done $0x0  }
0x47d: {  	[sflag:s25] =	ssyncadd.s32 $0xFFFFC000  }
0x47e: {  	_ =	swait.ge [sflag:s26], $0x4000  }
0x47f: {  	s15 =	smov.u32 s31;
	s30 =	sshra.s32 s0, $0x2;
	[sflag:s26] =	ssyncset.done $0x0  }
0x480: {  	s0 =	sadd.s32 $0x1900, s30;
	[sflag:s26] =	ssyncadd.s32 $0xFFFFC000  }
0x481: {  	[tilespmem:s19], [sflag:$0x1] =	stream.indirect.gather [hbm4b:s1+s18], $0x80, s0, s18, $0xb8;
	[tilespmem:$0x1F380] =	vst v63  }
0x482: {  	s3 =	sadd.s32 $0x1980, s30  }
0x483: {  	[tilespmem:s20], [sflag:$0x2] =	stream.indirect.gather [hbm4b:s1+s18], $0x80, s3, s18, $0xb8;
	[tilespmem:$0x1F380] =	vst v63  }
0x484: {  	_ =	swait.ge [sflag:s21], $0x4000  }
0x485: {  	[sflag:s21] =	ssyncset.done $0x0  }
0x486: {  	[sflag:s21] =	ssyncadd.s32 $0xFFFFC000  }
0x487: {  	v11 =	vld [tilespmem:s30+$0x0];
	_ =	sdelay $0x4  }
0x488: {  	vm0 =	vge.s32 v11, v6;
	vm1 =	vlt.s32 v11, v8  }
0x489: {  	v11 =	vsub.s32 v11, v6;
	vm0 =	vmand vm0, vm1  }
0x48a: {  	v11 =	vsel vm0, v11, v10  }
0x48b: {  	[tilespmem:$0xB200] =	vst v11  }
0x48c: {  	v11 =	vld [tilespmem:s30+$0x10];
	_ =	sdelay $0x4  }
0x48d: {  	vm14 =	vge.s32 v11, v6;
	vm15 =	vlt.s32 v11, v8  }
0x48e: {  	v11 =	vsub.s32 v11, v6;
	vm0 =	vmand vm14, vm15  }
0x48f: {  	v11 =	vsel vm0, v11, v10  }
0x490: {  	[tilespmem:$0xB210] =	vst v11  }
0x491: {  	v11 =	vld [tilespmem:s30+$0x20];
	_ =	sdelay $0x4  }
0x492: {  	vm4 =	vge.s32 v11, v6;
	vm5 =	vlt.s32 v11, v8  }
0x493: {  	v11 =	vsub.s32 v11, v6;
	vm0 =	vmand vm4, vm5  }
0x494: {  	v11 =	vsel vm0, v11, v10  }
0x495: {  	[tilespmem:$0xB220] =	vst v11  }
0x496: {  	v11 =	vld [tilespmem:s30+$0x30];
	_ =	sdelay $0x4  }
0x497: {  	vm6 =	vge.s32 v11, v6;
	vm7 =	vlt.s32 v11, v8  }
0x498: {  	v11 =	vsub.s32 v11, v6;
	vm0 =	vmand vm6, vm7  }
0x499: {  	v11 =	vsel vm0, v11, v10  }
0x49a: {  	[tilespmem:$0xB230] =	vst v11  }
0x49b: {  	v11 =	vld [tilespmem:s30+$0x40];
	_ =	sdelay $0x4  }
0x49c: {  	vm8 =	vge.s32 v11, v6;
	vm9 =	vlt.s32 v11, v8  }
0x49d: {  	v11 =	vsub.s32 v11, v6;
	vm0 =	vmand vm8, vm9  }
0x49e: {  	v11 =	vsel vm0, v11, v10  }
0x49f: {  	[tilespmem:$0xB240] =	vst v11  }
0x4a0: {  	v11 =	vld [tilespmem:s30+$0x50];
	_ =	sdelay $0x4  }
0x4a1: {  	vm10 =	vge.s32 v11, v6;
	vm11 =	vlt.s32 v11, v8  }
0x4a2: {  	v11 =	vsub.s32 v11, v6;
	vm0 =	vmand vm10, vm11  }
0x4a3: {  	v11 =	vsel vm0, v11, v10  }
0x4a4: {  	[tilespmem:$0xB250] =	vst v11  }
0x4a5: {  	v11 =	vld [tilespmem:s30+$0x60];
	_ =	sdelay $0x4  }
0x4a6: {  	vm12 =	vge.s32 v11, v6;
	vm13 =	vlt.s32 v11, v8  }
0x4a7: {  	v11 =	vsub.s32 v11, v6;
	vm0 =	vmand vm12, vm13  }
0x4a8: {  	v11 =	vsel vm0, v11, v10  }
0x4a9: {  	[tilespmem:$0xB260] =	vst v11  }
0x4aa: {  	v11 =	vld [tilespmem:s30+$0x70];
	_ =	sdelay $0x4  }
0x4ab: {  	vm14 =	vge.s32 v11, v6;
	vm15 =	vlt.s32 v11, v8  }
0x4ac: {  	v11 =	vsub.s32 v11, v6;
	vm0 =	vmand vm14, vm15  }
0x4ad: {  	v11 =	vsel vm0, v11, v10  }
0x4ae: {  	[tilespmem:$0xB270] =	vst v11  }
0x4af: {  	[spmem:s2] =	stream.indirect.scatter.add.f32 [tilespmem:s19], [sflag:$0x3], $0x80, s22, s18, $0xb8;
	[tilespmem:$0x1F380] =	vst v63  }
0x4b0: {  	_ =	swait.ge [sflag:s23], $0x4000  }
0x4b1: {  	[sflag:s23] =	ssyncset.done $0x0  }
0x4b2: {  	[sflag:s23] =	ssyncadd.s32 $0xFFFFC000  }
0x4b3: {  	v11 =	vld [tilespmem:s30+$0x80];
	_ =	sdelay $0x4  }
0x4b4: {  	vm4 =	vge.s32 v11, v6;
	vm5 =	vlt.s32 v11, v8  }
0x4b5: {  	v11 =	vsub.s32 v11, v6;
	vm0 =	vmand vm4, vm5  }
0x4b6: {  	v11 =	vsel vm0, v11, v10  }
0x4b7: {  	[tilespmem:$0xB280] =	vst v11  }
0x4b8: {  	v11 =	vld [tilespmem:s30+$0x90];
	_ =	sdelay $0x4  }
0x4b9: {  	vm6 =	vge.s32 v11, v6;
	vm7 =	vlt.s32 v11, v8  }
0x4ba: {  	v11 =	vsub.s32 v11, v6;
	vm0 =	vmand vm6, vm7  }
0x4bb: {  	v11 =	vsel vm0, v11, v10  }
0x4bc: {  	[tilespmem:$0xB290] =	vst v11  }
0x4bd: {  	v11 =	vld [tilespmem:s30+$0xA0];
	_ =	sdelay $0x4  }
0x4be: {  	vm8 =	vge.s32 v11, v6;
	vm9 =	vlt.s32 v11, v8  }
0x4bf: {  	v11 =	vsub.s32 v11, v6;
	vm0 =	vmand vm8, vm9  }
0x4c0: {  	v11 =	vsel vm0, v11, v10  }
0x4c1: {  	[tilespmem:$0xB2A0] =	vst v11  }
0x4c2: {  	v11 =	vld [tilespmem:s30+$0xB0];
	_ =	sdelay $0x4  }
0x4c3: {  	vm10 =	vge.s32 v11, v6;
	vm11 =	vlt.s32 v11, v8  }
0x4c4: {  	v11 =	vsub.s32 v11, v6;
	vm0 =	vmand vm10, vm11  }
0x4c5: {  	v11 =	vsel vm0, v11, v10  }
0x4c6: {  	[tilespmem:$0xB2B0] =	vst v11  }
0x4c7: {  	v11 =	vld [tilespmem:s30+$0xC0];
	_ =	sdelay $0x4  }
0x4c8: {  	vm12 =	vge.s32 v11, v6;
	vm13 =	vlt.s32 v11, v8  }
0x4c9: {  	v11 =	vsub.s32 v11, v6;
	vm0 =	vmand vm12, vm13  }
0x4ca: {  	v11 =	vsel vm0, v11, v10  }
0x4cb: {  	[tilespmem:$0xB2C0] =	vst v11  }
0x4cc: {  	v11 =	vld [tilespmem:s30+$0xD0];
	_ =	sdelay $0x4  }
0x4cd: {  	vm14 =	vge.s32 v11, v6;
	vm15 =	vlt.s32 v11, v8  }
0x4ce: {  	v11 =	vsub.s32 v11, v6;
	vm0 =	vmand vm14, vm15  }
0x4cf: {  	v11 =	vsel vm0, v11, v10  }
0x4d0: {  	[tilespmem:$0xB2D0] =	vst v11  }
0x4d1: {  	v11 =	vld [tilespmem:s30+$0xE0];
	_ =	sdelay $0x4  }
0x4d2: {  	vm4 =	vge.s32 v11, v6;
	vm5 =	vlt.s32 v11, v8  }
0x4d3: {  	v11 =	vsub.s32 v11, v6;
	vm0 =	vmand vm4, vm5  }
0x4d4: {  	v11 =	vsel vm0, v11, v10  }
0x4d5: {  	[tilespmem:$0xB2E0] =	vst v11  }
0x4d6: {  	v11 =	vld [tilespmem:s30+$0xF0];
	_ =	sdelay $0x4  }
0x4d7: {  	vm6 =	vge.s32 v11, v6;
	vm7 =	vlt.s32 v11, v8  }
0x4d8: {  	v11 =	vsub.s32 v11, v6;
	vm0 =	vmand vm6, vm7  }
0x4d9: {  	v11 =	vsel vm0, v11, v10  }
0x4da: {  	[tilespmem:$0xB2F0] =	vst v11  }
0x4db: {  	[spmem:s2] =	stream.indirect.scatter.add.f32 [tilespmem:s20], [sflag:$0x4], $0x80, s24, s18, $0xb8;
	[tilespmem:$0x1F380] =	vst v63  }
0x4dc: {  	_ =	swait.ge [sflag:s25], $0x4000  }
0x4dd: {  	[sflag:s25] =	ssyncset.done $0x0  }
0x4de: {  	[sflag:s25] =	ssyncadd.s32 $0xFFFFC000  }
0x4df: {  	_ =	swait.ge [sflag:s26], $0x4000  }
0x4e0: {  	[sflag:s26] =	ssyncset.done $0x0  }
0x4e1: {  	[sflag:s26] =	ssyncadd.s32 $0xFFFFC000  }
0x4e2: {  	[bflag:$0x0] =	sbarrier.arrive $0xFFFF  }
0x4e3: {  	[hbm:s11], [sflag:s16] =	dma.local [spmem:s17], $0x2800  }
0x4e4: {  	_ =	swait.ge [sflag:s14], $0x2800  }
0x4e5: {  	[sflag:s14] =	ssyncset.done $0x0  }
0x4e6: {  	[sflag:s14] =	ssyncadd.s32 $0xFFFFD800  }
0x4e7: {  	[spmem:s17], [sflag:s16] =	dma.local [hbm:s4], $0x2800  }
0x4e8: {  	_ =	swait.ge [sflag:s14], $0x2800  }
0x4e9: {  	[sflag:s14] =	ssyncset.done $0x0  }
0x4ea: {  	s0 =	simm.s32 @!p0 $0x5;
	[sflag:s14] =	ssyncadd.s32 $0xFFFFD800  }
0x4eb: {  	[spmem:s29], [sflag:s16] =	dma.local @!p0 [hbm:s4], $0x100  }
0x4ec: {  	_ =	swait.ge @!p0 [sflag:s0], $0x100  }
0x4ed: {  	[sflag:s0] =	ssyncset.done @!p0 $0x0  }
0x4ee: {  	[sflag:s0] =	ssyncadd.s32 @!p0 $0xFFFFFF00  }
0x4ef: {  	s15 =	simm.s32 $0x1900;
	[bflag:$0x0] =	sbarrier.arrive $0xFFFF  }
0x4f0: {  	[tilespmem:s19], [sflag:$0x1] =	stream.indirect.gather [hbm4b:s1+s18], $0x80, s15, s18, $0xb8;
	[tilespmem:$0x1F380] =	vst v63  }
0x4f1: {  	s30 =	simm.s32 $0x1980  }
0x4f2: {  	[tilespmem:s20], [sflag:$0x2] =	stream.indirect.gather [hbm4b:s1+s18], $0x80, s30, s18, $0xb8;
	[tilespmem:$0x1F380] =	vst v63  }
0x4f3: {  	_ =	swait.ge [sflag:s21], $0x4000  }
0x4f4: {  	[sflag:s21] =	ssyncset.done $0x0  }
0x4f5: {  	s31 =	simm.s32 $0x0;
	[sflag:s21] =	ssyncadd.s32 $0xFFFFC000  }
0x4f6: {  	v11 =	vld [tilespmem:s31+$0x0];
	_ =	sdelay $0x4  }
0x4f7: {  	vm8 =	vge.s32 v11, v7;
	vm9 =	vlt.s32 v11, v9  }
0x4f8: {  	v11 =	vsub.s32 v11, v7;
	vm0 =	vmand vm8, vm9  }
0x4f9: {  	v11 =	vsel vm0, v11, v10  }
0x4fa: {  	[tilespmem:$0xB200] =	vst v11  }
0x4fb: {  	v11 =	vld [tilespmem:s31+$0x10];
	_ =	sdelay $0x4  }
0x4fc: {  	vm10 =	vge.s32 v11, v7;
	vm11 =	vlt.s32 v11, v9  }
0x4fd: {  	v11 =	vsub.s32 v11, v7;
	vm0 =	vmand vm10, vm11  }
0x4fe: {  	v11 =	vsel vm0, v11, v10  }
0x4ff: {  	[tilespmem:$0xB210] =	vst v11  }
0x500: {  	v11 =	vld [tilespmem:s31+$0x20];
	_ =	sdelay $0x4  }
0x501: {  	vm12 =	vge.s32 v11, v7;
	vm13 =	vlt.s32 v11, v9  }
0x502: {  	v11 =	vsub.s32 v11, v7;
	vm0 =	vmand vm12, vm13  }
0x503: {  	v11 =	vsel vm0, v11, v10  }
0x504: {  	[tilespmem:$0xB220] =	vst v11  }
0x505: {  	v11 =	vld [tilespmem:s31+$0x30];
	_ =	sdelay $0x4  }
0x506: {  	vm14 =	vge.s32 v11, v7;
	vm15 =	vlt.s32 v11, v9  }
0x507: {  	v11 =	vsub.s32 v11, v7;
	vm0 =	vmand vm14, vm15  }
0x508: {  	v11 =	vsel vm0, v11, v10  }
0x509: {  	[tilespmem:$0xB230] =	vst v11  }
0x50a: {  	v11 =	vld [tilespmem:s31+$0x40];
	_ =	sdelay $0x4  }
0x50b: {  	vm4 =	vge.s32 v11, v7;
	vm5 =	vlt.s32 v11, v9  }
0x50c: {  	v11 =	vsub.s32 v11, v7;
	vm0 =	vmand vm4, vm5  }
0x50d: {  	v11 =	vsel vm0, v11, v10  }
0x50e: {  	[tilespmem:$0xB240] =	vst v11  }
0x50f: {  	v11 =	vld [tilespmem:s31+$0x50];
	_ =	sdelay $0x4  }
0x510: {  	vm6 =	vge.s32 v11, v7;
	vm7 =	vlt.s32 v11, v9  }
0x511: {  	v11 =	vsub.s32 v11, v7;
	vm0 =	vmand vm6, vm7  }
0x512: {  	v11 =	vsel vm0, v11, v10  }
0x513: {  	[tilespmem:$0xB250] =	vst v11  }
0x514: {  	v11 =	vld [tilespmem:s31+$0x60];
	_ =	sdelay $0x4  }
0x515: {  	vm8 =	vge.s32 v11, v7;
	vm9 =	vlt.s32 v11, v9  }
0x516: {  	v11 =	vsub.s32 v11, v7;
	vm0 =	vmand vm8, vm9  }
0x517: {  	v11 =	vsel vm0, v11, v10  }
0x518: {  	[tilespmem:$0xB260] =	vst v11  }
0x519: {  	v11 =	vld [tilespmem:s31+$0x70];
	_ =	sdelay $0x4  }
0x51a: {  	vm10 =	vge.s32 v11, v7;
	vm11 =	vlt.s32 v11, v9  }
0x51b: {  	v11 =	vsub.s32 v11, v7;
	vm0 =	vmand vm10, vm11  }
0x51c: {  	v11 =	vsel vm0, v11, v10  }
0x51d: {  	[tilespmem:$0xB270] =	vst v11  }
0x51e: {  	[spmem:s2] =	stream.indirect.scatter.add.f32 [tilespmem:s19], [sflag:$0x3], $0x80, s22, s18, $0xb8;
	[tilespmem:$0x1F380] =	vst v63  }
0x51f: {  	_ =	swait.ge [sflag:s23], $0x4000  }
0x520: {  	[sflag:s23] =	ssyncset.done $0x0  }
0x521: {  	[sflag:s23] =	ssyncadd.s32 $0xFFFFC000  }
0x522: {  	v11 =	vld [tilespmem:s31+$0x80];
	_ =	sdelay $0x4  }
0x523: {  	vm12 =	vge.s32 v11, v7;
	vm13 =	vlt.s32 v11, v9  }
0x524: {  	v11 =	vsub.s32 v11, v7;
	vm0 =	vmand vm12, vm13  }
0x525: {  	v11 =	vsel vm0, v11, v10  }
0x526: {  	[tilespmem:$0xB280] =	vst v11  }
0x527: {  	v11 =	vld [tilespmem:s31+$0x90];
	_ =	sdelay $0x4  }
0x528: {  	vm14 =	vge.s32 v11, v7;
	vm15 =	vlt.s32 v11, v9  }
0x529: {  	v11 =	vsub.s32 v11, v7;
	vm0 =	vmand vm14, vm15  }
0x52a: {  	v11 =	vsel vm0, v11, v10  }
0x52b: {  	[tilespmem:$0xB290] =	vst v11  }
0x52c: {  	v11 =	vld [tilespmem:s31+$0xA0];
	_ =	sdelay $0x4  }
0x52d: {  	vm4 =	vge.s32 v11, v7;
	vm5 =	vlt.s32 v11, v9  }
0x52e: {  	v11 =	vsub.s32 v11, v7;
	vm0 =	vmand vm4, vm5  }
0x52f: {  	v11 =	vsel vm0, v11, v10  }
0x530: {  	[tilespmem:$0xB2A0] =	vst v11  }
0x531: {  	v11 =	vld [tilespmem:s31+$0xB0];
	_ =	sdelay $0x4  }
0x532: {  	vm6 =	vge.s32 v11, v7;
	vm7 =	vlt.s32 v11, v9  }
0x533: {  	v11 =	vsub.s32 v11, v7;
	vm0 =	vmand vm6, vm7  }
0x534: {  	v11 =	vsel vm0, v11, v10  }
0x535: {  	[tilespmem:$0xB2B0] =	vst v11  }
0x536: {  	v11 =	vld [tilespmem:s31+$0xC0];
	_ =	sdelay $0x4  }
0x537: {  	vm8 =	vge.s32 v11, v7;
	vm9 =	vlt.s32 v11, v9  }
0x538: {  	v11 =	vsub.s32 v11, v7;
	vm0 =	vmand vm8, vm9  }
0x539: {  	v11 =	vsel vm0, v11, v10  }
0x53a: {  	[tilespmem:$0xB2C0] =	vst v11  }
0x53b: {  	v11 =	vld [tilespmem:s31+$0xD0];
	_ =	sdelay $0x4  }
0x53c: {  	vm10 =	vge.s32 v11, v7;
	vm11 =	vlt.s32 v11, v9  }
0x53d: {  	v11 =	vsub.s32 v11, v7;
	vm0 =	vmand vm10, vm11  }
0x53e: {  	v11 =	vsel vm0, v11, v10  }
0x53f: {  	[tilespmem:$0xB2D0] =	vst v11  }
0x540: {  	v11 =	vld [tilespmem:s31+$0xE0];
	_ =	sdelay $0x4  }
0x541: {  	vm12 =	vge.s32 v11, v7;
	vm13 =	vlt.s32 v11, v9  }
0x542: {  	v11 =	vsub.s32 v11, v7;
	vm0 =	vmand vm12, vm13  }
0x543: {  	v11 =	vsel vm0, v11, v10  }
0x544: {  	[tilespmem:$0xB2E0] =	vst v11  }
0x545: {  	v11 =	vld [tilespmem:s31+$0xF0];
	_ =	sdelay $0x4  }
0x546: {  	vm14 =	vge.s32 v11, v7;
	vm15 =	vlt.s32 v11, v9  }
0x547: {  	v11 =	vsub.s32 v11, v7;
	vm0 =	vmand vm14, vm15  }
0x548: {  	v11 =	vsel vm0, v11, v10  }
0x549: {  	[tilespmem:$0xB2F0] =	vst v11  }
0x54a: {  	[spmem:s2] =	stream.indirect.scatter.add.f32 [tilespmem:s20], [sflag:$0x4], $0x80, s24, s18, $0xb8;
	[tilespmem:$0x1F380] =	vst v63  }
0x54b: {  	_ =	swait.ge [sflag:s25], $0x4000  }
0x54c: {  	[sflag:s25] =	ssyncset.done $0x0  }
0x54d: {  	[sflag:s25] =	ssyncadd.s32 $0xFFFFC000  }
0x54e: {  	_ =	swait.ge [sflag:s26], $0x4000  }
0x54f: {  	s29 =	simm.s32 $0x100;
	s15 =	simm.s32 $0x800;
	[sflag:s26] =	ssyncset.done $0x0  }
.LBB2_10:
0x550: {  	s3 =	sadd.s32 $0x1900, s29  }
0x551: {  	[sflag:s26] =	ssyncadd.s32 $0xFFFFC000;
	s0 =	smov.u32 s15;
	s30 =	sadd.s32 $0x400, s15  }
0x552: {  	[tilespmem:s19], [sflag:$0x1] =	stream.indirect.gather [hbm4b:s1+s18], $0x80, s3, s18, $0xb8;
	[tilespmem:$0x1F380] =	vst v63  }
0x553: {  	p1 =	sne.s32 s15, $0x6000;
	s3 =	sadd.s32 $0x1980, s29  }
0x554: {  	[tilespmem:s20], [sflag:$0x2] =	stream.indirect.gather [hbm4b:s1+s18], $0x80, s3, s18, $0xb8;
	[tilespmem:$0x1F380] =	vst v63  }
0x555: {  	_ =	swait.ge [sflag:s21], $0x4000  }
0x556: {  	[sflag:s21] =	ssyncset.done $0x0  }
0x557: {  	[sflag:s21] =	ssyncadd.s32 $0xFFFFC000  }
0x558: {  	v11 =	vld [tilespmem:s29+$0x0];
	_ =	sdelay $0x4  }
0x559: {  	vm0 =	vge.s32 v11, v7;
	vm1 =	vlt.s32 v11, v9  }
0x55a: {  	v11 =	vsub.s32 v11, v7;
	vm0 =	vmand vm0, vm1  }
0x55b: {  	v11 =	vsel vm0, v11, v10  }
0x55c: {  	[tilespmem:$0xB200] =	vst v11  }
0x55d: {  	v11 =	vld [tilespmem:s29+$0x10];
	_ =	sdelay $0x4  }
0x55e: {  	vm0 =	vge.s32 v11, v7;
	vm1 =	vlt.s32 v11, v9  }
0x55f: {  	v11 =	vsub.s32 v11, v7;
	vm0 =	vmand vm0, vm1  }
0x560: {  	v11 =	vsel vm0, v11, v10  }
0x561: {  	[tilespmem:$0xB210] =	vst v11  }
0x562: {  	v11 =	vld [tilespmem:s29+$0x20];
	_ =	sdelay $0x4  }
0x563: {  	vm0 =	vge.s32 v11, v7;
	vm1 =	vlt.s32 v11, v9  }
0x564: {  	v11 =	vsub.s32 v11, v7;
	vm0 =	vmand vm0, vm1  }
0x565: {  	v11 =	vsel vm0, v11, v10  }
0x566: {  	[tilespmem:$0xB220] =	vst v11  }
0x567: {  	v11 =	vld [tilespmem:s29+$0x30];
	_ =	sdelay $0x4  }
0x568: {  	vm0 =	vge.s32 v11, v7;
	vm1 =	vlt.s32 v11, v9  }
0x569: {  	v11 =	vsub.s32 v11, v7;
	vm0 =	vmand vm0, vm1  }
0x56a: {  	v11 =	vsel vm0, v11, v10  }
0x56b: {  	[tilespmem:$0xB230] =	vst v11  }
0x56c: {  	v11 =	vld [tilespmem:s29+$0x40];
	_ =	sdelay $0x4  }
0x56d: {  	vm0 =	vge.s32 v11, v7;
	vm1 =	vlt.s32 v11, v9  }
0x56e: {  	v11 =	vsub.s32 v11, v7;
	vm0 =	vmand vm0, vm1  }
0x56f: {  	v11 =	vsel vm0, v11, v10  }
0x570: {  	[tilespmem:$0xB240] =	vst v11  }
0x571: {  	v11 =	vld [tilespmem:s29+$0x50];
	_ =	sdelay $0x4  }
0x572: {  	vm0 =	vge.s32 v11, v7;
	vm1 =	vlt.s32 v11, v9  }
0x573: {  	v11 =	vsub.s32 v11, v7;
	vm0 =	vmand vm0, vm1  }
0x574: {  	v11 =	vsel vm0, v11, v10  }
0x575: {  	[tilespmem:$0xB250] =	vst v11  }
0x576: {  	v11 =	vld [tilespmem:s29+$0x60];
	_ =	sdelay $0x4  }
0x577: {  	vm0 =	vge.s32 v11, v7;
	vm1 =	vlt.s32 v11, v9  }
0x578: {  	v11 =	vsub.s32 v11, v7;
	vm0 =	vmand vm0, vm1  }
0x579: {  	v11 =	vsel vm0, v11, v10  }
0x57a: {  	[tilespmem:$0xB260] =	vst v11  }
0x57b: {  	v11 =	vld [tilespmem:s29+$0x70];
	_ =	sdelay $0x4  }
0x57c: {  	vm0 =	vge.s32 v11, v7;
	vm1 =	vlt.s32 v11, v9  }
0x57d: {  	v11 =	vsub.s32 v11, v7;
	vm0 =	vmand vm0, vm1  }
0x57e: {  	v11 =	vsel vm0, v11, v10  }
0x57f: {  	[tilespmem:$0xB270] =	vst v11  }
0x580: {  	[spmem:s2] =	stream.indirect.scatter.add.f32 [tilespmem:s19], [sflag:$0x3], $0x80, s22, s18, $0xb8;
	[tilespmem:$0x1F380] =	vst v63  }
0x581: {  	_ =	swait.ge [sflag:s23], $0x4000  }
0x582: {  	[sflag:s23] =	ssyncset.done $0x0  }
0x583: {  	[sflag:s23] =	ssyncadd.s32 $0xFFFFC000  }
0x584: {  	v11 =	vld [tilespmem:s29+$0x80];
	_ =	sdelay $0x4  }
0x585: {  	vm0 =	vge.s32 v11, v7;
	vm1 =	vlt.s32 v11, v9  }
0x586: {  	v11 =	vsub.s32 v11, v7;
	vm0 =	vmand vm0, vm1  }
0x587: {  	v11 =	vsel vm0, v11, v10  }
0x588: {  	[tilespmem:$0xB280] =	vst v11  }
0x589: {  	v11 =	vld [tilespmem:s29+$0x90];
	_ =	sdelay $0x4  }
0x58a: {  	vm0 =	vge.s32 v11, v7;
	vm1 =	vlt.s32 v11, v9  }
0x58b: {  	v11 =	vsub.s32 v11, v7;
	vm0 =	vmand vm0, vm1  }
0x58c: {  	v11 =	vsel vm0, v11, v10  }
0x58d: {  	[tilespmem:$0xB290] =	vst v11  }
0x58e: {  	v11 =	vld [tilespmem:s29+$0xA0];
	_ =	sdelay $0x4  }
0x58f: {  	vm0 =	vge.s32 v11, v7;
	vm1 =	vlt.s32 v11, v9  }
0x590: {  	v11 =	vsub.s32 v11, v7;
	vm0 =	vmand vm0, vm1  }
0x591: {  	v11 =	vsel vm0, v11, v10  }
0x592: {  	[tilespmem:$0xB2A0] =	vst v11  }
0x593: {  	v11 =	vld [tilespmem:s29+$0xB0];
	_ =	sdelay $0x4  }
0x594: {  	vm0 =	vge.s32 v11, v7;
	vm1 =	vlt.s32 v11, v9  }
0x595: {  	v11 =	vsub.s32 v11, v7;
	vm0 =	vmand vm0, vm1  }
0x596: {  	v11 =	vsel vm0, v11, v10  }
0x597: {  	[tilespmem:$0xB2B0] =	vst v11  }
0x598: {  	v11 =	vld [tilespmem:s29+$0xC0];
	_ =	sdelay $0x4  }
0x599: {  	vm0 =	vge.s32 v11, v7;
	vm1 =	vlt.s32 v11, v9  }
0x59a: {  	v11 =	vsub.s32 v11, v7;
	vm0 =	vmand vm0, vm1  }
0x59b: {  	v11 =	vsel vm0, v11, v10  }
0x59c: {  	[tilespmem:$0xB2C0] =	vst v11  }
0x59d: {  	v11 =	vld [tilespmem:s29+$0xD0];
	_ =	sdelay $0x4  }
0x59e: {  	vm0 =	vge.s32 v11, v7;
	vm1 =	vlt.s32 v11, v9  }
0x59f: {  	v11 =	vsub.s32 v11, v7;
	vm0 =	vmand vm0, vm1  }
0x5a0: {  	v11 =	vsel vm0, v11, v10  }
0x5a1: {  	[tilespmem:$0xB2D0] =	vst v11  }
0x5a2: {  	v11 =	vld [tilespmem:s29+$0xE0];
	_ =	sdelay $0x4  }
0x5a3: {  	vm0 =	vge.s32 v11, v7;
	vm1 =	vlt.s32 v11, v9  }
0x5a4: {  	v11 =	vsub.s32 v11, v7;
	vm0 =	vmand vm0, vm1  }
0x5a5: {  	v11 =	vsel vm0, v11, v10  }
0x5a6: {  	[tilespmem:$0xB2E0] =	vst v11  }
0x5a7: {  	v11 =	vld [tilespmem:s29+$0xF0];
	_ =	sdelay $0x4  }
0x5a8: {  	vm0 =	vge.s32 v11, v7;
	vm1 =	vlt.s32 v11, v9  }
0x5a9: {  	v11 =	vsub.s32 v11, v7;
	vm0 =	vmand vm0, vm1  }
0x5aa: {  	v11 =	vsel vm0, v11, v10  }
0x5ab: {  	[tilespmem:$0xB2F0] =	vst v11  }
0x5ac: {  	[spmem:s2] =	stream.indirect.scatter.add.f32 [tilespmem:s20], [sflag:$0x4], $0x80, s24, s18, $0xb8;
	[tilespmem:$0x1F380] =	vst v63  }
.Ltmp4:
0x5ad: {  	_ =	swait.ge [sflag:s25], $0x4000;
	(pc) =	sbr.rel @p1 .LBB2_10-.Ltmp4, $4  }
0x5ae: {  	[sflag:s25] =	ssyncset.done $0x0  }
0x5af: {  	[sflag:s25] =	ssyncadd.s32 $0xFFFFC000  }
0x5b0: {  	_ =	swait.ge [sflag:s26], $0x4000  }
0x5b1: {  	s15 =	smov.u32 s30;
	s29 =	sshra.s32 s0, $0x2;
	[sflag:s26] =	ssyncset.done $0x0  }
0x5b2: {  	s0 =	sadd.s32 $0x1900, s29;
	[sflag:s26] =	ssyncadd.s32 $0xFFFFC000  }
0x5b3: {  	[tilespmem:s19], [sflag:$0x1] =	stream.indirect.gather [hbm4b:s1+s18], $0x80, s0, s18, $0xb8;
	[tilespmem:$0x1F380] =	vst v63  }
0x5b4: {  	s31 =	sadd.s32 $0x1980, s29  }
0x5b5: {  	[tilespmem:s20], [sflag:$0x2] =	stream.indirect.gather [hbm4b:s1+s18], $0x80, s31, s18, $0xb8;
	[tilespmem:$0x1F380] =	vst v63  }
0x5b6: {  	_ =	swait.ge [sflag:s21], $0x4000  }
0x5b7: {  	[sflag:s21] =	ssyncset.done $0x0  }
0x5b8: {  	[sflag:s21] =	ssyncadd.s32 $0xFFFFC000  }
0x5b9: {  	v11 =	vld [tilespmem:s29+$0x0];
	_ =	sdelay $0x4  }
0x5ba: {  	vm0 =	vge.s32 v11, v7;
	vm1 =	vlt.s32 v11, v9  }
0x5bb: {  	v11 =	vsub.s32 v11, v7;
	vm0 =	vmand vm0, vm1  }
0x5bc: {  	v11 =	vsel vm0, v11, v10  }
0x5bd: {  	[tilespmem:$0xB200] =	vst v11  }
0x5be: {  	v11 =	vld [tilespmem:s29+$0x10];
	_ =	sdelay $0x4  }
0x5bf: {  	vm10 =	vge.s32 v11, v7;
	vm11 =	vlt.s32 v11, v9  }
0x5c0: {  	v11 =	vsub.s32 v11, v7;
	vm0 =	vmand vm10, vm11  }
0x5c1: {  	v11 =	vsel vm0, v11, v10  }
0x5c2: {  	[tilespmem:$0xB210] =	vst v11  }
0x5c3: {  	v11 =	vld [tilespmem:s29+$0x20];
	_ =	sdelay $0x4  }
0x5c4: {  	vm12 =	vge.s32 v11, v7;
	vm13 =	vlt.s32 v11, v9  }
0x5c5: {  	v11 =	vsub.s32 v11, v7;
	vm0 =	vmand vm12, vm13  }
0x5c6: {  	v11 =	vsel vm0, v11, v10  }
0x5c7: {  	[tilespmem:$0xB220] =	vst v11  }
0x5c8: {  	v11 =	vld [tilespmem:s29+$0x30];
	_ =	sdelay $0x4  }
0x5c9: {  	vm14 =	vge.s32 v11, v7;
	vm15 =	vlt.s32 v11, v9  }
0x5ca: {  	v11 =	vsub.s32 v11, v7;
	vm0 =	vmand vm14, vm15  }
0x5cb: {  	v11 =	vsel vm0, v11, v10  }
0x5cc: {  	[tilespmem:$0xB230] =	vst v11  }
0x5cd: {  	v11 =	vld [tilespmem:s29+$0x40];
	_ =	sdelay $0x4  }
0x5ce: {  	vm4 =	vge.s32 v11, v7;
	vm5 =	vlt.s32 v11, v9  }
0x5cf: {  	v11 =	vsub.s32 v11, v7;
	vm0 =	vmand vm4, vm5  }
0x5d0: {  	v11 =	vsel vm0, v11, v10  }
0x5d1: {  	[tilespmem:$0xB240] =	vst v11  }
0x5d2: {  	v11 =	vld [tilespmem:s29+$0x50];
	_ =	sdelay $0x4  }
0x5d3: {  	vm6 =	vge.s32 v11, v7;
	vm7 =	vlt.s32 v11, v9  }
0x5d4: {  	v11 =	vsub.s32 v11, v7;
	vm0 =	vmand vm6, vm7  }
0x5d5: {  	v11 =	vsel vm0, v11, v10  }
0x5d6: {  	[tilespmem:$0xB250] =	vst v11  }
0x5d7: {  	v11 =	vld [tilespmem:s29+$0x60];
	_ =	sdelay $0x4  }
0x5d8: {  	vm8 =	vge.s32 v11, v7;
	vm9 =	vlt.s32 v11, v9  }
0x5d9: {  	v11 =	vsub.s32 v11, v7;
	vm0 =	vmand vm8, vm9  }
0x5da: {  	v11 =	vsel vm0, v11, v10  }
0x5db: {  	[tilespmem:$0xB260] =	vst v11  }
0x5dc: {  	v11 =	vld [tilespmem:s29+$0x70];
	_ =	sdelay $0x4  }
0x5dd: {  	vm10 =	vge.s32 v11, v7;
	vm11 =	vlt.s32 v11, v9  }
0x5de: {  	v11 =	vsub.s32 v11, v7;
	vm0 =	vmand vm10, vm11  }
0x5df: {  	v11 =	vsel vm0, v11, v10  }
0x5e0: {  	[tilespmem:$0xB270] =	vst v11  }
0x5e1: {  	[spmem:s2] =	stream.indirect.scatter.add.f32 [tilespmem:s19], [sflag:$0x3], $0x80, s22, s18, $0xb8;
	[tilespmem:$0x1F380] =	vst v63  }
0x5e2: {  	_ =	swait.ge [sflag:s23], $0x4000  }
0x5e3: {  	[sflag:s23] =	ssyncset.done $0x0  }
0x5e4: {  	[sflag:s23] =	ssyncadd.s32 $0xFFFFC000  }
0x5e5: {  	v11 =	vld [tilespmem:s29+$0x80];
	_ =	sdelay $0x4  }
0x5e6: {  	vm12 =	vge.s32 v11, v7;
	vm13 =	vlt.s32 v11, v9  }
0x5e7: {  	v11 =	vsub.s32 v11, v7;
	vm0 =	vmand vm12, vm13  }
0x5e8: {  	v11 =	vsel vm0, v11, v10  }
0x5e9: {  	[tilespmem:$0xB280] =	vst v11  }
0x5ea: {  	v11 =	vld [tilespmem:s29+$0x90];
	_ =	sdelay $0x4  }
0x5eb: {  	vm14 =	vge.s32 v11, v7;
	vm15 =	vlt.s32 v11, v9  }
0x5ec: {  	v11 =	vsub.s32 v11, v7;
	vm0 =	vmand vm14, vm15  }
0x5ed: {  	v11 =	vsel vm0, v11, v10  }
0x5ee: {  	[tilespmem:$0xB290] =	vst v11  }
0x5ef: {  	v11 =	vld [tilespmem:s29+$0xA0];
	_ =	sdelay $0x4  }
0x5f0: {  	vm4 =	vge.s32 v11, v7;
	vm5 =	vlt.s32 v11, v9  }
0x5f1: {  	v11 =	vsub.s32 v11, v7;
	vm0 =	vmand vm4, vm5  }
0x5f2: {  	v11 =	vsel vm0, v11, v10  }
0x5f3: {  	[tilespmem:$0xB2A0] =	vst v11  }
0x5f4: {  	v11 =	vld [tilespmem:s29+$0xB0];
	_ =	sdelay $0x4  }
0x5f5: {  	vm6 =	vge.s32 v11, v7;
	vm7 =	vlt.s32 v11, v9  }
0x5f6: {  	v11 =	vsub.s32 v11, v7;
	vm0 =	vmand vm6, vm7  }
0x5f7: {  	v11 =	vsel vm0, v11, v10  }
0x5f8: {  	[tilespmem:$0xB2B0] =	vst v11  }
0x5f9: {  	v11 =	vld [tilespmem:s29+$0xC0];
	_ =	sdelay $0x4  }
0x5fa: {  	vm8 =	vge.s32 v11, v7;
	vm9 =	vlt.s32 v11, v9  }
0x5fb: {  	v11 =	vsub.s32 v11, v7;
	vm0 =	vmand vm8, vm9  }
0x5fc: {  	v11 =	vsel vm0, v11, v10  }
0x5fd: {  	[tilespmem:$0xB2C0] =	vst v11  }
0x5fe: {  	v11 =	vld [tilespmem:s29+$0xD0];
	_ =	sdelay $0x4  }
0x5ff: {  	vm10 =	vge.s32 v11, v7;
	vm11 =	vlt.s32 v11, v9  }
0x600: {  	v11 =	vsub.s32 v11, v7;
	vm0 =	vmand vm10, vm11  }
0x601: {  	v11 =	vsel vm0, v11, v10  }
0x602: {  	[tilespmem:$0xB2D0] =	vst v11  }
0x603: {  	v11 =	vld [tilespmem:s29+$0xE0];
	_ =	sdelay $0x4  }
0x604: {  	vm12 =	vge.s32 v11, v7;
	vm13 =	vlt.s32 v11, v9  }
0x605: {  	v11 =	vsub.s32 v11, v7;
	vm0 =	vmand vm12, vm13  }
0x606: {  	v11 =	vsel vm0, v11, v10  }
0x607: {  	[tilespmem:$0xB2E0] =	vst v11  }
0x608: {  	v11 =	vld [tilespmem:s29+$0xF0];
	_ =	sdelay $0x4  }
0x609: {  	vm14 =	vge.s32 v11, v7;
	vm15 =	vlt.s32 v11, v9  }
0x60a: {  	v11 =	vsub.s32 v11, v7;
	vm0 =	vmand vm14, vm15  }
0x60b: {  	v11 =	vsel vm0, v11, v10  }
0x60c: {  	[tilespmem:$0xB2F0] =	vst v11  }
0x60d: {  	[spmem:s2] =	stream.indirect.scatter.add.f32 [tilespmem:s20], [sflag:$0x4], $0x80, s24, s18, $0xb8;
	[tilespmem:$0x1F380] =	vst v63  }
0x60e: {  	_ =	swait.ge [sflag:s25], $0x4000  }
0x60f: {  	[sflag:s25] =	ssyncset.done $0x0  }
0x610: {  	[sflag:s25] =	ssyncadd.s32 $0xFFFFC000  }
0x611: {  	_ =	swait.ge [sflag:s26], $0x4000  }
0x612: {  	s28 =	sadd.s32 $0x1, s28;
	[sflag:s26] =	ssyncset.done $0x0  }
0x613: {  	p1 =	sne.s32 s28, s13;
	[sflag:s26] =	ssyncadd.s32 $0xFFFFC000  }
.Ltmp5:
0x614: {  	[bflag:$0x0] =	sbarrier.arrive $0xFFFF;
	(pc) =	sbr.rel @p1 .LBB2_1-.Ltmp5, $4  }
0x615: {  	[hbm:s12], [sflag:s16] =	dma.local [spmem:s17], $0x2800  }
0x616: {  	_ =	swait.ge [sflag:s14], $0x2800  }
0x617: {  	[sflag:s14] =	ssyncset.done $0x0  }
0x618: {  	[sflag:s14] =	ssyncadd.s32 $0xFFFFD800  }
0x619: {  	_ =	sfence.sel $0x180000  }
0x61a: {  	[bflag:$0x0] =	sbarrier.arrive $0xFFFF  }
0x61b: {  	_ =	strace $0x90000047  }
0x61c: {  	[bflag:$0x2] =	sbarrier.arrive $0xFFFF  }
0x61d: {  	s0 =	rddreg [dreg:$0x3]  }
0x61e: {  	s0 =	sadd.s32 @!p0 $0x100000, s0  }
0x61f: {  	[sflag:s0] =	ssyncadd.tile.s32 @!p0 $0x1;
	_ =	shalt  }
.Lfunc_end2:
_tile_overlayer_lowered:
.L_overlay_start_2:
0x620: {  	(tag) =	ssettag $0x2  }
0x621: {  	s0 =	rddreg [dreg:$0x0];
	s2 =	stileid.u32  }
0x622: {  	s1 =	rddreg [dreg:$0x1];
	p0 =	sne.s32 s2, $0x0  }
0x623: {  	s3 =	rddreg [dreg:$0x2];
	[bflag:$0x3] =	sbarrier.arrive $0xFFFF;
	s2 =	simm.s32 @!p0 $0x1C05  }
0x624: {  	[timem:s3], [sflag:s2] =	dma.local @!p0 [hbm:s0], s1  }
0x625: {  	s0 =	simm.s32 @!p0 $0x5  }
0x626: {  	_ =	swait.ge @!p0 [sflag:s0], s1  }
0x627: {  	s1 =	ssub.s32 @!p0 $0x0, s1;
	[sflag:s0] =	ssyncset.done @!p0 $0x0  }
0x628: {  	[sflag:s0] =	ssyncadd.s32 @!p0 s1  }
0x629: {  	[bflag:$0x3] =	sbarrier.arrive $0xFFFF  }
0x62a: {  	_ =	shalt  }

</sc_bundles>
